<compile_context>
chip_gen: v7x
topology: tpu7x:2x2x1
jax: 0.10.2.dev20260603
libtpu: 0.0.44.dev20260713+nightly
codegen_flags: <defaults>
</compile_context>

<pallas_src>
import functools

import jax
import jax.numpy as jnp
from jax import lax
from jax.experimental import pallas as pl
from jax.experimental.pallas import tpu as pltpu
from jax.experimental.pallas import tpu_sc as plsc

NC = 2
NS = 16
NW = NC * NS

T = 256
NBUF = 4
L = 16


@functools.partial(jax.jit, static_argnames=("n_rows", "d"))
def _sc_gather(lines, coloffs, table_flat, *, n_rows, d):
    rows_per_w = n_rows // NW
    streams_per_w = rows_per_w // T
    ngroups = streams_per_w // NBUF

    mesh = plsc.VectorSubcoreMesh(core_axis_name="c", subcore_axis_name="s")

    @functools.partial(
        pl.kernel,
        out_type=jax.ShapeDtypeStruct((n_rows * d,), jnp.float32),
        mesh=mesh,
        compiler_params=pltpu.CompilerParams(
            use_tc_tiling_on_sc=False, needs_layout_passes=False),
        scratch_types=[
            pltpu.VMEM((NBUF, 2, T), jnp.int32),
            pltpu.VMEM((NBUF, T, 64), jnp.float32),
            pltpu.VMEM((2, T * d), jnp.float32),
            pltpu.SemaphoreType.DMA((NBUF, 2)),
            pltpu.SemaphoreType.DMA((NBUF,)),
            pltpu.SemaphoreType.DMA((2,)),
        ],
    )
    def gather_kernel(lin_hbm, col_hbm, table_hbm, out_hbm, idx_v, gat_v,
                      sel_v, idx_sem, gat_sem, out_sem):
        wid = lax.axis_index("s") * NC + lax.axis_index("c")
        base = wid * rows_per_w

        def lin_copy(s, b):
            return pltpu.make_async_copy(
                lin_hbm.at[pl.ds(base + s * T, T)], idx_v.at[b, 0],
                idx_sem.at[b, 0])

        def col_copy(s, b):
            return pltpu.make_async_copy(
                col_hbm.at[pl.ds(base + s * T, T)], idx_v.at[b, 1],
                idx_sem.at[b, 1])

        def gat_copy(b):
            return pltpu.make_async_copy(
                table_hbm.at[idx_v.at[b, 0]], gat_v.at[b], gat_sem.at[b])

        def out_copy(s, p):
            return pltpu.make_async_copy(
                sel_v.at[p], out_hbm.at[pl.ds((base + s * T) * d, T * d)],
                out_sem.at[p])

        def select(b, p):
            gat = gat_v.at[b]
            sel = sel_v.at[p]
            iota = lax.iota(jnp.int32, L)

            def group(k, carry):
                row_ids = iota + k * L
                coloff = idx_v[b, 1, pl.ds(k * L, L)]
                dst0 = row_ids * d
                for j in range(d):
                    x = plsc.load_gather(gat, [row_ids, coloff + j])
                    plsc.store_scatter(sel, [dst0 + j], x)
                return carry

            lax.fori_loop(0, T // L, group, 0)

        for b in range(NBUF):
            lin_copy(b, b).start()
            col_copy(b, b).start()
        for b in range(NBUF):
            lin_copy(b, b).wait()
            gat_copy(b).start()

        def body(g, carry):
            s0 = g * NBUF
            for b in range(NBUF):
                p = b % 2
                gat_copy(b).wait()
                pl.when(g < ngroups - 1)(
                    lambda b=b, s0=s0: lin_copy(s0 + NBUF + b, b).start())
                col_copy(s0 + b, b).wait()
                if b >= 2:
                    out_copy(s0 + b, p).wait()
                else:
                    pl.when(g > 0)(lambda b=b, p=p, s0=s0:
                                   out_copy(s0 + b, p).wait())
                select(b, p)
                out_copy(s0 + b, p).start()
                def refill(b=b, s0=s0):
                    lin_copy(s0 + NBUF + b, b).wait()
                    col_copy(s0 + NBUF + b, b).start()
                    gat_copy(b).start()
                pl.when(g < ngroups - 1)(refill)
            return carry

        lax.fori_loop(0, ngroups, body, 0)

        for b in range(NBUF - 2, NBUF):
            out_copy((ngroups - 1) * NBUF + b, b % 2).wait()

    return gather_kernel(lines, coloffs, table_flat)


def kernel(inputs, tables):
    f, v, d = tables.shape
    b = inputs.shape[0]
    n_rows = b * f

    offsets = (jnp.arange(f, dtype=jnp.int32) * v)[None, :]
    flat = (inputs + offsets).reshape(n_rows)
    lines = flat >> 1
    coloffs = (flat & 1) * d
    table_flat = tables.reshape(f * v * d // 64, 64)

    out = _sc_gather(lines, coloffs, table_flat, n_rows=n_rows, d=d)
    return out.reshape(b, f, d)

# --- scband reference (transcript-rebuilt; emitter-appended) ---
"""Pipeline reference for scband-categorical-embedding-64055142253050 (READ-ONLY COPY).

The authoritative reference and input builder live on the scoring server;
editing this copy changes nothing except your own understanding.
"""

import jax, jax.numpy as jnp
import numpy as np

NUM_FIELDS = 26
CARD = 100000
EMBED_DIM = 32
BATCH = 16384

def setup_inputs(seed: int = 0) -> dict:
    key = jax.random.key(seed)
    k_idx, k_tab = jax.random.split(key)
    inputs = jax.random.randint(k_idx, (BATCH, NUM_FIELDS), 0, CARD, dtype=jnp.int32)
    # One embedding table per categorical field; keras uses input_dim=card+1 rows.
    # All cardinalities are equal so we stack into [F, CARD+1, D].
    tables = jax.random.normal(k_tab, (NUM_FIELDS, CARD + 1, EMBED_DIM), dtype=jnp.float32) * 0.05
    return {"inputs": inputs, "tables": tables}

def reference(inputs, tables):
    # Faithful translation of CategoricalEmbedding.call:
    # for each categorical feature idx, expand_dims to [B,1], embed to [B,1,D],
    # concatenate along axis=1 -> [B, F, D].
    F = tables.shape[0]
    embs = []
    for f in range(F):
        feature = inputs[:, f][:, None]            # [B, 1]
        f_e = jnp.take(tables[f], feature, axis=0)  # [B, 1, D]
        embs.append(f_e)
    categorical_embeddings = jnp.concatenate(embs, axis=1)  # [B, F, D]
    return categorical_embeddings

if __name__ == "__main__":
    import jax
    _d = setup_inputs()
    print(jax.jit(kernel)(*tuple(_d.values())))

</pallas_src>

<mosaic_0001>
#map = affine_map<(d0, d1) -> (0)>
#map1 = affine_map<(d0, d1) -> (0, 0)>
module attributes {stable_mosaic.version = 14 : i64} {
  func.func @gather_kernel(%arg0: i32, %arg1: i32, %arg2: memref<425984xi32, #tpu.memory_space<hbm>>, %arg3: memref<425984xi32, #tpu.memory_space<hbm>>, %arg4: memref<1300013x64xf32, #tpu.memory_space<hbm>>, %arg5: memref<13631488xf32, #tpu.memory_space<hbm>>, %arg6: memref<4x2x256xi32, #tpu.memory_space<vmem>>, %arg7: memref<4x256x64xf32, #tpu.memory_space<vmem>>, %arg8: memref<2x8192xf32, #tpu.memory_space<vmem>>, %arg9: memref<4x2x!tpu.dma_semaphore, #tpu.memory_space<semaphore_mem>>, %arg10: memref<4x!tpu.dma_semaphore, #tpu.memory_space<semaphore_mem>>, %arg11: memref<2x!tpu.dma_semaphore, #tpu.memory_space<semaphore_mem>>) attributes {dimension_semantics = [#tpu.dimension_semantics<core_parallel>, #tpu.dimension_semantics<subcore_parallel>], iteration_bounds = array<i64: 2, 16>, scalar_prefetch = 0 : i64, scratch_operands = 6 : i64, tpu.core_type = #tpu.core_type<sc_vector_subcore>, window_params = [{transform_indices = #map}, {transform_indices = #map}, {transform_indices = #map1}, {transform_indices = #map}]} {
    %mul3A = arith.constant 2 : i32
    %mul3A_0 = arith.muli %arg1, %mul3A : i32
    %add3A = arith.addi %mul3A_0, %arg0 : i32
    %mul3A_1 = arith.constant 13312 : i32
    %mul3A_2 = arith.muli %add3A, %mul3A_1 : i32
    %add3A_3 = arith.constant 0 : i32
    %add3A_4 = arith.addi %mul3A_2, %add3A_3 : i32
    %dma_start3A = arith.constant 0 : i32
    %dma_start3A_5 = arith.constant 0 : i32
    %dma_start3A_6 = arith.constant 0 : i32
    %dma_start3A_7 = arith.constant 0 : i32
    %dma_start3A_8 = arith.constant 0 : i32
    %dma_start3A_9 = tpu.memref_slice %arg6[%dma_start3A, %dma_start3A_5, %dma_start3A_8] : memref<4x2x256xi32, #tpu.memory_space<vmem>> -> memref<1x1x256xi32, #tpu.memory_space<vmem>>
    %dma_start3A_10 = tpu.memref_squeeze %dma_start3A_9 : memref<1x1x256xi32, #tpu.memory_space<vmem>> -> memref<256xi32, #tpu.memory_space<vmem>>
    %dma_start3A_11 = tpu.memref_slice %arg2[%add3A_4] : memref<425984xi32, #tpu.memory_space<hbm>> -> memref<256xi32, #tpu.memory_space<hbm>>
    %dma_start3A_12 = tpu.memref_slice %arg9[%dma_start3A_6, %dma_start3A_7] : memref<4x2x!tpu.dma_semaphore, #tpu.memory_space<semaphore_mem>> -> memref<1x1x!tpu.dma_semaphore, #tpu.memory_space<semaphore_mem>>
    %dma_start3A_13 = tpu.memref_squeeze %dma_start3A_12 : memref<1x1x!tpu.dma_semaphore, #tpu.memory_space<semaphore_mem>> -> memref<!tpu.dma_semaphore, #tpu.memory_space<semaphore_mem>>
    %dma_start3A_14 = arith.constant 0 : i32
    %dma_start3A_15 = tpu.memref_slice %arg6[%dma_start3A, %dma_start3A_5, %dma_start3A_14] : memref<4x2x256xi32, #tpu.memory_space<vmem>> -> memref<1x1x256xi32, #tpu.memory_space<vmem>>
    %dma_start3A_16 = tpu.memref_squeeze %dma_start3A_15 : memref<1x1x256xi32, #tpu.memory_space<vmem>> -> memref<256xi32, #tpu.memory_space<vmem>>
    %dma_start3A_17 = tpu.memref_slice %arg2[%add3A_4] : memref<425984xi32, #tpu.memory_space<hbm>> -> memref<256xi32, #tpu.memory_space<hbm>>
    tpu.enqueue_dma source(%dma_start3A_17 : memref<256xi32, #tpu.memory_space<hbm>>) target(%dma_start3A_16 : memref<256xi32, #tpu.memory_space<vmem>>) target_semaphore(%dma_start3A_13 : memref<!tpu.dma_semaphore, #tpu.memory_space<semaphore_mem>>)
    %add3A_18 = arith.constant 0 : i32
    %add3A_19 = arith.addi %mul3A_2, %add3A_18 : i32
    %dma_start3A_20 = arith.constant 0 : i32
    %dma_start3A_21 = arith.constant 1 : i32
    %dma_start3A_22 = arith.constant 0 : i32
    %dma_start3A_23 = arith.constant 1 : i32
    %dma_start3A_24 = arith.constant 0 : i32
    %dma_start3A_25 = tpu.memref_slice %arg6[%dma_start3A_20, %dma_start3A_21, %dma_start3A_24] : memref<4x2x256xi32, #tpu.memory_space<vmem>> -> memref<1x1x256xi32, #tpu.memory_space<vmem>>
    %dma_start3A_26 = tpu.memref_squeeze %dma_start3A_25 : memref<1x1x256xi32, #tpu.memory_space<vmem>> -> memref<256xi32, #tpu.memory_space<vmem>>
    %dma_start3A_27 = tpu.memref_slice %arg3[%add3A_19] : memref<425984xi32, #tpu.memory_space<hbm>> -> memref<256xi32, #tpu.memory_space<hbm>>
    %dma_start3A_28 = tpu.memref_slice %arg9[%dma_start3A_22, %dma_start3A_23] : memref<4x2x!tpu.dma_semaphore, #tpu.memory_space<semaphore_mem>> -> memref<1x1x!tpu.dma_semaphore, #tpu.memory_space<semaphore_mem>>
    %dma_start3A_29 = tpu.memref_squeeze %dma_start3A_28 : memref<1x1x!tpu.dma_semaphore, #tpu.memory_space<semaphore_mem>> -> memref<!tpu.dma_semaphore, #tpu.memory_space<semaphore_mem>>
    %dma_start3A_30 = arith.constant 0 : i32
    %dma_start3A_31 = tpu.memref_slice %arg6[%dma_start3A_20, %dma_start3A_21, %dma_start3A_30] : memref<4x2x256xi32, #tpu.memory_space<vmem>> -> memref<1x1x256xi32, #tpu.memory_space<vmem>>
    %dma_start3A_32 = tpu.memref_squeeze %dma_start3A_31 : memref<1x1x256xi32, #tpu.memory_space<vmem>> -> memref<256xi32, #tpu.memory_space<vmem>>
    %dma_start3A_33 = tpu.memref_slice %arg3[%add3A_19] : memref<425984xi32, #tpu.memory_space<hbm>> -> memref<256xi32, #tpu.memory_space<hbm>>
    tpu.enqueue_dma source(%dma_start3A_33 : memref<256xi32, #tpu.memory_space<hbm>>) target(%dma_start3A_32 : memref<256xi32, #tpu.memory_space<vmem>>) target_semaphore(%dma_start3A_29 : memref<!tpu.dma_semaphore, #tpu.memory_space<semaphore_mem>>)
    %add3A_34 = arith.constant 256 : i32
    %add3A_35 = arith.addi %mul3A_2, %add3A_34 : i32
    %dma_start3A_36 = arith.constant 1 : i32
    %dma_start3A_37 = arith.constant 0 : i32
    %dma_start3A_38 = arith.constant 1 : i32
    %dma_start3A_39 = arith.constant 0 : i32
    %dma_start3A_40 = arith.constant 0 : i32
    %dma_start3A_41 = tpu.memref_slice %arg6[%dma_start3A_36, %dma_start3A_37, %dma_start3A_40] : memref<4x2x256xi32, #tpu.memory_space<vmem>> -> memref<1x1x256xi32, #tpu.memory_space<vmem>>
    %dma_start3A_42 = tpu.memref_squeeze %dma_start3A_41 : memref<1x1x256xi32, #tpu.memory_space<vmem>> -> memref<256xi32, #tpu.memory_space<vmem>>
    %dma_start3A_43 = tpu.memref_slice %arg2[%add3A_35] : memref<425984xi32, #tpu.memory_space<hbm>> -> memref<256xi32, #tpu.memory_space<hbm>>
    %dma_start3A_44 = tpu.memref_slice %arg9[%dma_start3A_38, %dma_start3A_39] : memref<4x2x!tpu.dma_semaphore, #tpu.memory_space<semaphore_mem>> -> memref<1x1x!tpu.dma_semaphore, #tpu.memory_space<semaphore_mem>>
    %dma_start3A_45 = tpu.memref_squeeze %dma_start3A_44 : memref<1x1x!tpu.dma_semaphore, #tpu.memory_space<semaphore_mem>> -> memref<!tpu.dma_semaphore, #tpu.memory_space<semaphore_mem>>
    %dma_start3A_46 = arith.constant 0 : i32
    %dma_start3A_47 = tpu.memref_slice %arg6[%dma_start3A_36, %dma_start3A_37, %dma_start3A_46] : memref<4x2x256xi32, #tpu.memory_space<vmem>> -> memref<1x1x256xi32, #tpu.memory_space<vmem>>
    %dma_start3A_48 = tpu.memref_squeeze %dma_start3A_47 : memref<1x1x256xi32, #tpu.memory_space<vmem>> -> memref<256xi32, #tpu.memory_space<vmem>>
    %dma_start3A_49 = tpu.memref_slice %arg2[%add3A_35] : memref<425984xi32, #tpu.memory_space<hbm>> -> memref<256xi32, #tpu.memory_space<hbm>>
    tpu.enqueue_dma source(%dma_start3A_49 : memref<256xi32, #tpu.memory_space<hbm>>) target(%dma_start3A_48 : memref<256xi32, #tpu.memory_space<vmem>>) target_semaphore(%dma_start3A_45 : memref<!tpu.dma_semaphore, #tpu.memory_space<semaphore_mem>>)
    %add3A_50 = arith.constant 256 : i32
    %add3A_51 = arith.addi %mul3A_2, %add3A_50 : i32
    %dma_start3A_52 = arith.constant 1 : i32
    %dma_start3A_53 = arith.constant 1 : i32
    %dma_start3A_54 = arith.constant 1 : i32
    %dma_start3A_55 = arith.constant 1 : i32
    %dma_start3A_56 = arith.constant 0 : i32
    %dma_start3A_57 = tpu.memref_slice %arg6[%dma_start3A_52, %dma_start3A_53, %dma_start3A_56] : memref<4x2x256xi32, #tpu.memory_space<vmem>> -> memref<1x1x256xi32, #tpu.memory_space<vmem>>
    %dma_start3A_58 = tpu.memref_squeeze %dma_start3A_57 : memref<1x1x256xi32, #tpu.memory_space<vmem>> -> memref<256xi32, #tpu.memory_space<vmem>>
    %dma_start3A_59 = tpu.memref_slice %arg3[%add3A_51] : memref<425984xi32, #tpu.memory_space<hbm>> -> memref<256xi32, #tpu.memory_space<hbm>>
    %dma_start3A_60 = tpu.memref_slice %arg9[%dma_start3A_54, %dma_start3A_55] : memref<4x2x!tpu.dma_semaphore, #tpu.memory_space<semaphore_mem>> -> memref<1x1x!tpu.dma_semaphore, #tpu.memory_space<semaphore_mem>>
    %dma_start3A_61 = tpu.memref_squeeze %dma_start3A_60 : memref<1x1x!tpu.dma_semaphore, #tpu.memory_space<semaphore_mem>> -> memref<!tpu.dma_semaphore, #tpu.memory_space<semaphore_mem>>
    %dma_start3A_62 = arith.constant 0 : i32
    %dma_start3A_63 = tpu.memref_slice %arg6[%dma_start3A_52, %dma_start3A_53, %dma_start3A_62] : memref<4x2x256xi32, #tpu.memory_space<vmem>> -> memref<1x1x256xi32, #tpu.memory_space<vmem>>
    %dma_start3A_64 = tpu.memref_squeeze %dma_start3A_63 : memref<1x1x256xi32, #tpu.memory_space<vmem>> -> memref<256xi32, #tpu.memory_space<vmem>>
    %dma_start3A_65 = tpu.memref_slice %arg3[%add3A_51] : memref<425984xi32, #tpu.memory_space<hbm>> -> memref<256xi32, #tpu.memory_space<hbm>>
    tpu.enqueue_dma source(%dma_start3A_65 : memref<256xi32, #tpu.memory_space<hbm>>) target(%dma_start3A_64 : memref<256xi32, #tpu.memory_space<vmem>>) target_semaphore(%dma_start3A_61 : memref<!tpu.dma_semaphore, #tpu.memory_space<semaphore_mem>>)
    %add3A_66 = arith.constant 512 : i32
    %add3A_67 = arith.addi %mul3A_2, %add3A_66 : i32
    %dma_start3A_68 = arith.constant 2 : i32
    %dma_start3A_69 = arith.constant 0 : i32
    %dma_start3A_70 = arith.constant 2 : i32
    %dma_start3A_71 = arith.constant 0 : i32
    %dma_start3A_72 = arith.constant 0 : i32
    %dma_start3A_73 = tpu.memref_slice %arg6[%dma_start3A_68, %dma_start3A_69, %dma_start3A_72] : memref<4x2x256xi32, #tpu.memory_space<vmem>> -> memref<1x1x256xi32, #tpu.memory_space<vmem>>
    %dma_start3A_74 = tpu.memref_squeeze %dma_start3A_73 : memref<1x1x256xi32, #tpu.memory_space<vmem>> -> memref<256xi32, #tpu.memory_space<vmem>>
    %dma_start3A_75 = tpu.memref_slice %arg2[%add3A_67] : memref<425984xi32, #tpu.memory_space<hbm>> -> memref<256xi32, #tpu.memory_space<hbm>>
    %dma_start3A_76 = tpu.memref_slice %arg9[%dma_start3A_70, %dma_start3A_71] : memref<4x2x!tpu.dma_semaphore, #tpu.memory_space<semaphore_mem>> -> memref<1x1x!tpu.dma_semaphore, #tpu.memory_space<semaphore_mem>>
    %dma_start3A_77 = tpu.memref_squeeze %dma_start3A_76 : memref<1x1x!tpu.dma_semaphore, #tpu.memory_space<semaphore_mem>> -> memref<!tpu.dma_semaphore, #tpu.memory_space<semaphore_mem>>
    %dma_start3A_78 = arith.constant 0 : i32
    %dma_start3A_79 = tpu.memref_slice %arg6[%dma_start3A_68, %dma_start3A_69, %dma_start3A_78] : memref<4x2x256xi32, #tpu.memory_space<vmem>> -> memref<1x1x256xi32, #tpu.memory_space<vmem>>
    %dma_start3A_80 = tpu.memref_squeeze %dma_start3A_79 : memref<1x1x256xi32, #tpu.memory_space<vmem>> -> memref<256xi32, #tpu.memory_space<vmem>>
    %dma_start3A_81 = tpu.memref_slice %arg2[%add3A_67] : memref<425984xi32, #tpu.memory_space<hbm>> -> memref<256xi32, #tpu.memory_space<hbm>>
    tpu.enqueue_dma source(%dma_start3A_81 : memref<256xi32, #tpu.memory_space<hbm>>) target(%dma_start3A_80 : memref<256xi32, #tpu.memory_space<vmem>>) target_semaphore(%dma_start3A_77 : memref<!tpu.dma_semaphore, #tpu.memory_space<semaphore_mem>>)
    %add3A_82 = arith.constant 512 : i32
    %add3A_83 = arith.addi %mul3A_2, %add3A_82 : i32
    %dma_start3A_84 = arith.constant 2 : i32
    %dma_start3A_85 = arith.constant 1 : i32
    %dma_start3A_86 = arith.constant 2 : i32
    %dma_start3A_87 = arith.constant 1 : i32
    %dma_start3A_88 = arith.constant 0 : i32
    %dma_start3A_89 = tpu.memref_slice %arg6[%dma_start3A_84, %dma_start3A_85, %dma_start3A_88] : memref<4x2x256xi32, #tpu.memory_space<vmem>> -> memref<1x1x256xi32, #tpu.memory_space<vmem>>
    %dma_start3A_90 = tpu.memref_squeeze %dma_start3A_89 : memref<1x1x256xi32, #tpu.memory_space<vmem>> -> memref<256xi32, #tpu.memory_space<vmem>>
    %dma_start3A_91 = tpu.memref_slice %arg3[%add3A_83] : memref<425984xi32, #tpu.memory_space<hbm>> -> memref<256xi32, #tpu.memory_space<hbm>>
    %dma_start3A_92 = tpu.memref_slice %arg9[%dma_start3A_86, %dma_start3A_87] : memref<4x2x!tpu.dma_semaphore, #tpu.memory_space<semaphore_mem>> -> memref<1x1x!tpu.dma_semaphore, #tpu.memory_space<semaphore_mem>>
    %dma_start3A_93 = tpu.memref_squeeze %dma_start3A_92 : memref<1x1x!tpu.dma_semaphore, #tpu.memory_space<semaphore_mem>> -> memref<!tpu.dma_semaphore, #tpu.memory_space<semaphore_mem>>
    %dma_start3A_94 = arith.constant 0 : i32
    %dma_start3A_95 = tpu.memref_slice %arg6[%dma_start3A_84, %dma_start3A_85, %dma_start3A_94] : memref<4x2x256xi32, #tpu.memory_space<vmem>> -> memref<1x1x256xi32, #tpu.memory_space<vmem>>
    %dma_start3A_96 = tpu.memref_squeeze %dma_start3A_95 : memref<1x1x256xi32, #tpu.memory_space<vmem>> -> memref<256xi32, #tpu.memory_space<vmem>>
    %dma_start3A_97 = tpu.memref_slice %arg3[%add3A_83] : memref<425984xi32, #tpu.memory_space<hbm>> -> memref<256xi32, #tpu.memory_space<hbm>>
    tpu.enqueue_dma source(%dma_start3A_97 : memref<256xi32, #tpu.memory_space<hbm>>) target(%dma_start3A_96 : memref<256xi32, #tpu.memory_space<vmem>>) target_semaphore(%dma_start3A_93 : memref<!tpu.dma_semaphore, #tpu.memory_space<semaphore_mem>>)
    %add3A_98 = arith.constant 768 : i32
    %add3A_99 = arith.addi %mul3A_2, %add3A_98 : i32
    %dma_start3A_100 = arith.constant 3 : i32
    %dma_start3A_101 = arith.constant 0 : i32
    %dma_start3A_102 = arith.constant 3 : i32
    %dma_start3A_103 = arith.constant 0 : i32
    %dma_start3A_104 = arith.constant 0 : i32
    %dma_start3A_105 = tpu.memref_slice %arg6[%dma_start3A_100, %dma_start3A_101, %dma_start3A_104] : memref<4x2x256xi32, #tpu.memory_space<vmem>> -> memref<1x1x256xi32, #tpu.memory_space<vmem>>
    %dma_start3A_106 = tpu.memref_squeeze %dma_start3A_105 : memref<1x1x256xi32, #tpu.memory_space<vmem>> -> memref<256xi32, #tpu.memory_space<vmem>>
    %dma_start3A_107 = tpu.memref_slice %arg2[%add3A_99] : memref<425984xi32, #tpu.memory_space<hbm>> -> memref<256xi32, #tpu.memory_space<hbm>>
    %dma_start3A_108 = tpu.memref_slice %arg9[%dma_start3A_102, %dma_start3A_103] : memref<4x2x!tpu.dma_semaphore, #tpu.memory_space<semaphore_mem>> -> memref<1x1x!tpu.dma_semaphore, #tpu.memory_space<semaphore_mem>>
    %dma_start3A_109 = tpu.memref_squeeze %dma_start3A_108 : memref<1x1x!tpu.dma_semaphore, #tpu.memory_space<semaphore_mem>> -> memref<!tpu.dma_semaphore, #tpu.memory_space<semaphore_mem>>
    %dma_start3A_110 = arith.constant 0 : i32
    %dma_start3A_111 = tpu.memref_slice %arg6[%dma_start3A_100, %dma_start3A_101, %dma_start3A_110] : memref<4x2x256xi32, #tpu.memory_space<vmem>> -> memref<1x1x256xi32, #tpu.memory_space<vmem>>
    %dma_start3A_112 = tpu.memref_squeeze %dma_start3A_111 : memref<1x1x256xi32, #tpu.memory_space<vmem>> -> memref<256xi32, #tpu.memory_space<vmem>>
    %dma_start3A_113 = tpu.memref_slice %arg2[%add3A_99] : memref<425984xi32, #tpu.memory_space<hbm>> -> memref<256xi32, #tpu.memory_space<hbm>>
    tpu.enqueue_dma source(%dma_start3A_113 : memref<256xi32, #tpu.memory_space<hbm>>) target(%dma_start3A_112 : memref<256xi32, #tpu.memory_space<vmem>>) target_semaphore(%dma_start3A_109 : memref<!tpu.dma_semaphore, #tpu.memory_space<semaphore_mem>>)
    %add3A_114 = arith.constant 768 : i32
    %add3A_115 = arith.addi %mul3A_2, %add3A_114 : i32
    %dma_start3A_116 = arith.constant 3 : i32
    %dma_start3A_117 = arith.constant 1 : i32
    %dma_start3A_118 = arith.constant 3 : i32
    %dma_start3A_119 = arith.constant 1 : i32
    %dma_start3A_120 = arith.constant 0 : i32
    %dma_start3A_121 = tpu.memref_slice %arg6[%dma_start3A_116, %dma_start3A_117, %dma_start3A_120] : memref<4x2x256xi32, #tpu.memory_space<vmem>> -> memref<1x1x256xi32, #tpu.memory_space<vmem>>
    %dma_start3A_122 = tpu.memref_squeeze %dma_start3A_121 : memref<1x1x256xi32, #tpu.memory_space<vmem>> -> memref<256xi32, #tpu.memory_space<vmem>>
    %dma_start3A_123 = tpu.memref_slice %arg3[%add3A_115] : memref<425984xi32, #tpu.memory_space<hbm>> -> memref<256xi32, #tpu.memory_space<hbm>>
    %dma_start3A_124 = tpu.memref_slice %arg9[%dma_start3A_118, %dma_start3A_119] : memref<4x2x!tpu.dma_semaphore, #tpu.memory_space<semaphore_mem>> -> memref<1x1x!tpu.dma_semaphore, #tpu.memory_space<semaphore_mem>>
    %dma_start3A_125 = tpu.memref_squeeze %dma_start3A_124 : memref<1x1x!tpu.dma_semaphore, #tpu.memory_space<semaphore_mem>> -> memref<!tpu.dma_semaphore, #tpu.memory_space<semaphore_mem>>
    %dma_start3A_126 = arith.constant 0 : i32
    %dma_start3A_127 = tpu.memref_slice %arg6[%dma_start3A_116, %dma_start3A_117, %dma_start3A_126] : memref<4x2x256xi32, #tpu.memory_space<vmem>> -> memref<1x1x256xi32, #tpu.memory_space<vmem>>
    %dma_start3A_128 = tpu.memref_squeeze %dma_start3A_127 : memref<1x1x256xi32, #tpu.memory_space<vmem>> -> memref<256xi32, #tpu.memory_space<vmem>>
    %dma_start3A_129 = tpu.memref_slice %arg3[%add3A_115] : memref<425984xi32, #tpu.memory_space<hbm>> -> memref<256xi32, #tpu.memory_space<hbm>>
    tpu.enqueue_dma source(%dma_start3A_129 : memref<256xi32, #tpu.memory_space<hbm>>) target(%dma_start3A_128 : memref<256xi32, #tpu.memory_space<vmem>>) target_semaphore(%dma_start3A_125 : memref<!tpu.dma_semaphore, #tpu.memory_space<semaphore_mem>>)
    %add3A_130 = arith.constant 0 : i32
    %add3A_131 = arith.addi %mul3A_2, %add3A_130 : i32
    %dma_wait3A = arith.constant 0 : i32
    %dma_wait3A_132 = arith.constant 0 : i32
    %dma_wait3A_133 = arith.constant 0 : i32
    %dma_wait3A_134 = arith.constant 0 : i32
    %dma_wait3A_135 = arith.constant 0 : i32
    %dma_wait3A_136 = tpu.memref_slice %arg6[%dma_wait3A, %dma_wait3A_132, %dma_wait3A_135] : memref<4x2x256xi32, #tpu.memory_space<vmem>> -> memref<1x1x256xi32, #tpu.memory_space<vmem>>
    %dma_wait3A_137 = tpu.memref_squeeze %dma_wait3A_136 : memref<1x1x256xi32, #tpu.memory_space<vmem>> -> memref<256xi32, #tpu.memory_space<vmem>>
    %dma_wait3A_138 = tpu.memref_slice %arg2[%add3A_131] : memref<425984xi32, #tpu.memory_space<hbm>> -> memref<256xi32, #tpu.memory_space<hbm>>
    %dma_wait3A_139 = tpu.memref_slice %arg9[%dma_wait3A_133, %dma_wait3A_134] : memref<4x2x!tpu.dma_semaphore, #tpu.memory_space<semaphore_mem>> -> memref<1x1x!tpu.dma_semaphore, #tpu.memory_space<semaphore_mem>>
    %dma_wait3A_140 = tpu.memref_squeeze %dma_wait3A_139 : memref<1x1x!tpu.dma_semaphore, #tpu.memory_space<semaphore_mem>> -> memref<!tpu.dma_semaphore, #tpu.memory_space<semaphore_mem>>
    %dma_wait3A_141 = arith.constant 0 : i32
    %dma_wait3A_142 = tpu.memref_slice %arg6[%dma_wait3A, %dma_wait3A_132, %dma_wait3A_141] : memref<4x2x256xi32, #tpu.memory_space<vmem>> -> memref<1x1x256xi32, #tpu.memory_space<vmem>>
    %dma_wait3A_143 = tpu.memref_squeeze %dma_wait3A_142 : memref<1x1x256xi32, #tpu.memory_space<vmem>> -> memref<256xi32, #tpu.memory_space<vmem>>
    %dma_wait3A_144 = tpu.memref_slice %arg2[%add3A_131] : memref<425984xi32, #tpu.memory_space<hbm>> -> memref<256xi32, #tpu.memory_space<hbm>>
    tpu.wait_dma2 semaphore(%dma_wait3A_140 : memref<!tpu.dma_semaphore, #tpu.memory_space<semaphore_mem>>) src(%dma_wait3A_144 : memref<256xi32, #tpu.memory_space<hbm>>) dst(%dma_wait3A_143 : memref<256xi32, #tpu.memory_space<vmem>>)
    %dma_start3A_145 = arith.constant 0 : i32
    %dma_start3A_146 = arith.constant 0 : i32
    %dma_start3A_147 = arith.constant 0 : i32
    %dma_start3A_148 = arith.constant 0 : i32
    %dma_start3A_149 = arith.constant 0 : i32
    %dma_start3A_150 = arith.constant 0 : i32
    %dma_start3A_151 = tpu.memref_slice %arg7[%dma_start3A_147, %dma_start3A_149, %dma_start3A_150] : memref<4x256x64xf32, #tpu.memory_space<vmem>> -> memref<1x256x64xf32, #tpu.memory_space<vmem>>
    %dma_start3A_152 = tpu.memref_squeeze %dma_start3A_151 : memref<1x256x64xf32, #tpu.memory_space<vmem>> -> memref<256x64xf32, #tpu.memory_space<vmem>>
    %dma_start3A_153 = arith.constant 0 : i32
    %dma_start3A_154 = tpu.memref_slice %arg6[%dma_start3A_145, %dma_start3A_146, %dma_start3A_153] : memref<4x2x256xi32, #tpu.memory_space<vmem>> -> memref<1x1x256xi32, #tpu.memory_space<vmem>>
    %dma_start3A_155 = tpu.memref_squeeze %dma_start3A_154 : memref<1x1x256xi32, #tpu.memory_space<vmem>> -> memref<256xi32, #tpu.memory_space<vmem>>
    %dma_start3A_156 = arith.constant 0 : i32
    %dma_start3A_157 = arith.constant 0 : i32
    %dma_start3A_158 = tpu.memref_slice %arg4[%dma_start3A_156, %dma_start3A_157] : memref<1300013x64xf32, #tpu.memory_space<hbm>> -> memref<1300013x64xf32, #tpu.memory_space<hbm>>
    %dma_start3A_159 = tpu.memref_slice %arg10[%dma_start3A_148] : memref<4x!tpu.dma_semaphore, #tpu.memory_space<semaphore_mem>> -> memref<1x!tpu.dma_semaphore, #tpu.memory_space<semaphore_mem>>
    %dma_start3A_160 = tpu.memref_squeeze %dma_start3A_159 : memref<1x!tpu.dma_semaphore, #tpu.memory_space<semaphore_mem>> -> memref<!tpu.dma_semaphore, #tpu.memory_space<semaphore_mem>>
    tpu.enqueue_indirect_dma source(%dma_start3A_158 : memref<1300013x64xf32, #tpu.memory_space<hbm>>) target(%dma_start3A_152 : memref<256x64xf32, #tpu.memory_space<vmem>>) offsets(%dma_start3A_155 : memref<256xi32, #tpu.memory_space<vmem>>) semaphore(%dma_start3A_160 : memref<!tpu.dma_semaphore, #tpu.memory_space<semaphore_mem>>)
    %add3A_161 = arith.constant 256 : i32
    %add3A_162 = arith.addi %mul3A_2, %add3A_161 : i32
    %dma_wait3A_163 = arith.constant 1 : i32
    %dma_wait3A_164 = arith.constant 0 : i32
    %dma_wait3A_165 = arith.constant 1 : i32
    %dma_wait3A_166 = arith.constant 0 : i32
    %dma_wait3A_167 = arith.constant 0 : i32
    %dma_wait3A_168 = tpu.memref_slice %arg6[%dma_wait3A_163, %dma_wait3A_164, %dma_wait3A_167] : memref<4x2x256xi32, #tpu.memory_space<vmem>> -> memref<1x1x256xi32, #tpu.memory_space<vmem>>
    %dma_wait3A_169 = tpu.memref_squeeze %dma_wait3A_168 : memref<1x1x256xi32, #tpu.memory_space<vmem>> -> memref<256xi32, #tpu.memory_space<vmem>>
    %dma_wait3A_170 = tpu.memref_slice %arg2[%add3A_162] : memref<425984xi32, #tpu.memory_space<hbm>> -> memref<256xi32, #tpu.memory_space<hbm>>
    %dma_wait3A_171 = tpu.memref_slice %arg9[%dma_wait3A_165, %dma_wait3A_166] : memref<4x2x!tpu.dma_semaphore, #tpu.memory_space<semaphore_mem>> -> memref<1x1x!tpu.dma_semaphore, #tpu.memory_space<semaphore_mem>>
    %dma_wait3A_172 = tpu.memref_squeeze %dma_wait3A_171 : memref<1x1x!tpu.dma_semaphore, #tpu.memory_space<semaphore_mem>> -> memref<!tpu.dma_semaphore, #tpu.memory_space<semaphore_mem>>
    %dma_wait3A_173 = arith.constant 0 : i32
    %dma_wait3A_174 = tpu.memref_slice %arg6[%dma_wait3A_163, %dma_wait3A_164, %dma_wait3A_173] : memref<4x2x256xi32, #tpu.memory_space<vmem>> -> memref<1x1x256xi32, #tpu.memory_space<vmem>>
    %dma_wait3A_175 = tpu.memref_squeeze %dma_wait3A_174 : memref<1x1x256xi32, #tpu.memory_space<vmem>> -> memref<256xi32, #tpu.memory_space<vmem>>
    %dma_wait3A_176 = tpu.memref_slice %arg2[%add3A_162] : memref<425984xi32, #tpu.memory_space<hbm>> -> memref<256xi32, #tpu.memory_space<hbm>>
    tpu.wait_dma2 semaphore(%dma_wait3A_172 : memref<!tpu.dma_semaphore, #tpu.memory_space<semaphore_mem>>) src(%dma_wait3A_176 : memref<256xi32, #tpu.memory_space<hbm>>) dst(%dma_wait3A_175 : memref<256xi32, #tpu.memory_space<vmem>>)
    %dma_start3A_177 = arith.constant 1 : i32
    %dma_start3A_178 = arith.constant 0 : i32
    %dma_start3A_179 = arith.constant 1 : i32
    %dma_start3A_180 = arith.constant 1 : i32
    %dma_start3A_181 = arith.constant 0 : i32
    %dma_start3A_182 = arith.constant 0 : i32
    %dma_start3A_183 = tpu.memref_slice %arg7[%dma_start3A_179, %dma_start3A_181, %dma_start3A_182] : memref<4x256x64xf32, #tpu.memory_space<vmem>> -> memref<1x256x64xf32, #tpu.memory_space<vmem>>
    %dma_start3A_184 = tpu.memref_squeeze %dma_start3A_183 : memref<1x256x64xf32, #tpu.memory_space<vmem>> -> memref<256x64xf32, #tpu.memory_space<vmem>>
    %dma_start3A_185 = arith.constant 0 : i32
    %dma_start3A_186 = tpu.memref_slice %arg6[%dma_start3A_177, %dma_start3A_178, %dma_start3A_185] : memref<4x2x256xi32, #tpu.memory_space<vmem>> -> memref<1x1x256xi32, #tpu.memory_space<vmem>>
    %dma_start3A_187 = tpu.memref_squeeze %dma_start3A_186 : memref<1x1x256xi32, #tpu.memory_space<vmem>> -> memref<256xi32, #tpu.memory_space<vmem>>
    %dma_start3A_188 = arith.constant 0 : i32
    %dma_start3A_189 = arith.constant 0 : i32
    %dma_start3A_190 = tpu.memref_slice %arg4[%dma_start3A_188, %dma_start3A_189] : memref<1300013x64xf32, #tpu.memory_space<hbm>> -> memref<1300013x64xf32, #tpu.memory_space<hbm>>
    %dma_start3A_191 = tpu.memref_slice %arg10[%dma_start3A_180] : memref<4x!tpu.dma_semaphore, #tpu.memory_space<semaphore_mem>> -> memref<1x!tpu.dma_semaphore, #tpu.memory_space<semaphore_mem>>
    %dma_start3A_192 = tpu.memref_squeeze %dma_start3A_191 : memref<1x!tpu.dma_semaphore, #tpu.memory_space<semaphore_mem>> -> memref<!tpu.dma_semaphore, #tpu.memory_space<semaphore_mem>>
    tpu.enqueue_indirect_dma source(%dma_start3A_190 : memref<1300013x64xf32, #tpu.memory_space<hbm>>) target(%dma_start3A_184 : memref<256x64xf32, #tpu.memory_space<vmem>>) offsets(%dma_start3A_187 : memref<256xi32, #tpu.memory_space<vmem>>) semaphore(%dma_start3A_192 : memref<!tpu.dma_semaphore, #tpu.memory_space<semaphore_mem>>)
    %add3A_193 = arith.constant 512 : i32
    %add3A_194 = arith.addi %mul3A_2, %add3A_193 : i32
    %dma_wait3A_195 = arith.constant 2 : i32
    %dma_wait3A_196 = arith.constant 0 : i32
    %dma_wait3A_197 = arith.constant 2 : i32
    %dma_wait3A_198 = arith.constant 0 : i32
    %dma_wait3A_199 = arith.constant 0 : i32
    %dma_wait3A_200 = tpu.memref_slice %arg6[%dma_wait3A_195, %dma_wait3A_196, %dma_wait3A_199] : memref<4x2x256xi32, #tpu.memory_space<vmem>> -> memref<1x1x256xi32, #tpu.memory_space<vmem>>
    %dma_wait3A_201 = tpu.memref_squeeze %dma_wait3A_200 : memref<1x1x256xi32, #tpu.memory_space<vmem>> -> memref<256xi32, #tpu.memory_space<vmem>>
    %dma_wait3A_202 = tpu.memref_slice %arg2[%add3A_194] : memref<425984xi32, #tpu.memory_space<hbm>> -> memref<256xi32, #tpu.memory_space<hbm>>
    %dma_wait3A_203 = tpu.memref_slice %arg9[%dma_wait3A_197, %dma_wait3A_198] : memref<4x2x!tpu.dma_semaphore, #tpu.memory_space<semaphore_mem>> -> memref<1x1x!tpu.dma_semaphore, #tpu.memory_space<semaphore_mem>>
    %dma_wait3A_204 = tpu.memref_squeeze %dma_wait3A_203 : memref<1x1x!tpu.dma_semaphore, #tpu.memory_space<semaphore_mem>> -> memref<!tpu.dma_semaphore, #tpu.memory_space<semaphore_mem>>
    %dma_wait3A_205 = arith.constant 0 : i32
    %dma_wait3A_206 = tpu.memref_slice %arg6[%dma_wait3A_195, %dma_wait3A_196, %dma_wait3A_205] : memref<4x2x256xi32, #tpu.memory_space<vmem>> -> memref<1x1x256xi32, #tpu.memory_space<vmem>>
    %dma_wait3A_207 = tpu.memref_squeeze %dma_wait3A_206 : memref<1x1x256xi32, #tpu.memory_space<vmem>> -> memref<256xi32, #tpu.memory_space<vmem>>
    %dma_wait3A_208 = tpu.memref_slice %arg2[%add3A_194] : memref<425984xi32, #tpu.memory_space<hbm>> -> memref<256xi32, #tpu.memory_space<hbm>>
    tpu.wait_dma2 semaphore(%dma_wait3A_204 : memref<!tpu.dma_semaphore, #tpu.memory_space<semaphore_mem>>) src(%dma_wait3A_208 : memref<256xi32, #tpu.memory_space<hbm>>) dst(%dma_wait3A_207 : memref<256xi32, #tpu.memory_space<vmem>>)
    %dma_start3A_209 = arith.constant 2 : i32
    %dma_start3A_210 = arith.constant 0 : i32
    %dma_start3A_211 = arith.constant 2 : i32
    %dma_start3A_212 = arith.constant 2 : i32
    %dma_start3A_213 = arith.constant 0 : i32
    %dma_start3A_214 = arith.constant 0 : i32
    %dma_start3A_215 = tpu.memref_slice %arg7[%dma_start3A_211, %dma_start3A_213, %dma_start3A_214] : memref<4x256x64xf32, #tpu.memory_space<vmem>> -> memref<1x256x64xf32, #tpu.memory_space<vmem>>
    %dma_start3A_216 = tpu.memref_squeeze %dma_start3A_215 : memref<1x256x64xf32, #tpu.memory_space<vmem>> -> memref<256x64xf32, #tpu.memory_space<vmem>>
    %dma_start3A_217 = arith.constant 0 : i32
    %dma_start3A_218 = tpu.memref_slice %arg6[%dma_start3A_209, %dma_start3A_210, %dma_start3A_217] : memref<4x2x256xi32, #tpu.memory_space<vmem>> -> memref<1x1x256xi32, #tpu.memory_space<vmem>>
    %dma_start3A_219 = tpu.memref_squeeze %dma_start3A_218 : memref<1x1x256xi32, #tpu.memory_space<vmem>> -> memref<256xi32, #tpu.memory_space<vmem>>
    %dma_start3A_220 = arith.constant 0 : i32
    %dma_start3A_221 = arith.constant 0 : i32
    %dma_start3A_222 = tpu.memref_slice %arg4[%dma_start3A_220, %dma_start3A_221] : memref<1300013x64xf32, #tpu.memory_space<hbm>> -> memref<1300013x64xf32, #tpu.memory_space<hbm>>
    %dma_start3A_223 = tpu.memref_slice %arg10[%dma_start3A_212] : memref<4x!tpu.dma_semaphore, #tpu.memory_space<semaphore_mem>> -> memref<1x!tpu.dma_semaphore, #tpu.memory_space<semaphore_mem>>
    %dma_start3A_224 = tpu.memref_squeeze %dma_start3A_223 : memref<1x!tpu.dma_semaphore, #tpu.memory_space<semaphore_mem>> -> memref<!tpu.dma_semaphore, #tpu.memory_space<semaphore_mem>>
    tpu.enqueue_indirect_dma source(%dma_start3A_222 : memref<1300013x64xf32, #tpu.memory_space<hbm>>) target(%dma_start3A_216 : memref<256x64xf32, #tpu.memory_space<vmem>>) offsets(%dma_start3A_219 : memref<256xi32, #tpu.memory_space<vmem>>) semaphore(%dma_start3A_224 : memref<!tpu.dma_semaphore, #tpu.memory_space<semaphore_mem>>)
    %add3A_225 = arith.constant 768 : i32
    %add3A_226 = arith.addi %mul3A_2, %add3A_225 : i32
    %dma_wait3A_227 = arith.constant 3 : i32
    %dma_wait3A_228 = arith.constant 0 : i32
    %dma_wait3A_229 = arith.constant 3 : i32
    %dma_wait3A_230 = arith.constant 0 : i32
    %dma_wait3A_231 = arith.constant 0 : i32
    %dma_wait3A_232 = tpu.memref_slice %arg6[%dma_wait3A_227, %dma_wait3A_228, %dma_wait3A_231] : memref<4x2x256xi32, #tpu.memory_space<vmem>> -> memref<1x1x256xi32, #tpu.memory_space<vmem>>
    %dma_wait3A_233 = tpu.memref_squeeze %dma_wait3A_232 : memref<1x1x256xi32, #tpu.memory_space<vmem>> -> memref<256xi32, #tpu.memory_space<vmem>>
    %dma_wait3A_234 = tpu.memref_slice %arg2[%add3A_226] : memref<425984xi32, #tpu.memory_space<hbm>> -> memref<256xi32, #tpu.memory_space<hbm>>
    %dma_wait3A_235 = tpu.memref_slice %arg9[%dma_wait3A_229, %dma_wait3A_230] : memref<4x2x!tpu.dma_semaphore, #tpu.memory_space<semaphore_mem>> -> memref<1x1x!tpu.dma_semaphore, #tpu.memory_space<semaphore_mem>>
    %dma_wait3A_236 = tpu.memref_squeeze %dma_wait3A_235 : memref<1x1x!tpu.dma_semaphore, #tpu.memory_space<semaphore_mem>> -> memref<!tpu.dma_semaphore, #tpu.memory_space<semaphore_mem>>
    %dma_wait3A_237 = arith.constant 0 : i32
    %dma_wait3A_238 = tpu.memref_slice %arg6[%dma_wait3A_227, %dma_wait3A_228, %dma_wait3A_237] : memref<4x2x256xi32, #tpu.memory_space<vmem>> -> memref<1x1x256xi32, #tpu.memory_space<vmem>>
    %dma_wait3A_239 = tpu.memref_squeeze %dma_wait3A_238 : memref<1x1x256xi32, #tpu.memory_space<vmem>> -> memref<256xi32, #tpu.memory_space<vmem>>
    %dma_wait3A_240 = tpu.memref_slice %arg2[%add3A_226] : memref<425984xi32, #tpu.memory_space<hbm>> -> memref<256xi32, #tpu.memory_space<hbm>>
    tpu.wait_dma2 semaphore(%dma_wait3A_236 : memref<!tpu.dma_semaphore, #tpu.memory_space<semaphore_mem>>) src(%dma_wait3A_240 : memref<256xi32, #tpu.memory_space<hbm>>) dst(%dma_wait3A_239 : memref<256xi32, #tpu.memory_space<vmem>>)
    %dma_start3A_241 = arith.constant 3 : i32
    %dma_start3A_242 = arith.constant 0 : i32
    %dma_start3A_243 = arith.constant 3 : i32
    %dma_start3A_244 = arith.constant 3 : i32
    %dma_start3A_245 = arith.constant 0 : i32
    %dma_start3A_246 = arith.constant 0 : i32
    %dma_start3A_247 = tpu.memref_slice %arg7[%dma_start3A_243, %dma_start3A_245, %dma_start3A_246] : memref<4x256x64xf32, #tpu.memory_space<vmem>> -> memref<1x256x64xf32, #tpu.memory_space<vmem>>
    %dma_start3A_248 = tpu.memref_squeeze %dma_start3A_247 : memref<1x256x64xf32, #tpu.memory_space<vmem>> -> memref<256x64xf32, #tpu.memory_space<vmem>>
    %dma_start3A_249 = arith.constant 0 : i32
    %dma_start3A_250 = tpu.memref_slice %arg6[%dma_start3A_241, %dma_start3A_242, %dma_start3A_249] : memref<4x2x256xi32, #tpu.memory_space<vmem>> -> memref<1x1x256xi32, #tpu.memory_space<vmem>>
    %dma_start3A_251 = tpu.memref_squeeze %dma_start3A_250 : memref<1x1x256xi32, #tpu.memory_space<vmem>> -> memref<256xi32, #tpu.memory_space<vmem>>
    %dma_start3A_252 = arith.constant 0 : i32
    %dma_start3A_253 = arith.constant 0 : i32
    %dma_start3A_254 = tpu.memref_slice %arg4[%dma_start3A_252, %dma_start3A_253] : memref<1300013x64xf32, #tpu.memory_space<hbm>> -> memref<1300013x64xf32, #tpu.memory_space<hbm>>
    %dma_start3A_255 = tpu.memref_slice %arg10[%dma_start3A_244] : memref<4x!tpu.dma_semaphore, #tpu.memory_space<semaphore_mem>> -> memref<1x!tpu.dma_semaphore, #tpu.memory_space<semaphore_mem>>
    %dma_start3A_256 = tpu.memref_squeeze %dma_start3A_255 : memref<1x!tpu.dma_semaphore, #tpu.memory_space<semaphore_mem>> -> memref<!tpu.dma_semaphore, #tpu.memory_space<semaphore_mem>>
    tpu.enqueue_indirect_dma source(%dma_start3A_254 : memref<1300013x64xf32, #tpu.memory_space<hbm>>) target(%dma_start3A_248 : memref<256x64xf32, #tpu.memory_space<vmem>>) offsets(%dma_start3A_251 : memref<256xi32, #tpu.memory_space<vmem>>) semaphore(%dma_start3A_256 : memref<!tpu.dma_semaphore, #tpu.memory_space<semaphore_mem>>)
    %scan3A = arith.constant 0 : i32
    %scan3A_257 = arith.constant 0 : i32
    %scan3A_258 = arith.constant 13 : i32
    %scan3A_259 = arith.addi %scan3A_257, %scan3A_258 : i32
    %scan3A_260 = arith.constant 1 : i32
    scf.for %scan3A_294 = %scan3A_257 to %scan3A_259 step %scan3A_260  : i32 {
      %mul3A_295 = arith.constant 4 : i32
      %mul3A_296 = arith.muli %scan3A_294, %mul3A_295 : i32
      %dma_wait3A_297 = arith.constant 0 : i32
      %dma_wait3A_298 = arith.constant 0 : i32
      %dma_wait3A_299 = arith.constant 0 : i32
      %dma_wait3A_300 = arith.constant 0 : i32
      %dma_wait3A_301 = arith.constant 0 : i32
      %dma_wait3A_302 = arith.constant 0 : i32
      %dma_wait3A_303 = tpu.memref_slice %arg7[%dma_wait3A_299, %dma_wait3A_301, %dma_wait3A_302] : memref<4x256x64xf32, #tpu.memory_space<vmem>> -> memref<1x256x64xf32, #tpu.memory_space<vmem>>
      %dma_wait3A_304 = tpu.memref_squeeze %dma_wait3A_303 : memref<1x256x64xf32, #tpu.memory_space<vmem>> -> memref<256x64xf32, #tpu.memory_space<vmem>>
      %dma_wait3A_305 = arith.constant 0 : i32
      %dma_wait3A_306 = tpu.memref_slice %arg6[%dma_wait3A_297, %dma_wait3A_298, %dma_wait3A_305] : memref<4x2x256xi32, #tpu.memory_space<vmem>> -> memref<1x1x256xi32, #tpu.memory_space<vmem>>
      %dma_wait3A_307 = tpu.memref_squeeze %dma_wait3A_306 : memref<1x1x256xi32, #tpu.memory_space<vmem>> -> memref<256xi32, #tpu.memory_space<vmem>>
      %dma_wait3A_308 = arith.constant 0 : i32
      %dma_wait3A_309 = arith.constant 0 : i32
      %dma_wait3A_310 = tpu.memref_slice %arg4[%dma_wait3A_308, %dma_wait3A_309] : memref<1300013x64xf32, #tpu.memory_space<hbm>> -> memref<1300013x64xf32, #tpu.memory_space<hbm>>
      %dma_wait3A_311 = tpu.memref_slice %arg10[%dma_wait3A_300] : memref<4x!tpu.dma_semaphore, #tpu.memory_space<semaphore_mem>> -> memref<1x!tpu.dma_semaphore, #tpu.memory_space<semaphore_mem>>
      %dma_wait3A_312 = tpu.memref_squeeze %dma_wait3A_311 : memref<1x!tpu.dma_semaphore, #tpu.memory_space<semaphore_mem>> -> memref<!tpu.dma_semaphore, #tpu.memory_space<semaphore_mem>>
      tpu.wait_indirect_dma semaphore(%dma_wait3A_312 : memref<!tpu.dma_semaphore, #tpu.memory_space<semaphore_mem>>) src(%dma_wait3A_310 : memref<1300013x64xf32, #tpu.memory_space<hbm>>) dst(%dma_wait3A_304 : memref<256x64xf32, #tpu.memory_space<vmem>>)
      %lt3A = arith.constant 12 : i32
      %lt3A_313 = arith.cmpi slt, %scan3A_294, %lt3A : i32
      %convert_element_type3A = arith.extui %lt3A_313 : i1 to i32
      %cond3A = arith.constant 0 : i32
      %cond3A_314 = arith.cmpi ne, %convert_element_type3A, %cond3A : i32
      scf.if %cond3A_314 {
        %add3A_632 = arith.constant 4 : i32
        %add3A_633 = arith.addi %mul3A_296, %add3A_632 : i32
        %add3A_634 = arith.constant 0 : i32
        %add3A_635 = arith.addi %add3A_633, %add3A_634 : i32
        %mul3A_636 = arith.constant 256 : i32
        %mul3A_637 = arith.muli %add3A_635, %mul3A_636 : i32
        %add3A_638 = arith.addi %mul3A_2, %mul3A_637 : i32
        %dma_start3A_639 = arith.constant 0 : i32
        %dma_start3A_640 = arith.constant 0 : i32
        %dma_start3A_641 = arith.constant 0 : i32
        %dma_start3A_642 = arith.constant 0 : i32
        %dma_start3A_643 = arith.constant 0 : i32
        %dma_start3A_644 = tpu.memref_slice %arg6[%dma_start3A_639, %dma_start3A_640, %dma_start3A_643] : memref<4x2x256xi32, #tpu.memory_space<vmem>> -> memref<1x1x256xi32, #tpu.memory_space<vmem>>
        %dma_start3A_645 = tpu.memref_squeeze %dma_start3A_644 : memref<1x1x256xi32, #tpu.memory_space<vmem>> -> memref<256xi32, #tpu.memory_space<vmem>>
        %dma_start3A_646 = tpu.memref_slice %arg2[%add3A_638] : memref<425984xi32, #tpu.memory_space<hbm>> -> memref<256xi32, #tpu.memory_space<hbm>>
        %dma_start3A_647 = tpu.memref_slice %arg9[%dma_start3A_641, %dma_start3A_642] : memref<4x2x!tpu.dma_semaphore, #tpu.memory_space<semaphore_mem>> -> memref<1x1x!tpu.dma_semaphore, #tpu.memory_space<semaphore_mem>>
        %dma_start3A_648 = tpu.memref_squeeze %dma_start3A_647 : memref<1x1x!tpu.dma_semaphore, #tpu.memory_space<semaphore_mem>> -> memref<!tpu.dma_semaphore, #tpu.memory_space<semaphore_mem>>
        %dma_start3A_649 = arith.constant 0 : i32
        %dma_start3A_650 = tpu.memref_slice %arg6[%dma_start3A_639, %dma_start3A_640, %dma_start3A_649] : memref<4x2x256xi32, #tpu.memory_space<vmem>> -> memref<1x1x256xi32, #tpu.memory_space<vmem>>
        %dma_start3A_651 = tpu.memref_squeeze %dma_start3A_650 : memref<1x1x256xi32, #tpu.memory_space<vmem>> -> memref<256xi32, #tpu.memory_space<vmem>>
        %dma_start3A_652 = tpu.memref_slice %arg2[%add3A_638] : memref<425984xi32, #tpu.memory_space<hbm>> -> memref<256xi32, #tpu.memory_space<hbm>>
        tpu.enqueue_dma source(%dma_start3A_652 : memref<256xi32, #tpu.memory_space<hbm>>) target(%dma_start3A_651 : memref<256xi32, #tpu.memory_space<vmem>>) target_semaphore(%dma_start3A_648 : memref<!tpu.dma_semaphore, #tpu.memory_space<semaphore_mem>>)
      } else {
      }
      %add3A_315 = arith.constant 0 : i32
      %add3A_316 = arith.addi %mul3A_296, %add3A_315 : i32
      %mul3A_317 = arith.constant 256 : i32
      %mul3A_318 = arith.muli %add3A_316, %mul3A_317 : i32
      %add3A_319 = arith.addi %mul3A_2, %mul3A_318 : i32
      %dma_wait3A_320 = arith.constant 0 : i32
      %dma_wait3A_321 = arith.constant 1 : i32
      %dma_wait3A_322 = arith.constant 0 : i32
      %dma_wait3A_323 = arith.constant 1 : i32
      %dma_wait3A_324 = arith.constant 0 : i32
      %dma_wait3A_325 = tpu.memref_slice %arg6[%dma_wait3A_320, %dma_wait3A_321, %dma_wait3A_324] : memref<4x2x256xi32, #tpu.memory_space<vmem>> -> memref<1x1x256xi32, #tpu.memory_space<vmem>>
      %dma_wait3A_326 = tpu.memref_squeeze %dma_wait3A_325 : memref<1x1x256xi32, #tpu.memory_space<vmem>> -> memref<256xi32, #tpu.memory_space<vmem>>
      %dma_wait3A_327 = tpu.memref_slice %arg3[%add3A_319] : memref<425984xi32, #tpu.memory_space<hbm>> -> memref<256xi32, #tpu.memory_space<hbm>>
      %dma_wait3A_328 = tpu.memref_slice %arg9[%dma_wait3A_322, %dma_wait3A_323] : memref<4x2x!tpu.dma_semaphore, #tpu.memory_space<semaphore_mem>> -> memref<1x1x!tpu.dma_semaphore, #tpu.memory_space<semaphore_mem>>
      %dma_wait3A_329 = tpu.memref_squeeze %dma_wait3A_328 : memref<1x1x!tpu.dma_semaphore, #tpu.memory_space<semaphore_mem>> -> memref<!tpu.dma_semaphore, #tpu.memory_space<semaphore_mem>>
      %dma_wait3A_330 = arith.constant 0 : i32
      %dma_wait3A_331 = tpu.memref_slice %arg6[%dma_wait3A_320, %dma_wait3A_321, %dma_wait3A_330] : memref<4x2x256xi32, #tpu.memory_space<vmem>> -> memref<1x1x256xi32, #tpu.memory_space<vmem>>
      %dma_wait3A_332 = tpu.memref_squeeze %dma_wait3A_331 : memref<1x1x256xi32, #tpu.memory_space<vmem>> -> memref<256xi32, #tpu.memory_space<vmem>>
      %dma_wait3A_333 = tpu.memref_slice %arg3[%add3A_319] : memref<425984xi32, #tpu.memory_space<hbm>> -> memref<256xi32, #tpu.memory_space<hbm>>
      tpu.wait_dma2 semaphore(%dma_wait3A_329 : memref<!tpu.dma_semaphore, #tpu.memory_space<semaphore_mem>>) src(%dma_wait3A_333 : memref<256xi32, #tpu.memory_space<hbm>>) dst(%dma_wait3A_332 : memref<256xi32, #tpu.memory_space<vmem>>)
      %gt3A = arith.constant 0 : i32
      %gt3A_334 = arith.cmpi sgt, %scan3A_294, %gt3A : i32
      %convert_element_type3A_335 = arith.extui %gt3A_334 : i1 to i32
      %cond3A_336 = arith.constant 0 : i32
      %cond3A_337 = arith.cmpi ne, %convert_element_type3A_335, %cond3A_336 : i32
      scf.if %cond3A_337 {
        %add3A_632 = arith.constant 0 : i32
        %add3A_633 = arith.addi %mul3A_296, %add3A_632 : i32
        %mul3A_634 = arith.constant 256 : i32
        %mul3A_635 = arith.muli %add3A_633, %mul3A_634 : i32
        %add3A_636 = arith.addi %mul3A_2, %mul3A_635 : i32
        %mul3A_637 = arith.constant 32 : i32
        %mul3A_638 = arith.muli %add3A_636, %mul3A_637 : i32
        %dma_wait3A_639 = arith.constant 0 : i32
        %dma_wait3A_640 = arith.constant 0 : i32
        %dma_wait3A_641 = arith.constant 0 : i32
        %dma_wait3A_642 = tpu.memref_slice %arg8[%dma_wait3A_639, %dma_wait3A_641] : memref<2x8192xf32, #tpu.memory_space<vmem>> -> memref<1x8192xf32, #tpu.memory_space<vmem>>
        %dma_wait3A_643 = tpu.memref_squeeze %dma_wait3A_642 : memref<1x8192xf32, #tpu.memory_space<vmem>> -> memref<8192xf32, #tpu.memory_space<vmem>>
        %dma_wait3A_644 = tpu.memref_slice %arg5[%mul3A_638] : memref<13631488xf32, #tpu.memory_space<hbm>> -> memref<8192xf32, #tpu.memory_space<hbm>>
        %dma_wait3A_645 = tpu.memref_slice %arg11[%dma_wait3A_640] : memref<2x!tpu.dma_semaphore, #tpu.memory_space<semaphore_mem>> -> memref<1x!tpu.dma_semaphore, #tpu.memory_space<semaphore_mem>>
        %dma_wait3A_646 = tpu.memref_squeeze %dma_wait3A_645 : memref<1x!tpu.dma_semaphore, #tpu.memory_space<semaphore_mem>> -> memref<!tpu.dma_semaphore, #tpu.memory_space<semaphore_mem>>
        %dma_wait3A_647 = tpu.memref_slice %arg5[%mul3A_638] : memref<13631488xf32, #tpu.memory_space<hbm>> -> memref<8192xf32, #tpu.memory_space<hbm>>
        %dma_wait3A_648 = arith.constant 0 : i32
        %dma_wait3A_649 = tpu.memref_slice %arg8[%dma_wait3A_639, %dma_wait3A_648] : memref<2x8192xf32, #tpu.memory_space<vmem>> -> memref<1x8192xf32, #tpu.memory_space<vmem>>
        %dma_wait3A_650 = tpu.memref_squeeze %dma_wait3A_649 : memref<1x8192xf32, #tpu.memory_space<vmem>> -> memref<8192xf32, #tpu.memory_space<vmem>>
        tpu.wait_dma2 semaphore(%dma_wait3A_646 : memref<!tpu.dma_semaphore, #tpu.memory_space<semaphore_mem>>) src(%dma_wait3A_650 : memref<8192xf32, #tpu.memory_space<vmem>>) dst(%dma_wait3A_647 : memref<8192xf32, #tpu.memory_space<hbm>>)
      } else {
      }
      %iota3A = tpu.iota {dimensions = array<i32: 0>} : vector<16xi32>
      %scan3A_338 = arith.constant 0 : i32
      %scan3A_339 = arith.constant 0 : i32
      %scan3A_340 = arith.constant 0 : i32
      %scan3A_341 = arith.constant 0 : i32
      %scan3A_342 = arith.constant 16 : i32
      %scan3A_343 = arith.addi %scan3A_341, %scan3A_342 : i32
      %scan3A_344 = arith.constant 1 : i32
      scf.for %scan3A_632 = %scan3A_341 to %scan3A_343 step %scan3A_344  : i32 {
        %mul3A_633 = arith.constant 16 : i32
        %mul3A_634 = arith.muli %scan3A_632, %mul3A_633 : i32
        %add3A_635 = vector.broadcast %mul3A_634 : i32 to vector<16xi32>
        %add3A_636 = arith.addi %iota3A, %add3A_635 : vector<16xi32>
        %mul3A_637 = arith.constant 16 : i32
        %mul3A_638 = arith.muli %scan3A_632, %mul3A_637 : i32
        %get3A = arith.constant 0 : i32
        %get3A_639 = arith.constant 1 : i32
        %get3A_640 = arith.index_cast %get3A : i32 to index
        %get3A_641 = arith.index_cast %get3A_639 : i32 to index
        %get3A_642 = arith.index_cast %mul3A_638 : i32 to index
        %get3A_643 = tpu.vector_load %arg6[%get3A_640, %get3A_641, %get3A_642] {strides = array<i32>} : memref<4x2x256xi32, #tpu.memory_space<vmem>>, vector<16xi32>,
        %mul3A_644 = arith.constant 32 : i32
        %mul3A_645 = vector.broadcast %mul3A_644 : i32 to vector<16xi32>
        %mul3A_646 = arith.muli %add3A_636, %mul3A_645 : vector<16xi32>
        %add3A_647 = arith.constant 0 : i32
        %add3A_648 = vector.broadcast %add3A_647 : i32 to vector<16xi32>
        %add3A_649 = arith.addi %get3A_643, %add3A_648 : vector<16xi32>
        %gather3A = arith.constant 0 : i32
        %gather3A_650 = arith.constant 0 : i32
        %gather3A_651 = tpu.memref_slice %arg7[%scan3A_339, %gather3A, %gather3A_650] : memref<4x256x64xf32, #tpu.memory_space<vmem>> -> memref<1x256x64xf32, #tpu.memory_space<vmem>>
        %gather3A_652 = tpu.memref_squeeze %gather3A_651 : memref<1x256x64xf32, #tpu.memory_space<vmem>> -> memref<256x64xf32, #tpu.memory_space<vmem>>
        %gather3A_653 = tpu.vector_load_idx %gather3A_652[%add3A_636, %add3A_649] : memref<256x64xf32, #tpu.memory_space<vmem>>[vector<16xi32>, vector<16xi32>], vector<16xf32>,
        %add3A_654 = arith.constant 0 : i32
        %add3A_655 = vector.broadcast %add3A_654 : i32 to vector<16xi32>
        %add3A_656 = arith.addi %mul3A_646, %add3A_655 : vector<16xi32>
        %scatter3A = arith.constant 0 : i32
        %scatter3A_657 = tpu.memref_slice %arg8[%scan3A_340, %scatter3A] : memref<2x8192xf32, #tpu.memory_space<vmem>> -> memref<1x8192xf32, #tpu.memory_space<vmem>>
        %scatter3A_658 = tpu.memref_squeeze %scatter3A_657 : memref<1x8192xf32, #tpu.memory_space<vmem>> -> memref<8192xf32, #tpu.memory_space<vmem>>
        tpu.vector_store_idx %scatter3A_658[%add3A_656], %gather3A_653 : memref<8192xf32, #tpu.memory_space<vmem>>[vector<16xi32>], vector<16xf32>,
        %add3A_659 = arith.constant 1 : i32
        %add3A_660 = vector.broadcast %add3A_659 : i32 to vector<16xi32>
        %add3A_661 = arith.addi %get3A_643, %add3A_660 : vector<16xi32>
        %gather3A_662 = arith.constant 0 : i32
        %gather3A_663 = arith.constant 0 : i32
        %gather3A_664 = tpu.memref_slice %arg7[%scan3A_339, %gather3A_662, %gather3A_663] : memref<4x256x64xf32, #tpu.memory_space<vmem>> -> memref<1x256x64xf32, #tpu.memory_space<vmem>>
        %gather3A_665 = tpu.memref_squeeze %gather3A_664 : memref<1x256x64xf32, #tpu.memory_space<vmem>> -> memref<256x64xf32, #tpu.memory_space<vmem>>
        %gather3A_666 = tpu.vector_load_idx %gather3A_665[%add3A_636, %add3A_661] : memref<256x64xf32, #tpu.memory_space<vmem>>[vector<16xi32>, vector<16xi32>], vector<16xf32>,
        %add3A_667 = arith.constant 1 : i32
        %add3A_668 = vector.broadcast %add3A_667 : i32 to vector<16xi32>
        %add3A_669 = arith.addi %mul3A_646, %add3A_668 : vector<16xi32>
        %scatter3A_670 = arith.constant 0 : i32
        %scatter3A_671 = tpu.memref_slice %arg8[%scan3A_340, %scatter3A_670] : memref<2x8192xf32, #tpu.memory_space<vmem>> -> memref<1x8192xf32, #tpu.memory_space<vmem>>
        %scatter3A_672 = tpu.memref_squeeze %scatter3A_671 : memref<1x8192xf32, #tpu.memory_space<vmem>> -> memref<8192xf32, #tpu.memory_space<vmem>>
        tpu.vector_store_idx %scatter3A_672[%add3A_669], %gather3A_666 : memref<8192xf32, #tpu.memory_space<vmem>>[vector<16xi32>], vector<16xf32>,
        %add3A_673 = arith.constant 2 : i32
        %add3A_674 = vector.broadcast %add3A_673 : i32 to vector<16xi32>
        %add3A_675 = arith.addi %get3A_643, %add3A_674 : vector<16xi32>
        %gather3A_676 = arith.constant 0 : i32
        %gather3A_677 = arith.constant 0 : i32
        %gather3A_678 = tpu.memref_slice %arg7[%scan3A_339, %gather3A_676, %gather3A_677] : memref<4x256x64xf32, #tpu.memory_space<vmem>> -> memref<1x256x64xf32, #tpu.memory_space<vmem>>
        %gather3A_679 = tpu.memref_squeeze %gather3A_678 : memref<1x256x64xf32, #tpu.memory_space<vmem>> -> memref<256x64xf32, #tpu.memory_space<vmem>>
        %gather3A_680 = tpu.vector_load_idx %gather3A_679[%add3A_636, %add3A_675] : memref<256x64xf32, #tpu.memory_space<vmem>>[vector<16xi32>, vector<16xi32>], vector<16xf32>,
        %add3A_681 = arith.constant 2 : i32
        %add3A_682 = vector.broadcast %add3A_681 : i32 to vector<16xi32>
        %add3A_683 = arith.addi %mul3A_646, %add3A_682 : vector<16xi32>
        %scatter3A_684 = arith.constant 0 : i32
        %scatter3A_685 = tpu.memref_slice %arg8[%scan3A_340, %scatter3A_684] : memref<2x8192xf32, #tpu.memory_space<vmem>> -> memref<1x8192xf32, #tpu.memory_space<vmem>>
        %scatter3A_686 = tpu.memref_squeeze %scatter3A_685 : memref<1x8192xf32, #tpu.memory_space<vmem>> -> memref<8192xf32, #tpu.memory_space<vmem>>
        tpu.vector_store_idx %scatter3A_686[%add3A_683], %gather3A_680 : memref<8192xf32, #tpu.memory_space<vmem>>[vector<16xi32>], vector<16xf32>,
        %add3A_687 = arith.constant 3 : i32
        %add3A_688 = vector.broadcast %add3A_687 : i32 to vector<16xi32>
        %add3A_689 = arith.addi %get3A_643, %add3A_688 : vector<16xi32>
        %gather3A_690 = arith.constant 0 : i32
        %gather3A_691 = arith.constant 0 : i32
        %gather3A_692 = tpu.memref_slice %arg7[%scan3A_339, %gather3A_690, %gather3A_691] : memref<4x256x64xf32, #tpu.memory_space<vmem>> -> memref<1x256x64xf32, #tpu.memory_space<vmem>>
        %gather3A_693 = tpu.memref_squeeze %gather3A_692 : memref<1x256x64xf32, #tpu.memory_space<vmem>> -> memref<256x64xf32, #tpu.memory_space<vmem>>
        %gather3A_694 = tpu.vector_load_idx %gather3A_693[%add3A_636, %add3A_689] : memref<256x64xf32, #tpu.memory_space<vmem>>[vector<16xi32>, vector<16xi32>], vector<16xf32>,
        %add3A_695 = arith.constant 3 : i32
        %add3A_696 = vector.broadcast %add3A_695 : i32 to vector<16xi32>
        %add3A_697 = arith.addi %mul3A_646, %add3A_696 : vector<16xi32>
        %scatter3A_698 = arith.constant 0 : i32
        %scatter3A_699 = tpu.memref_slice %arg8[%scan3A_340, %scatter3A_698] : memref<2x8192xf32, #tpu.memory_space<vmem>> -> memref<1x8192xf32, #tpu.memory_space<vmem>>
        %scatter3A_700 = tpu.memref_squeeze %scatter3A_699 : memref<1x8192xf32, #tpu.memory_space<vmem>> -> memref<8192xf32, #tpu.memory_space<vmem>>
        tpu.vector_store_idx %scatter3A_700[%add3A_697], %gather3A_694 : memref<8192xf32, #tpu.memory_space<vmem>>[vector<16xi32>], vector<16xf32>,
        %add3A_701 = arith.constant 4 : i32
        %add3A_702 = vector.broadcast %add3A_701 : i32 to vector<16xi32>
        %add3A_703 = arith.addi %get3A_643, %add3A_702 : vector<16xi32>
        %gather3A_704 = arith.constant 0 : i32
        %gather3A_705 = arith.constant 0 : i32
        %gather3A_706 = tpu.memref_slice %arg7[%scan3A_339, %gather3A_704, %gather3A_705] : memref<4x256x64xf32, #tpu.memory_space<vmem>> -> memref<1x256x64xf32, #tpu.memory_space<vmem>>
        %gather3A_707 = tpu.memref_squeeze %gather3A_706 : memref<1x256x64xf32, #tpu.memory_space<vmem>> -> memref<256x64xf32, #tpu.memory_space<vmem>>
        %gather3A_708 = tpu.vector_load_idx %gather3A_707[%add3A_636, %add3A_703] : memref<256x64xf32, #tpu.memory_space<vmem>>[vector<16xi32>, vector<16xi32>], vector<16xf32>,
        %add3A_709 = arith.constant 4 : i32
        %add3A_710 = vector.broadcast %add3A_709 : i32 to vector<16xi32>
        %add3A_711 = arith.addi %mul3A_646, %add3A_710 : vector<16xi32>
        %scatter3A_712 = arith.constant 0 : i32
        %scatter3A_713 = tpu.memref_slice %arg8[%scan3A_340, %scatter3A_712] : memref<2x8192xf32, #tpu.memory_space<vmem>> -> memref<1x8192xf32, #tpu.memory_space<vmem>>
        %scatter3A_714 = tpu.memref_squeeze %scatter3A_713 : memref<1x8192xf32, #tpu.memory_space<vmem>> -> memref<8192xf32, #tpu.memory_space<vmem>>
        tpu.vector_store_idx %scatter3A_714[%add3A_711], %gather3A_708 : memref<8192xf32, #tpu.memory_space<vmem>>[vector<16xi32>], vector<16xf32>,
        %add3A_715 = arith.constant 5 : i32
        %add3A_716 = vector.broadcast %add3A_715 : i32 to vector<16xi32>
        %add3A_717 = arith.addi %get3A_643, %add3A_716 : vector<16xi32>
        %gather3A_718 = arith.constant 0 : i32
        %gather3A_719 = arith.constant 0 : i32
        %gather3A_720 = tpu.memref_slice %arg7[%scan3A_339, %gather3A_718, %gather3A_719] : memref<4x256x64xf32, #tpu.memory_space<vmem>> -> memref<1x256x64xf32, #tpu.memory_space<vmem>>
        %gather3A_721 = tpu.memref_squeeze %gather3A_720 : memref<1x256x64xf32, #tpu.memory_space<vmem>> -> memref<256x64xf32, #tpu.memory_space<vmem>>
        %gather3A_722 = tpu.vector_load_idx %gather3A_721[%add3A_636, %add3A_717] : memref<256x64xf32, #tpu.memory_space<vmem>>[vector<16xi32>, vector<16xi32>], vector<16xf32>,
        %add3A_723 = arith.constant 5 : i32
        %add3A_724 = vector.broadcast %add3A_723 : i32 to vector<16xi32>
        %add3A_725 = arith.addi %mul3A_646, %add3A_724 : vector<16xi32>
        %scatter3A_726 = arith.constant 0 : i32
        %scatter3A_727 = tpu.memref_slice %arg8[%scan3A_340, %scatter3A_726] : memref<2x8192xf32, #tpu.memory_space<vmem>> -> memref<1x8192xf32, #tpu.memory_space<vmem>>
        %scatter3A_728 = tpu.memref_squeeze %scatter3A_727 : memref<1x8192xf32, #tpu.memory_space<vmem>> -> memref<8192xf32, #tpu.memory_space<vmem>>
        tpu.vector_store_idx %scatter3A_728[%add3A_725], %gather3A_722 : memref<8192xf32, #tpu.memory_space<vmem>>[vector<16xi32>], vector<16xf32>,
        %add3A_729 = arith.constant 6 : i32
        %add3A_730 = vector.broadcast %add3A_729 : i32 to vector<16xi32>
        %add3A_731 = arith.addi %get3A_643, %add3A_730 : vector<16xi32>
        %gather3A_732 = arith.constant 0 : i32
        %gather3A_733 = arith.constant 0 : i32
        %gather3A_734 = tpu.memref_slice %arg7[%scan3A_339, %gather3A_732, %gather3A_733] : memref<4x256x64xf32, #tpu.memory_space<vmem>> -> memref<1x256x64xf32, #tpu.memory_space<vmem>>
        %gather3A_735 = tpu.memref_squeeze %gather3A_734 : memref<1x256x64xf32, #tpu.memory_space<vmem>> -> memref<256x64xf32, #tpu.memory_space<vmem>>
        %gather3A_736 = tpu.vector_load_idx %gather3A_735[%add3A_636, %add3A_731] : memref<256x64xf32, #tpu.memory_space<vmem>>[vector<16xi32>, vector<16xi32>], vector<16xf32>,
        %add3A_737 = arith.constant 6 : i32
        %add3A_738 = vector.broadcast %add3A_737 : i32 to vector<16xi32>
        %add3A_739 = arith.addi %mul3A_646, %add3A_738 : vector<16xi32>
        %scatter3A_740 = arith.constant 0 : i32
        %scatter3A_741 = tpu.memref_slice %arg8[%scan3A_340, %scatter3A_740] : memref<2x8192xf32, #tpu.memory_space<vmem>> -> memref<1x8192xf32, #tpu.memory_space<vmem>>
        %scatter3A_742 = tpu.memref_squeeze %scatter3A_741 : memref<1x8192xf32, #tpu.memory_space<vmem>> -> memref<8192xf32, #tpu.memory_space<vmem>>
        tpu.vector_store_idx %scatter3A_742[%add3A_739], %gather3A_736 : memref<8192xf32, #tpu.memory_space<vmem>>[vector<16xi32>], vector<16xf32>,
        %add3A_743 = arith.constant 7 : i32
        %add3A_744 = vector.broadcast %add3A_743 : i32 to vector<16xi32>
        %add3A_745 = arith.addi %get3A_643, %add3A_744 : vector<16xi32>
        %gather3A_746 = arith.constant 0 : i32
        %gather3A_747 = arith.constant 0 : i32
        %gather3A_748 = tpu.memref_slice %arg7[%scan3A_339, %gather3A_746, %gather3A_747] : memref<4x256x64xf32, #tpu.memory_space<vmem>> -> memref<1x256x64xf32, #tpu.memory_space<vmem>>
        %gather3A_749 = tpu.memref_squeeze %gather3A_748 : memref<1x256x64xf32, #tpu.memory_space<vmem>> -> memref<256x64xf32, #tpu.memory_space<vmem>>
        %gather3A_750 = tpu.vector_load_idx %gather3A_749[%add3A_636, %add3A_745] : memref<256x64xf32, #tpu.memory_space<vmem>>[vector<16xi32>, vector<16xi32>], vector<16xf32>,
        %add3A_751 = arith.constant 7 : i32
        %add3A_752 = vector.broadcast %add3A_751 : i32 to vector<16xi32>
        %add3A_753 = arith.addi %mul3A_646, %add3A_752 : vector<16xi32>
        %scatter3A_754 = arith.constant 0 : i32
        %scatter3A_755 = tpu.memref_slice %arg8[%scan3A_340, %scatter3A_754] : memref<2x8192xf32, #tpu.memory_space<vmem>> -> memref<1x8192xf32, #tpu.memory_space<vmem>>
        %scatter3A_756 = tpu.memref_squeeze %scatter3A_755 : memref<1x8192xf32, #tpu.memory_space<vmem>> -> memref<8192xf32, #tpu.memory_space<vmem>>
        tpu.vector_store_idx %scatter3A_756[%add3A_753], %gather3A_750 : memref<8192xf32, #tpu.memory_space<vmem>>[vector<16xi32>], vector<16xf32>,
        %add3A_757 = arith.constant 8 : i32
        %add3A_758 = vector.broadcast %add3A_757 : i32 to vector<16xi32>
        %add3A_759 = arith.addi %get3A_643, %add3A_758 : vector<16xi32>
        %gather3A_760 = arith.constant 0 : i32
        %gather3A_761 = arith.constant 0 : i32
        %gather3A_762 = tpu.memref_slice %arg7[%scan3A_339, %gather3A_760, %gather3A_761] : memref<4x256x64xf32, #tpu.memory_space<vmem>> -> memref<1x256x64xf32, #tpu.memory_space<vmem>>
        %gather3A_763 = tpu.memref_squeeze %gather3A_762 : memref<1x256x64xf32, #tpu.memory_space<vmem>> -> memref<256x64xf32, #tpu.memory_space<vmem>>
        %gather3A_764 = tpu.vector_load_idx %gather3A_763[%add3A_636, %add3A_759] : memref<256x64xf32, #tpu.memory_space<vmem>>[vector<16xi32>, vector<16xi32>], vector<16xf32>,
        %add3A_765 = arith.constant 8 : i32
        %add3A_766 = vector.broadcast %add3A_765 : i32 to vector<16xi32>
        %add3A_767 = arith.addi %mul3A_646, %add3A_766 : vector<16xi32>
        %scatter3A_768 = arith.constant 0 : i32
        %scatter3A_769 = tpu.memref_slice %arg8[%scan3A_340, %scatter3A_768] : memref<2x8192xf32, #tpu.memory_space<vmem>> -> memref<1x8192xf32, #tpu.memory_space<vmem>>
        %scatter3A_770 = tpu.memref_squeeze %scatter3A_769 : memref<1x8192xf32, #tpu.memory_space<vmem>> -> memref<8192xf32, #tpu.memory_space<vmem>>
        tpu.vector_store_idx %scatter3A_770[%add3A_767], %gather3A_764 : memref<8192xf32, #tpu.memory_space<vmem>>[vector<16xi32>], vector<16xf32>,
        %add3A_771 = arith.constant 9 : i32
        %add3A_772 = vector.broadcast %add3A_771 : i32 to vector<16xi32>
        %add3A_773 = arith.addi %get3A_643, %add3A_772 : vector<16xi32>
        %gather3A_774 = arith.constant 0 : i32
        %gather3A_775 = arith.constant 0 : i32
        %gather3A_776 = tpu.memref_slice %arg7[%scan3A_339, %gather3A_774, %gather3A_775] : memref<4x256x64xf32, #tpu.memory_space<vmem>> -> memref<1x256x64xf32, #tpu.memory_space<vmem>>
        %gather3A_777 = tpu.memref_squeeze %gather3A_776 : memref<1x256x64xf32, #tpu.memory_space<vmem>> -> memref<256x64xf32, #tpu.memory_space<vmem>>
        %gather3A_778 = tpu.vector_load_idx %gather3A_777[%add3A_636, %add3A_773] : memref<256x64xf32, #tpu.memory_space<vmem>>[vector<16xi32>, vector<16xi32>], vector<16xf32>,
        %add3A_779 = arith.constant 9 : i32
        %add3A_780 = vector.broadcast %add3A_779 : i32 to vector<16xi32>
        %add3A_781 = arith.addi %mul3A_646, %add3A_780 : vector<16xi32>
        %scatter3A_782 = arith.constant 0 : i32
        %scatter3A_783 = tpu.memref_slice %arg8[%scan3A_340, %scatter3A_782] : memref<2x8192xf32, #tpu.memory_space<vmem>> -> memref<1x8192xf32, #tpu.memory_space<vmem>>
        %scatter3A_784 = tpu.memref_squeeze %scatter3A_783 : memref<1x8192xf32, #tpu.memory_space<vmem>> -> memref<8192xf32, #tpu.memory_space<vmem>>
        tpu.vector_store_idx %scatter3A_784[%add3A_781], %gather3A_778 : memref<8192xf32, #tpu.memory_space<vmem>>[vector<16xi32>], vector<16xf32>,
        %add3A_785 = arith.constant 10 : i32
        %add3A_786 = vector.broadcast %add3A_785 : i32 to vector<16xi32>
        %add3A_787 = arith.addi %get3A_643, %add3A_786 : vector<16xi32>
        %gather3A_788 = arith.constant 0 : i32
        %gather3A_789 = arith.constant 0 : i32
        %gather3A_790 = tpu.memref_slice %arg7[%scan3A_339, %gather3A_788, %gather3A_789] : memref<4x256x64xf32, #tpu.memory_space<vmem>> -> memref<1x256x64xf32, #tpu.memory_space<vmem>>
        %gather3A_791 = tpu.memref_squeeze %gather3A_790 : memref<1x256x64xf32, #tpu.memory_space<vmem>> -> memref<256x64xf32, #tpu.memory_space<vmem>>
        %gather3A_792 = tpu.vector_load_idx %gather3A_791[%add3A_636, %add3A_787] : memref<256x64xf32, #tpu.memory_space<vmem>>[vector<16xi32>, vector<16xi32>], vector<16xf32>,
        %add3A_793 = arith.constant 10 : i32
        %add3A_794 = vector.broadcast %add3A_793 : i32 to vector<16xi32>
        %add3A_795 = arith.addi %mul3A_646, %add3A_794 : vector<16xi32>
        %scatter3A_796 = arith.constant 0 : i32
        %scatter3A_797 = tpu.memref_slice %arg8[%scan3A_340, %scatter3A_796] : memref<2x8192xf32, #tpu.memory_space<vmem>> -> memref<1x8192xf32, #tpu.memory_space<vmem>>
        %scatter3A_798 = tpu.memref_squeeze %scatter3A_797 : memref<1x8192xf32, #tpu.memory_space<vmem>> -> memref<8192xf32, #tpu.memory_space<vmem>>
        tpu.vector_store_idx %scatter3A_798[%add3A_795], %gather3A_792 : memref<8192xf32, #tpu.memory_space<vmem>>[vector<16xi32>], vector<16xf32>,
        %add3A_799 = arith.constant 11 : i32
        %add3A_800 = vector.broadcast %add3A_799 : i32 to vector<16xi32>
        %add3A_801 = arith.addi %get3A_643, %add3A_800 : vector<16xi32>
        %gather3A_802 = arith.constant 0 : i32
        %gather3A_803 = arith.constant 0 : i32
        %gather3A_804 = tpu.memref_slice %arg7[%scan3A_339, %gather3A_802, %gather3A_803] : memref<4x256x64xf32, #tpu.memory_space<vmem>> -> memref<1x256x64xf32, #tpu.memory_space<vmem>>
        %gather3A_805 = tpu.memref_squeeze %gather3A_804 : memref<1x256x64xf32, #tpu.memory_space<vmem>> -> memref<256x64xf32, #tpu.memory_space<vmem>>
        %gather3A_806 = tpu.vector_load_idx %gather3A_805[%add3A_636, %add3A_801] : memref<256x64xf32, #tpu.memory_space<vmem>>[vector<16xi32>, vector<16xi32>], vector<16xf32>,
        %add3A_807 = arith.constant 11 : i32
        %add3A_808 = vector.broadcast %add3A_807 : i32 to vector<16xi32>
        %add3A_809 = arith.addi %mul3A_646, %add3A_808 : vector<16xi32>
        %scatter3A_810 = arith.constant 0 : i32
        %scatter3A_811 = tpu.memref_slice %arg8[%scan3A_340, %scatter3A_810] : memref<2x8192xf32, #tpu.memory_space<vmem>> -> memref<1x8192xf32, #tpu.memory_space<vmem>>
        %scatter3A_812 = tpu.memref_squeeze %scatter3A_811 : memref<1x8192xf32, #tpu.memory_space<vmem>> -> memref<8192xf32, #tpu.memory_space<vmem>>
        tpu.vector_store_idx %scatter3A_812[%add3A_809], %gather3A_806 : memref<8192xf32, #tpu.memory_space<vmem>>[vector<16xi32>], vector<16xf32>,
        %add3A_813 = arith.constant 12 : i32
        %add3A_814 = vector.broadcast %add3A_813 : i32 to vector<16xi32>
        %add3A_815 = arith.addi %get3A_643, %add3A_814 : vector<16xi32>
        %gather3A_816 = arith.constant 0 : i32
        %gather3A_817 = arith.constant 0 : i32
        %gather3A_818 = tpu.memref_slice %arg7[%scan3A_339, %gather3A_816, %gather3A_817] : memref<4x256x64xf32, #tpu.memory_space<vmem>> -> memref<1x256x64xf32, #tpu.memory_space<vmem>>
        %gather3A_819 = tpu.memref_squeeze %gather3A_818 : memref<1x256x64xf32, #tpu.memory_space<vmem>> -> memref<256x64xf32, #tpu.memory_space<vmem>>
        %gather3A_820 = tpu.vector_load_idx %gather3A_819[%add3A_636, %add3A_815] : memref<256x64xf32, #tpu.memory_space<vmem>>[vector<16xi32>, vector<16xi32>], vector<16xf32>,
        %add3A_821 = arith.constant 12 : i32
        %add3A_822 = vector.broadcast %add3A_821 : i32 to vector<16xi32>
        %add3A_823 = arith.addi %mul3A_646, %add3A_822 : vector<16xi32>
        %scatter3A_824 = arith.constant 0 : i32
        %scatter3A_825 = tpu.memref_slice %arg8[%scan3A_340, %scatter3A_824] : memref<2x8192xf32, #tpu.memory_space<vmem>> -> memref<1x8192xf32, #tpu.memory_space<vmem>>
        %scatter3A_826 = tpu.memref_squeeze %scatter3A_825 : memref<1x8192xf32, #tpu.memory_space<vmem>> -> memref<8192xf32, #tpu.memory_space<vmem>>
        tpu.vector_store_idx %scatter3A_826[%add3A_823], %gather3A_820 : memref<8192xf32, #tpu.memory_space<vmem>>[vector<16xi32>], vector<16xf32>,
        %add3A_827 = arith.constant 13 : i32
        %add3A_828 = vector.broadcast %add3A_827 : i32 to vector<16xi32>
        %add3A_829 = arith.addi %get3A_643, %add3A_828 : vector<16xi32>
        %gather3A_830 = arith.constant 0 : i32
        %gather3A_831 = arith.constant 0 : i32
        %gather3A_832 = tpu.memref_slice %arg7[%scan3A_339, %gather3A_830, %gather3A_831] : memref<4x256x64xf32, #tpu.memory_space<vmem>> -> memref<1x256x64xf32, #tpu.memory_space<vmem>>
        %gather3A_833 = tpu.memref_squeeze %gather3A_832 : memref<1x256x64xf32, #tpu.memory_space<vmem>> -> memref<256x64xf32, #tpu.memory_space<vmem>>
        %gather3A_834 = tpu.vector_load_idx %gather3A_833[%add3A_636, %add3A_829] : memref<256x64xf32, #tpu.memory_space<vmem>>[vector<16xi32>, vector<16xi32>], vector<16xf32>,
        %add3A_835 = arith.constant 13 : i32
        %add3A_836 = vector.broadcast %add3A_835 : i32 to vector<16xi32>
        %add3A_837 = arith.addi %mul3A_646, %add3A_836 : vector<16xi32>
        %scatter3A_838 = arith.constant 0 : i32
        %scatter3A_839 = tpu.memref_slice %arg8[%scan3A_340, %scatter3A_838] : memref<2x8192xf32, #tpu.memory_space<vmem>> -> memref<1x8192xf32, #tpu.memory_space<vmem>>
        %scatter3A_840 = tpu.memref_squeeze %scatter3A_839 : memref<1x8192xf32, #tpu.memory_space<vmem>> -> memref<8192xf32, #tpu.memory_space<vmem>>
        tpu.vector_store_idx %scatter3A_840[%add3A_837], %gather3A_834 : memref<8192xf32, #tpu.memory_space<vmem>>[vector<16xi32>], vector<16xf32>,
        %add3A_841 = arith.constant 14 : i32
        %add3A_842 = vector.broadcast %add3A_841 : i32 to vector<16xi32>
        %add3A_843 = arith.addi %get3A_643, %add3A_842 : vector<16xi32>
        %gather3A_844 = arith.constant 0 : i32
        %gather3A_845 = arith.constant 0 : i32
        %gather3A_846 = tpu.memref_slice %arg7[%scan3A_339, %gather3A_844, %gather3A_845] : memref<4x256x64xf32, #tpu.memory_space<vmem>> -> memref<1x256x64xf32, #tpu.memory_space<vmem>>
        %gather3A_847 = tpu.memref_squeeze %gather3A_846 : memref<1x256x64xf32, #tpu.memory_space<vmem>> -> memref<256x64xf32, #tpu.memory_space<vmem>>
        %gather3A_848 = tpu.vector_load_idx %gather3A_847[%add3A_636, %add3A_843] : memref<256x64xf32, #tpu.memory_space<vmem>>[vector<16xi32>, vector<16xi32>], vector<16xf32>,
        %add3A_849 = arith.constant 14 : i32
        %add3A_850 = vector.broadcast %add3A_849 : i32 to vector<16xi32>
        %add3A_851 = arith.addi %mul3A_646, %add3A_850 : vector<16xi32>
        %scatter3A_852 = arith.constant 0 : i32
        %scatter3A_853 = tpu.memref_slice %arg8[%scan3A_340, %scatter3A_852] : memref<2x8192xf32, #tpu.memory_space<vmem>> -> memref<1x8192xf32, #tpu.memory_space<vmem>>
        %scatter3A_854 = tpu.memref_squeeze %scatter3A_853 : memref<1x8192xf32, #tpu.memory_space<vmem>> -> memref<8192xf32, #tpu.memory_space<vmem>>
        tpu.vector_store_idx %scatter3A_854[%add3A_851], %gather3A_848 : memref<8192xf32, #tpu.memory_space<vmem>>[vector<16xi32>], vector<16xf32>,
        %add3A_855 = arith.constant 15 : i32
        %add3A_856 = vector.broadcast %add3A_855 : i32 to vector<16xi32>
        %add3A_857 = arith.addi %get3A_643, %add3A_856 : vector<16xi32>
        %gather3A_858 = arith.constant 0 : i32
        %gather3A_859 = arith.constant 0 : i32
        %gather3A_860 = tpu.memref_slice %arg7[%scan3A_339, %gather3A_858, %gather3A_859] : memref<4x256x64xf32, #tpu.memory_space<vmem>> -> memref<1x256x64xf32, #tpu.memory_space<vmem>>
        %gather3A_861 = tpu.memref_squeeze %gather3A_860 : memref<1x256x64xf32, #tpu.memory_space<vmem>> -> memref<256x64xf32, #tpu.memory_space<vmem>>
        %gather3A_862 = tpu.vector_load_idx %gather3A_861[%add3A_636, %add3A_857] : memref<256x64xf32, #tpu.memory_space<vmem>>[vector<16xi32>, vector<16xi32>], vector<16xf32>,
        %add3A_863 = arith.constant 15 : i32
        %add3A_864 = vector.broadcast %add3A_863 : i32 to vector<16xi32>
        %add3A_865 = arith.addi %mul3A_646, %add3A_864 : vector<16xi32>
        %scatter3A_866 = arith.constant 0 : i32
        %scatter3A_867 = tpu.memref_slice %arg8[%scan3A_340, %scatter3A_866] : memref<2x8192xf32, #tpu.memory_space<vmem>> -> memref<1x8192xf32, #tpu.memory_space<vmem>>
        %scatter3A_868 = tpu.memref_squeeze %scatter3A_867 : memref<1x8192xf32, #tpu.memory_space<vmem>> -> memref<8192xf32, #tpu.memory_space<vmem>>
        tpu.vector_store_idx %scatter3A_868[%add3A_865], %gather3A_862 : memref<8192xf32, #tpu.memory_space<vmem>>[vector<16xi32>], vector<16xf32>,
        %add3A_869 = arith.constant 16 : i32
        %add3A_870 = vector.broadcast %add3A_869 : i32 to vector<16xi32>
        %add3A_871 = arith.addi %get3A_643, %add3A_870 : vector<16xi32>
        %gather3A_872 = arith.constant 0 : i32
        %gather3A_873 = arith.constant 0 : i32
        %gather3A_874 = tpu.memref_slice %arg7[%scan3A_339, %gather3A_872, %gather3A_873] : memref<4x256x64xf32, #tpu.memory_space<vmem>> -> memref<1x256x64xf32, #tpu.memory_space<vmem>>
        %gather3A_875 = tpu.memref_squeeze %gather3A_874 : memref<1x256x64xf32, #tpu.memory_space<vmem>> -> memref<256x64xf32, #tpu.memory_space<vmem>>
        %gather3A_876 = tpu.vector_load_idx %gather3A_875[%add3A_636, %add3A_871] : memref<256x64xf32, #tpu.memory_space<vmem>>[vector<16xi32>, vector<16xi32>], vector<16xf32>,
        %add3A_877 = arith.constant 16 : i32
        %add3A_878 = vector.broadcast %add3A_877 : i32 to vector<16xi32>
        %add3A_879 = arith.addi %mul3A_646, %add3A_878 : vector<16xi32>
        %scatter3A_880 = arith.constant 0 : i32
        %scatter3A_881 = tpu.memref_slice %arg8[%scan3A_340, %scatter3A_880] : memref<2x8192xf32, #tpu.memory_space<vmem>> -> memref<1x8192xf32, #tpu.memory_space<vmem>>
        %scatter3A_882 = tpu.memref_squeeze %scatter3A_881 : memref<1x8192xf32, #tpu.memory_space<vmem>> -> memref<8192xf32, #tpu.memory_space<vmem>>
        tpu.vector_store_idx %scatter3A_882[%add3A_879], %gather3A_876 : memref<8192xf32, #tpu.memory_space<vmem>>[vector<16xi32>], vector<16xf32>,
        %add3A_883 = arith.constant 17 : i32
        %add3A_884 = vector.broadcast %add3A_883 : i32 to vector<16xi32>
        %add3A_885 = arith.addi %get3A_643, %add3A_884 : vector<16xi32>
        %gather3A_886 = arith.constant 0 : i32
        %gather3A_887 = arith.constant 0 : i32
        %gather3A_888 = tpu.memref_slice %arg7[%scan3A_339, %gather3A_886, %gather3A_887] : memref<4x256x64xf32, #tpu.memory_space<vmem>> -> memref<1x256x64xf32, #tpu.memory_space<vmem>>
        %gather3A_889 = tpu.memref_squeeze %gather3A_888 : memref<1x256x64xf32, #tpu.memory_space<vmem>> -> memref<256x64xf32, #tpu.memory_space<vmem>>
        %gather3A_890 = tpu.vector_load_idx %gather3A_889[%add3A_636, %add3A_885] : memref<256x64xf32, #tpu.memory_space<vmem>>[vector<16xi32>, vector<16xi32>], vector<16xf32>,
        %add3A_891 = arith.constant 17 : i32
        %add3A_892 = vector.broadcast %add3A_891 : i32 to vector<16xi32>
        %add3A_893 = arith.addi %mul3A_646, %add3A_892 : vector<16xi32>
        %scatter3A_894 = arith.constant 0 : i32
        %scatter3A_895 = tpu.memref_slice %arg8[%scan3A_340, %scatter3A_894] : memref<2x8192xf32, #tpu.memory_space<vmem>> -> memref<1x8192xf32, #tpu.memory_space<vmem>>
        %scatter3A_896 = tpu.memref_squeeze %scatter3A_895 : memref<1x8192xf32, #tpu.memory_space<vmem>> -> memref<8192xf32, #tpu.memory_space<vmem>>
        tpu.vector_store_idx %scatter3A_896[%add3A_893], %gather3A_890 : memref<8192xf32, #tpu.memory_space<vmem>>[vector<16xi32>], vector<16xf32>,
        %add3A_897 = arith.constant 18 : i32
        %add3A_898 = vector.broadcast %add3A_897 : i32 to vector<16xi32>
        %add3A_899 = arith.addi %get3A_643, %add3A_898 : vector<16xi32>
        %gather3A_900 = arith.constant 0 : i32
        %gather3A_901 = arith.constant 0 : i32
        %gather3A_902 = tpu.memref_slice %arg7[%scan3A_339, %gather3A_900, %gather3A_901] : memref<4x256x64xf32, #tpu.memory_space<vmem>> -> memref<1x256x64xf32, #tpu.memory_space<vmem>>
        %gather3A_903 = tpu.memref_squeeze %gather3A_902 : memref<1x256x64xf32, #tpu.memory_space<vmem>> -> memref<256x64xf32, #tpu.memory_space<vmem>>
        %gather3A_904 = tpu.vector_load_idx %gather3A_903[%add3A_636, %add3A_899] : memref<256x64xf32, #tpu.memory_space<vmem>>[vector<16xi32>, vector<16xi32>], vector<16xf32>,
        %add3A_905 = arith.constant 18 : i32
        %add3A_906 = vector.broadcast %add3A_905 : i32 to vector<16xi32>
        %add3A_907 = arith.addi %mul3A_646, %add3A_906 : vector<16xi32>
        %scatter3A_908 = arith.constant 0 : i32
        %scatter3A_909 = tpu.memref_slice %arg8[%scan3A_340, %scatter3A_908] : memref<2x8192xf32, #tpu.memory_space<vmem>> -> memref<1x8192xf32, #tpu.memory_space<vmem>>
        %scatter3A_910 = tpu.memref_squeeze %scatter3A_909 : memref<1x8192xf32, #tpu.memory_space<vmem>> -> memref<8192xf32, #tpu.memory_space<vmem>>
        tpu.vector_store_idx %scatter3A_910[%add3A_907], %gather3A_904 : memref<8192xf32, #tpu.memory_space<vmem>>[vector<16xi32>], vector<16xf32>,
        %add3A_911 = arith.constant 19 : i32
        %add3A_912 = vector.broadcast %add3A_911 : i32 to vector<16xi32>
        %add3A_913 = arith.addi %get3A_643, %add3A_912 : vector<16xi32>
        %gather3A_914 = arith.constant 0 : i32
        %gather3A_915 = arith.constant 0 : i32
        %gather3A_916 = tpu.memref_slice %arg7[%scan3A_339, %gather3A_914, %gather3A_915] : memref<4x256x64xf32, #tpu.memory_space<vmem>> -> memref<1x256x64xf32, #tpu.memory_space<vmem>>
        %gather3A_917 = tpu.memref_squeeze %gather3A_916 : memref<1x256x64xf32, #tpu.memory_space<vmem>> -> memref<256x64xf32, #tpu.memory_space<vmem>>
        %gather3A_918 = tpu.vector_load_idx %gather3A_917[%add3A_636, %add3A_913] : memref<256x64xf32, #tpu.memory_space<vmem>>[vector<16xi32>, vector<16xi32>], vector<16xf32>,
        %add3A_919 = arith.constant 19 : i32
        %add3A_920 = vector.broadcast %add3A_919 : i32 to vector<16xi32>
        %add3A_921 = arith.addi %mul3A_646, %add3A_920 : vector<16xi32>
        %scatter3A_922 = arith.constant 0 : i32
        %scatter3A_923 = tpu.memref_slice %arg8[%scan3A_340, %scatter3A_922] : memref<2x8192xf32, #tpu.memory_space<vmem>> -> memref<1x8192xf32, #tpu.memory_space<vmem>>
        %scatter3A_924 = tpu.memref_squeeze %scatter3A_923 : memref<1x8192xf32, #tpu.memory_space<vmem>> -> memref<8192xf32, #tpu.memory_space<vmem>>
        tpu.vector_store_idx %scatter3A_924[%add3A_921], %gather3A_918 : memref<8192xf32, #tpu.memory_space<vmem>>[vector<16xi32>], vector<16xf32>,
        %add3A_925 = arith.constant 20 : i32
        %add3A_926 = vector.broadcast %add3A_925 : i32 to vector<16xi32>
        %add3A_927 = arith.addi %get3A_643, %add3A_926 : vector<16xi32>
        %gather3A_928 = arith.constant 0 : i32
        %gather3A_929 = arith.constant 0 : i32
        %gather3A_930 = tpu.memref_slice %arg7[%scan3A_339, %gather3A_928, %gather3A_929] : memref<4x256x64xf32, #tpu.memory_space<vmem>> -> memref<1x256x64xf32, #tpu.memory_space<vmem>>
        %gather3A_931 = tpu.memref_squeeze %gather3A_930 : memref<1x256x64xf32, #tpu.memory_space<vmem>> -> memref<256x64xf32, #tpu.memory_space<vmem>>
        %gather3A_932 = tpu.vector_load_idx %gather3A_931[%add3A_636, %add3A_927] : memref<256x64xf32, #tpu.memory_space<vmem>>[vector<16xi32>, vector<16xi32>], vector<16xf32>,
        %add3A_933 = arith.constant 20 : i32
        %add3A_934 = vector.broadcast %add3A_933 : i32 to vector<16xi32>
        %add3A_935 = arith.addi %mul3A_646, %add3A_934 : vector<16xi32>
        %scatter3A_936 = arith.constant 0 : i32
        %scatter3A_937 = tpu.memref_slice %arg8[%scan3A_340, %scatter3A_936] : memref<2x8192xf32, #tpu.memory_space<vmem>> -> memref<1x8192xf32, #tpu.memory_space<vmem>>
        %scatter3A_938 = tpu.memref_squeeze %scatter3A_937 : memref<1x8192xf32, #tpu.memory_space<vmem>> -> memref<8192xf32, #tpu.memory_space<vmem>>
        tpu.vector_store_idx %scatter3A_938[%add3A_935], %gather3A_932 : memref<8192xf32, #tpu.memory_space<vmem>>[vector<16xi32>], vector<16xf32>,
        %add3A_939 = arith.constant 21 : i32
        %add3A_940 = vector.broadcast %add3A_939 : i32 to vector<16xi32>
        %add3A_941 = arith.addi %get3A_643, %add3A_940 : vector<16xi32>
        %gather3A_942 = arith.constant 0 : i32
        %gather3A_943 = arith.constant 0 : i32
        %gather3A_944 = tpu.memref_slice %arg7[%scan3A_339, %gather3A_942, %gather3A_943] : memref<4x256x64xf32, #tpu.memory_space<vmem>> -> memref<1x256x64xf32, #tpu.memory_space<vmem>>
        %gather3A_945 = tpu.memref_squeeze %gather3A_944 : memref<1x256x64xf32, #tpu.memory_space<vmem>> -> memref<256x64xf32, #tpu.memory_space<vmem>>
        %gather3A_946 = tpu.vector_load_idx %gather3A_945[%add3A_636, %add3A_941] : memref<256x64xf32, #tpu.memory_space<vmem>>[vector<16xi32>, vector<16xi32>], vector<16xf32>,
        %add3A_947 = arith.constant 21 : i32
        %add3A_948 = vector.broadcast %add3A_947 : i32 to vector<16xi32>
        %add3A_949 = arith.addi %mul3A_646, %add3A_948 : vector<16xi32>
        %scatter3A_950 = arith.constant 0 : i32
        %scatter3A_951 = tpu.memref_slice %arg8[%scan3A_340, %scatter3A_950] : memref<2x8192xf32, #tpu.memory_space<vmem>> -> memref<1x8192xf32, #tpu.memory_space<vmem>>
        %scatter3A_952 = tpu.memref_squeeze %scatter3A_951 : memref<1x8192xf32, #tpu.memory_space<vmem>> -> memref<8192xf32, #tpu.memory_space<vmem>>
        tpu.vector_store_idx %scatter3A_952[%add3A_949], %gather3A_946 : memref<8192xf32, #tpu.memory_space<vmem>>[vector<16xi32>], vector<16xf32>,
        %add3A_953 = arith.constant 22 : i32
        %add3A_954 = vector.broadcast %add3A_953 : i32 to vector<16xi32>
        %add3A_955 = arith.addi %get3A_643, %add3A_954 : vector<16xi32>
        %gather3A_956 = arith.constant 0 : i32
        %gather3A_957 = arith.constant 0 : i32
        %gather3A_958 = tpu.memref_slice %arg7[%scan3A_339, %gather3A_956, %gather3A_957] : memref<4x256x64xf32, #tpu.memory_space<vmem>> -> memref<1x256x64xf32, #tpu.memory_space<vmem>>
        %gather3A_959 = tpu.memref_squeeze %gather3A_958 : memref<1x256x64xf32, #tpu.memory_space<vmem>> -> memref<256x64xf32, #tpu.memory_space<vmem>>
        %gather3A_960 = tpu.vector_load_idx %gather3A_959[%add3A_636, %add3A_955] : memref<256x64xf32, #tpu.memory_space<vmem>>[vector<16xi32>, vector<16xi32>], vector<16xf32>,
        %add3A_961 = arith.constant 22 : i32
        %add3A_962 = vector.broadcast %add3A_961 : i32 to vector<16xi32>
        %add3A_963 = arith.addi %mul3A_646, %add3A_962 : vector<16xi32>
        %scatter3A_964 = arith.constant 0 : i32
        %scatter3A_965 = tpu.memref_slice %arg8[%scan3A_340, %scatter3A_964] : memref<2x8192xf32, #tpu.memory_space<vmem>> -> memref<1x8192xf32, #tpu.memory_space<vmem>>
        %scatter3A_966 = tpu.memref_squeeze %scatter3A_965 : memref<1x8192xf32, #tpu.memory_space<vmem>> -> memref<8192xf32, #tpu.memory_space<vmem>>
        tpu.vector_store_idx %scatter3A_966[%add3A_963], %gather3A_960 : memref<8192xf32, #tpu.memory_space<vmem>>[vector<16xi32>], vector<16xf32>,
        %add3A_967 = arith.constant 23 : i32
        %add3A_968 = vector.broadcast %add3A_967 : i32 to vector<16xi32>
        %add3A_969 = arith.addi %get3A_643, %add3A_968 : vector<16xi32>
        %gather3A_970 = arith.constant 0 : i32
        %gather3A_971 = arith.constant 0 : i32
        %gather3A_972 = tpu.memref_slice %arg7[%scan3A_339, %gather3A_970, %gather3A_971] : memref<4x256x64xf32, #tpu.memory_space<vmem>> -> memref<1x256x64xf32, #tpu.memory_space<vmem>>
        %gather3A_973 = tpu.memref_squeeze %gather3A_972 : memref<1x256x64xf32, #tpu.memory_space<vmem>> -> memref<256x64xf32, #tpu.memory_space<vmem>>
        %gather3A_974 = tpu.vector_load_idx %gather3A_973[%add3A_636, %add3A_969] : memref<256x64xf32, #tpu.memory_space<vmem>>[vector<16xi32>, vector<16xi32>], vector<16xf32>,
        %add3A_975 = arith.constant 23 : i32
        %add3A_976 = vector.broadcast %add3A_975 : i32 to vector<16xi32>
        %add3A_977 = arith.addi %mul3A_646, %add3A_976 : vector<16xi32>
        %scatter3A_978 = arith.constant 0 : i32
        %scatter3A_979 = tpu.memref_slice %arg8[%scan3A_340, %scatter3A_978] : memref<2x8192xf32, #tpu.memory_space<vmem>> -> memref<1x8192xf32, #tpu.memory_space<vmem>>
        %scatter3A_980 = tpu.memref_squeeze %scatter3A_979 : memref<1x8192xf32, #tpu.memory_space<vmem>> -> memref<8192xf32, #tpu.memory_space<vmem>>
        tpu.vector_store_idx %scatter3A_980[%add3A_977], %gather3A_974 : memref<8192xf32, #tpu.memory_space<vmem>>[vector<16xi32>], vector<16xf32>,
        %add3A_981 = arith.constant 24 : i32
        %add3A_982 = vector.broadcast %add3A_981 : i32 to vector<16xi32>
        %add3A_983 = arith.addi %get3A_643, %add3A_982 : vector<16xi32>
        %gather3A_984 = arith.constant 0 : i32
        %gather3A_985 = arith.constant 0 : i32
        %gather3A_986 = tpu.memref_slice %arg7[%scan3A_339, %gather3A_984, %gather3A_985] : memref<4x256x64xf32, #tpu.memory_space<vmem>> -> memref<1x256x64xf32, #tpu.memory_space<vmem>>
        %gather3A_987 = tpu.memref_squeeze %gather3A_986 : memref<1x256x64xf32, #tpu.memory_space<vmem>> -> memref<256x64xf32, #tpu.memory_space<vmem>>
        %gather3A_988 = tpu.vector_load_idx %gather3A_987[%add3A_636, %add3A_983] : memref<256x64xf32, #tpu.memory_space<vmem>>[vector<16xi32>, vector<16xi32>], vector<16xf32>,
        %add3A_989 = arith.constant 24 : i32
        %add3A_990 = vector.broadcast %add3A_989 : i32 to vector<16xi32>
        %add3A_991 = arith.addi %mul3A_646, %add3A_990 : vector<16xi32>
        %scatter3A_992 = arith.constant 0 : i32
        %scatter3A_993 = tpu.memref_slice %arg8[%scan3A_340, %scatter3A_992] : memref<2x8192xf32, #tpu.memory_space<vmem>> -> memref<1x8192xf32, #tpu.memory_space<vmem>>
        %scatter3A_994 = tpu.memref_squeeze %scatter3A_993 : memref<1x8192xf32, #tpu.memory_space<vmem>> -> memref<8192xf32, #tpu.memory_space<vmem>>
        tpu.vector_store_idx %scatter3A_994[%add3A_991], %gather3A_988 : memref<8192xf32, #tpu.memory_space<vmem>>[vector<16xi32>], vector<16xf32>,
        %add3A_995 = arith.constant 25 : i32
        %add3A_996 = vector.broadcast %add3A_995 : i32 to vector<16xi32>
        %add3A_997 = arith.addi %get3A_643, %add3A_996 : vector<16xi32>
        %gather3A_998 = arith.constant 0 : i32
        %gather3A_999 = arith.constant 0 : i32
        %gather3A_1000 = tpu.memref_slice %arg7[%scan3A_339, %gather3A_998, %gather3A_999] : memref<4x256x64xf32, #tpu.memory_space<vmem>> -> memref<1x256x64xf32, #tpu.memory_space<vmem>>
        %gather3A_1001 = tpu.memref_squeeze %gather3A_1000 : memref<1x256x64xf32, #tpu.memory_space<vmem>> -> memref<256x64xf32, #tpu.memory_space<vmem>>
        %gather3A_1002 = tpu.vector_load_idx %gather3A_1001[%add3A_636, %add3A_997] : memref<256x64xf32, #tpu.memory_space<vmem>>[vector<16xi32>, vector<16xi32>], vector<16xf32>,
        %add3A_1003 = arith.constant 25 : i32
        %add3A_1004 = vector.broadcast %add3A_1003 : i32 to vector<16xi32>
        %add3A_1005 = arith.addi %mul3A_646, %add3A_1004 : vector<16xi32>
        %scatter3A_1006 = arith.constant 0 : i32
        %scatter3A_1007 = tpu.memref_slice %arg8[%scan3A_340, %scatter3A_1006] : memref<2x8192xf32, #tpu.memory_space<vmem>> -> memref<1x8192xf32, #tpu.memory_space<vmem>>
        %scatter3A_1008 = tpu.memref_squeeze %scatter3A_1007 : memref<1x8192xf32, #tpu.memory_space<vmem>> -> memref<8192xf32, #tpu.memory_space<vmem>>
        tpu.vector_store_idx %scatter3A_1008[%add3A_1005], %gather3A_1002 : memref<8192xf32, #tpu.memory_space<vmem>>[vector<16xi32>], vector<16xf32>,
        %add3A_1009 = arith.constant 26 : i32
        %add3A_1010 = vector.broadcast %add3A_1009 : i32 to vector<16xi32>
        %add3A_1011 = arith.addi %get3A_643, %add3A_1010 : vector<16xi32>
        %gather3A_1012 = arith.constant 0 : i32
        %gather3A_1013 = arith.constant 0 : i32
        %gather3A_1014 = tpu.memref_slice %arg7[%scan3A_339, %gather3A_1012, %gather3A_1013] : memref<4x256x64xf32, #tpu.memory_space<vmem>> -> memref<1x256x64xf32, #tpu.memory_space<vmem>>
        %gather3A_1015 = tpu.memref_squeeze %gather3A_1014 : memref<1x256x64xf32, #tpu.memory_space<vmem>> -> memref<256x64xf32, #tpu.memory_space<vmem>>
        %gather3A_1016 = tpu.vector_load_idx %gather3A_1015[%add3A_636, %add3A_1011] : memref<256x64xf32, #tpu.memory_space<vmem>>[vector<16xi32>, vector<16xi32>], vector<16xf32>,
        %add3A_1017 = arith.constant 26 : i32
        %add3A_1018 = vector.broadcast %add3A_1017 : i32 to vector<16xi32>
        %add3A_1019 = arith.addi %mul3A_646, %add3A_1018 : vector<16xi32>
        %scatter3A_1020 = arith.constant 0 : i32
        %scatter3A_1021 = tpu.memref_slice %arg8[%scan3A_340, %scatter3A_1020] : memref<2x8192xf32, #tpu.memory_space<vmem>> -> memref<1x8192xf32, #tpu.memory_space<vmem>>
        %scatter3A_1022 = tpu.memref_squeeze %scatter3A_1021 : memref<1x8192xf32, #tpu.memory_space<vmem>> -> memref<8192xf32, #tpu.memory_space<vmem>>
        tpu.vector_store_idx %scatter3A_1022[%add3A_1019], %gather3A_1016 : memref<8192xf32, #tpu.memory_space<vmem>>[vector<16xi32>], vector<16xf32>,
        %add3A_1023 = arith.constant 27 : i32
        %add3A_1024 = vector.broadcast %add3A_1023 : i32 to vector<16xi32>
        %add3A_1025 = arith.addi %get3A_643, %add3A_1024 : vector<16xi32>
        %gather3A_1026 = arith.constant 0 : i32
        %gather3A_1027 = arith.constant 0 : i32
        %gather3A_1028 = tpu.memref_slice %arg7[%scan3A_339, %gather3A_1026, %gather3A_1027] : memref<4x256x64xf32, #tpu.memory_space<vmem>> -> memref<1x256x64xf32, #tpu.memory_space<vmem>>
        %gather3A_1029 = tpu.memref_squeeze %gather3A_1028 : memref<1x256x64xf32, #tpu.memory_space<vmem>> -> memref<256x64xf32, #tpu.memory_space<vmem>>
        %gather3A_1030 = tpu.vector_load_idx %gather3A_1029[%add3A_636, %add3A_1025] : memref<256x64xf32, #tpu.memory_space<vmem>>[vector<16xi32>, vector<16xi32>], vector<16xf32>,
        %add3A_1031 = arith.constant 27 : i32
        %add3A_1032 = vector.broadcast %add3A_1031 : i32 to vector<16xi32>
        %add3A_1033 = arith.addi %mul3A_646, %add3A_1032 : vector<16xi32>
        %scatter3A_1034 = arith.constant 0 : i32
        %scatter3A_1035 = tpu.memref_slice %arg8[%scan3A_340, %scatter3A_1034] : memref<2x8192xf32, #tpu.memory_space<vmem>> -> memref<1x8192xf32, #tpu.memory_space<vmem>>
        %scatter3A_1036 = tpu.memref_squeeze %scatter3A_1035 : memref<1x8192xf32, #tpu.memory_space<vmem>> -> memref<8192xf32, #tpu.memory_space<vmem>>
        tpu.vector_store_idx %scatter3A_1036[%add3A_1033], %gather3A_1030 : memref<8192xf32, #tpu.memory_space<vmem>>[vector<16xi32>], vector<16xf32>,
        %add3A_1037 = arith.constant 28 : i32
        %add3A_1038 = vector.broadcast %add3A_1037 : i32 to vector<16xi32>
        %add3A_1039 = arith.addi %get3A_643, %add3A_1038 : vector<16xi32>
        %gather3A_1040 = arith.constant 0 : i32
        %gather3A_1041 = arith.constant 0 : i32
        %gather3A_1042 = tpu.memref_slice %arg7[%scan3A_339, %gather3A_1040, %gather3A_1041] : memref<4x256x64xf32, #tpu.memory_space<vmem>> -> memref<1x256x64xf32, #tpu.memory_space<vmem>>
        %gather3A_1043 = tpu.memref_squeeze %gather3A_1042 : memref<1x256x64xf32, #tpu.memory_space<vmem>> -> memref<256x64xf32, #tpu.memory_space<vmem>>
        %gather3A_1044 = tpu.vector_load_idx %gather3A_1043[%add3A_636, %add3A_1039] : memref<256x64xf32, #tpu.memory_space<vmem>>[vector<16xi32>, vector<16xi32>], vector<16xf32>,
        %add3A_1045 = arith.constant 28 : i32
        %add3A_1046 = vector.broadcast %add3A_1045 : i32 to vector<16xi32>
        %add3A_1047 = arith.addi %mul3A_646, %add3A_1046 : vector<16xi32>
        %scatter3A_1048 = arith.constant 0 : i32
        %scatter3A_1049 = tpu.memref_slice %arg8[%scan3A_340, %scatter3A_1048] : memref<2x8192xf32, #tpu.memory_space<vmem>> -> memref<1x8192xf32, #tpu.memory_space<vmem>>
        %scatter3A_1050 = tpu.memref_squeeze %scatter3A_1049 : memref<1x8192xf32, #tpu.memory_space<vmem>> -> memref<8192xf32, #tpu.memory_space<vmem>>
        tpu.vector_store_idx %scatter3A_1050[%add3A_1047], %gather3A_1044 : memref<8192xf32, #tpu.memory_space<vmem>>[vector<16xi32>], vector<16xf32>,
        %add3A_1051 = arith.constant 29 : i32
        %add3A_1052 = vector.broadcast %add3A_1051 : i32 to vector<16xi32>
        %add3A_1053 = arith.addi %get3A_643, %add3A_1052 : vector<16xi32>
        %gather3A_1054 = arith.constant 0 : i32
        %gather3A_1055 = arith.constant 0 : i32
        %gather3A_1056 = tpu.memref_slice %arg7[%scan3A_339, %gather3A_1054, %gather3A_1055] : memref<4x256x64xf32, #tpu.memory_space<vmem>> -> memref<1x256x64xf32, #tpu.memory_space<vmem>>
        %gather3A_1057 = tpu.memref_squeeze %gather3A_1056 : memref<1x256x64xf32, #tpu.memory_space<vmem>> -> memref<256x64xf32, #tpu.memory_space<vmem>>
        %gather3A_1058 = tpu.vector_load_idx %gather3A_1057[%add3A_636, %add3A_1053] : memref<256x64xf32, #tpu.memory_space<vmem>>[vector<16xi32>, vector<16xi32>], vector<16xf32>,
        %add3A_1059 = arith.constant 29 : i32
        %add3A_1060 = vector.broadcast %add3A_1059 : i32 to vector<16xi32>
        %add3A_1061 = arith.addi %mul3A_646, %add3A_1060 : vector<16xi32>
        %scatter3A_1062 = arith.constant 0 : i32
        %scatter3A_1063 = tpu.memref_slice %arg8[%scan3A_340, %scatter3A_1062] : memref<2x8192xf32, #tpu.memory_space<vmem>> -> memref<1x8192xf32, #tpu.memory_space<vmem>>
        %scatter3A_1064 = tpu.memref_squeeze %scatter3A_1063 : memref<1x8192xf32, #tpu.memory_space<vmem>> -> memref<8192xf32, #tpu.memory_space<vmem>>
        tpu.vector_store_idx %scatter3A_1064[%add3A_1061], %gather3A_1058 : memref<8192xf32, #tpu.memory_space<vmem>>[vector<16xi32>], vector<16xf32>,
        %add3A_1065 = arith.constant 30 : i32
        %add3A_1066 = vector.broadcast %add3A_1065 : i32 to vector<16xi32>
        %add3A_1067 = arith.addi %get3A_643, %add3A_1066 : vector<16xi32>
        %gather3A_1068 = arith.constant 0 : i32
        %gather3A_1069 = arith.constant 0 : i32
        %gather3A_1070 = tpu.memref_slice %arg7[%scan3A_339, %gather3A_1068, %gather3A_1069] : memref<4x256x64xf32, #tpu.memory_space<vmem>> -> memref<1x256x64xf32, #tpu.memory_space<vmem>>
        %gather3A_1071 = tpu.memref_squeeze %gather3A_1070 : memref<1x256x64xf32, #tpu.memory_space<vmem>> -> memref<256x64xf32, #tpu.memory_space<vmem>>
        %gather3A_1072 = tpu.vector_load_idx %gather3A_1071[%add3A_636, %add3A_1067] : memref<256x64xf32, #tpu.memory_space<vmem>>[vector<16xi32>, vector<16xi32>], vector<16xf32>,
        %add3A_1073 = arith.constant 30 : i32
        %add3A_1074 = vector.broadcast %add3A_1073 : i32 to vector<16xi32>
        %add3A_1075 = arith.addi %mul3A_646, %add3A_1074 : vector<16xi32>
        %scatter3A_1076 = arith.constant 0 : i32
        %scatter3A_1077 = tpu.memref_slice %arg8[%scan3A_340, %scatter3A_1076] : memref<2x8192xf32, #tpu.memory_space<vmem>> -> memref<1x8192xf32, #tpu.memory_space<vmem>>
        %scatter3A_1078 = tpu.memref_squeeze %scatter3A_1077 : memref<1x8192xf32, #tpu.memory_space<vmem>> -> memref<8192xf32, #tpu.memory_space<vmem>>
        tpu.vector_store_idx %scatter3A_1078[%add3A_1075], %gather3A_1072 : memref<8192xf32, #tpu.memory_space<vmem>>[vector<16xi32>], vector<16xf32>,
        %add3A_1079 = arith.constant 31 : i32
        %add3A_1080 = vector.broadcast %add3A_1079 : i32 to vector<16xi32>
        %add3A_1081 = arith.addi %get3A_643, %add3A_1080 : vector<16xi32>
        %gather3A_1082 = arith.constant 0 : i32
        %gather3A_1083 = arith.constant 0 : i32
        %gather3A_1084 = tpu.memref_slice %arg7[%scan3A_339, %gather3A_1082, %gather3A_1083] : memref<4x256x64xf32, #tpu.memory_space<vmem>> -> memref<1x256x64xf32, #tpu.memory_space<vmem>>
        %gather3A_1085 = tpu.memref_squeeze %gather3A_1084 : memref<1x256x64xf32, #tpu.memory_space<vmem>> -> memref<256x64xf32, #tpu.memory_space<vmem>>
        %gather3A_1086 = tpu.vector_load_idx %gather3A_1085[%add3A_636, %add3A_1081] : memref<256x64xf32, #tpu.memory_space<vmem>>[vector<16xi32>, vector<16xi32>], vector<16xf32>,
        %add3A_1087 = arith.constant 31 : i32
        %add3A_1088 = vector.broadcast %add3A_1087 : i32 to vector<16xi32>
        %add3A_1089 = arith.addi %mul3A_646, %add3A_1088 : vector<16xi32>
        %scatter3A_1090 = arith.constant 0 : i32
        %scatter3A_1091 = tpu.memref_slice %arg8[%scan3A_340, %scatter3A_1090] : memref<2x8192xf32, #tpu.memory_space<vmem>> -> memref<1x8192xf32, #tpu.memory_space<vmem>>
        %scatter3A_1092 = tpu.memref_squeeze %scatter3A_1091 : memref<1x8192xf32, #tpu.memory_space<vmem>> -> memref<8192xf32, #tpu.memory_space<vmem>>
        tpu.vector_store_idx %scatter3A_1092[%add3A_1089], %gather3A_1086 : memref<8192xf32, #tpu.memory_space<vmem>>[vector<16xi32>], vector<16xf32>,
      }
      %scan3A_345 = arith.constant 16 : i32
      %add3A_346 = arith.constant 0 : i32
      %add3A_347 = arith.addi %mul3A_296, %add3A_346 : i32
      %mul3A_348 = arith.constant 256 : i32
      %mul3A_349 = arith.muli %add3A_347, %mul3A_348 : i32
      %add3A_350 = arith.addi %mul3A_2, %mul3A_349 : i32
      %mul3A_351 = arith.constant 32 : i32
      %mul3A_352 = arith.muli %add3A_350, %mul3A_351 : i32
      %dma_start3A_353 = arith.constant 0 : i32
      %dma_start3A_354 = arith.constant 0 : i32
      %dma_start3A_355 = arith.constant 0 : i32
      %dma_start3A_356 = tpu.memref_slice %arg8[%dma_start3A_353, %dma_start3A_355] : memref<2x8192xf32, #tpu.memory_space<vmem>> -> memref<1x8192xf32, #tpu.memory_space<vmem>>
      %dma_start3A_357 = tpu.memref_squeeze %dma_start3A_356 : memref<1x8192xf32, #tpu.memory_space<vmem>> -> memref<8192xf32, #tpu.memory_space<vmem>>
      %dma_start3A_358 = tpu.memref_slice %arg5[%mul3A_352] : memref<13631488xf32, #tpu.memory_space<hbm>> -> memref<8192xf32, #tpu.memory_space<hbm>>
      %dma_start3A_359 = tpu.memref_slice %arg11[%dma_start3A_354] : memref<2x!tpu.dma_semaphore, #tpu.memory_space<semaphore_mem>> -> memref<1x!tpu.dma_semaphore, #tpu.memory_space<semaphore_mem>>
      %dma_start3A_360 = tpu.memref_squeeze %dma_start3A_359 : memref<1x!tpu.dma_semaphore, #tpu.memory_space<semaphore_mem>> -> memref<!tpu.dma_semaphore, #tpu.memory_space<semaphore_mem>>
      %dma_start3A_361 = tpu.memref_slice %arg5[%mul3A_352] : memref<13631488xf32, #tpu.memory_space<hbm>> -> memref<8192xf32, #tpu.memory_space<hbm>>
      %dma_start3A_362 = arith.constant 0 : i32
      %dma_start3A_363 = tpu.memref_slice %arg8[%dma_start3A_353, %dma_start3A_362] : memref<2x8192xf32, #tpu.memory_space<vmem>> -> memref<1x8192xf32, #tpu.memory_space<vmem>>
      %dma_start3A_364 = tpu.memref_squeeze %dma_start3A_363 : memref<1x8192xf32, #tpu.memory_space<vmem>> -> memref<8192xf32, #tpu.memory_space<vmem>>
      tpu.enqueue_dma source(%dma_start3A_364 : memref<8192xf32, #tpu.memory_space<vmem>>) target(%dma_start3A_361 : memref<8192xf32, #tpu.memory_space<hbm>>) target_semaphore(%dma_start3A_360 : memref<!tpu.dma_semaphore, #tpu.memory_space<semaphore_mem>>)
      %lt3A_365 = arith.constant 12 : i32
      %lt3A_366 = arith.cmpi slt, %scan3A_294, %lt3A_365 : i32
      %convert_element_type3A_367 = arith.extui %lt3A_366 : i1 to i32
      %cond3A_368 = arith.constant 0 : i32
      %cond3A_369 = arith.cmpi ne, %convert_element_type3A_367, %cond3A_368 : i32
      scf.if %cond3A_369 {
        %add3A_632 = arith.constant 4 : i32
        %add3A_633 = arith.addi %mul3A_296, %add3A_632 : i32
        %add3A_634 = arith.constant 0 : i32
        %add3A_635 = arith.addi %add3A_633, %add3A_634 : i32
        %mul3A_636 = arith.constant 256 : i32
        %mul3A_637 = arith.muli %add3A_635, %mul3A_636 : i32
        %add3A_638 = arith.addi %mul3A_2, %mul3A_637 : i32
        %dma_wait3A_639 = arith.constant 0 : i32
        %dma_wait3A_640 = arith.constant 0 : i32
        %dma_wait3A_641 = arith.constant 0 : i32
        %dma_wait3A_642 = arith.constant 0 : i32
        %dma_wait3A_643 = arith.constant 0 : i32
        %dma_wait3A_644 = tpu.memref_slice %arg6[%dma_wait3A_639, %dma_wait3A_640, %dma_wait3A_643] : memref<4x2x256xi32, #tpu.memory_space<vmem>> -> memref<1x1x256xi32, #tpu.memory_space<vmem>>
        %dma_wait3A_645 = tpu.memref_squeeze %dma_wait3A_644 : memref<1x1x256xi32, #tpu.memory_space<vmem>> -> memref<256xi32, #tpu.memory_space<vmem>>
        %dma_wait3A_646 = tpu.memref_slice %arg2[%add3A_638] : memref<425984xi32, #tpu.memory_space<hbm>> -> memref<256xi32, #tpu.memory_space<hbm>>
        %dma_wait3A_647 = tpu.memref_slice %arg9[%dma_wait3A_641, %dma_wait3A_642] : memref<4x2x!tpu.dma_semaphore, #tpu.memory_space<semaphore_mem>> -> memref<1x1x!tpu.dma_semaphore, #tpu.memory_space<semaphore_mem>>
        %dma_wait3A_648 = tpu.memref_squeeze %dma_wait3A_647 : memref<1x1x!tpu.dma_semaphore, #tpu.memory_space<semaphore_mem>> -> memref<!tpu.dma_semaphore, #tpu.memory_space<semaphore_mem>>
        %dma_wait3A_649 = arith.constant 0 : i32
        %dma_wait3A_650 = tpu.memref_slice %arg6[%dma_wait3A_639, %dma_wait3A_640, %dma_wait3A_649] : memref<4x2x256xi32, #tpu.memory_space<vmem>> -> memref<1x1x256xi32, #tpu.memory_space<vmem>>
        %dma_wait3A_651 = tpu.memref_squeeze %dma_wait3A_650 : memref<1x1x256xi32, #tpu.memory_space<vmem>> -> memref<256xi32, #tpu.memory_space<vmem>>
        %dma_wait3A_652 = tpu.memref_slice %arg2[%add3A_638] : memref<425984xi32, #tpu.memory_space<hbm>> -> memref<256xi32, #tpu.memory_space<hbm>>
        tpu.wait_dma2 semaphore(%dma_wait3A_648 : memref<!tpu.dma_semaphore, #tpu.memory_space<semaphore_mem>>) src(%dma_wait3A_652 : memref<256xi32, #tpu.memory_space<hbm>>) dst(%dma_wait3A_651 : memref<256xi32, #tpu.memory_space<vmem>>)
        %add3A_653 = arith.constant 4 : i32
        %add3A_654 = arith.addi %mul3A_296, %add3A_653 : i32
        %add3A_655 = arith.constant 0 : i32
        %add3A_656 = arith.addi %add3A_654, %add3A_655 : i32
        %mul3A_657 = arith.constant 256 : i32
        %mul3A_658 = arith.muli %add3A_656, %mul3A_657 : i32
        %add3A_659 = arith.addi %mul3A_2, %mul3A_658 : i32
        %dma_start3A_660 = arith.constant 0 : i32
        %dma_start3A_661 = arith.constant 1 : i32
        %dma_start3A_662 = arith.constant 0 : i32
        %dma_start3A_663 = arith.constant 1 : i32
        %dma_start3A_664 = arith.constant 0 : i32
        %dma_start3A_665 = tpu.memref_slice %arg6[%dma_start3A_660, %dma_start3A_661, %dma_start3A_664] : memref<4x2x256xi32, #tpu.memory_space<vmem>> -> memref<1x1x256xi32, #tpu.memory_space<vmem>>
        %dma_start3A_666 = tpu.memref_squeeze %dma_start3A_665 : memref<1x1x256xi32, #tpu.memory_space<vmem>> -> memref<256xi32, #tpu.memory_space<vmem>>
        %dma_start3A_667 = tpu.memref_slice %arg3[%add3A_659] : memref<425984xi32, #tpu.memory_space<hbm>> -> memref<256xi32, #tpu.memory_space<hbm>>
        %dma_start3A_668 = tpu.memref_slice %arg9[%dma_start3A_662, %dma_start3A_663] : memref<4x2x!tpu.dma_semaphore, #tpu.memory_space<semaphore_mem>> -> memref<1x1x!tpu.dma_semaphore, #tpu.memory_space<semaphore_mem>>
        %dma_start3A_669 = tpu.memref_squeeze %dma_start3A_668 : memref<1x1x!tpu.dma_semaphore, #tpu.memory_space<semaphore_mem>> -> memref<!tpu.dma_semaphore, #tpu.memory_space<semaphore_mem>>
        %dma_start3A_670 = arith.constant 0 : i32
        %dma_start3A_671 = tpu.memref_slice %arg6[%dma_start3A_660, %dma_start3A_661, %dma_start3A_670] : memref<4x2x256xi32, #tpu.memory_space<vmem>> -> memref<1x1x256xi32, #tpu.memory_space<vmem>>
        %dma_start3A_672 = tpu.memref_squeeze %dma_start3A_671 : memref<1x1x256xi32, #tpu.memory_space<vmem>> -> memref<256xi32, #tpu.memory_space<vmem>>
        %dma_start3A_673 = tpu.memref_slice %arg3[%add3A_659] : memref<425984xi32, #tpu.memory_space<hbm>> -> memref<256xi32, #tpu.memory_space<hbm>>
        tpu.enqueue_dma source(%dma_start3A_673 : memref<256xi32, #tpu.memory_space<hbm>>) target(%dma_start3A_672 : memref<256xi32, #tpu.memory_space<vmem>>) target_semaphore(%dma_start3A_669 : memref<!tpu.dma_semaphore, #tpu.memory_space<semaphore_mem>>)
        %dma_start3A_674 = arith.constant 0 : i32
        %dma_start3A_675 = arith.constant 0 : i32
        %dma_start3A_676 = arith.constant 0 : i32
        %dma_start3A_677 = arith.constant 0 : i32
        %dma_start3A_678 = arith.constant 0 : i32
        %dma_start3A_679 = arith.constant 0 : i32
        %dma_start3A_680 = tpu.memref_slice %arg7[%dma_start3A_676, %dma_start3A_678, %dma_start3A_679] : memref<4x256x64xf32, #tpu.memory_space<vmem>> -> memref<1x256x64xf32, #tpu.memory_space<vmem>>
        %dma_start3A_681 = tpu.memref_squeeze %dma_start3A_680 : memref<1x256x64xf32, #tpu.memory_space<vmem>> -> memref<256x64xf32, #tpu.memory_space<vmem>>
        %dma_start3A_682 = arith.constant 0 : i32
        %dma_start3A_683 = tpu.memref_slice %arg6[%dma_start3A_674, %dma_start3A_675, %dma_start3A_682] : memref<4x2x256xi32, #tpu.memory_space<vmem>> -> memref<1x1x256xi32, #tpu.memory_space<vmem>>
        %dma_start3A_684 = tpu.memref_squeeze %dma_start3A_683 : memref<1x1x256xi32, #tpu.memory_space<vmem>> -> memref<256xi32, #tpu.memory_space<vmem>>
        %dma_start3A_685 = arith.constant 0 : i32
        %dma_start3A_686 = arith.constant 0 : i32
        %dma_start3A_687 = tpu.memref_slice %arg4[%dma_start3A_685, %dma_start3A_686] : memref<1300013x64xf32, #tpu.memory_space<hbm>> -> memref<1300013x64xf32, #tpu.memory_space<hbm>>
        %dma_start3A_688 = tpu.memref_slice %arg10[%dma_start3A_677] : memref<4x!tpu.dma_semaphore, #tpu.memory_space<semaphore_mem>> -> memref<1x!tpu.dma_semaphore, #tpu.memory_space<semaphore_mem>>
        %dma_start3A_689 = tpu.memref_squeeze %dma_start3A_688 : memref<1x!tpu.dma_semaphore, #tpu.memory_space<semaphore_mem>> -> memref<!tpu.dma_semaphore, #tpu.memory_space<semaphore_mem>>
        tpu.enqueue_indirect_dma source(%dma_start3A_687 : memref<1300013x64xf32, #tpu.memory_space<hbm>>) target(%dma_start3A_681 : memref<256x64xf32, #tpu.memory_space<vmem>>) offsets(%dma_start3A_684 : memref<256xi32, #tpu.memory_space<vmem>>) semaphore(%dma_start3A_689 : memref<!tpu.dma_semaphore, #tpu.memory_space<semaphore_mem>>)
      } else {
      }
      %dma_wait3A_370 = arith.constant 1 : i32
      %dma_wait3A_371 = arith.constant 0 : i32
      %dma_wait3A_372 = arith.constant 1 : i32
      %dma_wait3A_373 = arith.constant 1 : i32
      %dma_wait3A_374 = arith.constant 0 : i32
      %dma_wait3A_375 = arith.constant 0 : i32
      %dma_wait3A_376 = tpu.memref_slice %arg7[%dma_wait3A_372, %dma_wait3A_374, %dma_wait3A_375] : memref<4x256x64xf32, #tpu.memory_space<vmem>> -> memref<1x256x64xf32, #tpu.memory_space<vmem>>
      %dma_wait3A_377 = tpu.memref_squeeze %dma_wait3A_376 : memref<1x256x64xf32, #tpu.memory_space<vmem>> -> memref<256x64xf32, #tpu.memory_space<vmem>>
      %dma_wait3A_378 = arith.constant 0 : i32
      %dma_wait3A_379 = tpu.memref_slice %arg6[%dma_wait3A_370, %dma_wait3A_371, %dma_wait3A_378] : memref<4x2x256xi32, #tpu.memory_space<vmem>> -> memref<1x1x256xi32, #tpu.memory_space<vmem>>
      %dma_wait3A_380 = tpu.memref_squeeze %dma_wait3A_379 : memref<1x1x256xi32, #tpu.memory_space<vmem>> -> memref<256xi32, #tpu.memory_space<vmem>>
      %dma_wait3A_381 = arith.constant 0 : i32
      %dma_wait3A_382 = arith.constant 0 : i32
      %dma_wait3A_383 = tpu.memref_slice %arg4[%dma_wait3A_381, %dma_wait3A_382] : memref<1300013x64xf32, #tpu.memory_space<hbm>> -> memref<1300013x64xf32, #tpu.memory_space<hbm>>
      %dma_wait3A_384 = tpu.memref_slice %arg10[%dma_wait3A_373] : memref<4x!tpu.dma_semaphore, #tpu.memory_space<semaphore_mem>> -> memref<1x!tpu.dma_semaphore, #tpu.memory_space<semaphore_mem>>
      %dma_wait3A_385 = tpu.memref_squeeze %dma_wait3A_384 : memref<1x!tpu.dma_semaphore, #tpu.memory_space<semaphore_mem>> -> memref<!tpu.dma_semaphore, #tpu.memory_space<semaphore_mem>>
      tpu.wait_indirect_dma semaphore(%dma_wait3A_385 : memref<!tpu.dma_semaphore, #tpu.memory_space<semaphore_mem>>) src(%dma_wait3A_383 : memref<1300013x64xf32, #tpu.memory_space<hbm>>) dst(%dma_wait3A_377 : memref<256x64xf32, #tpu.memory_space<vmem>>)
      %lt3A_386 = arith.constant 12 : i32
      %lt3A_387 = arith.cmpi slt, %scan3A_294, %lt3A_386 : i32
      %convert_element_type3A_388 = arith.extui %lt3A_387 : i1 to i32
      %cond3A_389 = arith.constant 0 : i32
      %cond3A_390 = arith.cmpi ne, %convert_element_type3A_388, %cond3A_389 : i32
      scf.if %cond3A_390 {
        %add3A_632 = arith.constant 4 : i32
        %add3A_633 = arith.addi %mul3A_296, %add3A_632 : i32
        %add3A_634 = arith.constant 1 : i32
        %add3A_635 = arith.addi %add3A_633, %add3A_634 : i32
        %mul3A_636 = arith.constant 256 : i32
        %mul3A_637 = arith.muli %add3A_635, %mul3A_636 : i32
        %add3A_638 = arith.addi %mul3A_2, %mul3A_637 : i32
        %dma_start3A_639 = arith.constant 1 : i32
        %dma_start3A_640 = arith.constant 0 : i32
        %dma_start3A_641 = arith.constant 1 : i32
        %dma_start3A_642 = arith.constant 0 : i32
        %dma_start3A_643 = arith.constant 0 : i32
        %dma_start3A_644 = tpu.memref_slice %arg6[%dma_start3A_639, %dma_start3A_640, %dma_start3A_643] : memref<4x2x256xi32, #tpu.memory_space<vmem>> -> memref<1x1x256xi32, #tpu.memory_space<vmem>>
        %dma_start3A_645 = tpu.memref_squeeze %dma_start3A_644 : memref<1x1x256xi32, #tpu.memory_space<vmem>> -> memref<256xi32, #tpu.memory_space<vmem>>
        %dma_start3A_646 = tpu.memref_slice %arg2[%add3A_638] : memref<425984xi32, #tpu.memory_space<hbm>> -> memref<256xi32, #tpu.memory_space<hbm>>
        %dma_start3A_647 = tpu.memref_slice %arg9[%dma_start3A_641, %dma_start3A_642] : memref<4x2x!tpu.dma_semaphore, #tpu.memory_space<semaphore_mem>> -> memref<1x1x!tpu.dma_semaphore, #tpu.memory_space<semaphore_mem>>
        %dma_start3A_648 = tpu.memref_squeeze %dma_start3A_647 : memref<1x1x!tpu.dma_semaphore, #tpu.memory_space<semaphore_mem>> -> memref<!tpu.dma_semaphore, #tpu.memory_space<semaphore_mem>>
        %dma_start3A_649 = arith.constant 0 : i32
        %dma_start3A_650 = tpu.memref_slice %arg6[%dma_start3A_639, %dma_start3A_640, %dma_start3A_649] : memref<4x2x256xi32, #tpu.memory_space<vmem>> -> memref<1x1x256xi32, #tpu.memory_space<vmem>>
        %dma_start3A_651 = tpu.memref_squeeze %dma_start3A_650 : memref<1x1x256xi32, #tpu.memory_space<vmem>> -> memref<256xi32, #tpu.memory_space<vmem>>
        %dma_start3A_652 = tpu.memref_slice %arg2[%add3A_638] : memref<425984xi32, #tpu.memory_space<hbm>> -> memref<256xi32, #tpu.memory_space<hbm>>
        tpu.enqueue_dma source(%dma_start3A_652 : memref<256xi32, #tpu.memory_space<hbm>>) target(%dma_start3A_651 : memref<256xi32, #tpu.memory_space<vmem>>) target_semaphore(%dma_start3A_648 : memref<!tpu.dma_semaphore, #tpu.memory_space<semaphore_mem>>)
      } else {
      }
      %add3A_391 = arith.constant 1 : i32
      %add3A_392 = arith.addi %mul3A_296, %add3A_391 : i32
      %mul3A_393 = arith.constant 256 : i32
      %mul3A_394 = arith.muli %add3A_392, %mul3A_393 : i32
      %add3A_395 = arith.addi %mul3A_2, %mul3A_394 : i32
      %dma_wait3A_396 = arith.constant 1 : i32
      %dma_wait3A_397 = arith.constant 1 : i32
      %dma_wait3A_398 = arith.constant 1 : i32
      %dma_wait3A_399 = arith.constant 1 : i32
      %dma_wait3A_400 = arith.constant 0 : i32
      %dma_wait3A_401 = tpu.memref_slice %arg6[%dma_wait3A_396, %dma_wait3A_397, %dma_wait3A_400] : memref<4x2x256xi32, #tpu.memory_space<vmem>> -> memref<1x1x256xi32, #tpu.memory_space<vmem>>
      %dma_wait3A_402 = tpu.memref_squeeze %dma_wait3A_401 : memref<1x1x256xi32, #tpu.memory_space<vmem>> -> memref<256xi32, #tpu.memory_space<vmem>>
      %dma_wait3A_403 = tpu.memref_slice %arg3[%add3A_395] : memref<425984xi32, #tpu.memory_space<hbm>> -> memref<256xi32, #tpu.memory_space<hbm>>
      %dma_wait3A_404 = tpu.memref_slice %arg9[%dma_wait3A_398, %dma_wait3A_399] : memref<4x2x!tpu.dma_semaphore, #tpu.memory_space<semaphore_mem>> -> memref<1x1x!tpu.dma_semaphore, #tpu.memory_space<semaphore_mem>>
      %dma_wait3A_405 = tpu.memref_squeeze %dma_wait3A_404 : memref<1x1x!tpu.dma_semaphore, #tpu.memory_space<semaphore_mem>> -> memref<!tpu.dma_semaphore, #tpu.memory_space<semaphore_mem>>
      %dma_wait3A_406 = arith.constant 0 : i32
      %dma_wait3A_407 = tpu.memref_slice %arg6[%dma_wait3A_396, %dma_wait3A_397, %dma_wait3A_406] : memref<4x2x256xi32, #tpu.memory_space<vmem>> -> memref<1x1x256xi32, #tpu.memory_space<vmem>>
      %dma_wait3A_408 = tpu.memref_squeeze %dma_wait3A_407 : memref<1x1x256xi32, #tpu.memory_space<vmem>> -> memref<256xi32, #tpu.memory_space<vmem>>
      %dma_wait3A_409 = tpu.memref_slice %arg3[%add3A_395] : memref<425984xi32, #tpu.memory_space<hbm>> -> memref<256xi32, #tpu.memory_space<hbm>>
      tpu.wait_dma2 semaphore(%dma_wait3A_405 : memref<!tpu.dma_semaphore, #tpu.memory_space<semaphore_mem>>) src(%dma_wait3A_409 : memref<256xi32, #tpu.memory_space<hbm>>) dst(%dma_wait3A_408 : memref<256xi32, #tpu.memory_space<vmem>>)
      %gt3A_410 = arith.constant 0 : i32
      %gt3A_411 = arith.cmpi sgt, %scan3A_294, %gt3A_410 : i32
      %convert_element_type3A_412 = arith.extui %gt3A_411 : i1 to i32
      %cond3A_413 = arith.constant 0 : i32
      %cond3A_414 = arith.cmpi ne, %convert_element_type3A_412, %cond3A_413 : i32
      scf.if %cond3A_414 {
        %add3A_632 = arith.constant 1 : i32
        %add3A_633 = arith.addi %mul3A_296, %add3A_632 : i32
        %mul3A_634 = arith.constant 256 : i32
        %mul3A_635 = arith.muli %add3A_633, %mul3A_634 : i32
        %add3A_636 = arith.addi %mul3A_2, %mul3A_635 : i32
        %mul3A_637 = arith.constant 32 : i32
        %mul3A_638 = arith.muli %add3A_636, %mul3A_637 : i32
        %dma_wait3A_639 = arith.constant 1 : i32
        %dma_wait3A_640 = arith.constant 1 : i32
        %dma_wait3A_641 = arith.constant 0 : i32
        %dma_wait3A_642 = tpu.memref_slice %arg8[%dma_wait3A_639, %dma_wait3A_641] : memref<2x8192xf32, #tpu.memory_space<vmem>> -> memref<1x8192xf32, #tpu.memory_space<vmem>>
        %dma_wait3A_643 = tpu.memref_squeeze %dma_wait3A_642 : memref<1x8192xf32, #tpu.memory_space<vmem>> -> memref<8192xf32, #tpu.memory_space<vmem>>
        %dma_wait3A_644 = tpu.memref_slice %arg5[%mul3A_638] : memref<13631488xf32, #tpu.memory_space<hbm>> -> memref<8192xf32, #tpu.memory_space<hbm>>
        %dma_wait3A_645 = tpu.memref_slice %arg11[%dma_wait3A_640] : memref<2x!tpu.dma_semaphore, #tpu.memory_space<semaphore_mem>> -> memref<1x!tpu.dma_semaphore, #tpu.memory_space<semaphore_mem>>
        %dma_wait3A_646 = tpu.memref_squeeze %dma_wait3A_645 : memref<1x!tpu.dma_semaphore, #tpu.memory_space<semaphore_mem>> -> memref<!tpu.dma_semaphore, #tpu.memory_space<semaphore_mem>>
        %dma_wait3A_647 = tpu.memref_slice %arg5[%mul3A_638] : memref<13631488xf32, #tpu.memory_space<hbm>> -> memref<8192xf32, #tpu.memory_space<hbm>>
        %dma_wait3A_648 = arith.constant 0 : i32
        %dma_wait3A_649 = tpu.memref_slice %arg8[%dma_wait3A_639, %dma_wait3A_648] : memref<2x8192xf32, #tpu.memory_space<vmem>> -> memref<1x8192xf32, #tpu.memory_space<vmem>>
        %dma_wait3A_650 = tpu.memref_squeeze %dma_wait3A_649 : memref<1x8192xf32, #tpu.memory_space<vmem>> -> memref<8192xf32, #tpu.memory_space<vmem>>
        tpu.wait_dma2 semaphore(%dma_wait3A_646 : memref<!tpu.dma_semaphore, #tpu.memory_space<semaphore_mem>>) src(%dma_wait3A_650 : memref<8192xf32, #tpu.memory_space<vmem>>) dst(%dma_wait3A_647 : memref<8192xf32, #tpu.memory_space<hbm>>)
      } else {
      }
      %iota3A_415 = tpu.iota {dimensions = array<i32: 0>} : vector<16xi32>
      %scan3A_416 = arith.constant 0 : i32
      %scan3A_417 = arith.constant 1 : i32
      %scan3A_418 = arith.constant 1 : i32
      %scan3A_419 = arith.constant 0 : i32
      %scan3A_420 = arith.constant 16 : i32
      %scan3A_421 = arith.addi %scan3A_419, %scan3A_420 : i32
      %scan3A_422 = arith.constant 1 : i32
      scf.for %scan3A_632 = %scan3A_419 to %scan3A_421 step %scan3A_422  : i32 {
        %mul3A_633 = arith.constant 16 : i32
        %mul3A_634 = arith.muli %scan3A_632, %mul3A_633 : i32
        %add3A_635 = vector.broadcast %mul3A_634 : i32 to vector<16xi32>
        %add3A_636 = arith.addi %iota3A_415, %add3A_635 : vector<16xi32>
        %mul3A_637 = arith.constant 16 : i32
        %mul3A_638 = arith.muli %scan3A_632, %mul3A_637 : i32
        %get3A = arith.constant 1 : i32
        %get3A_639 = arith.constant 1 : i32
        %get3A_640 = arith.index_cast %get3A : i32 to index
        %get3A_641 = arith.index_cast %get3A_639 : i32 to index
        %get3A_642 = arith.index_cast %mul3A_638 : i32 to index
        %get3A_643 = tpu.vector_load %arg6[%get3A_640, %get3A_641, %get3A_642] {strides = array<i32>} : memref<4x2x256xi32, #tpu.memory_space<vmem>>, vector<16xi32>,
        %mul3A_644 = arith.constant 32 : i32
        %mul3A_645 = vector.broadcast %mul3A_644 : i32 to vector<16xi32>
        %mul3A_646 = arith.muli %add3A_636, %mul3A_645 : vector<16xi32>
        %add3A_647 = arith.constant 0 : i32
        %add3A_648 = vector.broadcast %add3A_647 : i32 to vector<16xi32>
        %add3A_649 = arith.addi %get3A_643, %add3A_648 : vector<16xi32>
        %gather3A = arith.constant 0 : i32
        %gather3A_650 = arith.constant 0 : i32
        %gather3A_651 = tpu.memref_slice %arg7[%scan3A_417, %gather3A, %gather3A_650] : memref<4x256x64xf32, #tpu.memory_space<vmem>> -> memref<1x256x64xf32, #tpu.memory_space<vmem>>
        %gather3A_652 = tpu.memref_squeeze %gather3A_651 : memref<1x256x64xf32, #tpu.memory_space<vmem>> -> memref<256x64xf32, #tpu.memory_space<vmem>>
        %gather3A_653 = tpu.vector_load_idx %gather3A_652[%add3A_636, %add3A_649] : memref<256x64xf32, #tpu.memory_space<vmem>>[vector<16xi32>, vector<16xi32>], vector<16xf32>,
        %add3A_654 = arith.constant 0 : i32
        %add3A_655 = vector.broadcast %add3A_654 : i32 to vector<16xi32>
        %add3A_656 = arith.addi %mul3A_646, %add3A_655 : vector<16xi32>
        %scatter3A = arith.constant 0 : i32
        %scatter3A_657 = tpu.memref_slice %arg8[%scan3A_418, %scatter3A] : memref<2x8192xf32, #tpu.memory_space<vmem>> -> memref<1x8192xf32, #tpu.memory_space<vmem>>
        %scatter3A_658 = tpu.memref_squeeze %scatter3A_657 : memref<1x8192xf32, #tpu.memory_space<vmem>> -> memref<8192xf32, #tpu.memory_space<vmem>>
        tpu.vector_store_idx %scatter3A_658[%add3A_656], %gather3A_653 : memref<8192xf32, #tpu.memory_space<vmem>>[vector<16xi32>], vector<16xf32>,
        %add3A_659 = arith.constant 1 : i32
        %add3A_660 = vector.broadcast %add3A_659 : i32 to vector<16xi32>
        %add3A_661 = arith.addi %get3A_643, %add3A_660 : vector<16xi32>
        %gather3A_662 = arith.constant 0 : i32
        %gather3A_663 = arith.constant 0 : i32
        %gather3A_664 = tpu.memref_slice %arg7[%scan3A_417, %gather3A_662, %gather3A_663] : memref<4x256x64xf32, #tpu.memory_space<vmem>> -> memref<1x256x64xf32, #tpu.memory_space<vmem>>
        %gather3A_665 = tpu.memref_squeeze %gather3A_664 : memref<1x256x64xf32, #tpu.memory_space<vmem>> -> memref<256x64xf32, #tpu.memory_space<vmem>>
        %gather3A_666 = tpu.vector_load_idx %gather3A_665[%add3A_636, %add3A_661] : memref<256x64xf32, #tpu.memory_space<vmem>>[vector<16xi32>, vector<16xi32>], vector<16xf32>,
        %add3A_667 = arith.constant 1 : i32
        %add3A_668 = vector.broadcast %add3A_667 : i32 to vector<16xi32>
        %add3A_669 = arith.addi %mul3A_646, %add3A_668 : vector<16xi32>
        %scatter3A_670 = arith.constant 0 : i32
        %scatter3A_671 = tpu.memref_slice %arg8[%scan3A_418, %scatter3A_670] : memref<2x8192xf32, #tpu.memory_space<vmem>> -> memref<1x8192xf32, #tpu.memory_space<vmem>>
        %scatter3A_672 = tpu.memref_squeeze %scatter3A_671 : memref<1x8192xf32, #tpu.memory_space<vmem>> -> memref<8192xf32, #tpu.memory_space<vmem>>
        tpu.vector_store_idx %scatter3A_672[%add3A_669], %gather3A_666 : memref<8192xf32, #tpu.memory_space<vmem>>[vector<16xi32>], vector<16xf32>,
        %add3A_673 = arith.constant 2 : i32
        %add3A_674 = vector.broadcast %add3A_673 : i32 to vector<16xi32>
        %add3A_675 = arith.addi %get3A_643, %add3A_674 : vector<16xi32>
        %gather3A_676 = arith.constant 0 : i32
        %gather3A_677 = arith.constant 0 : i32
        %gather3A_678 = tpu.memref_slice %arg7[%scan3A_417, %gather3A_676, %gather3A_677] : memref<4x256x64xf32, #tpu.memory_space<vmem>> -> memref<1x256x64xf32, #tpu.memory_space<vmem>>
        %gather3A_679 = tpu.memref_squeeze %gather3A_678 : memref<1x256x64xf32, #tpu.memory_space<vmem>> -> memref<256x64xf32, #tpu.memory_space<vmem>>
        %gather3A_680 = tpu.vector_load_idx %gather3A_679[%add3A_636, %add3A_675] : memref<256x64xf32, #tpu.memory_space<vmem>>[vector<16xi32>, vector<16xi32>], vector<16xf32>,
        %add3A_681 = arith.constant 2 : i32
        %add3A_682 = vector.broadcast %add3A_681 : i32 to vector<16xi32>
        %add3A_683 = arith.addi %mul3A_646, %add3A_682 : vector<16xi32>
        %scatter3A_684 = arith.constant 0 : i32
        %scatter3A_685 = tpu.memref_slice %arg8[%scan3A_418, %scatter3A_684] : memref<2x8192xf32, #tpu.memory_space<vmem>> -> memref<1x8192xf32, #tpu.memory_space<vmem>>
        %scatter3A_686 = tpu.memref_squeeze %scatter3A_685 : memref<1x8192xf32, #tpu.memory_space<vmem>> -> memref<8192xf32, #tpu.memory_space<vmem>>
        tpu.vector_store_idx %scatter3A_686[%add3A_683], %gather3A_680 : memref<8192xf32, #tpu.memory_space<vmem>>[vector<16xi32>], vector<16xf32>,
        %add3A_687 = arith.constant 3 : i32
        %add3A_688 = vector.broadcast %add3A_687 : i32 to vector<16xi32>
        %add3A_689 = arith.addi %get3A_643, %add3A_688 : vector<16xi32>
        %gather3A_690 = arith.constant 0 : i32
        %gather3A_691 = arith.constant 0 : i32
        %gather3A_692 = tpu.memref_slice %arg7[%scan3A_417, %gather3A_690, %gather3A_691] : memref<4x256x64xf32, #tpu.memory_space<vmem>> -> memref<1x256x64xf32, #tpu.memory_space<vmem>>
        %gather3A_693 = tpu.memref_squeeze %gather3A_692 : memref<1x256x64xf32, #tpu.memory_space<vmem>> -> memref<256x64xf32, #tpu.memory_space<vmem>>
        %gather3A_694 = tpu.vector_load_idx %gather3A_693[%add3A_636, %add3A_689] : memref<256x64xf32, #tpu.memory_space<vmem>>[vector<16xi32>, vector<16xi32>], vector<16xf32>,
        %add3A_695 = arith.constant 3 : i32
        %add3A_696 = vector.broadcast %add3A_695 : i32 to vector<16xi32>
        %add3A_697 = arith.addi %mul3A_646, %add3A_696 : vector<16xi32>
        %scatter3A_698 = arith.constant 0 : i32
        %scatter3A_699 = tpu.memref_slice %arg8[%scan3A_418, %scatter3A_698] : memref<2x8192xf32, #tpu.memory_space<vmem>> -> memref<1x8192xf32, #tpu.memory_space<vmem>>
        %scatter3A_700 = tpu.memref_squeeze %scatter3A_699 : memref<1x8192xf32, #tpu.memory_space<vmem>> -> memref<8192xf32, #tpu.memory_space<vmem>>
        tpu.vector_store_idx %scatter3A_700[%add3A_697], %gather3A_694 : memref<8192xf32, #tpu.memory_space<vmem>>[vector<16xi32>], vector<16xf32>,
        %add3A_701 = arith.constant 4 : i32
        %add3A_702 = vector.broadcast %add3A_701 : i32 to vector<16xi32>
        %add3A_703 = arith.addi %get3A_643, %add3A_702 : vector<16xi32>
        %gather3A_704 = arith.constant 0 : i32
        %gather3A_705 = arith.constant 0 : i32
        %gather3A_706 = tpu.memref_slice %arg7[%scan3A_417, %gather3A_704, %gather3A_705] : memref<4x256x64xf32, #tpu.memory_space<vmem>> -> memref<1x256x64xf32, #tpu.memory_space<vmem>>
        %gather3A_707 = tpu.memref_squeeze %gather3A_706 : memref<1x256x64xf32, #tpu.memory_space<vmem>> -> memref<256x64xf32, #tpu.memory_space<vmem>>
        %gather3A_708 = tpu.vector_load_idx %gather3A_707[%add3A_636, %add3A_703] : memref<256x64xf32, #tpu.memory_space<vmem>>[vector<16xi32>, vector<16xi32>], vector<16xf32>,
        %add3A_709 = arith.constant 4 : i32
        %add3A_710 = vector.broadcast %add3A_709 : i32 to vector<16xi32>
        %add3A_711 = arith.addi %mul3A_646, %add3A_710 : vector<16xi32>
        %scatter3A_712 = arith.constant 0 : i32
        %scatter3A_713 = tpu.memref_slice %arg8[%scan3A_418, %scatter3A_712] : memref<2x8192xf32, #tpu.memory_space<vmem>> -> memref<1x8192xf32, #tpu.memory_space<vmem>>
        %scatter3A_714 = tpu.memref_squeeze %scatter3A_713 : memref<1x8192xf32, #tpu.memory_space<vmem>> -> memref<8192xf32, #tpu.memory_space<vmem>>
        tpu.vector_store_idx %scatter3A_714[%add3A_711], %gather3A_708 : memref<8192xf32, #tpu.memory_space<vmem>>[vector<16xi32>], vector<16xf32>,
        %add3A_715 = arith.constant 5 : i32
        %add3A_716 = vector.broadcast %add3A_715 : i32 to vector<16xi32>
        %add3A_717 = arith.addi %get3A_643, %add3A_716 : vector<16xi32>
        %gather3A_718 = arith.constant 0 : i32
        %gather3A_719 = arith.constant 0 : i32
        %gather3A_720 = tpu.memref_slice %arg7[%scan3A_417, %gather3A_718, %gather3A_719] : memref<4x256x64xf32, #tpu.memory_space<vmem>> -> memref<1x256x64xf32, #tpu.memory_space<vmem>>
        %gather3A_721 = tpu.memref_squeeze %gather3A_720 : memref<1x256x64xf32, #tpu.memory_space<vmem>> -> memref<256x64xf32, #tpu.memory_space<vmem>>
        %gather3A_722 = tpu.vector_load_idx %gather3A_721[%add3A_636, %add3A_717] : memref<256x64xf32, #tpu.memory_space<vmem>>[vector<16xi32>, vector<16xi32>], vector<16xf32>,
        %add3A_723 = arith.constant 5 : i32
        %add3A_724 = vector.broadcast %add3A_723 : i32 to vector<16xi32>
        %add3A_725 = arith.addi %mul3A_646, %add3A_724 : vector<16xi32>
        %scatter3A_726 = arith.constant 0 : i32
        %scatter3A_727 = tpu.memref_slice %arg8[%scan3A_418, %scatter3A_726] : memref<2x8192xf32, #tpu.memory_space<vmem>> -> memref<1x8192xf32, #tpu.memory_space<vmem>>
        %scatter3A_728 = tpu.memref_squeeze %scatter3A_727 : memref<1x8192xf32, #tpu.memory_space<vmem>> -> memref<8192xf32, #tpu.memory_space<vmem>>
        tpu.vector_store_idx %scatter3A_728[%add3A_725], %gather3A_722 : memref<8192xf32, #tpu.memory_space<vmem>>[vector<16xi32>], vector<16xf32>,
        %add3A_729 = arith.constant 6 : i32
        %add3A_730 = vector.broadcast %add3A_729 : i32 to vector<16xi32>
        %add3A_731 = arith.addi %get3A_643, %add3A_730 : vector<16xi32>
        %gather3A_732 = arith.constant 0 : i32
        %gather3A_733 = arith.constant 0 : i32
        %gather3A_734 = tpu.memref_slice %arg7[%scan3A_417, %gather3A_732, %gather3A_733] : memref<4x256x64xf32, #tpu.memory_space<vmem>> -> memref<1x256x64xf32, #tpu.memory_space<vmem>>
        %gather3A_735 = tpu.memref_squeeze %gather3A_734 : memref<1x256x64xf32, #tpu.memory_space<vmem>> -> memref<256x64xf32, #tpu.memory_space<vmem>>
        %gather3A_736 = tpu.vector_load_idx %gather3A_735[%add3A_636, %add3A_731] : memref<256x64xf32, #tpu.memory_space<vmem>>[vector<16xi32>, vector<16xi32>], vector<16xf32>,
        %add3A_737 = arith.constant 6 : i32
        %add3A_738 = vector.broadcast %add3A_737 : i32 to vector<16xi32>
        %add3A_739 = arith.addi %mul3A_646, %add3A_738 : vector<16xi32>
        %scatter3A_740 = arith.constant 0 : i32
        %scatter3A_741 = tpu.memref_slice %arg8[%scan3A_418, %scatter3A_740] : memref<2x8192xf32, #tpu.memory_space<vmem>> -> memref<1x8192xf32, #tpu.memory_space<vmem>>
        %scatter3A_742 = tpu.memref_squeeze %scatter3A_741 : memref<1x8192xf32, #tpu.memory_space<vmem>> -> memref<8192xf32, #tpu.memory_space<vmem>>
        tpu.vector_store_idx %scatter3A_742[%add3A_739], %gather3A_736 : memref<8192xf32, #tpu.memory_space<vmem>>[vector<16xi32>], vector<16xf32>,
        %add3A_743 = arith.constant 7 : i32
        %add3A_744 = vector.broadcast %add3A_743 : i32 to vector<16xi32>
        %add3A_745 = arith.addi %get3A_643, %add3A_744 : vector<16xi32>
        %gather3A_746 = arith.constant 0 : i32
        %gather3A_747 = arith.constant 0 : i32
        %gather3A_748 = tpu.memref_slice %arg7[%scan3A_417, %gather3A_746, %gather3A_747] : memref<4x256x64xf32, #tpu.memory_space<vmem>> -> memref<1x256x64xf32, #tpu.memory_space<vmem>>
        %gather3A_749 = tpu.memref_squeeze %gather3A_748 : memref<1x256x64xf32, #tpu.memory_space<vmem>> -> memref<256x64xf32, #tpu.memory_space<vmem>>
        %gather3A_750 = tpu.vector_load_idx %gather3A_749[%add3A_636, %add3A_745] : memref<256x64xf32, #tpu.memory_space<vmem>>[vector<16xi32>, vector<16xi32>], vector<16xf32>,
        %add3A_751 = arith.constant 7 : i32
        %add3A_752 = vector.broadcast %add3A_751 : i32 to vector<16xi32>
        %add3A_753 = arith.addi %mul3A_646, %add3A_752 : vector<16xi32>
        %scatter3A_754 = arith.constant 0 : i32
        %scatter3A_755 = tpu.memref_slice %arg8[%scan3A_418, %scatter3A_754] : memref<2x8192xf32, #tpu.memory_space<vmem>> -> memref<1x8192xf32, #tpu.memory_space<vmem>>
        %scatter3A_756 = tpu.memref_squeeze %scatter3A_755 : memref<1x8192xf32, #tpu.memory_space<vmem>> -> memref<8192xf32, #tpu.memory_space<vmem>>
        tpu.vector_store_idx %scatter3A_756[%add3A_753], %gather3A_750 : memref<8192xf32, #tpu.memory_space<vmem>>[vector<16xi32>], vector<16xf32>,
        %add3A_757 = arith.constant 8 : i32
        %add3A_758 = vector.broadcast %add3A_757 : i32 to vector<16xi32>
        %add3A_759 = arith.addi %get3A_643, %add3A_758 : vector<16xi32>
        %gather3A_760 = arith.constant 0 : i32
        %gather3A_761 = arith.constant 0 : i32
        %gather3A_762 = tpu.memref_slice %arg7[%scan3A_417, %gather3A_760, %gather3A_761] : memref<4x256x64xf32, #tpu.memory_space<vmem>> -> memref<1x256x64xf32, #tpu.memory_space<vmem>>
        %gather3A_763 = tpu.memref_squeeze %gather3A_762 : memref<1x256x64xf32, #tpu.memory_space<vmem>> -> memref<256x64xf32, #tpu.memory_space<vmem>>
        %gather3A_764 = tpu.vector_load_idx %gather3A_763[%add3A_636, %add3A_759] : memref<256x64xf32, #tpu.memory_space<vmem>>[vector<16xi32>, vector<16xi32>], vector<16xf32>,
        %add3A_765 = arith.constant 8 : i32
        %add3A_766 = vector.broadcast %add3A_765 : i32 to vector<16xi32>
        %add3A_767 = arith.addi %mul3A_646, %add3A_766 : vector<16xi32>
        %scatter3A_768 = arith.constant 0 : i32
        %scatter3A_769 = tpu.memref_slice %arg8[%scan3A_418, %scatter3A_768] : memref<2x8192xf32, #tpu.memory_space<vmem>> -> memref<1x8192xf32, #tpu.memory_space<vmem>>
        %scatter3A_770 = tpu.memref_squeeze %scatter3A_769 : memref<1x8192xf32, #tpu.memory_space<vmem>> -> memref<8192xf32, #tpu.memory_space<vmem>>
        tpu.vector_store_idx %scatter3A_770[%add3A_767], %gather3A_764 : memref<8192xf32, #tpu.memory_space<vmem>>[vector<16xi32>], vector<16xf32>,
        %add3A_771 = arith.constant 9 : i32
        %add3A_772 = vector.broadcast %add3A_771 : i32 to vector<16xi32>
        %add3A_773 = arith.addi %get3A_643, %add3A_772 : vector<16xi32>
        %gather3A_774 = arith.constant 0 : i32
        %gather3A_775 = arith.constant 0 : i32
        %gather3A_776 = tpu.memref_slice %arg7[%scan3A_417, %gather3A_774, %gather3A_775] : memref<4x256x64xf32, #tpu.memory_space<vmem>> -> memref<1x256x64xf32, #tpu.memory_space<vmem>>
        %gather3A_777 = tpu.memref_squeeze %gather3A_776 : memref<1x256x64xf32, #tpu.memory_space<vmem>> -> memref<256x64xf32, #tpu.memory_space<vmem>>
        %gather3A_778 = tpu.vector_load_idx %gather3A_777[%add3A_636, %add3A_773] : memref<256x64xf32, #tpu.memory_space<vmem>>[vector<16xi32>, vector<16xi32>], vector<16xf32>,
        %add3A_779 = arith.constant 9 : i32
        %add3A_780 = vector.broadcast %add3A_779 : i32 to vector<16xi32>
        %add3A_781 = arith.addi %mul3A_646, %add3A_780 : vector<16xi32>
        %scatter3A_782 = arith.constant 0 : i32
        %scatter3A_783 = tpu.memref_slice %arg8[%scan3A_418, %scatter3A_782] : memref<2x8192xf32, #tpu.memory_space<vmem>> -> memref<1x8192xf32, #tpu.memory_space<vmem>>
        %scatter3A_784 = tpu.memref_squeeze %scatter3A_783 : memref<1x8192xf32, #tpu.memory_space<vmem>> -> memref<8192xf32, #tpu.memory_space<vmem>>
        tpu.vector_store_idx %scatter3A_784[%add3A_781], %gather3A_778 : memref<8192xf32, #tpu.memory_space<vmem>>[vector<16xi32>], vector<16xf32>,
        %add3A_785 = arith.constant 10 : i32
        %add3A_786 = vector.broadcast %add3A_785 : i32 to vector<16xi32>
        %add3A_787 = arith.addi %get3A_643, %add3A_786 : vector<16xi32>
        %gather3A_788 = arith.constant 0 : i32
        %gather3A_789 = arith.constant 0 : i32
        %gather3A_790 = tpu.memref_slice %arg7[%scan3A_417, %gather3A_788, %gather3A_789] : memref<4x256x64xf32, #tpu.memory_space<vmem>> -> memref<1x256x64xf32, #tpu.memory_space<vmem>>
        %gather3A_791 = tpu.memref_squeeze %gather3A_790 : memref<1x256x64xf32, #tpu.memory_space<vmem>> -> memref<256x64xf32, #tpu.memory_space<vmem>>
        %gather3A_792 = tpu.vector_load_idx %gather3A_791[%add3A_636, %add3A_787] : memref<256x64xf32, #tpu.memory_space<vmem>>[vector<16xi32>, vector<16xi32>], vector<16xf32>,
        %add3A_793 = arith.constant 10 : i32
        %add3A_794 = vector.broadcast %add3A_793 : i32 to vector<16xi32>
        %add3A_795 = arith.addi %mul3A_646, %add3A_794 : vector<16xi32>
        %scatter3A_796 = arith.constant 0 : i32
        %scatter3A_797 = tpu.memref_slice %arg8[%scan3A_418, %scatter3A_796] : memref<2x8192xf32, #tpu.memory_space<vmem>> -> memref<1x8192xf32, #tpu.memory_space<vmem>>
        %scatter3A_798 = tpu.memref_squeeze %scatter3A_797 : memref<1x8192xf32, #tpu.memory_space<vmem>> -> memref<8192xf32, #tpu.memory_space<vmem>>
        tpu.vector_store_idx %scatter3A_798[%add3A_795], %gather3A_792 : memref<8192xf32, #tpu.memory_space<vmem>>[vector<16xi32>], vector<16xf32>,
        %add3A_799 = arith.constant 11 : i32
        %add3A_800 = vector.broadcast %add3A_799 : i32 to vector<16xi32>
        %add3A_801 = arith.addi %get3A_643, %add3A_800 : vector<16xi32>
        %gather3A_802 = arith.constant 0 : i32
        %gather3A_803 = arith.constant 0 : i32
        %gather3A_804 = tpu.memref_slice %arg7[%scan3A_417, %gather3A_802, %gather3A_803] : memref<4x256x64xf32, #tpu.memory_space<vmem>> -> memref<1x256x64xf32, #tpu.memory_space<vmem>>
        %gather3A_805 = tpu.memref_squeeze %gather3A_804 : memref<1x256x64xf32, #tpu.memory_space<vmem>> -> memref<256x64xf32, #tpu.memory_space<vmem>>
        %gather3A_806 = tpu.vector_load_idx %gather3A_805[%add3A_636, %add3A_801] : memref<256x64xf32, #tpu.memory_space<vmem>>[vector<16xi32>, vector<16xi32>], vector<16xf32>,
        %add3A_807 = arith.constant 11 : i32
        %add3A_808 = vector.broadcast %add3A_807 : i32 to vector<16xi32>
        %add3A_809 = arith.addi %mul3A_646, %add3A_808 : vector<16xi32>
        %scatter3A_810 = arith.constant 0 : i32
        %scatter3A_811 = tpu.memref_slice %arg8[%scan3A_418, %scatter3A_810] : memref<2x8192xf32, #tpu.memory_space<vmem>> -> memref<1x8192xf32, #tpu.memory_space<vmem>>
        %scatter3A_812 = tpu.memref_squeeze %scatter3A_811 : memref<1x8192xf32, #tpu.memory_space<vmem>> -> memref<8192xf32, #tpu.memory_space<vmem>>
        tpu.vector_store_idx %scatter3A_812[%add3A_809], %gather3A_806 : memref<8192xf32, #tpu.memory_space<vmem>>[vector<16xi32>], vector<16xf32>,
        %add3A_813 = arith.constant 12 : i32
        %add3A_814 = vector.broadcast %add3A_813 : i32 to vector<16xi32>
        %add3A_815 = arith.addi %get3A_643, %add3A_814 : vector<16xi32>
        %gather3A_816 = arith.constant 0 : i32
        %gather3A_817 = arith.constant 0 : i32
        %gather3A_818 = tpu.memref_slice %arg7[%scan3A_417, %gather3A_816, %gather3A_817] : memref<4x256x64xf32, #tpu.memory_space<vmem>> -> memref<1x256x64xf32, #tpu.memory_space<vmem>>
        %gather3A_819 = tpu.memref_squeeze %gather3A_818 : memref<1x256x64xf32, #tpu.memory_space<vmem>> -> memref<256x64xf32, #tpu.memory_space<vmem>>
        %gather3A_820 = tpu.vector_load_idx %gather3A_819[%add3A_636, %add3A_815] : memref<256x64xf32, #tpu.memory_space<vmem>>[vector<16xi32>, vector<16xi32>], vector<16xf32>,
        %add3A_821 = arith.constant 12 : i32
        %add3A_822 = vector.broadcast %add3A_821 : i32 to vector<16xi32>
        %add3A_823 = arith.addi %mul3A_646, %add3A_822 : vector<16xi32>
        %scatter3A_824 = arith.constant 0 : i32
        %scatter3A_825 = tpu.memref_slice %arg8[%scan3A_418, %scatter3A_824] : memref<2x8192xf32, #tpu.memory_space<vmem>> -> memref<1x8192xf32, #tpu.memory_space<vmem>>
        %scatter3A_826 = tpu.memref_squeeze %scatter3A_825 : memref<1x8192xf32, #tpu.memory_space<vmem>> -> memref<8192xf32, #tpu.memory_space<vmem>>
        tpu.vector_store_idx %scatter3A_826[%add3A_823], %gather3A_820 : memref<8192xf32, #tpu.memory_space<vmem>>[vector<16xi32>], vector<16xf32>,
        %add3A_827 = arith.constant 13 : i32
        %add3A_828 = vector.broadcast %add3A_827 : i32 to vector<16xi32>
        %add3A_829 = arith.addi %get3A_643, %add3A_828 : vector<16xi32>
        %gather3A_830 = arith.constant 0 : i32
        %gather3A_831 = arith.constant 0 : i32
        %gather3A_832 = tpu.memref_slice %arg7[%scan3A_417, %gather3A_830, %gather3A_831] : memref<4x256x64xf32, #tpu.memory_space<vmem>> -> memref<1x256x64xf32, #tpu.memory_space<vmem>>
        %gather3A_833 = tpu.memref_squeeze %gather3A_832 : memref<1x256x64xf32, #tpu.memory_space<vmem>> -> memref<256x64xf32, #tpu.memory_space<vmem>>
        %gather3A_834 = tpu.vector_load_idx %gather3A_833[%add3A_636, %add3A_829] : memref<256x64xf32, #tpu.memory_space<vmem>>[vector<16xi32>, vector<16xi32>], vector<16xf32>,
        %add3A_835 = arith.constant 13 : i32
        %add3A_836 = vector.broadcast %add3A_835 : i32 to vector<16xi32>
        %add3A_837 = arith.addi %mul3A_646, %add3A_836 : vector<16xi32>
        %scatter3A_838 = arith.constant 0 : i32
        %scatter3A_839 = tpu.memref_slice %arg8[%scan3A_418, %scatter3A_838] : memref<2x8192xf32, #tpu.memory_space<vmem>> -> memref<1x8192xf32, #tpu.memory_space<vmem>>
        %scatter3A_840 = tpu.memref_squeeze %scatter3A_839 : memref<1x8192xf32, #tpu.memory_space<vmem>> -> memref<8192xf32, #tpu.memory_space<vmem>>
        tpu.vector_store_idx %scatter3A_840[%add3A_837], %gather3A_834 : memref<8192xf32, #tpu.memory_space<vmem>>[vector<16xi32>], vector<16xf32>,
        %add3A_841 = arith.constant 14 : i32
        %add3A_842 = vector.broadcast %add3A_841 : i32 to vector<16xi32>
        %add3A_843 = arith.addi %get3A_643, %add3A_842 : vector<16xi32>
        %gather3A_844 = arith.constant 0 : i32
        %gather3A_845 = arith.constant 0 : i32
        %gather3A_846 = tpu.memref_slice %arg7[%scan3A_417, %gather3A_844, %gather3A_845] : memref<4x256x64xf32, #tpu.memory_space<vmem>> -> memref<1x256x64xf32, #tpu.memory_space<vmem>>
        %gather3A_847 = tpu.memref_squeeze %gather3A_846 : memref<1x256x64xf32, #tpu.memory_space<vmem>> -> memref<256x64xf32, #tpu.memory_space<vmem>>
        %gather3A_848 = tpu.vector_load_idx %gather3A_847[%add3A_636, %add3A_843] : memref<256x64xf32, #tpu.memory_space<vmem>>[vector<16xi32>, vector<16xi32>], vector<16xf32>,
        %add3A_849 = arith.constant 14 : i32
        %add3A_850 = vector.broadcast %add3A_849 : i32 to vector<16xi32>
        %add3A_851 = arith.addi %mul3A_646, %add3A_850 : vector<16xi32>
        %scatter3A_852 = arith.constant 0 : i32
        %scatter3A_853 = tpu.memref_slice %arg8[%scan3A_418, %scatter3A_852] : memref<2x8192xf32, #tpu.memory_space<vmem>> -> memref<1x8192xf32, #tpu.memory_space<vmem>>
        %scatter3A_854 = tpu.memref_squeeze %scatter3A_853 : memref<1x8192xf32, #tpu.memory_space<vmem>> -> memref<8192xf32, #tpu.memory_space<vmem>>
        tpu.vector_store_idx %scatter3A_854[%add3A_851], %gather3A_848 : memref<8192xf32, #tpu.memory_space<vmem>>[vector<16xi32>], vector<16xf32>,
        %add3A_855 = arith.constant 15 : i32
        %add3A_856 = vector.broadcast %add3A_855 : i32 to vector<16xi32>
        %add3A_857 = arith.addi %get3A_643, %add3A_856 : vector<16xi32>
        %gather3A_858 = arith.constant 0 : i32
        %gather3A_859 = arith.constant 0 : i32
        %gather3A_860 = tpu.memref_slice %arg7[%scan3A_417, %gather3A_858, %gather3A_859] : memref<4x256x64xf32, #tpu.memory_space<vmem>> -> memref<1x256x64xf32, #tpu.memory_space<vmem>>
        %gather3A_861 = tpu.memref_squeeze %gather3A_860 : memref<1x256x64xf32, #tpu.memory_space<vmem>> -> memref<256x64xf32, #tpu.memory_space<vmem>>
        %gather3A_862 = tpu.vector_load_idx %gather3A_861[%add3A_636, %add3A_857] : memref<256x64xf32, #tpu.memory_space<vmem>>[vector<16xi32>, vector<16xi32>], vector<16xf32>,
        %add3A_863 = arith.constant 15 : i32
        %add3A_864 = vector.broadcast %add3A_863 : i32 to vector<16xi32>
        %add3A_865 = arith.addi %mul3A_646, %add3A_864 : vector<16xi32>
        %scatter3A_866 = arith.constant 0 : i32
        %scatter3A_867 = tpu.memref_slice %arg8[%scan3A_418, %scatter3A_866] : memref<2x8192xf32, #tpu.memory_space<vmem>> -> memref<1x8192xf32, #tpu.memory_space<vmem>>
        %scatter3A_868 = tpu.memref_squeeze %scatter3A_867 : memref<1x8192xf32, #tpu.memory_space<vmem>> -> memref<8192xf32, #tpu.memory_space<vmem>>
        tpu.vector_store_idx %scatter3A_868[%add3A_865], %gather3A_862 : memref<8192xf32, #tpu.memory_space<vmem>>[vector<16xi32>], vector<16xf32>,
        %add3A_869 = arith.constant 16 : i32
        %add3A_870 = vector.broadcast %add3A_869 : i32 to vector<16xi32>
        %add3A_871 = arith.addi %get3A_643, %add3A_870 : vector<16xi32>
        %gather3A_872 = arith.constant 0 : i32
        %gather3A_873 = arith.constant 0 : i32
        %gather3A_874 = tpu.memref_slice %arg7[%scan3A_417, %gather3A_872, %gather3A_873] : memref<4x256x64xf32, #tpu.memory_space<vmem>> -> memref<1x256x64xf32, #tpu.memory_space<vmem>>
        %gather3A_875 = tpu.memref_squeeze %gather3A_874 : memref<1x256x64xf32, #tpu.memory_space<vmem>> -> memref<256x64xf32, #tpu.memory_space<vmem>>
        %gather3A_876 = tpu.vector_load_idx %gather3A_875[%add3A_636, %add3A_871] : memref<256x64xf32, #tpu.memory_space<vmem>>[vector<16xi32>, vector<16xi32>], vector<16xf32>,
        %add3A_877 = arith.constant 16 : i32
        %add3A_878 = vector.broadcast %add3A_877 : i32 to vector<16xi32>
        %add3A_879 = arith.addi %mul3A_646, %add3A_878 : vector<16xi32>
        %scatter3A_880 = arith.constant 0 : i32
        %scatter3A_881 = tpu.memref_slice %arg8[%scan3A_418, %scatter3A_880] : memref<2x8192xf32, #tpu.memory_space<vmem>> -> memref<1x8192xf32, #tpu.memory_space<vmem>>
        %scatter3A_882 = tpu.memref_squeeze %scatter3A_881 : memref<1x8192xf32, #tpu.memory_space<vmem>> -> memref<8192xf32, #tpu.memory_space<vmem>>
        tpu.vector_store_idx %scatter3A_882[%add3A_879], %gather3A_876 : memref<8192xf32, #tpu.memory_space<vmem>>[vector<16xi32>], vector<16xf32>,
        %add3A_883 = arith.constant 17 : i32
        %add3A_884 = vector.broadcast %add3A_883 : i32 to vector<16xi32>
        %add3A_885 = arith.addi %get3A_643, %add3A_884 : vector<16xi32>
        %gather3A_886 = arith.constant 0 : i32
        %gather3A_887 = arith.constant 0 : i32
        %gather3A_888 = tpu.memref_slice %arg7[%scan3A_417, %gather3A_886, %gather3A_887] : memref<4x256x64xf32, #tpu.memory_space<vmem>> -> memref<1x256x64xf32, #tpu.memory_space<vmem>>
        %gather3A_889 = tpu.memref_squeeze %gather3A_888 : memref<1x256x64xf32, #tpu.memory_space<vmem>> -> memref<256x64xf32, #tpu.memory_space<vmem>>
        %gather3A_890 = tpu.vector_load_idx %gather3A_889[%add3A_636, %add3A_885] : memref<256x64xf32, #tpu.memory_space<vmem>>[vector<16xi32>, vector<16xi32>], vector<16xf32>,
        %add3A_891 = arith.constant 17 : i32
        %add3A_892 = vector.broadcast %add3A_891 : i32 to vector<16xi32>
        %add3A_893 = arith.addi %mul3A_646, %add3A_892 : vector<16xi32>
        %scatter3A_894 = arith.constant 0 : i32
        %scatter3A_895 = tpu.memref_slice %arg8[%scan3A_418, %scatter3A_894] : memref<2x8192xf32, #tpu.memory_space<vmem>> -> memref<1x8192xf32, #tpu.memory_space<vmem>>
        %scatter3A_896 = tpu.memref_squeeze %scatter3A_895 : memref<1x8192xf32, #tpu.memory_space<vmem>> -> memref<8192xf32, #tpu.memory_space<vmem>>
        tpu.vector_store_idx %scatter3A_896[%add3A_893], %gather3A_890 : memref<8192xf32, #tpu.memory_space<vmem>>[vector<16xi32>], vector<16xf32>,
        %add3A_897 = arith.constant 18 : i32
        %add3A_898 = vector.broadcast %add3A_897 : i32 to vector<16xi32>
        %add3A_899 = arith.addi %get3A_643, %add3A_898 : vector<16xi32>
        %gather3A_900 = arith.constant 0 : i32
        %gather3A_901 = arith.constant 0 : i32
        %gather3A_902 = tpu.memref_slice %arg7[%scan3A_417, %gather3A_900, %gather3A_901] : memref<4x256x64xf32, #tpu.memory_space<vmem>> -> memref<1x256x64xf32, #tpu.memory_space<vmem>>
        %gather3A_903 = tpu.memref_squeeze %gather3A_902 : memref<1x256x64xf32, #tpu.memory_space<vmem>> -> memref<256x64xf32, #tpu.memory_space<vmem>>
        %gather3A_904 = tpu.vector_load_idx %gather3A_903[%add3A_636, %add3A_899] : memref<256x64xf32, #tpu.memory_space<vmem>>[vector<16xi32>, vector<16xi32>], vector<16xf32>,
        %add3A_905 = arith.constant 18 : i32
        %add3A_906 = vector.broadcast %add3A_905 : i32 to vector<16xi32>
        %add3A_907 = arith.addi %mul3A_646, %add3A_906 : vector<16xi32>
        %scatter3A_908 = arith.constant 0 : i32
        %scatter3A_909 = tpu.memref_slice %arg8[%scan3A_418, %scatter3A_908] : memref<2x8192xf32, #tpu.memory_space<vmem>> -> memref<1x8192xf32, #tpu.memory_space<vmem>>
        %scatter3A_910 = tpu.memref_squeeze %scatter3A_909 : memref<1x8192xf32, #tpu.memory_space<vmem>> -> memref<8192xf32, #tpu.memory_space<vmem>>
        tpu.vector_store_idx %scatter3A_910[%add3A_907], %gather3A_904 : memref<8192xf32, #tpu.memory_space<vmem>>[vector<16xi32>], vector<16xf32>,
        %add3A_911 = arith.constant 19 : i32
        %add3A_912 = vector.broadcast %add3A_911 : i32 to vector<16xi32>
        %add3A_913 = arith.addi %get3A_643, %add3A_912 : vector<16xi32>
        %gather3A_914 = arith.constant 0 : i32
        %gather3A_915 = arith.constant 0 : i32
        %gather3A_916 = tpu.memref_slice %arg7[%scan3A_417, %gather3A_914, %gather3A_915] : memref<4x256x64xf32, #tpu.memory_space<vmem>> -> memref<1x256x64xf32, #tpu.memory_space<vmem>>
        %gather3A_917 = tpu.memref_squeeze %gather3A_916 : memref<1x256x64xf32, #tpu.memory_space<vmem>> -> memref<256x64xf32, #tpu.memory_space<vmem>>
        %gather3A_918 = tpu.vector_load_idx %gather3A_917[%add3A_636, %add3A_913] : memref<256x64xf32, #tpu.memory_space<vmem>>[vector<16xi32>, vector<16xi32>], vector<16xf32>,
        %add3A_919 = arith.constant 19 : i32
        %add3A_920 = vector.broadcast %add3A_919 : i32 to vector<16xi32>
        %add3A_921 = arith.addi %mul3A_646, %add3A_920 : vector<16xi32>
        %scatter3A_922 = arith.constant 0 : i32
        %scatter3A_923 = tpu.memref_slice %arg8[%scan3A_418, %scatter3A_922] : memref<2x8192xf32, #tpu.memory_space<vmem>> -> memref<1x8192xf32, #tpu.memory_space<vmem>>
        %scatter3A_924 = tpu.memref_squeeze %scatter3A_923 : memref<1x8192xf32, #tpu.memory_space<vmem>> -> memref<8192xf32, #tpu.memory_space<vmem>>
        tpu.vector_store_idx %scatter3A_924[%add3A_921], %gather3A_918 : memref<8192xf32, #tpu.memory_space<vmem>>[vector<16xi32>], vector<16xf32>,
        %add3A_925 = arith.constant 20 : i32
        %add3A_926 = vector.broadcast %add3A_925 : i32 to vector<16xi32>
        %add3A_927 = arith.addi %get3A_643, %add3A_926 : vector<16xi32>
        %gather3A_928 = arith.constant 0 : i32
        %gather3A_929 = arith.constant 0 : i32
        %gather3A_930 = tpu.memref_slice %arg7[%scan3A_417, %gather3A_928, %gather3A_929] : memref<4x256x64xf32, #tpu.memory_space<vmem>> -> memref<1x256x64xf32, #tpu.memory_space<vmem>>
        %gather3A_931 = tpu.memref_squeeze %gather3A_930 : memref<1x256x64xf32, #tpu.memory_space<vmem>> -> memref<256x64xf32, #tpu.memory_space<vmem>>
        %gather3A_932 = tpu.vector_load_idx %gather3A_931[%add3A_636, %add3A_927] : memref<256x64xf32, #tpu.memory_space<vmem>>[vector<16xi32>, vector<16xi32>], vector<16xf32>,
        %add3A_933 = arith.constant 20 : i32
        %add3A_934 = vector.broadcast %add3A_933 : i32 to vector<16xi32>
        %add3A_935 = arith.addi %mul3A_646, %add3A_934 : vector<16xi32>
        %scatter3A_936 = arith.constant 0 : i32
        %scatter3A_937 = tpu.memref_slice %arg8[%scan3A_418, %scatter3A_936] : memref<2x8192xf32, #tpu.memory_space<vmem>> -> memref<1x8192xf32, #tpu.memory_space<vmem>>
        %scatter3A_938 = tpu.memref_squeeze %scatter3A_937 : memref<1x8192xf32, #tpu.memory_space<vmem>> -> memref<8192xf32, #tpu.memory_space<vmem>>
        tpu.vector_store_idx %scatter3A_938[%add3A_935], %gather3A_932 : memref<8192xf32, #tpu.memory_space<vmem>>[vector<16xi32>], vector<16xf32>,
        %add3A_939 = arith.constant 21 : i32
        %add3A_940 = vector.broadcast %add3A_939 : i32 to vector<16xi32>
        %add3A_941 = arith.addi %get3A_643, %add3A_940 : vector<16xi32>
        %gather3A_942 = arith.constant 0 : i32
        %gather3A_943 = arith.constant 0 : i32
        %gather3A_944 = tpu.memref_slice %arg7[%scan3A_417, %gather3A_942, %gather3A_943] : memref<4x256x64xf32, #tpu.memory_space<vmem>> -> memref<1x256x64xf32, #tpu.memory_space<vmem>>
        %gather3A_945 = tpu.memref_squeeze %gather3A_944 : memref<1x256x64xf32, #tpu.memory_space<vmem>> -> memref<256x64xf32, #tpu.memory_space<vmem>>
        %gather3A_946 = tpu.vector_load_idx %gather3A_945[%add3A_636, %add3A_941] : memref<256x64xf32, #tpu.memory_space<vmem>>[vector<16xi32>, vector<16xi32>], vector<16xf32>,
        %add3A_947 = arith.constant 21 : i32
        %add3A_948 = vector.broadcast %add3A_947 : i32 to vector<16xi32>
        %add3A_949 = arith.addi %mul3A_646, %add3A_948 : vector<16xi32>
        %scatter3A_950 = arith.constant 0 : i32
        %scatter3A_951 = tpu.memref_slice %arg8[%scan3A_418, %scatter3A_950] : memref<2x8192xf32, #tpu.memory_space<vmem>> -> memref<1x8192xf32, #tpu.memory_space<vmem>>
        %scatter3A_952 = tpu.memref_squeeze %scatter3A_951 : memref<1x8192xf32, #tpu.memory_space<vmem>> -> memref<8192xf32, #tpu.memory_space<vmem>>
        tpu.vector_store_idx %scatter3A_952[%add3A_949], %gather3A_946 : memref<8192xf32, #tpu.memory_space<vmem>>[vector<16xi32>], vector<16xf32>,
        %add3A_953 = arith.constant 22 : i32
        %add3A_954 = vector.broadcast %add3A_953 : i32 to vector<16xi32>
        %add3A_955 = arith.addi %get3A_643, %add3A_954 : vector<16xi32>
        %gather3A_956 = arith.constant 0 : i32
        %gather3A_957 = arith.constant 0 : i32
        %gather3A_958 = tpu.memref_slice %arg7[%scan3A_417, %gather3A_956, %gather3A_957] : memref<4x256x64xf32, #tpu.memory_space<vmem>> -> memref<1x256x64xf32, #tpu.memory_space<vmem>>
        %gather3A_959 = tpu.memref_squeeze %gather3A_958 : memref<1x256x64xf32, #tpu.memory_space<vmem>> -> memref<256x64xf32, #tpu.memory_space<vmem>>
        %gather3A_960 = tpu.vector_load_idx %gather3A_959[%add3A_636, %add3A_955] : memref<256x64xf32, #tpu.memory_space<vmem>>[vector<16xi32>, vector<16xi32>], vector<16xf32>,
        %add3A_961 = arith.constant 22 : i32
        %add3A_962 = vector.broadcast %add3A_961 : i32 to vector<16xi32>
        %add3A_963 = arith.addi %mul3A_646, %add3A_962 : vector<16xi32>
        %scatter3A_964 = arith.constant 0 : i32
        %scatter3A_965 = tpu.memref_slice %arg8[%scan3A_418, %scatter3A_964] : memref<2x8192xf32, #tpu.memory_space<vmem>> -> memref<1x8192xf32, #tpu.memory_space<vmem>>
        %scatter3A_966 = tpu.memref_squeeze %scatter3A_965 : memref<1x8192xf32, #tpu.memory_space<vmem>> -> memref<8192xf32, #tpu.memory_space<vmem>>
        tpu.vector_store_idx %scatter3A_966[%add3A_963], %gather3A_960 : memref<8192xf32, #tpu.memory_space<vmem>>[vector<16xi32>], vector<16xf32>,
        %add3A_967 = arith.constant 23 : i32
        %add3A_968 = vector.broadcast %add3A_967 : i32 to vector<16xi32>
        %add3A_969 = arith.addi %get3A_643, %add3A_968 : vector<16xi32>
        %gather3A_970 = arith.constant 0 : i32
        %gather3A_971 = arith.constant 0 : i32
        %gather3A_972 = tpu.memref_slice %arg7[%scan3A_417, %gather3A_970, %gather3A_971] : memref<4x256x64xf32, #tpu.memory_space<vmem>> -> memref<1x256x64xf32, #tpu.memory_space<vmem>>
        %gather3A_973 = tpu.memref_squeeze %gather3A_972 : memref<1x256x64xf32, #tpu.memory_space<vmem>> -> memref<256x64xf32, #tpu.memory_space<vmem>>
        %gather3A_974 = tpu.vector_load_idx %gather3A_973[%add3A_636, %add3A_969] : memref<256x64xf32, #tpu.memory_space<vmem>>[vector<16xi32>, vector<16xi32>], vector<16xf32>,
        %add3A_975 = arith.constant 23 : i32
        %add3A_976 = vector.broadcast %add3A_975 : i32 to vector<16xi32>
        %add3A_977 = arith.addi %mul3A_646, %add3A_976 : vector<16xi32>
        %scatter3A_978 = arith.constant 0 : i32
        %scatter3A_979 = tpu.memref_slice %arg8[%scan3A_418, %scatter3A_978] : memref<2x8192xf32, #tpu.memory_space<vmem>> -> memref<1x8192xf32, #tpu.memory_space<vmem>>
        %scatter3A_980 = tpu.memref_squeeze %scatter3A_979 : memref<1x8192xf32, #tpu.memory_space<vmem>> -> memref<8192xf32, #tpu.memory_space<vmem>>
        tpu.vector_store_idx %scatter3A_980[%add3A_977], %gather3A_974 : memref<8192xf32, #tpu.memory_space<vmem>>[vector<16xi32>], vector<16xf32>,
        %add3A_981 = arith.constant 24 : i32
        %add3A_982 = vector.broadcast %add3A_981 : i32 to vector<16xi32>
        %add3A_983 = arith.addi %get3A_643, %add3A_982 : vector<16xi32>
        %gather3A_984 = arith.constant 0 : i32
        %gather3A_985 = arith.constant 0 : i32
        %gather3A_986 = tpu.memref_slice %arg7[%scan3A_417, %gather3A_984, %gather3A_985] : memref<4x256x64xf32, #tpu.memory_space<vmem>> -> memref<1x256x64xf32, #tpu.memory_space<vmem>>
        %gather3A_987 = tpu.memref_squeeze %gather3A_986 : memref<1x256x64xf32, #tpu.memory_space<vmem>> -> memref<256x64xf32, #tpu.memory_space<vmem>>
        %gather3A_988 = tpu.vector_load_idx %gather3A_987[%add3A_636, %add3A_983] : memref<256x64xf32, #tpu.memory_space<vmem>>[vector<16xi32>, vector<16xi32>], vector<16xf32>,
        %add3A_989 = arith.constant 24 : i32
        %add3A_990 = vector.broadcast %add3A_989 : i32 to vector<16xi32>
        %add3A_991 = arith.addi %mul3A_646, %add3A_990 : vector<16xi32>
        %scatter3A_992 = arith.constant 0 : i32
        %scatter3A_993 = tpu.memref_slice %arg8[%scan3A_418, %scatter3A_992] : memref<2x8192xf32, #tpu.memory_space<vmem>> -> memref<1x8192xf32, #tpu.memory_space<vmem>>
        %scatter3A_994 = tpu.memref_squeeze %scatter3A_993 : memref<1x8192xf32, #tpu.memory_space<vmem>> -> memref<8192xf32, #tpu.memory_space<vmem>>
        tpu.vector_store_idx %scatter3A_994[%add3A_991], %gather3A_988 : memref<8192xf32, #tpu.memory_space<vmem>>[vector<16xi32>], vector<16xf32>,
        %add3A_995 = arith.constant 25 : i32
        %add3A_996 = vector.broadcast %add3A_995 : i32 to vector<16xi32>
        %add3A_997 = arith.addi %get3A_643, %add3A_996 : vector<16xi32>
        %gather3A_998 = arith.constant 0 : i32
        %gather3A_999 = arith.constant 0 : i32
        %gather3A_1000 = tpu.memref_slice %arg7[%scan3A_417, %gather3A_998, %gather3A_999] : memref<4x256x64xf32, #tpu.memory_space<vmem>> -> memref<1x256x64xf32, #tpu.memory_space<vmem>>
        %gather3A_1001 = tpu.memref_squeeze %gather3A_1000 : memref<1x256x64xf32, #tpu.memory_space<vmem>> -> memref<256x64xf32, #tpu.memory_space<vmem>>
        %gather3A_1002 = tpu.vector_load_idx %gather3A_1001[%add3A_636, %add3A_997] : memref<256x64xf32, #tpu.memory_space<vmem>>[vector<16xi32>, vector<16xi32>], vector<16xf32>,
        %add3A_1003 = arith.constant 25 : i32
        %add3A_1004 = vector.broadcast %add3A_1003 : i32 to vector<16xi32>
        %add3A_1005 = arith.addi %mul3A_646, %add3A_1004 : vector<16xi32>
        %scatter3A_1006 = arith.constant 0 : i32
        %scatter3A_1007 = tpu.memref_slice %arg8[%scan3A_418, %scatter3A_1006] : memref<2x8192xf32, #tpu.memory_space<vmem>> -> memref<1x8192xf32, #tpu.memory_space<vmem>>
        %scatter3A_1008 = tpu.memref_squeeze %scatter3A_1007 : memref<1x8192xf32, #tpu.memory_space<vmem>> -> memref<8192xf32, #tpu.memory_space<vmem>>
        tpu.vector_store_idx %scatter3A_1008[%add3A_1005], %gather3A_1002 : memref<8192xf32, #tpu.memory_space<vmem>>[vector<16xi32>], vector<16xf32>,
        %add3A_1009 = arith.constant 26 : i32
        %add3A_1010 = vector.broadcast %add3A_1009 : i32 to vector<16xi32>
        %add3A_1011 = arith.addi %get3A_643, %add3A_1010 : vector<16xi32>
        %gather3A_1012 = arith.constant 0 : i32
        %gather3A_1013 = arith.constant 0 : i32
        %gather3A_1014 = tpu.memref_slice %arg7[%scan3A_417, %gather3A_1012, %gather3A_1013] : memref<4x256x64xf32, #tpu.memory_space<vmem>> -> memref<1x256x64xf32, #tpu.memory_space<vmem>>
        %gather3A_1015 = tpu.memref_squeeze %gather3A_1014 : memref<1x256x64xf32, #tpu.memory_space<vmem>> -> memref<256x64xf32, #tpu.memory_space<vmem>>
        %gather3A_1016 = tpu.vector_load_idx %gather3A_1015[%add3A_636, %add3A_1011] : memref<256x64xf32, #tpu.memory_space<vmem>>[vector<16xi32>, vector<16xi32>], vector<16xf32>,
        %add3A_1017 = arith.constant 26 : i32
        %add3A_1018 = vector.broadcast %add3A_1017 : i32 to vector<16xi32>
        %add3A_1019 = arith.addi %mul3A_646, %add3A_1018 : vector<16xi32>
        %scatter3A_1020 = arith.constant 0 : i32
        %scatter3A_1021 = tpu.memref_slice %arg8[%scan3A_418, %scatter3A_1020] : memref<2x8192xf32, #tpu.memory_space<vmem>> -> memref<1x8192xf32, #tpu.memory_space<vmem>>
        %scatter3A_1022 = tpu.memref_squeeze %scatter3A_1021 : memref<1x8192xf32, #tpu.memory_space<vmem>> -> memref<8192xf32, #tpu.memory_space<vmem>>
        tpu.vector_store_idx %scatter3A_1022[%add3A_1019], %gather3A_1016 : memref<8192xf32, #tpu.memory_space<vmem>>[vector<16xi32>], vector<16xf32>,
        %add3A_1023 = arith.constant 27 : i32
        %add3A_1024 = vector.broadcast %add3A_1023 : i32 to vector<16xi32>
        %add3A_1025 = arith.addi %get3A_643, %add3A_1024 : vector<16xi32>
        %gather3A_1026 = arith.constant 0 : i32
        %gather3A_1027 = arith.constant 0 : i32
        %gather3A_1028 = tpu.memref_slice %arg7[%scan3A_417, %gather3A_1026, %gather3A_1027] : memref<4x256x64xf32, #tpu.memory_space<vmem>> -> memref<1x256x64xf32, #tpu.memory_space<vmem>>
        %gather3A_1029 = tpu.memref_squeeze %gather3A_1028 : memref<1x256x64xf32, #tpu.memory_space<vmem>> -> memref<256x64xf32, #tpu.memory_space<vmem>>
        %gather3A_1030 = tpu.vector_load_idx %gather3A_1029[%add3A_636, %add3A_1025] : memref<256x64xf32, #tpu.memory_space<vmem>>[vector<16xi32>, vector<16xi32>], vector<16xf32>,
        %add3A_1031 = arith.constant 27 : i32
        %add3A_1032 = vector.broadcast %add3A_1031 : i32 to vector<16xi32>
        %add3A_1033 = arith.addi %mul3A_646, %add3A_1032 : vector<16xi32>
        %scatter3A_1034 = arith.constant 0 : i32
        %scatter3A_1035 = tpu.memref_slice %arg8[%scan3A_418, %scatter3A_1034] : memref<2x8192xf32, #tpu.memory_space<vmem>> -> memref<1x8192xf32, #tpu.memory_space<vmem>>
        %scatter3A_1036 = tpu.memref_squeeze %scatter3A_1035 : memref<1x8192xf32, #tpu.memory_space<vmem>> -> memref<8192xf32, #tpu.memory_space<vmem>>
        tpu.vector_store_idx %scatter3A_1036[%add3A_1033], %gather3A_1030 : memref<8192xf32, #tpu.memory_space<vmem>>[vector<16xi32>], vector<16xf32>,
        %add3A_1037 = arith.constant 28 : i32
        %add3A_1038 = vector.broadcast %add3A_1037 : i32 to vector<16xi32>
        %add3A_1039 = arith.addi %get3A_643, %add3A_1038 : vector<16xi32>
        %gather3A_1040 = arith.constant 0 : i32
        %gather3A_1041 = arith.constant 0 : i32
        %gather3A_1042 = tpu.memref_slice %arg7[%scan3A_417, %gather3A_1040, %gather3A_1041] : memref<4x256x64xf32, #tpu.memory_space<vmem>> -> memref<1x256x64xf32, #tpu.memory_space<vmem>>
        %gather3A_1043 = tpu.memref_squeeze %gather3A_1042 : memref<1x256x64xf32, #tpu.memory_space<vmem>> -> memref<256x64xf32, #tpu.memory_space<vmem>>
        %gather3A_1044 = tpu.vector_load_idx %gather3A_1043[%add3A_636, %add3A_1039] : memref<256x64xf32, #tpu.memory_space<vmem>>[vector<16xi32>, vector<16xi32>], vector<16xf32>,
        %add3A_1045 = arith.constant 28 : i32
        %add3A_1046 = vector.broadcast %add3A_1045 : i32 to vector<16xi32>
        %add3A_1047 = arith.addi %mul3A_646, %add3A_1046 : vector<16xi32>
        %scatter3A_1048 = arith.constant 0 : i32
        %scatter3A_1049 = tpu.memref_slice %arg8[%scan3A_418, %scatter3A_1048] : memref<2x8192xf32, #tpu.memory_space<vmem>> -> memref<1x8192xf32, #tpu.memory_space<vmem>>
        %scatter3A_1050 = tpu.memref_squeeze %scatter3A_1049 : memref<1x8192xf32, #tpu.memory_space<vmem>> -> memref<8192xf32, #tpu.memory_space<vmem>>
        tpu.vector_store_idx %scatter3A_1050[%add3A_1047], %gather3A_1044 : memref<8192xf32, #tpu.memory_space<vmem>>[vector<16xi32>], vector<16xf32>,
        %add3A_1051 = arith.constant 29 : i32
        %add3A_1052 = vector.broadcast %add3A_1051 : i32 to vector<16xi32>
        %add3A_1053 = arith.addi %get3A_643, %add3A_1052 : vector<16xi32>
        %gather3A_1054 = arith.constant 0 : i32
        %gather3A_1055 = arith.constant 0 : i32
        %gather3A_1056 = tpu.memref_slice %arg7[%scan3A_417, %gather3A_1054, %gather3A_1055] : memref<4x256x64xf32, #tpu.memory_space<vmem>> -> memref<1x256x64xf32, #tpu.memory_space<vmem>>
        %gather3A_1057 = tpu.memref_squeeze %gather3A_1056 : memref<1x256x64xf32, #tpu.memory_space<vmem>> -> memref<256x64xf32, #tpu.memory_space<vmem>>
        %gather3A_1058 = tpu.vector_load_idx %gather3A_1057[%add3A_636, %add3A_1053] : memref<256x64xf32, #tpu.memory_space<vmem>>[vector<16xi32>, vector<16xi32>], vector<16xf32>,
        %add3A_1059 = arith.constant 29 : i32
        %add3A_1060 = vector.broadcast %add3A_1059 : i32 to vector<16xi32>
        %add3A_1061 = arith.addi %mul3A_646, %add3A_1060 : vector<16xi32>
        %scatter3A_1062 = arith.constant 0 : i32
        %scatter3A_1063 = tpu.memref_slice %arg8[%scan3A_418, %scatter3A_1062] : memref<2x8192xf32, #tpu.memory_space<vmem>> -> memref<1x8192xf32, #tpu.memory_space<vmem>>
        %scatter3A_1064 = tpu.memref_squeeze %scatter3A_1063 : memref<1x8192xf32, #tpu.memory_space<vmem>> -> memref<8192xf32, #tpu.memory_space<vmem>>
        tpu.vector_store_idx %scatter3A_1064[%add3A_1061], %gather3A_1058 : memref<8192xf32, #tpu.memory_space<vmem>>[vector<16xi32>], vector<16xf32>,
        %add3A_1065 = arith.constant 30 : i32
        %add3A_1066 = vector.broadcast %add3A_1065 : i32 to vector<16xi32>
        %add3A_1067 = arith.addi %get3A_643, %add3A_1066 : vector<16xi32>
        %gather3A_1068 = arith.constant 0 : i32
        %gather3A_1069 = arith.constant 0 : i32
        %gather3A_1070 = tpu.memref_slice %arg7[%scan3A_417, %gather3A_1068, %gather3A_1069] : memref<4x256x64xf32, #tpu.memory_space<vmem>> -> memref<1x256x64xf32, #tpu.memory_space<vmem>>
        %gather3A_1071 = tpu.memref_squeeze %gather3A_1070 : memref<1x256x64xf32, #tpu.memory_space<vmem>> -> memref<256x64xf32, #tpu.memory_space<vmem>>
        %gather3A_1072 = tpu.vector_load_idx %gather3A_1071[%add3A_636, %add3A_1067] : memref<256x64xf32, #tpu.memory_space<vmem>>[vector<16xi32>, vector<16xi32>], vector<16xf32>,
        %add3A_1073 = arith.constant 30 : i32
        %add3A_1074 = vector.broadcast %add3A_1073 : i32 to vector<16xi32>
        %add3A_1075 = arith.addi %mul3A_646, %add3A_1074 : vector<16xi32>
        %scatter3A_1076 = arith.constant 0 : i32
        %scatter3A_1077 = tpu.memref_slice %arg8[%scan3A_418, %scatter3A_1076] : memref<2x8192xf32, #tpu.memory_space<vmem>> -> memref<1x8192xf32, #tpu.memory_space<vmem>>
        %scatter3A_1078 = tpu.memref_squeeze %scatter3A_1077 : memref<1x8192xf32, #tpu.memory_space<vmem>> -> memref<8192xf32, #tpu.memory_space<vmem>>
        tpu.vector_store_idx %scatter3A_1078[%add3A_1075], %gather3A_1072 : memref<8192xf32, #tpu.memory_space<vmem>>[vector<16xi32>], vector<16xf32>,
        %add3A_1079 = arith.constant 31 : i32
        %add3A_1080 = vector.broadcast %add3A_1079 : i32 to vector<16xi32>
        %add3A_1081 = arith.addi %get3A_643, %add3A_1080 : vector<16xi32>
        %gather3A_1082 = arith.constant 0 : i32
        %gather3A_1083 = arith.constant 0 : i32
        %gather3A_1084 = tpu.memref_slice %arg7[%scan3A_417, %gather3A_1082, %gather3A_1083] : memref<4x256x64xf32, #tpu.memory_space<vmem>> -> memref<1x256x64xf32, #tpu.memory_space<vmem>>
        %gather3A_1085 = tpu.memref_squeeze %gather3A_1084 : memref<1x256x64xf32, #tpu.memory_space<vmem>> -> memref<256x64xf32, #tpu.memory_space<vmem>>
        %gather3A_1086 = tpu.vector_load_idx %gather3A_1085[%add3A_636, %add3A_1081] : memref<256x64xf32, #tpu.memory_space<vmem>>[vector<16xi32>, vector<16xi32>], vector<16xf32>,
        %add3A_1087 = arith.constant 31 : i32
        %add3A_1088 = vector.broadcast %add3A_1087 : i32 to vector<16xi32>
        %add3A_1089 = arith.addi %mul3A_646, %add3A_1088 : vector<16xi32>
        %scatter3A_1090 = arith.constant 0 : i32
        %scatter3A_1091 = tpu.memref_slice %arg8[%scan3A_418, %scatter3A_1090] : memref<2x8192xf32, #tpu.memory_space<vmem>> -> memref<1x8192xf32, #tpu.memory_space<vmem>>
        %scatter3A_1092 = tpu.memref_squeeze %scatter3A_1091 : memref<1x8192xf32, #tpu.memory_space<vmem>> -> memref<8192xf32, #tpu.memory_space<vmem>>
        tpu.vector_store_idx %scatter3A_1092[%add3A_1089], %gather3A_1086 : memref<8192xf32, #tpu.memory_space<vmem>>[vector<16xi32>], vector<16xf32>,
      }
      %scan3A_423 = arith.constant 16 : i32
      %add3A_424 = arith.constant 1 : i32
      %add3A_425 = arith.addi %mul3A_296, %add3A_424 : i32
      %mul3A_426 = arith.constant 256 : i32
      %mul3A_427 = arith.muli %add3A_425, %mul3A_426 : i32
      %add3A_428 = arith.addi %mul3A_2, %mul3A_427 : i32
      %mul3A_429 = arith.constant 32 : i32
      %mul3A_430 = arith.muli %add3A_428, %mul3A_429 : i32
      %dma_start3A_431 = arith.constant 1 : i32
      %dma_start3A_432 = arith.constant 1 : i32
      %dma_start3A_433 = arith.constant 0 : i32
      %dma_start3A_434 = tpu.memref_slice %arg8[%dma_start3A_431, %dma_start3A_433] : memref<2x8192xf32, #tpu.memory_space<vmem>> -> memref<1x8192xf32, #tpu.memory_space<vmem>>
      %dma_start3A_435 = tpu.memref_squeeze %dma_start3A_434 : memref<1x8192xf32, #tpu.memory_space<vmem>> -> memref<8192xf32, #tpu.memory_space<vmem>>
      %dma_start3A_436 = tpu.memref_slice %arg5[%mul3A_430] : memref<13631488xf32, #tpu.memory_space<hbm>> -> memref<8192xf32, #tpu.memory_space<hbm>>
      %dma_start3A_437 = tpu.memref_slice %arg11[%dma_start3A_432] : memref<2x!tpu.dma_semaphore, #tpu.memory_space<semaphore_mem>> -> memref<1x!tpu.dma_semaphore, #tpu.memory_space<semaphore_mem>>
      %dma_start3A_438 = tpu.memref_squeeze %dma_start3A_437 : memref<1x!tpu.dma_semaphore, #tpu.memory_space<semaphore_mem>> -> memref<!tpu.dma_semaphore, #tpu.memory_space<semaphore_mem>>
      %dma_start3A_439 = tpu.memref_slice %arg5[%mul3A_430] : memref<13631488xf32, #tpu.memory_space<hbm>> -> memref<8192xf32, #tpu.memory_space<hbm>>
      %dma_start3A_440 = arith.constant 0 : i32
      %dma_start3A_441 = tpu.memref_slice %arg8[%dma_start3A_431, %dma_start3A_440] : memref<2x8192xf32, #tpu.memory_space<vmem>> -> memref<1x8192xf32, #tpu.memory_space<vmem>>
      %dma_start3A_442 = tpu.memref_squeeze %dma_start3A_441 : memref<1x8192xf32, #tpu.memory_space<vmem>> -> memref<8192xf32, #tpu.memory_space<vmem>>
      tpu.enqueue_dma source(%dma_start3A_442 : memref<8192xf32, #tpu.memory_space<vmem>>) target(%dma_start3A_439 : memref<8192xf32, #tpu.memory_space<hbm>>) target_semaphore(%dma_start3A_438 : memref<!tpu.dma_semaphore, #tpu.memory_space<semaphore_mem>>)
      %lt3A_443 = arith.constant 12 : i32
      %lt3A_444 = arith.cmpi slt, %scan3A_294, %lt3A_443 : i32
      %convert_element_type3A_445 = arith.extui %lt3A_444 : i1 to i32
      %cond3A_446 = arith.constant 0 : i32
      %cond3A_447 = arith.cmpi ne, %convert_element_type3A_445, %cond3A_446 : i32
      scf.if %cond3A_447 {
        %add3A_632 = arith.constant 4 : i32
        %add3A_633 = arith.addi %mul3A_296, %add3A_632 : i32
        %add3A_634 = arith.constant 1 : i32
        %add3A_635 = arith.addi %add3A_633, %add3A_634 : i32
        %mul3A_636 = arith.constant 256 : i32
        %mul3A_637 = arith.muli %add3A_635, %mul3A_636 : i32
        %add3A_638 = arith.addi %mul3A_2, %mul3A_637 : i32
        %dma_wait3A_639 = arith.constant 1 : i32
        %dma_wait3A_640 = arith.constant 0 : i32
        %dma_wait3A_641 = arith.constant 1 : i32
        %dma_wait3A_642 = arith.constant 0 : i32
        %dma_wait3A_643 = arith.constant 0 : i32
        %dma_wait3A_644 = tpu.memref_slice %arg6[%dma_wait3A_639, %dma_wait3A_640, %dma_wait3A_643] : memref<4x2x256xi32, #tpu.memory_space<vmem>> -> memref<1x1x256xi32, #tpu.memory_space<vmem>>
        %dma_wait3A_645 = tpu.memref_squeeze %dma_wait3A_644 : memref<1x1x256xi32, #tpu.memory_space<vmem>> -> memref<256xi32, #tpu.memory_space<vmem>>
        %dma_wait3A_646 = tpu.memref_slice %arg2[%add3A_638] : memref<425984xi32, #tpu.memory_space<hbm>> -> memref<256xi32, #tpu.memory_space<hbm>>
        %dma_wait3A_647 = tpu.memref_slice %arg9[%dma_wait3A_641, %dma_wait3A_642] : memref<4x2x!tpu.dma_semaphore, #tpu.memory_space<semaphore_mem>> -> memref<1x1x!tpu.dma_semaphore, #tpu.memory_space<semaphore_mem>>
        %dma_wait3A_648 = tpu.memref_squeeze %dma_wait3A_647 : memref<1x1x!tpu.dma_semaphore, #tpu.memory_space<semaphore_mem>> -> memref<!tpu.dma_semaphore, #tpu.memory_space<semaphore_mem>>
        %dma_wait3A_649 = arith.constant 0 : i32
        %dma_wait3A_650 = tpu.memref_slice %arg6[%dma_wait3A_639, %dma_wait3A_640, %dma_wait3A_649] : memref<4x2x256xi32, #tpu.memory_space<vmem>> -> memref<1x1x256xi32, #tpu.memory_space<vmem>>
        %dma_wait3A_651 = tpu.memref_squeeze %dma_wait3A_650 : memref<1x1x256xi32, #tpu.memory_space<vmem>> -> memref<256xi32, #tpu.memory_space<vmem>>
        %dma_wait3A_652 = tpu.memref_slice %arg2[%add3A_638] : memref<425984xi32, #tpu.memory_space<hbm>> -> memref<256xi32, #tpu.memory_space<hbm>>
        tpu.wait_dma2 semaphore(%dma_wait3A_648 : memref<!tpu.dma_semaphore, #tpu.memory_space<semaphore_mem>>) src(%dma_wait3A_652 : memref<256xi32, #tpu.memory_space<hbm>>) dst(%dma_wait3A_651 : memref<256xi32, #tpu.memory_space<vmem>>)
        %add3A_653 = arith.constant 4 : i32
        %add3A_654 = arith.addi %mul3A_296, %add3A_653 : i32
        %add3A_655 = arith.constant 1 : i32
        %add3A_656 = arith.addi %add3A_654, %add3A_655 : i32
        %mul3A_657 = arith.constant 256 : i32
        %mul3A_658 = arith.muli %add3A_656, %mul3A_657 : i32
        %add3A_659 = arith.addi %mul3A_2, %mul3A_658 : i32
        %dma_start3A_660 = arith.constant 1 : i32
        %dma_start3A_661 = arith.constant 1 : i32
        %dma_start3A_662 = arith.constant 1 : i32
        %dma_start3A_663 = arith.constant 1 : i32
        %dma_start3A_664 = arith.constant 0 : i32
        %dma_start3A_665 = tpu.memref_slice %arg6[%dma_start3A_660, %dma_start3A_661, %dma_start3A_664] : memref<4x2x256xi32, #tpu.memory_space<vmem>> -> memref<1x1x256xi32, #tpu.memory_space<vmem>>
        %dma_start3A_666 = tpu.memref_squeeze %dma_start3A_665 : memref<1x1x256xi32, #tpu.memory_space<vmem>> -> memref<256xi32, #tpu.memory_space<vmem>>
        %dma_start3A_667 = tpu.memref_slice %arg3[%add3A_659] : memref<425984xi32, #tpu.memory_space<hbm>> -> memref<256xi32, #tpu.memory_space<hbm>>
        %dma_start3A_668 = tpu.memref_slice %arg9[%dma_start3A_662, %dma_start3A_663] : memref<4x2x!tpu.dma_semaphore, #tpu.memory_space<semaphore_mem>> -> memref<1x1x!tpu.dma_semaphore, #tpu.memory_space<semaphore_mem>>
        %dma_start3A_669 = tpu.memref_squeeze %dma_start3A_668 : memref<1x1x!tpu.dma_semaphore, #tpu.memory_space<semaphore_mem>> -> memref<!tpu.dma_semaphore, #tpu.memory_space<semaphore_mem>>
        %dma_start3A_670 = arith.constant 0 : i32
        %dma_start3A_671 = tpu.memref_slice %arg6[%dma_start3A_660, %dma_start3A_661, %dma_start3A_670] : memref<4x2x256xi32, #tpu.memory_space<vmem>> -> memref<1x1x256xi32, #tpu.memory_space<vmem>>
        %dma_start3A_672 = tpu.memref_squeeze %dma_start3A_671 : memref<1x1x256xi32, #tpu.memory_space<vmem>> -> memref<256xi32, #tpu.memory_space<vmem>>
        %dma_start3A_673 = tpu.memref_slice %arg3[%add3A_659] : memref<425984xi32, #tpu.memory_space<hbm>> -> memref<256xi32, #tpu.memory_space<hbm>>
        tpu.enqueue_dma source(%dma_start3A_673 : memref<256xi32, #tpu.memory_space<hbm>>) target(%dma_start3A_672 : memref<256xi32, #tpu.memory_space<vmem>>) target_semaphore(%dma_start3A_669 : memref<!tpu.dma_semaphore, #tpu.memory_space<semaphore_mem>>)
        %dma_start3A_674 = arith.constant 1 : i32
        %dma_start3A_675 = arith.constant 0 : i32
        %dma_start3A_676 = arith.constant 1 : i32
        %dma_start3A_677 = arith.constant 1 : i32
        %dma_start3A_678 = arith.constant 0 : i32
        %dma_start3A_679 = arith.constant 0 : i32
        %dma_start3A_680 = tpu.memref_slice %arg7[%dma_start3A_676, %dma_start3A_678, %dma_start3A_679] : memref<4x256x64xf32, #tpu.memory_space<vmem>> -> memref<1x256x64xf32, #tpu.memory_space<vmem>>
        %dma_start3A_681 = tpu.memref_squeeze %dma_start3A_680 : memref<1x256x64xf32, #tpu.memory_space<vmem>> -> memref<256x64xf32, #tpu.memory_space<vmem>>
        %dma_start3A_682 = arith.constant 0 : i32
        %dma_start3A_683 = tpu.memref_slice %arg6[%dma_start3A_674, %dma_start3A_675, %dma_start3A_682] : memref<4x2x256xi32, #tpu.memory_space<vmem>> -> memref<1x1x256xi32, #tpu.memory_space<vmem>>
        %dma_start3A_684 = tpu.memref_squeeze %dma_start3A_683 : memref<1x1x256xi32, #tpu.memory_space<vmem>> -> memref<256xi32, #tpu.memory_space<vmem>>
        %dma_start3A_685 = arith.constant 0 : i32
        %dma_start3A_686 = arith.constant 0 : i32
        %dma_start3A_687 = tpu.memref_slice %arg4[%dma_start3A_685, %dma_start3A_686] : memref<1300013x64xf32, #tpu.memory_space<hbm>> -> memref<1300013x64xf32, #tpu.memory_space<hbm>>
        %dma_start3A_688 = tpu.memref_slice %arg10[%dma_start3A_677] : memref<4x!tpu.dma_semaphore, #tpu.memory_space<semaphore_mem>> -> memref<1x!tpu.dma_semaphore, #tpu.memory_space<semaphore_mem>>
        %dma_start3A_689 = tpu.memref_squeeze %dma_start3A_688 : memref<1x!tpu.dma_semaphore, #tpu.memory_space<semaphore_mem>> -> memref<!tpu.dma_semaphore, #tpu.memory_space<semaphore_mem>>
        tpu.enqueue_indirect_dma source(%dma_start3A_687 : memref<1300013x64xf32, #tpu.memory_space<hbm>>) target(%dma_start3A_681 : memref<256x64xf32, #tpu.memory_space<vmem>>) offsets(%dma_start3A_684 : memref<256xi32, #tpu.memory_space<vmem>>) semaphore(%dma_start3A_689 : memref<!tpu.dma_semaphore, #tpu.memory_space<semaphore_mem>>)
      } else {
      }
      %dma_wait3A_448 = arith.constant 2 : i32
      %dma_wait3A_449 = arith.constant 0 : i32
      %dma_wait3A_450 = arith.constant 2 : i32
      %dma_wait3A_451 = arith.constant 2 : i32
      %dma_wait3A_452 = arith.constant 0 : i32
      %dma_wait3A_453 = arith.constant 0 : i32
      %dma_wait3A_454 = tpu.memref_slice %arg7[%dma_wait3A_450, %dma_wait3A_452, %dma_wait3A_453] : memref<4x256x64xf32, #tpu.memory_space<vmem>> -> memref<1x256x64xf32, #tpu.memory_space<vmem>>
      %dma_wait3A_455 = tpu.memref_squeeze %dma_wait3A_454 : memref<1x256x64xf32, #tpu.memory_space<vmem>> -> memref<256x64xf32, #tpu.memory_space<vmem>>
      %dma_wait3A_456 = arith.constant 0 : i32
      %dma_wait3A_457 = tpu.memref_slice %arg6[%dma_wait3A_448, %dma_wait3A_449, %dma_wait3A_456] : memref<4x2x256xi32, #tpu.memory_space<vmem>> -> memref<1x1x256xi32, #tpu.memory_space<vmem>>
      %dma_wait3A_458 = tpu.memref_squeeze %dma_wait3A_457 : memref<1x1x256xi32, #tpu.memory_space<vmem>> -> memref<256xi32, #tpu.memory_space<vmem>>
      %dma_wait3A_459 = arith.constant 0 : i32
      %dma_wait3A_460 = arith.constant 0 : i32
      %dma_wait3A_461 = tpu.memref_slice %arg4[%dma_wait3A_459, %dma_wait3A_460] : memref<1300013x64xf32, #tpu.memory_space<hbm>> -> memref<1300013x64xf32, #tpu.memory_space<hbm>>
      %dma_wait3A_462 = tpu.memref_slice %arg10[%dma_wait3A_451] : memref<4x!tpu.dma_semaphore, #tpu.memory_space<semaphore_mem>> -> memref<1x!tpu.dma_semaphore, #tpu.memory_space<semaphore_mem>>
      %dma_wait3A_463 = tpu.memref_squeeze %dma_wait3A_462 : memref<1x!tpu.dma_semaphore, #tpu.memory_space<semaphore_mem>> -> memref<!tpu.dma_semaphore, #tpu.memory_space<semaphore_mem>>
      tpu.wait_indirect_dma semaphore(%dma_wait3A_463 : memref<!tpu.dma_semaphore, #tpu.memory_space<semaphore_mem>>) src(%dma_wait3A_461 : memref<1300013x64xf32, #tpu.memory_space<hbm>>) dst(%dma_wait3A_455 : memref<256x64xf32, #tpu.memory_space<vmem>>)
      %lt3A_464 = arith.constant 12 : i32
      %lt3A_465 = arith.cmpi slt, %scan3A_294, %lt3A_464 : i32
      %convert_element_type3A_466 = arith.extui %lt3A_465 : i1 to i32
      %cond3A_467 = arith.constant 0 : i32
      %cond3A_468 = arith.cmpi ne, %convert_element_type3A_466, %cond3A_467 : i32
      scf.if %cond3A_468 {
        %add3A_632 = arith.constant 4 : i32
        %add3A_633 = arith.addi %mul3A_296, %add3A_632 : i32
        %add3A_634 = arith.constant 2 : i32
        %add3A_635 = arith.addi %add3A_633, %add3A_634 : i32
        %mul3A_636 = arith.constant 256 : i32
        %mul3A_637 = arith.muli %add3A_635, %mul3A_636 : i32
        %add3A_638 = arith.addi %mul3A_2, %mul3A_637 : i32
        %dma_start3A_639 = arith.constant 2 : i32
        %dma_start3A_640 = arith.constant 0 : i32
        %dma_start3A_641 = arith.constant 2 : i32
        %dma_start3A_642 = arith.constant 0 : i32
        %dma_start3A_643 = arith.constant 0 : i32
        %dma_start3A_644 = tpu.memref_slice %arg6[%dma_start3A_639, %dma_start3A_640, %dma_start3A_643] : memref<4x2x256xi32, #tpu.memory_space<vmem>> -> memref<1x1x256xi32, #tpu.memory_space<vmem>>
        %dma_start3A_645 = tpu.memref_squeeze %dma_start3A_644 : memref<1x1x256xi32, #tpu.memory_space<vmem>> -> memref<256xi32, #tpu.memory_space<vmem>>
        %dma_start3A_646 = tpu.memref_slice %arg2[%add3A_638] : memref<425984xi32, #tpu.memory_space<hbm>> -> memref<256xi32, #tpu.memory_space<hbm>>
        %dma_start3A_647 = tpu.memref_slice %arg9[%dma_start3A_641, %dma_start3A_642] : memref<4x2x!tpu.dma_semaphore, #tpu.memory_space<semaphore_mem>> -> memref<1x1x!tpu.dma_semaphore, #tpu.memory_space<semaphore_mem>>
        %dma_start3A_648 = tpu.memref_squeeze %dma_start3A_647 : memref<1x1x!tpu.dma_semaphore, #tpu.memory_space<semaphore_mem>> -> memref<!tpu.dma_semaphore, #tpu.memory_space<semaphore_mem>>
        %dma_start3A_649 = arith.constant 0 : i32
        %dma_start3A_650 = tpu.memref_slice %arg6[%dma_start3A_639, %dma_start3A_640, %dma_start3A_649] : memref<4x2x256xi32, #tpu.memory_space<vmem>> -> memref<1x1x256xi32, #tpu.memory_space<vmem>>
        %dma_start3A_651 = tpu.memref_squeeze %dma_start3A_650 : memref<1x1x256xi32, #tpu.memory_space<vmem>> -> memref<256xi32, #tpu.memory_space<vmem>>
        %dma_start3A_652 = tpu.memref_slice %arg2[%add3A_638] : memref<425984xi32, #tpu.memory_space<hbm>> -> memref<256xi32, #tpu.memory_space<hbm>>
        tpu.enqueue_dma source(%dma_start3A_652 : memref<256xi32, #tpu.memory_space<hbm>>) target(%dma_start3A_651 : memref<256xi32, #tpu.memory_space<vmem>>) target_semaphore(%dma_start3A_648 : memref<!tpu.dma_semaphore, #tpu.memory_space<semaphore_mem>>)
      } else {
      }
      %add3A_469 = arith.constant 2 : i32
      %add3A_470 = arith.addi %mul3A_296, %add3A_469 : i32
      %mul3A_471 = arith.constant 256 : i32
      %mul3A_472 = arith.muli %add3A_470, %mul3A_471 : i32
      %add3A_473 = arith.addi %mul3A_2, %mul3A_472 : i32
      %dma_wait3A_474 = arith.constant 2 : i32
      %dma_wait3A_475 = arith.constant 1 : i32
      %dma_wait3A_476 = arith.constant 2 : i32
      %dma_wait3A_477 = arith.constant 1 : i32
      %dma_wait3A_478 = arith.constant 0 : i32
      %dma_wait3A_479 = tpu.memref_slice %arg6[%dma_wait3A_474, %dma_wait3A_475, %dma_wait3A_478] : memref<4x2x256xi32, #tpu.memory_space<vmem>> -> memref<1x1x256xi32, #tpu.memory_space<vmem>>
      %dma_wait3A_480 = tpu.memref_squeeze %dma_wait3A_479 : memref<1x1x256xi32, #tpu.memory_space<vmem>> -> memref<256xi32, #tpu.memory_space<vmem>>
      %dma_wait3A_481 = tpu.memref_slice %arg3[%add3A_473] : memref<425984xi32, #tpu.memory_space<hbm>> -> memref<256xi32, #tpu.memory_space<hbm>>
      %dma_wait3A_482 = tpu.memref_slice %arg9[%dma_wait3A_476, %dma_wait3A_477] : memref<4x2x!tpu.dma_semaphore, #tpu.memory_space<semaphore_mem>> -> memref<1x1x!tpu.dma_semaphore, #tpu.memory_space<semaphore_mem>>
      %dma_wait3A_483 = tpu.memref_squeeze %dma_wait3A_482 : memref<1x1x!tpu.dma_semaphore, #tpu.memory_space<semaphore_mem>> -> memref<!tpu.dma_semaphore, #tpu.memory_space<semaphore_mem>>
      %dma_wait3A_484 = arith.constant 0 : i32
      %dma_wait3A_485 = tpu.memref_slice %arg6[%dma_wait3A_474, %dma_wait3A_475, %dma_wait3A_484] : memref<4x2x256xi32, #tpu.memory_space<vmem>> -> memref<1x1x256xi32, #tpu.memory_space<vmem>>
      %dma_wait3A_486 = tpu.memref_squeeze %dma_wait3A_485 : memref<1x1x256xi32, #tpu.memory_space<vmem>> -> memref<256xi32, #tpu.memory_space<vmem>>
      %dma_wait3A_487 = tpu.memref_slice %arg3[%add3A_473] : memref<425984xi32, #tpu.memory_space<hbm>> -> memref<256xi32, #tpu.memory_space<hbm>>
      tpu.wait_dma2 semaphore(%dma_wait3A_483 : memref<!tpu.dma_semaphore, #tpu.memory_space<semaphore_mem>>) src(%dma_wait3A_487 : memref<256xi32, #tpu.memory_space<hbm>>) dst(%dma_wait3A_486 : memref<256xi32, #tpu.memory_space<vmem>>)
      %add3A_488 = arith.constant 2 : i32
      %add3A_489 = arith.addi %mul3A_296, %add3A_488 : i32
      %mul3A_490 = arith.constant 256 : i32
      %mul3A_491 = arith.muli %add3A_489, %mul3A_490 : i32
      %add3A_492 = arith.addi %mul3A_2, %mul3A_491 : i32
      %mul3A_493 = arith.constant 32 : i32
      %mul3A_494 = arith.muli %add3A_492, %mul3A_493 : i32
      %dma_wait3A_495 = arith.constant 0 : i32
      %dma_wait3A_496 = arith.constant 0 : i32
      %dma_wait3A_497 = arith.constant 0 : i32
      %dma_wait3A_498 = tpu.memref_slice %arg8[%dma_wait3A_495, %dma_wait3A_497] : memref<2x8192xf32, #tpu.memory_space<vmem>> -> memref<1x8192xf32, #tpu.memory_space<vmem>>
      %dma_wait3A_499 = tpu.memref_squeeze %dma_wait3A_498 : memref<1x8192xf32, #tpu.memory_space<vmem>> -> memref<8192xf32, #tpu.memory_space<vmem>>
      %dma_wait3A_500 = tpu.memref_slice %arg5[%mul3A_494] : memref<13631488xf32, #tpu.memory_space<hbm>> -> memref<8192xf32, #tpu.memory_space<hbm>>
      %dma_wait3A_501 = tpu.memref_slice %arg11[%dma_wait3A_496] : memref<2x!tpu.dma_semaphore, #tpu.memory_space<semaphore_mem>> -> memref<1x!tpu.dma_semaphore, #tpu.memory_space<semaphore_mem>>
      %dma_wait3A_502 = tpu.memref_squeeze %dma_wait3A_501 : memref<1x!tpu.dma_semaphore, #tpu.memory_space<semaphore_mem>> -> memref<!tpu.dma_semaphore, #tpu.memory_space<semaphore_mem>>
      %dma_wait3A_503 = tpu.memref_slice %arg5[%mul3A_494] : memref<13631488xf32, #tpu.memory_space<hbm>> -> memref<8192xf32, #tpu.memory_space<hbm>>
      %dma_wait3A_504 = arith.constant 0 : i32
      %dma_wait3A_505 = tpu.memref_slice %arg8[%dma_wait3A_495, %dma_wait3A_504] : memref<2x8192xf32, #tpu.memory_space<vmem>> -> memref<1x8192xf32, #tpu.memory_space<vmem>>
      %dma_wait3A_506 = tpu.memref_squeeze %dma_wait3A_505 : memref<1x8192xf32, #tpu.memory_space<vmem>> -> memref<8192xf32, #tpu.memory_space<vmem>>
      tpu.wait_dma2 semaphore(%dma_wait3A_502 : memref<!tpu.dma_semaphore, #tpu.memory_space<semaphore_mem>>) src(%dma_wait3A_506 : memref<8192xf32, #tpu.memory_space<vmem>>) dst(%dma_wait3A_503 : memref<8192xf32, #tpu.memory_space<hbm>>)
      %iota3A_507 = tpu.iota {dimensions = array<i32: 0>} : vector<16xi32>
      %scan3A_508 = arith.constant 0 : i32
      %scan3A_509 = arith.constant 2 : i32
      %scan3A_510 = arith.constant 0 : i32
      %scan3A_511 = arith.constant 0 : i32
      %scan3A_512 = arith.constant 16 : i32
      %scan3A_513 = arith.addi %scan3A_511, %scan3A_512 : i32
      %scan3A_514 = arith.constant 1 : i32
      scf.for %scan3A_632 = %scan3A_511 to %scan3A_513 step %scan3A_514  : i32 {
        %mul3A_633 = arith.constant 16 : i32
        %mul3A_634 = arith.muli %scan3A_632, %mul3A_633 : i32
        %add3A_635 = vector.broadcast %mul3A_634 : i32 to vector<16xi32>
        %add3A_636 = arith.addi %iota3A_507, %add3A_635 : vector<16xi32>
        %mul3A_637 = arith.constant 16 : i32
        %mul3A_638 = arith.muli %scan3A_632, %mul3A_637 : i32
        %get3A = arith.constant 2 : i32
        %get3A_639 = arith.constant 1 : i32
        %get3A_640 = arith.index_cast %get3A : i32 to index
        %get3A_641 = arith.index_cast %get3A_639 : i32 to index
        %get3A_642 = arith.index_cast %mul3A_638 : i32 to index
        %get3A_643 = tpu.vector_load %arg6[%get3A_640, %get3A_641, %get3A_642] {strides = array<i32>} : memref<4x2x256xi32, #tpu.memory_space<vmem>>, vector<16xi32>,
        %mul3A_644 = arith.constant 32 : i32
        %mul3A_645 = vector.broadcast %mul3A_644 : i32 to vector<16xi32>
        %mul3A_646 = arith.muli %add3A_636, %mul3A_645 : vector<16xi32>
        %add3A_647 = arith.constant 0 : i32
        %add3A_648 = vector.broadcast %add3A_647 : i32 to vector<16xi32>
        %add3A_649 = arith.addi %get3A_643, %add3A_648 : vector<16xi32>
        %gather3A = arith.constant 0 : i32
        %gather3A_650 = arith.constant 0 : i32
        %gather3A_651 = tpu.memref_slice %arg7[%scan3A_509, %gather3A, %gather3A_650] : memref<4x256x64xf32, #tpu.memory_space<vmem>> -> memref<1x256x64xf32, #tpu.memory_space<vmem>>
        %gather3A_652 = tpu.memref_squeeze %gather3A_651 : memref<1x256x64xf32, #tpu.memory_space<vmem>> -> memref<256x64xf32, #tpu.memory_space<vmem>>
        %gather3A_653 = tpu.vector_load_idx %gather3A_652[%add3A_636, %add3A_649] : memref<256x64xf32, #tpu.memory_space<vmem>>[vector<16xi32>, vector<16xi32>], vector<16xf32>,
        %add3A_654 = arith.constant 0 : i32
        %add3A_655 = vector.broadcast %add3A_654 : i32 to vector<16xi32>
        %add3A_656 = arith.addi %mul3A_646, %add3A_655 : vector<16xi32>
        %scatter3A = arith.constant 0 : i32
        %scatter3A_657 = tpu.memref_slice %arg8[%scan3A_510, %scatter3A] : memref<2x8192xf32, #tpu.memory_space<vmem>> -> memref<1x8192xf32, #tpu.memory_space<vmem>>
        %scatter3A_658 = tpu.memref_squeeze %scatter3A_657 : memref<1x8192xf32, #tpu.memory_space<vmem>> -> memref<8192xf32, #tpu.memory_space<vmem>>
        tpu.vector_store_idx %scatter3A_658[%add3A_656], %gather3A_653 : memref<8192xf32, #tpu.memory_space<vmem>>[vector<16xi32>], vector<16xf32>,
        %add3A_659 = arith.constant 1 : i32
        %add3A_660 = vector.broadcast %add3A_659 : i32 to vector<16xi32>
        %add3A_661 = arith.addi %get3A_643, %add3A_660 : vector<16xi32>
        %gather3A_662 = arith.constant 0 : i32
        %gather3A_663 = arith.constant 0 : i32
        %gather3A_664 = tpu.memref_slice %arg7[%scan3A_509, %gather3A_662, %gather3A_663] : memref<4x256x64xf32, #tpu.memory_space<vmem>> -> memref<1x256x64xf32, #tpu.memory_space<vmem>>
        %gather3A_665 = tpu.memref_squeeze %gather3A_664 : memref<1x256x64xf32, #tpu.memory_space<vmem>> -> memref<256x64xf32, #tpu.memory_space<vmem>>
        %gather3A_666 = tpu.vector_load_idx %gather3A_665[%add3A_636, %add3A_661] : memref<256x64xf32, #tpu.memory_space<vmem>>[vector<16xi32>, vector<16xi32>], vector<16xf32>,
        %add3A_667 = arith.constant 1 : i32
        %add3A_668 = vector.broadcast %add3A_667 : i32 to vector<16xi32>
        %add3A_669 = arith.addi %mul3A_646, %add3A_668 : vector<16xi32>
        %scatter3A_670 = arith.constant 0 : i32
        %scatter3A_671 = tpu.memref_slice %arg8[%scan3A_510, %scatter3A_670] : memref<2x8192xf32, #tpu.memory_space<vmem>> -> memref<1x8192xf32, #tpu.memory_space<vmem>>
        %scatter3A_672 = tpu.memref_squeeze %scatter3A_671 : memref<1x8192xf32, #tpu.memory_space<vmem>> -> memref<8192xf32, #tpu.memory_space<vmem>>
        tpu.vector_store_idx %scatter3A_672[%add3A_669], %gather3A_666 : memref<8192xf32, #tpu.memory_space<vmem>>[vector<16xi32>], vector<16xf32>,
        %add3A_673 = arith.constant 2 : i32
        %add3A_674 = vector.broadcast %add3A_673 : i32 to vector<16xi32>
        %add3A_675 = arith.addi %get3A_643, %add3A_674 : vector<16xi32>
        %gather3A_676 = arith.constant 0 : i32
        %gather3A_677 = arith.constant 0 : i32
        %gather3A_678 = tpu.memref_slice %arg7[%scan3A_509, %gather3A_676, %gather3A_677] : memref<4x256x64xf32, #tpu.memory_space<vmem>> -> memref<1x256x64xf32, #tpu.memory_space<vmem>>
        %gather3A_679 = tpu.memref_squeeze %gather3A_678 : memref<1x256x64xf32, #tpu.memory_space<vmem>> -> memref<256x64xf32, #tpu.memory_space<vmem>>
        %gather3A_680 = tpu.vector_load_idx %gather3A_679[%add3A_636, %add3A_675] : memref<256x64xf32, #tpu.memory_space<vmem>>[vector<16xi32>, vector<16xi32>], vector<16xf32>,
        %add3A_681 = arith.constant 2 : i32
        %add3A_682 = vector.broadcast %add3A_681 : i32 to vector<16xi32>
        %add3A_683 = arith.addi %mul3A_646, %add3A_682 : vector<16xi32>
        %scatter3A_684 = arith.constant 0 : i32
        %scatter3A_685 = tpu.memref_slice %arg8[%scan3A_510, %scatter3A_684] : memref<2x8192xf32, #tpu.memory_space<vmem>> -> memref<1x8192xf32, #tpu.memory_space<vmem>>
        %scatter3A_686 = tpu.memref_squeeze %scatter3A_685 : memref<1x8192xf32, #tpu.memory_space<vmem>> -> memref<8192xf32, #tpu.memory_space<vmem>>
        tpu.vector_store_idx %scatter3A_686[%add3A_683], %gather3A_680 : memref<8192xf32, #tpu.memory_space<vmem>>[vector<16xi32>], vector<16xf32>,
        %add3A_687 = arith.constant 3 : i32
        %add3A_688 = vector.broadcast %add3A_687 : i32 to vector<16xi32>
        %add3A_689 = arith.addi %get3A_643, %add3A_688 : vector<16xi32>
        %gather3A_690 = arith.constant 0 : i32
        %gather3A_691 = arith.constant 0 : i32
        %gather3A_692 = tpu.memref_slice %arg7[%scan3A_509, %gather3A_690, %gather3A_691] : memref<4x256x64xf32, #tpu.memory_space<vmem>> -> memref<1x256x64xf32, #tpu.memory_space<vmem>>
        %gather3A_693 = tpu.memref_squeeze %gather3A_692 : memref<1x256x64xf32, #tpu.memory_space<vmem>> -> memref<256x64xf32, #tpu.memory_space<vmem>>
        %gather3A_694 = tpu.vector_load_idx %gather3A_693[%add3A_636, %add3A_689] : memref<256x64xf32, #tpu.memory_space<vmem>>[vector<16xi32>, vector<16xi32>], vector<16xf32>,
        %add3A_695 = arith.constant 3 : i32
        %add3A_696 = vector.broadcast %add3A_695 : i32 to vector<16xi32>
        %add3A_697 = arith.addi %mul3A_646, %add3A_696 : vector<16xi32>
        %scatter3A_698 = arith.constant 0 : i32
        %scatter3A_699 = tpu.memref_slice %arg8[%scan3A_510, %scatter3A_698] : memref<2x8192xf32, #tpu.memory_space<vmem>> -> memref<1x8192xf32, #tpu.memory_space<vmem>>
        %scatter3A_700 = tpu.memref_squeeze %scatter3A_699 : memref<1x8192xf32, #tpu.memory_space<vmem>> -> memref<8192xf32, #tpu.memory_space<vmem>>
        tpu.vector_store_idx %scatter3A_700[%add3A_697], %gather3A_694 : memref<8192xf32, #tpu.memory_space<vmem>>[vector<16xi32>], vector<16xf32>,
        %add3A_701 = arith.constant 4 : i32
        %add3A_702 = vector.broadcast %add3A_701 : i32 to vector<16xi32>
        %add3A_703 = arith.addi %get3A_643, %add3A_702 : vector<16xi32>
        %gather3A_704 = arith.constant 0 : i32
        %gather3A_705 = arith.constant 0 : i32
        %gather3A_706 = tpu.memref_slice %arg7[%scan3A_509, %gather3A_704, %gather3A_705] : memref<4x256x64xf32, #tpu.memory_space<vmem>> -> memref<1x256x64xf32, #tpu.memory_space<vmem>>
        %gather3A_707 = tpu.memref_squeeze %gather3A_706 : memref<1x256x64xf32, #tpu.memory_space<vmem>> -> memref<256x64xf32, #tpu.memory_space<vmem>>
        %gather3A_708 = tpu.vector_load_idx %gather3A_707[%add3A_636, %add3A_703] : memref<256x64xf32, #tpu.memory_space<vmem>>[vector<16xi32>, vector<16xi32>], vector<16xf32>,
        %add3A_709 = arith.constant 4 : i32
        %add3A_710 = vector.broadcast %add3A_709 : i32 to vector<16xi32>
        %add3A_711 = arith.addi %mul3A_646, %add3A_710 : vector<16xi32>
        %scatter3A_712 = arith.constant 0 : i32
        %scatter3A_713 = tpu.memref_slice %arg8[%scan3A_510, %scatter3A_712] : memref<2x8192xf32, #tpu.memory_space<vmem>> -> memref<1x8192xf32, #tpu.memory_space<vmem>>
        %scatter3A_714 = tpu.memref_squeeze %scatter3A_713 : memref<1x8192xf32, #tpu.memory_space<vmem>> -> memref<8192xf32, #tpu.memory_space<vmem>>
        tpu.vector_store_idx %scatter3A_714[%add3A_711], %gather3A_708 : memref<8192xf32, #tpu.memory_space<vmem>>[vector<16xi32>], vector<16xf32>,
        %add3A_715 = arith.constant 5 : i32
        %add3A_716 = vector.broadcast %add3A_715 : i32 to vector<16xi32>
        %add3A_717 = arith.addi %get3A_643, %add3A_716 : vector<16xi32>
        %gather3A_718 = arith.constant 0 : i32
        %gather3A_719 = arith.constant 0 : i32
        %gather3A_720 = tpu.memref_slice %arg7[%scan3A_509, %gather3A_718, %gather3A_719] : memref<4x256x64xf32, #tpu.memory_space<vmem>> -> memref<1x256x64xf32, #tpu.memory_space<vmem>>
        %gather3A_721 = tpu.memref_squeeze %gather3A_720 : memref<1x256x64xf32, #tpu.memory_space<vmem>> -> memref<256x64xf32, #tpu.memory_space<vmem>>
        %gather3A_722 = tpu.vector_load_idx %gather3A_721[%add3A_636, %add3A_717] : memref<256x64xf32, #tpu.memory_space<vmem>>[vector<16xi32>, vector<16xi32>], vector<16xf32>,
        %add3A_723 = arith.constant 5 : i32
        %add3A_724 = vector.broadcast %add3A_723 : i32 to vector<16xi32>
        %add3A_725 = arith.addi %mul3A_646, %add3A_724 : vector<16xi32>
        %scatter3A_726 = arith.constant 0 : i32
        %scatter3A_727 = tpu.memref_slice %arg8[%scan3A_510, %scatter3A_726] : memref<2x8192xf32, #tpu.memory_space<vmem>> -> memref<1x8192xf32, #tpu.memory_space<vmem>>
        %scatter3A_728 = tpu.memref_squeeze %scatter3A_727 : memref<1x8192xf32, #tpu.memory_space<vmem>> -> memref<8192xf32, #tpu.memory_space<vmem>>
        tpu.vector_store_idx %scatter3A_728[%add3A_725], %gather3A_722 : memref<8192xf32, #tpu.memory_space<vmem>>[vector<16xi32>], vector<16xf32>,
        %add3A_729 = arith.constant 6 : i32
        %add3A_730 = vector.broadcast %add3A_729 : i32 to vector<16xi32>
        %add3A_731 = arith.addi %get3A_643, %add3A_730 : vector<16xi32>
        %gather3A_732 = arith.constant 0 : i32
        %gather3A_733 = arith.constant 0 : i32
        %gather3A_734 = tpu.memref_slice %arg7[%scan3A_509, %gather3A_732, %gather3A_733] : memref<4x256x64xf32, #tpu.memory_space<vmem>> -> memref<1x256x64xf32, #tpu.memory_space<vmem>>
        %gather3A_735 = tpu.memref_squeeze %gather3A_734 : memref<1x256x64xf32, #tpu.memory_space<vmem>> -> memref<256x64xf32, #tpu.memory_space<vmem>>
        %gather3A_736 = tpu.vector_load_idx %gather3A_735[%add3A_636, %add3A_731] : memref<256x64xf32, #tpu.memory_space<vmem>>[vector<16xi32>, vector<16xi32>], vector<16xf32>,
        %add3A_737 = arith.constant 6 : i32
        %add3A_738 = vector.broadcast %add3A_737 : i32 to vector<16xi32>
        %add3A_739 = arith.addi %mul3A_646, %add3A_738 : vector<16xi32>
        %scatter3A_740 = arith.constant 0 : i32
        %scatter3A_741 = tpu.memref_slice %arg8[%scan3A_510, %scatter3A_740] : memref<2x8192xf32, #tpu.memory_space<vmem>> -> memref<1x8192xf32, #tpu.memory_space<vmem>>
        %scatter3A_742 = tpu.memref_squeeze %scatter3A_741 : memref<1x8192xf32, #tpu.memory_space<vmem>> -> memref<8192xf32, #tpu.memory_space<vmem>>
        tpu.vector_store_idx %scatter3A_742[%add3A_739], %gather3A_736 : memref<8192xf32, #tpu.memory_space<vmem>>[vector<16xi32>], vector<16xf32>,
        %add3A_743 = arith.constant 7 : i32
        %add3A_744 = vector.broadcast %add3A_743 : i32 to vector<16xi32>
        %add3A_745 = arith.addi %get3A_643, %add3A_744 : vector<16xi32>
        %gather3A_746 = arith.constant 0 : i32
        %gather3A_747 = arith.constant 0 : i32
        %gather3A_748 = tpu.memref_slice %arg7[%scan3A_509, %gather3A_746, %gather3A_747] : memref<4x256x64xf32, #tpu.memory_space<vmem>> -> memref<1x256x64xf32, #tpu.memory_space<vmem>>
        %gather3A_749 = tpu.memref_squeeze %gather3A_748 : memref<1x256x64xf32, #tpu.memory_space<vmem>> -> memref<256x64xf32, #tpu.memory_space<vmem>>
        %gather3A_750 = tpu.vector_load_idx %gather3A_749[%add3A_636, %add3A_745] : memref<256x64xf32, #tpu.memory_space<vmem>>[vector<16xi32>, vector<16xi32>], vector<16xf32>,
        %add3A_751 = arith.constant 7 : i32
        %add3A_752 = vector.broadcast %add3A_751 : i32 to vector<16xi32>
        %add3A_753 = arith.addi %mul3A_646, %add3A_752 : vector<16xi32>
        %scatter3A_754 = arith.constant 0 : i32
        %scatter3A_755 = tpu.memref_slice %arg8[%scan3A_510, %scatter3A_754] : memref<2x8192xf32, #tpu.memory_space<vmem>> -> memref<1x8192xf32, #tpu.memory_space<vmem>>
        %scatter3A_756 = tpu.memref_squeeze %scatter3A_755 : memref<1x8192xf32, #tpu.memory_space<vmem>> -> memref<8192xf32, #tpu.memory_space<vmem>>
        tpu.vector_store_idx %scatter3A_756[%add3A_753], %gather3A_750 : memref<8192xf32, #tpu.memory_space<vmem>>[vector<16xi32>], vector<16xf32>,
        %add3A_757 = arith.constant 8 : i32
        %add3A_758 = vector.broadcast %add3A_757 : i32 to vector<16xi32>
        %add3A_759 = arith.addi %get3A_643, %add3A_758 : vector<16xi32>
        %gather3A_760 = arith.constant 0 : i32
        %gather3A_761 = arith.constant 0 : i32
        %gather3A_762 = tpu.memref_slice %arg7[%scan3A_509, %gather3A_760, %gather3A_761] : memref<4x256x64xf32, #tpu.memory_space<vmem>> -> memref<1x256x64xf32, #tpu.memory_space<vmem>>
        %gather3A_763 = tpu.memref_squeeze %gather3A_762 : memref<1x256x64xf32, #tpu.memory_space<vmem>> -> memref<256x64xf32, #tpu.memory_space<vmem>>
        %gather3A_764 = tpu.vector_load_idx %gather3A_763[%add3A_636, %add3A_759] : memref<256x64xf32, #tpu.memory_space<vmem>>[vector<16xi32>, vector<16xi32>], vector<16xf32>,
        %add3A_765 = arith.constant 8 : i32
        %add3A_766 = vector.broadcast %add3A_765 : i32 to vector<16xi32>
        %add3A_767 = arith.addi %mul3A_646, %add3A_766 : vector<16xi32>
        %scatter3A_768 = arith.constant 0 : i32
        %scatter3A_769 = tpu.memref_slice %arg8[%scan3A_510, %scatter3A_768] : memref<2x8192xf32, #tpu.memory_space<vmem>> -> memref<1x8192xf32, #tpu.memory_space<vmem>>
        %scatter3A_770 = tpu.memref_squeeze %scatter3A_769 : memref<1x8192xf32, #tpu.memory_space<vmem>> -> memref<8192xf32, #tpu.memory_space<vmem>>
        tpu.vector_store_idx %scatter3A_770[%add3A_767], %gather3A_764 : memref<8192xf32, #tpu.memory_space<vmem>>[vector<16xi32>], vector<16xf32>,
        %add3A_771 = arith.constant 9 : i32
        %add3A_772 = vector.broadcast %add3A_771 : i32 to vector<16xi32>
        %add3A_773 = arith.addi %get3A_643, %add3A_772 : vector<16xi32>
        %gather3A_774 = arith.constant 0 : i32
        %gather3A_775 = arith.constant 0 : i32
        %gather3A_776 = tpu.memref_slice %arg7[%scan3A_509, %gather3A_774, %gather3A_775] : memref<4x256x64xf32, #tpu.memory_space<vmem>> -> memref<1x256x64xf32, #tpu.memory_space<vmem>>
        %gather3A_777 = tpu.memref_squeeze %gather3A_776 : memref<1x256x64xf32, #tpu.memory_space<vmem>> -> memref<256x64xf32, #tpu.memory_space<vmem>>
        %gather3A_778 = tpu.vector_load_idx %gather3A_777[%add3A_636, %add3A_773] : memref<256x64xf32, #tpu.memory_space<vmem>>[vector<16xi32>, vector<16xi32>], vector<16xf32>,
        %add3A_779 = arith.constant 9 : i32
        %add3A_780 = vector.broadcast %add3A_779 : i32 to vector<16xi32>
        %add3A_781 = arith.addi %mul3A_646, %add3A_780 : vector<16xi32>
        %scatter3A_782 = arith.constant 0 : i32
        %scatter3A_783 = tpu.memref_slice %arg8[%scan3A_510, %scatter3A_782] : memref<2x8192xf32, #tpu.memory_space<vmem>> -> memref<1x8192xf32, #tpu.memory_space<vmem>>
        %scatter3A_784 = tpu.memref_squeeze %scatter3A_783 : memref<1x8192xf32, #tpu.memory_space<vmem>> -> memref<8192xf32, #tpu.memory_space<vmem>>
        tpu.vector_store_idx %scatter3A_784[%add3A_781], %gather3A_778 : memref<8192xf32, #tpu.memory_space<vmem>>[vector<16xi32>], vector<16xf32>,
        %add3A_785 = arith.constant 10 : i32
        %add3A_786 = vector.broadcast %add3A_785 : i32 to vector<16xi32>
        %add3A_787 = arith.addi %get3A_643, %add3A_786 : vector<16xi32>
        %gather3A_788 = arith.constant 0 : i32
        %gather3A_789 = arith.constant 0 : i32
        %gather3A_790 = tpu.memref_slice %arg7[%scan3A_509, %gather3A_788, %gather3A_789] : memref<4x256x64xf32, #tpu.memory_space<vmem>> -> memref<1x256x64xf32, #tpu.memory_space<vmem>>
        %gather3A_791 = tpu.memref_squeeze %gather3A_790 : memref<1x256x64xf32, #tpu.memory_space<vmem>> -> memref<256x64xf32, #tpu.memory_space<vmem>>
        %gather3A_792 = tpu.vector_load_idx %gather3A_791[%add3A_636, %add3A_787] : memref<256x64xf32, #tpu.memory_space<vmem>>[vector<16xi32>, vector<16xi32>], vector<16xf32>,
        %add3A_793 = arith.constant 10 : i32
        %add3A_794 = vector.broadcast %add3A_793 : i32 to vector<16xi32>
        %add3A_795 = arith.addi %mul3A_646, %add3A_794 : vector<16xi32>
        %scatter3A_796 = arith.constant 0 : i32
        %scatter3A_797 = tpu.memref_slice %arg8[%scan3A_510, %scatter3A_796] : memref<2x8192xf32, #tpu.memory_space<vmem>> -> memref<1x8192xf32, #tpu.memory_space<vmem>>
        %scatter3A_798 = tpu.memref_squeeze %scatter3A_797 : memref<1x8192xf32, #tpu.memory_space<vmem>> -> memref<8192xf32, #tpu.memory_space<vmem>>
        tpu.vector_store_idx %scatter3A_798[%add3A_795], %gather3A_792 : memref<8192xf32, #tpu.memory_space<vmem>>[vector<16xi32>], vector<16xf32>,
        %add3A_799 = arith.constant 11 : i32
        %add3A_800 = vector.broadcast %add3A_799 : i32 to vector<16xi32>
        %add3A_801 = arith.addi %get3A_643, %add3A_800 : vector<16xi32>
        %gather3A_802 = arith.constant 0 : i32
        %gather3A_803 = arith.constant 0 : i32
        %gather3A_804 = tpu.memref_slice %arg7[%scan3A_509, %gather3A_802, %gather3A_803] : memref<4x256x64xf32, #tpu.memory_space<vmem>> -> memref<1x256x64xf32, #tpu.memory_space<vmem>>
        %gather3A_805 = tpu.memref_squeeze %gather3A_804 : memref<1x256x64xf32, #tpu.memory_space<vmem>> -> memref<256x64xf32, #tpu.memory_space<vmem>>
        %gather3A_806 = tpu.vector_load_idx %gather3A_805[%add3A_636, %add3A_801] : memref<256x64xf32, #tpu.memory_space<vmem>>[vector<16xi32>, vector<16xi32>], vector<16xf32>,
        %add3A_807 = arith.constant 11 : i32
        %add3A_808 = vector.broadcast %add3A_807 : i32 to vector<16xi32>
        %add3A_809 = arith.addi %mul3A_646, %add3A_808 : vector<16xi32>
        %scatter3A_810 = arith.constant 0 : i32
        %scatter3A_811 = tpu.memref_slice %arg8[%scan3A_510, %scatter3A_810] : memref<2x8192xf32, #tpu.memory_space<vmem>> -> memref<1x8192xf32, #tpu.memory_space<vmem>>
        %scatter3A_812 = tpu.memref_squeeze %scatter3A_811 : memref<1x8192xf32, #tpu.memory_space<vmem>> -> memref<8192xf32, #tpu.memory_space<vmem>>
        tpu.vector_store_idx %scatter3A_812[%add3A_809], %gather3A_806 : memref<8192xf32, #tpu.memory_space<vmem>>[vector<16xi32>], vector<16xf32>,
        %add3A_813 = arith.constant 12 : i32
        %add3A_814 = vector.broadcast %add3A_813 : i32 to vector<16xi32>
        %add3A_815 = arith.addi %get3A_643, %add3A_814 : vector<16xi32>
        %gather3A_816 = arith.constant 0 : i32
        %gather3A_817 = arith.constant 0 : i32
        %gather3A_818 = tpu.memref_slice %arg7[%scan3A_509, %gather3A_816, %gather3A_817] : memref<4x256x64xf32, #tpu.memory_space<vmem>> -> memref<1x256x64xf32, #tpu.memory_space<vmem>>
        %gather3A_819 = tpu.memref_squeeze %gather3A_818 : memref<1x256x64xf32, #tpu.memory_space<vmem>> -> memref<256x64xf32, #tpu.memory_space<vmem>>
        %gather3A_820 = tpu.vector_load_idx %gather3A_819[%add3A_636, %add3A_815] : memref<256x64xf32, #tpu.memory_space<vmem>>[vector<16xi32>, vector<16xi32>], vector<16xf32>,
        %add3A_821 = arith.constant 12 : i32
        %add3A_822 = vector.broadcast %add3A_821 : i32 to vector<16xi32>
        %add3A_823 = arith.addi %mul3A_646, %add3A_822 : vector<16xi32>
        %scatter3A_824 = arith.constant 0 : i32
        %scatter3A_825 = tpu.memref_slice %arg8[%scan3A_510, %scatter3A_824] : memref<2x8192xf32, #tpu.memory_space<vmem>> -> memref<1x8192xf32, #tpu.memory_space<vmem>>
        %scatter3A_826 = tpu.memref_squeeze %scatter3A_825 : memref<1x8192xf32, #tpu.memory_space<vmem>> -> memref<8192xf32, #tpu.memory_space<vmem>>
        tpu.vector_store_idx %scatter3A_826[%add3A_823], %gather3A_820 : memref<8192xf32, #tpu.memory_space<vmem>>[vector<16xi32>], vector<16xf32>,
        %add3A_827 = arith.constant 13 : i32
        %add3A_828 = vector.broadcast %add3A_827 : i32 to vector<16xi32>
        %add3A_829 = arith.addi %get3A_643, %add3A_828 : vector<16xi32>
        %gather3A_830 = arith.constant 0 : i32
        %gather3A_831 = arith.constant 0 : i32
        %gather3A_832 = tpu.memref_slice %arg7[%scan3A_509, %gather3A_830, %gather3A_831] : memref<4x256x64xf32, #tpu.memory_space<vmem>> -> memref<1x256x64xf32, #tpu.memory_space<vmem>>
        %gather3A_833 = tpu.memref_squeeze %gather3A_832 : memref<1x256x64xf32, #tpu.memory_space<vmem>> -> memref<256x64xf32, #tpu.memory_space<vmem>>
        %gather3A_834 = tpu.vector_load_idx %gather3A_833[%add3A_636, %add3A_829] : memref<256x64xf32, #tpu.memory_space<vmem>>[vector<16xi32>, vector<16xi32>], vector<16xf32>,
        %add3A_835 = arith.constant 13 : i32
        %add3A_836 = vector.broadcast %add3A_835 : i32 to vector<16xi32>
        %add3A_837 = arith.addi %mul3A_646, %add3A_836 : vector<16xi32>
        %scatter3A_838 = arith.constant 0 : i32
        %scatter3A_839 = tpu.memref_slice %arg8[%scan3A_510, %scatter3A_838] : memref<2x8192xf32, #tpu.memory_space<vmem>> -> memref<1x8192xf32, #tpu.memory_space<vmem>>
        %scatter3A_840 = tpu.memref_squeeze %scatter3A_839 : memref<1x8192xf32, #tpu.memory_space<vmem>> -> memref<8192xf32, #tpu.memory_space<vmem>>
        tpu.vector_store_idx %scatter3A_840[%add3A_837], %gather3A_834 : memref<8192xf32, #tpu.memory_space<vmem>>[vector<16xi32>], vector<16xf32>,
        %add3A_841 = arith.constant 14 : i32
        %add3A_842 = vector.broadcast %add3A_841 : i32 to vector<16xi32>
        %add3A_843 = arith.addi %get3A_643, %add3A_842 : vector<16xi32>
        %gather3A_844 = arith.constant 0 : i32
        %gather3A_845 = arith.constant 0 : i32
        %gather3A_846 = tpu.memref_slice %arg7[%scan3A_509, %gather3A_844, %gather3A_845] : memref<4x256x64xf32, #tpu.memory_space<vmem>> -> memref<1x256x64xf32, #tpu.memory_space<vmem>>
        %gather3A_847 = tpu.memref_squeeze %gather3A_846 : memref<1x256x64xf32, #tpu.memory_space<vmem>> -> memref<256x64xf32, #tpu.memory_space<vmem>>
        %gather3A_848 = tpu.vector_load_idx %gather3A_847[%add3A_636, %add3A_843] : memref<256x64xf32, #tpu.memory_space<vmem>>[vector<16xi32>, vector<16xi32>], vector<16xf32>,
        %add3A_849 = arith.constant 14 : i32
        %add3A_850 = vector.broadcast %add3A_849 : i32 to vector<16xi32>
        %add3A_851 = arith.addi %mul3A_646, %add3A_850 : vector<16xi32>
        %scatter3A_852 = arith.constant 0 : i32
        %scatter3A_853 = tpu.memref_slice %arg8[%scan3A_510, %scatter3A_852] : memref<2x8192xf32, #tpu.memory_space<vmem>> -> memref<1x8192xf32, #tpu.memory_space<vmem>>
        %scatter3A_854 = tpu.memref_squeeze %scatter3A_853 : memref<1x8192xf32, #tpu.memory_space<vmem>> -> memref<8192xf32, #tpu.memory_space<vmem>>
        tpu.vector_store_idx %scatter3A_854[%add3A_851], %gather3A_848 : memref<8192xf32, #tpu.memory_space<vmem>>[vector<16xi32>], vector<16xf32>,
        %add3A_855 = arith.constant 15 : i32
        %add3A_856 = vector.broadcast %add3A_855 : i32 to vector<16xi32>
        %add3A_857 = arith.addi %get3A_643, %add3A_856 : vector<16xi32>
        %gather3A_858 = arith.constant 0 : i32
        %gather3A_859 = arith.constant 0 : i32
        %gather3A_860 = tpu.memref_slice %arg7[%scan3A_509, %gather3A_858, %gather3A_859] : memref<4x256x64xf32, #tpu.memory_space<vmem>> -> memref<1x256x64xf32, #tpu.memory_space<vmem>>
        %gather3A_861 = tpu.memref_squeeze %gather3A_860 : memref<1x256x64xf32, #tpu.memory_space<vmem>> -> memref<256x64xf32, #tpu.memory_space<vmem>>
        %gather3A_862 = tpu.vector_load_idx %gather3A_861[%add3A_636, %add3A_857] : memref<256x64xf32, #tpu.memory_space<vmem>>[vector<16xi32>, vector<16xi32>], vector<16xf32>,
        %add3A_863 = arith.constant 15 : i32
        %add3A_864 = vector.broadcast %add3A_863 : i32 to vector<16xi32>
        %add3A_865 = arith.addi %mul3A_646, %add3A_864 : vector<16xi32>
        %scatter3A_866 = arith.constant 0 : i32
        %scatter3A_867 = tpu.memref_slice %arg8[%scan3A_510, %scatter3A_866] : memref<2x8192xf32, #tpu.memory_space<vmem>> -> memref<1x8192xf32, #tpu.memory_space<vmem>>
        %scatter3A_868 = tpu.memref_squeeze %scatter3A_867 : memref<1x8192xf32, #tpu.memory_space<vmem>> -> memref<8192xf32, #tpu.memory_space<vmem>>
        tpu.vector_store_idx %scatter3A_868[%add3A_865], %gather3A_862 : memref<8192xf32, #tpu.memory_space<vmem>>[vector<16xi32>], vector<16xf32>,
        %add3A_869 = arith.constant 16 : i32
        %add3A_870 = vector.broadcast %add3A_869 : i32 to vector<16xi32>
        %add3A_871 = arith.addi %get3A_643, %add3A_870 : vector<16xi32>
        %gather3A_872 = arith.constant 0 : i32
        %gather3A_873 = arith.constant 0 : i32
        %gather3A_874 = tpu.memref_slice %arg7[%scan3A_509, %gather3A_872, %gather3A_873] : memref<4x256x64xf32, #tpu.memory_space<vmem>> -> memref<1x256x64xf32, #tpu.memory_space<vmem>>
        %gather3A_875 = tpu.memref_squeeze %gather3A_874 : memref<1x256x64xf32, #tpu.memory_space<vmem>> -> memref<256x64xf32, #tpu.memory_space<vmem>>
        %gather3A_876 = tpu.vector_load_idx %gather3A_875[%add3A_636, %add3A_871] : memref<256x64xf32, #tpu.memory_space<vmem>>[vector<16xi32>, vector<16xi32>], vector<16xf32>,
        %add3A_877 = arith.constant 16 : i32
        %add3A_878 = vector.broadcast %add3A_877 : i32 to vector<16xi32>
        %add3A_879 = arith.addi %mul3A_646, %add3A_878 : vector<16xi32>
        %scatter3A_880 = arith.constant 0 : i32
        %scatter3A_881 = tpu.memref_slice %arg8[%scan3A_510, %scatter3A_880] : memref<2x8192xf32, #tpu.memory_space<vmem>> -> memref<1x8192xf32, #tpu.memory_space<vmem>>
        %scatter3A_882 = tpu.memref_squeeze %scatter3A_881 : memref<1x8192xf32, #tpu.memory_space<vmem>> -> memref<8192xf32, #tpu.memory_space<vmem>>
        tpu.vector_store_idx %scatter3A_882[%add3A_879], %gather3A_876 : memref<8192xf32, #tpu.memory_space<vmem>>[vector<16xi32>], vector<16xf32>,
        %add3A_883 = arith.constant 17 : i32
        %add3A_884 = vector.broadcast %add3A_883 : i32 to vector<16xi32>
        %add3A_885 = arith.addi %get3A_643, %add3A_884 : vector<16xi32>
        %gather3A_886 = arith.constant 0 : i32
        %gather3A_887 = arith.constant 0 : i32
        %gather3A_888 = tpu.memref_slice %arg7[%scan3A_509, %gather3A_886, %gather3A_887] : memref<4x256x64xf32, #tpu.memory_space<vmem>> -> memref<1x256x64xf32, #tpu.memory_space<vmem>>
        %gather3A_889 = tpu.memref_squeeze %gather3A_888 : memref<1x256x64xf32, #tpu.memory_space<vmem>> -> memref<256x64xf32, #tpu.memory_space<vmem>>
        %gather3A_890 = tpu.vector_load_idx %gather3A_889[%add3A_636, %add3A_885] : memref<256x64xf32, #tpu.memory_space<vmem>>[vector<16xi32>, vector<16xi32>], vector<16xf32>,
        %add3A_891 = arith.constant 17 : i32
        %add3A_892 = vector.broadcast %add3A_891 : i32 to vector<16xi32>
        %add3A_893 = arith.addi %mul3A_646, %add3A_892 : vector<16xi32>
        %scatter3A_894 = arith.constant 0 : i32
        %scatter3A_895 = tpu.memref_slice %arg8[%scan3A_510, %scatter3A_894] : memref<2x8192xf32, #tpu.memory_space<vmem>> -> memref<1x8192xf32, #tpu.memory_space<vmem>>
        %scatter3A_896 = tpu.memref_squeeze %scatter3A_895 : memref<1x8192xf32, #tpu.memory_space<vmem>> -> memref<8192xf32, #tpu.memory_space<vmem>>
        tpu.vector_store_idx %scatter3A_896[%add3A_893], %gather3A_890 : memref<8192xf32, #tpu.memory_space<vmem>>[vector<16xi32>], vector<16xf32>,
        %add3A_897 = arith.constant 18 : i32
        %add3A_898 = vector.broadcast %add3A_897 : i32 to vector<16xi32>
        %add3A_899 = arith.addi %get3A_643, %add3A_898 : vector<16xi32>
        %gather3A_900 = arith.constant 0 : i32
        %gather3A_901 = arith.constant 0 : i32
        %gather3A_902 = tpu.memref_slice %arg7[%scan3A_509, %gather3A_900, %gather3A_901] : memref<4x256x64xf32, #tpu.memory_space<vmem>> -> memref<1x256x64xf32, #tpu.memory_space<vmem>>
        %gather3A_903 = tpu.memref_squeeze %gather3A_902 : memref<1x256x64xf32, #tpu.memory_space<vmem>> -> memref<256x64xf32, #tpu.memory_space<vmem>>
        %gather3A_904 = tpu.vector_load_idx %gather3A_903[%add3A_636, %add3A_899] : memref<256x64xf32, #tpu.memory_space<vmem>>[vector<16xi32>, vector<16xi32>], vector<16xf32>,
        %add3A_905 = arith.constant 18 : i32
        %add3A_906 = vector.broadcast %add3A_905 : i32 to vector<16xi32>
        %add3A_907 = arith.addi %mul3A_646, %add3A_906 : vector<16xi32>
        %scatter3A_908 = arith.constant 0 : i32
        %scatter3A_909 = tpu.memref_slice %arg8[%scan3A_510, %scatter3A_908] : memref<2x8192xf32, #tpu.memory_space<vmem>> -> memref<1x8192xf32, #tpu.memory_space<vmem>>
        %scatter3A_910 = tpu.memref_squeeze %scatter3A_909 : memref<1x8192xf32, #tpu.memory_space<vmem>> -> memref<8192xf32, #tpu.memory_space<vmem>>
        tpu.vector_store_idx %scatter3A_910[%add3A_907], %gather3A_904 : memref<8192xf32, #tpu.memory_space<vmem>>[vector<16xi32>], vector<16xf32>,
        %add3A_911 = arith.constant 19 : i32
        %add3A_912 = vector.broadcast %add3A_911 : i32 to vector<16xi32>
        %add3A_913 = arith.addi %get3A_643, %add3A_912 : vector<16xi32>
        %gather3A_914 = arith.constant 0 : i32
        %gather3A_915 = arith.constant 0 : i32
        %gather3A_916 = tpu.memref_slice %arg7[%scan3A_509, %gather3A_914, %gather3A_915] : memref<4x256x64xf32, #tpu.memory_space<vmem>> -> memref<1x256x64xf32, #tpu.memory_space<vmem>>
        %gather3A_917 = tpu.memref_squeeze %gather3A_916 : memref<1x256x64xf32, #tpu.memory_space<vmem>> -> memref<256x64xf32, #tpu.memory_space<vmem>>
        %gather3A_918 = tpu.vector_load_idx %gather3A_917[%add3A_636, %add3A_913] : memref<256x64xf32, #tpu.memory_space<vmem>>[vector<16xi32>, vector<16xi32>], vector<16xf32>,
        %add3A_919 = arith.constant 19 : i32
        %add3A_920 = vector.broadcast %add3A_919 : i32 to vector<16xi32>
        %add3A_921 = arith.addi %mul3A_646, %add3A_920 : vector<16xi32>
        %scatter3A_922 = arith.constant 0 : i32
        %scatter3A_923 = tpu.memref_slice %arg8[%scan3A_510, %scatter3A_922] : memref<2x8192xf32, #tpu.memory_space<vmem>> -> memref<1x8192xf32, #tpu.memory_space<vmem>>
        %scatter3A_924 = tpu.memref_squeeze %scatter3A_923 : memref<1x8192xf32, #tpu.memory_space<vmem>> -> memref<8192xf32, #tpu.memory_space<vmem>>
        tpu.vector_store_idx %scatter3A_924[%add3A_921], %gather3A_918 : memref<8192xf32, #tpu.memory_space<vmem>>[vector<16xi32>], vector<16xf32>,
        %add3A_925 = arith.constant 20 : i32
        %add3A_926 = vector.broadcast %add3A_925 : i32 to vector<16xi32>
        %add3A_927 = arith.addi %get3A_643, %add3A_926 : vector<16xi32>
        %gather3A_928 = arith.constant 0 : i32
        %gather3A_929 = arith.constant 0 : i32
        %gather3A_930 = tpu.memref_slice %arg7[%scan3A_509, %gather3A_928, %gather3A_929] : memref<4x256x64xf32, #tpu.memory_space<vmem>> -> memref<1x256x64xf32, #tpu.memory_space<vmem>>
        %gather3A_931 = tpu.memref_squeeze %gather3A_930 : memref<1x256x64xf32, #tpu.memory_space<vmem>> -> memref<256x64xf32, #tpu.memory_space<vmem>>
        %gather3A_932 = tpu.vector_load_idx %gather3A_931[%add3A_636, %add3A_927] : memref<256x64xf32, #tpu.memory_space<vmem>>[vector<16xi32>, vector<16xi32>], vector<16xf32>,
        %add3A_933 = arith.constant 20 : i32
        %add3A_934 = vector.broadcast %add3A_933 : i32 to vector<16xi32>
        %add3A_935 = arith.addi %mul3A_646, %add3A_934 : vector<16xi32>
        %scatter3A_936 = arith.constant 0 : i32
        %scatter3A_937 = tpu.memref_slice %arg8[%scan3A_510, %scatter3A_936] : memref<2x8192xf32, #tpu.memory_space<vmem>> -> memref<1x8192xf32, #tpu.memory_space<vmem>>
        %scatter3A_938 = tpu.memref_squeeze %scatter3A_937 : memref<1x8192xf32, #tpu.memory_space<vmem>> -> memref<8192xf32, #tpu.memory_space<vmem>>
        tpu.vector_store_idx %scatter3A_938[%add3A_935], %gather3A_932 : memref<8192xf32, #tpu.memory_space<vmem>>[vector<16xi32>], vector<16xf32>,
        %add3A_939 = arith.constant 21 : i32
        %add3A_940 = vector.broadcast %add3A_939 : i32 to vector<16xi32>
        %add3A_941 = arith.addi %get3A_643, %add3A_940 : vector<16xi32>
        %gather3A_942 = arith.constant 0 : i32
        %gather3A_943 = arith.constant 0 : i32
        %gather3A_944 = tpu.memref_slice %arg7[%scan3A_509, %gather3A_942, %gather3A_943] : memref<4x256x64xf32, #tpu.memory_space<vmem>> -> memref<1x256x64xf32, #tpu.memory_space<vmem>>
        %gather3A_945 = tpu.memref_squeeze %gather3A_944 : memref<1x256x64xf32, #tpu.memory_space<vmem>> -> memref<256x64xf32, #tpu.memory_space<vmem>>
        %gather3A_946 = tpu.vector_load_idx %gather3A_945[%add3A_636, %add3A_941] : memref<256x64xf32, #tpu.memory_space<vmem>>[vector<16xi32>, vector<16xi32>], vector<16xf32>,
        %add3A_947 = arith.constant 21 : i32
        %add3A_948 = vector.broadcast %add3A_947 : i32 to vector<16xi32>
        %add3A_949 = arith.addi %mul3A_646, %add3A_948 : vector<16xi32>
        %scatter3A_950 = arith.constant 0 : i32
        %scatter3A_951 = tpu.memref_slice %arg8[%scan3A_510, %scatter3A_950] : memref<2x8192xf32, #tpu.memory_space<vmem>> -> memref<1x8192xf32, #tpu.memory_space<vmem>>
        %scatter3A_952 = tpu.memref_squeeze %scatter3A_951 : memref<1x8192xf32, #tpu.memory_space<vmem>> -> memref<8192xf32, #tpu.memory_space<vmem>>
        tpu.vector_store_idx %scatter3A_952[%add3A_949], %gather3A_946 : memref<8192xf32, #tpu.memory_space<vmem>>[vector<16xi32>], vector<16xf32>,
        %add3A_953 = arith.constant 22 : i32
        %add3A_954 = vector.broadcast %add3A_953 : i32 to vector<16xi32>
        %add3A_955 = arith.addi %get3A_643, %add3A_954 : vector<16xi32>
        %gather3A_956 = arith.constant 0 : i32
        %gather3A_957 = arith.constant 0 : i32
        %gather3A_958 = tpu.memref_slice %arg7[%scan3A_509, %gather3A_956, %gather3A_957] : memref<4x256x64xf32, #tpu.memory_space<vmem>> -> memref<1x256x64xf32, #tpu.memory_space<vmem>>
        %gather3A_959 = tpu.memref_squeeze %gather3A_958 : memref<1x256x64xf32, #tpu.memory_space<vmem>> -> memref<256x64xf32, #tpu.memory_space<vmem>>
        %gather3A_960 = tpu.vector_load_idx %gather3A_959[%add3A_636, %add3A_955] : memref<256x64xf32, #tpu.memory_space<vmem>>[vector<16xi32>, vector<16xi32>], vector<16xf32>,
        %add3A_961 = arith.constant 22 : i32
        %add3A_962 = vector.broadcast %add3A_961 : i32 to vector<16xi32>
        %add3A_963 = arith.addi %mul3A_646, %add3A_962 : vector<16xi32>
        %scatter3A_964 = arith.constant 0 : i32
        %scatter3A_965 = tpu.memref_slice %arg8[%scan3A_510, %scatter3A_964] : memref<2x8192xf32, #tpu.memory_space<vmem>> -> memref<1x8192xf32, #tpu.memory_space<vmem>>
        %scatter3A_966 = tpu.memref_squeeze %scatter3A_965 : memref<1x8192xf32, #tpu.memory_space<vmem>> -> memref<8192xf32, #tpu.memory_space<vmem>>
        tpu.vector_store_idx %scatter3A_966[%add3A_963], %gather3A_960 : memref<8192xf32, #tpu.memory_space<vmem>>[vector<16xi32>], vector<16xf32>,
        %add3A_967 = arith.constant 23 : i32
        %add3A_968 = vector.broadcast %add3A_967 : i32 to vector<16xi32>
        %add3A_969 = arith.addi %get3A_643, %add3A_968 : vector<16xi32>
        %gather3A_970 = arith.constant 0 : i32
        %gather3A_971 = arith.constant 0 : i32
        %gather3A_972 = tpu.memref_slice %arg7[%scan3A_509, %gather3A_970, %gather3A_971] : memref<4x256x64xf32, #tpu.memory_space<vmem>> -> memref<1x256x64xf32, #tpu.memory_space<vmem>>
        %gather3A_973 = tpu.memref_squeeze %gather3A_972 : memref<1x256x64xf32, #tpu.memory_space<vmem>> -> memref<256x64xf32, #tpu.memory_space<vmem>>
        %gather3A_974 = tpu.vector_load_idx %gather3A_973[%add3A_636, %add3A_969] : memref<256x64xf32, #tpu.memory_space<vmem>>[vector<16xi32>, vector<16xi32>], vector<16xf32>,
        %add3A_975 = arith.constant 23 : i32
        %add3A_976 = vector.broadcast %add3A_975 : i32 to vector<16xi32>
        %add3A_977 = arith.addi %mul3A_646, %add3A_976 : vector<16xi32>
        %scatter3A_978 = arith.constant 0 : i32
        %scatter3A_979 = tpu.memref_slice %arg8[%scan3A_510, %scatter3A_978] : memref<2x8192xf32, #tpu.memory_space<vmem>> -> memref<1x8192xf32, #tpu.memory_space<vmem>>
        %scatter3A_980 = tpu.memref_squeeze %scatter3A_979 : memref<1x8192xf32, #tpu.memory_space<vmem>> -> memref<8192xf32, #tpu.memory_space<vmem>>
        tpu.vector_store_idx %scatter3A_980[%add3A_977], %gather3A_974 : memref<8192xf32, #tpu.memory_space<vmem>>[vector<16xi32>], vector<16xf32>,
        %add3A_981 = arith.constant 24 : i32
        %add3A_982 = vector.broadcast %add3A_981 : i32 to vector<16xi32>
        %add3A_983 = arith.addi %get3A_643, %add3A_982 : vector<16xi32>
        %gather3A_984 = arith.constant 0 : i32
        %gather3A_985 = arith.constant 0 : i32
        %gather3A_986 = tpu.memref_slice %arg7[%scan3A_509, %gather3A_984, %gather3A_985] : memref<4x256x64xf32, #tpu.memory_space<vmem>> -> memref<1x256x64xf32, #tpu.memory_space<vmem>>
        %gather3A_987 = tpu.memref_squeeze %gather3A_986 : memref<1x256x64xf32, #tpu.memory_space<vmem>> -> memref<256x64xf32, #tpu.memory_space<vmem>>
        %gather3A_988 = tpu.vector_load_idx %gather3A_987[%add3A_636, %add3A_983] : memref<256x64xf32, #tpu.memory_space<vmem>>[vector<16xi32>, vector<16xi32>], vector<16xf32>,
        %add3A_989 = arith.constant 24 : i32
        %add3A_990 = vector.broadcast %add3A_989 : i32 to vector<16xi32>
        %add3A_991 = arith.addi %mul3A_646, %add3A_990 : vector<16xi32>
        %scatter3A_992 = arith.constant 0 : i32
        %scatter3A_993 = tpu.memref_slice %arg8[%scan3A_510, %scatter3A_992] : memref<2x8192xf32, #tpu.memory_space<vmem>> -> memref<1x8192xf32, #tpu.memory_space<vmem>>
        %scatter3A_994 = tpu.memref_squeeze %scatter3A_993 : memref<1x8192xf32, #tpu.memory_space<vmem>> -> memref<8192xf32, #tpu.memory_space<vmem>>
        tpu.vector_store_idx %scatter3A_994[%add3A_991], %gather3A_988 : memref<8192xf32, #tpu.memory_space<vmem>>[vector<16xi32>], vector<16xf32>,
        %add3A_995 = arith.constant 25 : i32
        %add3A_996 = vector.broadcast %add3A_995 : i32 to vector<16xi32>
        %add3A_997 = arith.addi %get3A_643, %add3A_996 : vector<16xi32>
        %gather3A_998 = arith.constant 0 : i32
        %gather3A_999 = arith.constant 0 : i32
        %gather3A_1000 = tpu.memref_slice %arg7[%scan3A_509, %gather3A_998, %gather3A_999] : memref<4x256x64xf32, #tpu.memory_space<vmem>> -> memref<1x256x64xf32, #tpu.memory_space<vmem>>
        %gather3A_1001 = tpu.memref_squeeze %gather3A_1000 : memref<1x256x64xf32, #tpu.memory_space<vmem>> -> memref<256x64xf32, #tpu.memory_space<vmem>>
        %gather3A_1002 = tpu.vector_load_idx %gather3A_1001[%add3A_636, %add3A_997] : memref<256x64xf32, #tpu.memory_space<vmem>>[vector<16xi32>, vector<16xi32>], vector<16xf32>,
        %add3A_1003 = arith.constant 25 : i32
        %add3A_1004 = vector.broadcast %add3A_1003 : i32 to vector<16xi32>
        %add3A_1005 = arith.addi %mul3A_646, %add3A_1004 : vector<16xi32>
        %scatter3A_1006 = arith.constant 0 : i32
        %scatter3A_1007 = tpu.memref_slice %arg8[%scan3A_510, %scatter3A_1006] : memref<2x8192xf32, #tpu.memory_space<vmem>> -> memref<1x8192xf32, #tpu.memory_space<vmem>>
        %scatter3A_1008 = tpu.memref_squeeze %scatter3A_1007 : memref<1x8192xf32, #tpu.memory_space<vmem>> -> memref<8192xf32, #tpu.memory_space<vmem>>
        tpu.vector_store_idx %scatter3A_1008[%add3A_1005], %gather3A_1002 : memref<8192xf32, #tpu.memory_space<vmem>>[vector<16xi32>], vector<16xf32>,
        %add3A_1009 = arith.constant 26 : i32
        %add3A_1010 = vector.broadcast %add3A_1009 : i32 to vector<16xi32>
        %add3A_1011 = arith.addi %get3A_643, %add3A_1010 : vector<16xi32>
        %gather3A_1012 = arith.constant 0 : i32
        %gather3A_1013 = arith.constant 0 : i32
        %gather3A_1014 = tpu.memref_slice %arg7[%scan3A_509, %gather3A_1012, %gather3A_1013] : memref<4x256x64xf32, #tpu.memory_space<vmem>> -> memref<1x256x64xf32, #tpu.memory_space<vmem>>
        %gather3A_1015 = tpu.memref_squeeze %gather3A_1014 : memref<1x256x64xf32, #tpu.memory_space<vmem>> -> memref<256x64xf32, #tpu.memory_space<vmem>>
        %gather3A_1016 = tpu.vector_load_idx %gather3A_1015[%add3A_636, %add3A_1011] : memref<256x64xf32, #tpu.memory_space<vmem>>[vector<16xi32>, vector<16xi32>], vector<16xf32>,
        %add3A_1017 = arith.constant 26 : i32
        %add3A_1018 = vector.broadcast %add3A_1017 : i32 to vector<16xi32>
        %add3A_1019 = arith.addi %mul3A_646, %add3A_1018 : vector<16xi32>
        %scatter3A_1020 = arith.constant 0 : i32
        %scatter3A_1021 = tpu.memref_slice %arg8[%scan3A_510, %scatter3A_1020] : memref<2x8192xf32, #tpu.memory_space<vmem>> -> memref<1x8192xf32, #tpu.memory_space<vmem>>
        %scatter3A_1022 = tpu.memref_squeeze %scatter3A_1021 : memref<1x8192xf32, #tpu.memory_space<vmem>> -> memref<8192xf32, #tpu.memory_space<vmem>>
        tpu.vector_store_idx %scatter3A_1022[%add3A_1019], %gather3A_1016 : memref<8192xf32, #tpu.memory_space<vmem>>[vector<16xi32>], vector<16xf32>,
        %add3A_1023 = arith.constant 27 : i32
        %add3A_1024 = vector.broadcast %add3A_1023 : i32 to vector<16xi32>
        %add3A_1025 = arith.addi %get3A_643, %add3A_1024 : vector<16xi32>
        %gather3A_1026 = arith.constant 0 : i32
        %gather3A_1027 = arith.constant 0 : i32
        %gather3A_1028 = tpu.memref_slice %arg7[%scan3A_509, %gather3A_1026, %gather3A_1027] : memref<4x256x64xf32, #tpu.memory_space<vmem>> -> memref<1x256x64xf32, #tpu.memory_space<vmem>>
        %gather3A_1029 = tpu.memref_squeeze %gather3A_1028 : memref<1x256x64xf32, #tpu.memory_space<vmem>> -> memref<256x64xf32, #tpu.memory_space<vmem>>
        %gather3A_1030 = tpu.vector_load_idx %gather3A_1029[%add3A_636, %add3A_1025] : memref<256x64xf32, #tpu.memory_space<vmem>>[vector<16xi32>, vector<16xi32>], vector<16xf32>,
        %add3A_1031 = arith.constant 27 : i32
        %add3A_1032 = vector.broadcast %add3A_1031 : i32 to vector<16xi32>
        %add3A_1033 = arith.addi %mul3A_646, %add3A_1032 : vector<16xi32>
        %scatter3A_1034 = arith.constant 0 : i32
        %scatter3A_1035 = tpu.memref_slice %arg8[%scan3A_510, %scatter3A_1034] : memref<2x8192xf32, #tpu.memory_space<vmem>> -> memref<1x8192xf32, #tpu.memory_space<vmem>>
        %scatter3A_1036 = tpu.memref_squeeze %scatter3A_1035 : memref<1x8192xf32, #tpu.memory_space<vmem>> -> memref<8192xf32, #tpu.memory_space<vmem>>
        tpu.vector_store_idx %scatter3A_1036[%add3A_1033], %gather3A_1030 : memref<8192xf32, #tpu.memory_space<vmem>>[vector<16xi32>], vector<16xf32>,
        %add3A_1037 = arith.constant 28 : i32
        %add3A_1038 = vector.broadcast %add3A_1037 : i32 to vector<16xi32>
        %add3A_1039 = arith.addi %get3A_643, %add3A_1038 : vector<16xi32>
        %gather3A_1040 = arith.constant 0 : i32
        %gather3A_1041 = arith.constant 0 : i32
        %gather3A_1042 = tpu.memref_slice %arg7[%scan3A_509, %gather3A_1040, %gather3A_1041] : memref<4x256x64xf32, #tpu.memory_space<vmem>> -> memref<1x256x64xf32, #tpu.memory_space<vmem>>
        %gather3A_1043 = tpu.memref_squeeze %gather3A_1042 : memref<1x256x64xf32, #tpu.memory_space<vmem>> -> memref<256x64xf32, #tpu.memory_space<vmem>>
        %gather3A_1044 = tpu.vector_load_idx %gather3A_1043[%add3A_636, %add3A_1039] : memref<256x64xf32, #tpu.memory_space<vmem>>[vector<16xi32>, vector<16xi32>], vector<16xf32>,
        %add3A_1045 = arith.constant 28 : i32
        %add3A_1046 = vector.broadcast %add3A_1045 : i32 to vector<16xi32>
        %add3A_1047 = arith.addi %mul3A_646, %add3A_1046 : vector<16xi32>
        %scatter3A_1048 = arith.constant 0 : i32
        %scatter3A_1049 = tpu.memref_slice %arg8[%scan3A_510, %scatter3A_1048] : memref<2x8192xf32, #tpu.memory_space<vmem>> -> memref<1x8192xf32, #tpu.memory_space<vmem>>
        %scatter3A_1050 = tpu.memref_squeeze %scatter3A_1049 : memref<1x8192xf32, #tpu.memory_space<vmem>> -> memref<8192xf32, #tpu.memory_space<vmem>>
        tpu.vector_store_idx %scatter3A_1050[%add3A_1047], %gather3A_1044 : memref<8192xf32, #tpu.memory_space<vmem>>[vector<16xi32>], vector<16xf32>,
        %add3A_1051 = arith.constant 29 : i32
        %add3A_1052 = vector.broadcast %add3A_1051 : i32 to vector<16xi32>
        %add3A_1053 = arith.addi %get3A_643, %add3A_1052 : vector<16xi32>
        %gather3A_1054 = arith.constant 0 : i32
        %gather3A_1055 = arith.constant 0 : i32
        %gather3A_1056 = tpu.memref_slice %arg7[%scan3A_509, %gather3A_1054, %gather3A_1055] : memref<4x256x64xf32, #tpu.memory_space<vmem>> -> memref<1x256x64xf32, #tpu.memory_space<vmem>>
        %gather3A_1057 = tpu.memref_squeeze %gather3A_1056 : memref<1x256x64xf32, #tpu.memory_space<vmem>> -> memref<256x64xf32, #tpu.memory_space<vmem>>
        %gather3A_1058 = tpu.vector_load_idx %gather3A_1057[%add3A_636, %add3A_1053] : memref<256x64xf32, #tpu.memory_space<vmem>>[vector<16xi32>, vector<16xi32>], vector<16xf32>,
        %add3A_1059 = arith.constant 29 : i32
        %add3A_1060 = vector.broadcast %add3A_1059 : i32 to vector<16xi32>
        %add3A_1061 = arith.addi %mul3A_646, %add3A_1060 : vector<16xi32>
        %scatter3A_1062 = arith.constant 0 : i32
        %scatter3A_1063 = tpu.memref_slice %arg8[%scan3A_510, %scatter3A_1062] : memref<2x8192xf32, #tpu.memory_space<vmem>> -> memref<1x8192xf32, #tpu.memory_space<vmem>>
        %scatter3A_1064 = tpu.memref_squeeze %scatter3A_1063 : memref<1x8192xf32, #tpu.memory_space<vmem>> -> memref<8192xf32, #tpu.memory_space<vmem>>
        tpu.vector_store_idx %scatter3A_1064[%add3A_1061], %gather3A_1058 : memref<8192xf32, #tpu.memory_space<vmem>>[vector<16xi32>], vector<16xf32>,
        %add3A_1065 = arith.constant 30 : i32
        %add3A_1066 = vector.broadcast %add3A_1065 : i32 to vector<16xi32>
        %add3A_1067 = arith.addi %get3A_643, %add3A_1066 : vector<16xi32>
        %gather3A_1068 = arith.constant 0 : i32
        %gather3A_1069 = arith.constant 0 : i32
        %gather3A_1070 = tpu.memref_slice %arg7[%scan3A_509, %gather3A_1068, %gather3A_1069] : memref<4x256x64xf32, #tpu.memory_space<vmem>> -> memref<1x256x64xf32, #tpu.memory_space<vmem>>
        %gather3A_1071 = tpu.memref_squeeze %gather3A_1070 : memref<1x256x64xf32, #tpu.memory_space<vmem>> -> memref<256x64xf32, #tpu.memory_space<vmem>>
        %gather3A_1072 = tpu.vector_load_idx %gather3A_1071[%add3A_636, %add3A_1067] : memref<256x64xf32, #tpu.memory_space<vmem>>[vector<16xi32>, vector<16xi32>], vector<16xf32>,
        %add3A_1073 = arith.constant 30 : i32
        %add3A_1074 = vector.broadcast %add3A_1073 : i32 to vector<16xi32>
        %add3A_1075 = arith.addi %mul3A_646, %add3A_1074 : vector<16xi32>
        %scatter3A_1076 = arith.constant 0 : i32
        %scatter3A_1077 = tpu.memref_slice %arg8[%scan3A_510, %scatter3A_1076] : memref<2x8192xf32, #tpu.memory_space<vmem>> -> memref<1x8192xf32, #tpu.memory_space<vmem>>
        %scatter3A_1078 = tpu.memref_squeeze %scatter3A_1077 : memref<1x8192xf32, #tpu.memory_space<vmem>> -> memref<8192xf32, #tpu.memory_space<vmem>>
        tpu.vector_store_idx %scatter3A_1078[%add3A_1075], %gather3A_1072 : memref<8192xf32, #tpu.memory_space<vmem>>[vector<16xi32>], vector<16xf32>,
        %add3A_1079 = arith.constant 31 : i32
        %add3A_1080 = vector.broadcast %add3A_1079 : i32 to vector<16xi32>
        %add3A_1081 = arith.addi %get3A_643, %add3A_1080 : vector<16xi32>
        %gather3A_1082 = arith.constant 0 : i32
        %gather3A_1083 = arith.constant 0 : i32
        %gather3A_1084 = tpu.memref_slice %arg7[%scan3A_509, %gather3A_1082, %gather3A_1083] : memref<4x256x64xf32, #tpu.memory_space<vmem>> -> memref<1x256x64xf32, #tpu.memory_space<vmem>>
        %gather3A_1085 = tpu.memref_squeeze %gather3A_1084 : memref<1x256x64xf32, #tpu.memory_space<vmem>> -> memref<256x64xf32, #tpu.memory_space<vmem>>
        %gather3A_1086 = tpu.vector_load_idx %gather3A_1085[%add3A_636, %add3A_1081] : memref<256x64xf32, #tpu.memory_space<vmem>>[vector<16xi32>, vector<16xi32>], vector<16xf32>,
        %add3A_1087 = arith.constant 31 : i32
        %add3A_1088 = vector.broadcast %add3A_1087 : i32 to vector<16xi32>
        %add3A_1089 = arith.addi %mul3A_646, %add3A_1088 : vector<16xi32>
        %scatter3A_1090 = arith.constant 0 : i32
        %scatter3A_1091 = tpu.memref_slice %arg8[%scan3A_510, %scatter3A_1090] : memref<2x8192xf32, #tpu.memory_space<vmem>> -> memref<1x8192xf32, #tpu.memory_space<vmem>>
        %scatter3A_1092 = tpu.memref_squeeze %scatter3A_1091 : memref<1x8192xf32, #tpu.memory_space<vmem>> -> memref<8192xf32, #tpu.memory_space<vmem>>
        tpu.vector_store_idx %scatter3A_1092[%add3A_1089], %gather3A_1086 : memref<8192xf32, #tpu.memory_space<vmem>>[vector<16xi32>], vector<16xf32>,
      }
      %scan3A_515 = arith.constant 16 : i32
      %add3A_516 = arith.constant 2 : i32
      %add3A_517 = arith.addi %mul3A_296, %add3A_516 : i32
      %mul3A_518 = arith.constant 256 : i32
      %mul3A_519 = arith.muli %add3A_517, %mul3A_518 : i32
      %add3A_520 = arith.addi %mul3A_2, %mul3A_519 : i32
      %mul3A_521 = arith.constant 32 : i32
      %mul3A_522 = arith.muli %add3A_520, %mul3A_521 : i32
      %dma_start3A_523 = arith.constant 0 : i32
      %dma_start3A_524 = arith.constant 0 : i32
      %dma_start3A_525 = arith.constant 0 : i32
      %dma_start3A_526 = tpu.memref_slice %arg8[%dma_start3A_523, %dma_start3A_525] : memref<2x8192xf32, #tpu.memory_space<vmem>> -> memref<1x8192xf32, #tpu.memory_space<vmem>>
      %dma_start3A_527 = tpu.memref_squeeze %dma_start3A_526 : memref<1x8192xf32, #tpu.memory_space<vmem>> -> memref<8192xf32, #tpu.memory_space<vmem>>
      %dma_start3A_528 = tpu.memref_slice %arg5[%mul3A_522] : memref<13631488xf32, #tpu.memory_space<hbm>> -> memref<8192xf32, #tpu.memory_space<hbm>>
      %dma_start3A_529 = tpu.memref_slice %arg11[%dma_start3A_524] : memref<2x!tpu.dma_semaphore, #tpu.memory_space<semaphore_mem>> -> memref<1x!tpu.dma_semaphore, #tpu.memory_space<semaphore_mem>>
      %dma_start3A_530 = tpu.memref_squeeze %dma_start3A_529 : memref<1x!tpu.dma_semaphore, #tpu.memory_space<semaphore_mem>> -> memref<!tpu.dma_semaphore, #tpu.memory_space<semaphore_mem>>
      %dma_start3A_531 = tpu.memref_slice %arg5[%mul3A_522] : memref<13631488xf32, #tpu.memory_space<hbm>> -> memref<8192xf32, #tpu.memory_space<hbm>>
      %dma_start3A_532 = arith.constant 0 : i32
      %dma_start3A_533 = tpu.memref_slice %arg8[%dma_start3A_523, %dma_start3A_532] : memref<2x8192xf32, #tpu.memory_space<vmem>> -> memref<1x8192xf32, #tpu.memory_space<vmem>>
      %dma_start3A_534 = tpu.memref_squeeze %dma_start3A_533 : memref<1x8192xf32, #tpu.memory_space<vmem>> -> memref<8192xf32, #tpu.memory_space<vmem>>
      tpu.enqueue_dma source(%dma_start3A_534 : memref<8192xf32, #tpu.memory_space<vmem>>) target(%dma_start3A_531 : memref<8192xf32, #tpu.memory_space<hbm>>) target_semaphore(%dma_start3A_530 : memref<!tpu.dma_semaphore, #tpu.memory_space<semaphore_mem>>)
      %lt3A_535 = arith.constant 12 : i32
      %lt3A_536 = arith.cmpi slt, %scan3A_294, %lt3A_535 : i32
      %convert_element_type3A_537 = arith.extui %lt3A_536 : i1 to i32
      %cond3A_538 = arith.constant 0 : i32
      %cond3A_539 = arith.cmpi ne, %convert_element_type3A_537, %cond3A_538 : i32
      scf.if %cond3A_539 {
        %add3A_632 = arith.constant 4 : i32
        %add3A_633 = arith.addi %mul3A_296, %add3A_632 : i32
        %add3A_634 = arith.constant 2 : i32
        %add3A_635 = arith.addi %add3A_633, %add3A_634 : i32
        %mul3A_636 = arith.constant 256 : i32
        %mul3A_637 = arith.muli %add3A_635, %mul3A_636 : i32
        %add3A_638 = arith.addi %mul3A_2, %mul3A_637 : i32
        %dma_wait3A_639 = arith.constant 2 : i32
        %dma_wait3A_640 = arith.constant 0 : i32
        %dma_wait3A_641 = arith.constant 2 : i32
        %dma_wait3A_642 = arith.constant 0 : i32
        %dma_wait3A_643 = arith.constant 0 : i32
        %dma_wait3A_644 = tpu.memref_slice %arg6[%dma_wait3A_639, %dma_wait3A_640, %dma_wait3A_643] : memref<4x2x256xi32, #tpu.memory_space<vmem>> -> memref<1x1x256xi32, #tpu.memory_space<vmem>>
        %dma_wait3A_645 = tpu.memref_squeeze %dma_wait3A_644 : memref<1x1x256xi32, #tpu.memory_space<vmem>> -> memref<256xi32, #tpu.memory_space<vmem>>
        %dma_wait3A_646 = tpu.memref_slice %arg2[%add3A_638] : memref<425984xi32, #tpu.memory_space<hbm>> -> memref<256xi32, #tpu.memory_space<hbm>>
        %dma_wait3A_647 = tpu.memref_slice %arg9[%dma_wait3A_641, %dma_wait3A_642] : memref<4x2x!tpu.dma_semaphore, #tpu.memory_space<semaphore_mem>> -> memref<1x1x!tpu.dma_semaphore, #tpu.memory_space<semaphore_mem>>
        %dma_wait3A_648 = tpu.memref_squeeze %dma_wait3A_647 : memref<1x1x!tpu.dma_semaphore, #tpu.memory_space<semaphore_mem>> -> memref<!tpu.dma_semaphore, #tpu.memory_space<semaphore_mem>>
        %dma_wait3A_649 = arith.constant 0 : i32
        %dma_wait3A_650 = tpu.memref_slice %arg6[%dma_wait3A_639, %dma_wait3A_640, %dma_wait3A_649] : memref<4x2x256xi32, #tpu.memory_space<vmem>> -> memref<1x1x256xi32, #tpu.memory_space<vmem>>
        %dma_wait3A_651 = tpu.memref_squeeze %dma_wait3A_650 : memref<1x1x256xi32, #tpu.memory_space<vmem>> -> memref<256xi32, #tpu.memory_space<vmem>>
        %dma_wait3A_652 = tpu.memref_slice %arg2[%add3A_638] : memref<425984xi32, #tpu.memory_space<hbm>> -> memref<256xi32, #tpu.memory_space<hbm>>
        tpu.wait_dma2 semaphore(%dma_wait3A_648 : memref<!tpu.dma_semaphore, #tpu.memory_space<semaphore_mem>>) src(%dma_wait3A_652 : memref<256xi32, #tpu.memory_space<hbm>>) dst(%dma_wait3A_651 : memref<256xi32, #tpu.memory_space<vmem>>)
        %add3A_653 = arith.constant 4 : i32
        %add3A_654 = arith.addi %mul3A_296, %add3A_653 : i32
        %add3A_655 = arith.constant 2 : i32
        %add3A_656 = arith.addi %add3A_654, %add3A_655 : i32
        %mul3A_657 = arith.constant 256 : i32
        %mul3A_658 = arith.muli %add3A_656, %mul3A_657 : i32
        %add3A_659 = arith.addi %mul3A_2, %mul3A_658 : i32
        %dma_start3A_660 = arith.constant 2 : i32
        %dma_start3A_661 = arith.constant 1 : i32
        %dma_start3A_662 = arith.constant 2 : i32
        %dma_start3A_663 = arith.constant 1 : i32
        %dma_start3A_664 = arith.constant 0 : i32
        %dma_start3A_665 = tpu.memref_slice %arg6[%dma_start3A_660, %dma_start3A_661, %dma_start3A_664] : memref<4x2x256xi32, #tpu.memory_space<vmem>> -> memref<1x1x256xi32, #tpu.memory_space<vmem>>
        %dma_start3A_666 = tpu.memref_squeeze %dma_start3A_665 : memref<1x1x256xi32, #tpu.memory_space<vmem>> -> memref<256xi32, #tpu.memory_space<vmem>>
        %dma_start3A_667 = tpu.memref_slice %arg3[%add3A_659] : memref<425984xi32, #tpu.memory_space<hbm>> -> memref<256xi32, #tpu.memory_space<hbm>>
        %dma_start3A_668 = tpu.memref_slice %arg9[%dma_start3A_662, %dma_start3A_663] : memref<4x2x!tpu.dma_semaphore, #tpu.memory_space<semaphore_mem>> -> memref<1x1x!tpu.dma_semaphore, #tpu.memory_space<semaphore_mem>>
        %dma_start3A_669 = tpu.memref_squeeze %dma_start3A_668 : memref<1x1x!tpu.dma_semaphore, #tpu.memory_space<semaphore_mem>> -> memref<!tpu.dma_semaphore, #tpu.memory_space<semaphore_mem>>
        %dma_start3A_670 = arith.constant 0 : i32
        %dma_start3A_671 = tpu.memref_slice %arg6[%dma_start3A_660, %dma_start3A_661, %dma_start3A_670] : memref<4x2x256xi32, #tpu.memory_space<vmem>> -> memref<1x1x256xi32, #tpu.memory_space<vmem>>
        %dma_start3A_672 = tpu.memref_squeeze %dma_start3A_671 : memref<1x1x256xi32, #tpu.memory_space<vmem>> -> memref<256xi32, #tpu.memory_space<vmem>>
        %dma_start3A_673 = tpu.memref_slice %arg3[%add3A_659] : memref<425984xi32, #tpu.memory_space<hbm>> -> memref<256xi32, #tpu.memory_space<hbm>>
        tpu.enqueue_dma source(%dma_start3A_673 : memref<256xi32, #tpu.memory_space<hbm>>) target(%dma_start3A_672 : memref<256xi32, #tpu.memory_space<vmem>>) target_semaphore(%dma_start3A_669 : memref<!tpu.dma_semaphore, #tpu.memory_space<semaphore_mem>>)
        %dma_start3A_674 = arith.constant 2 : i32
        %dma_start3A_675 = arith.constant 0 : i32
        %dma_start3A_676 = arith.constant 2 : i32
        %dma_start3A_677 = arith.constant 2 : i32
        %dma_start3A_678 = arith.constant 0 : i32
        %dma_start3A_679 = arith.constant 0 : i32
        %dma_start3A_680 = tpu.memref_slice %arg7[%dma_start3A_676, %dma_start3A_678, %dma_start3A_679] : memref<4x256x64xf32, #tpu.memory_space<vmem>> -> memref<1x256x64xf32, #tpu.memory_space<vmem>>
        %dma_start3A_681 = tpu.memref_squeeze %dma_start3A_680 : memref<1x256x64xf32, #tpu.memory_space<vmem>> -> memref<256x64xf32, #tpu.memory_space<vmem>>
        %dma_start3A_682 = arith.constant 0 : i32
        %dma_start3A_683 = tpu.memref_slice %arg6[%dma_start3A_674, %dma_start3A_675, %dma_start3A_682] : memref<4x2x256xi32, #tpu.memory_space<vmem>> -> memref<1x1x256xi32, #tpu.memory_space<vmem>>
        %dma_start3A_684 = tpu.memref_squeeze %dma_start3A_683 : memref<1x1x256xi32, #tpu.memory_space<vmem>> -> memref<256xi32, #tpu.memory_space<vmem>>
        %dma_start3A_685 = arith.constant 0 : i32
        %dma_start3A_686 = arith.constant 0 : i32
        %dma_start3A_687 = tpu.memref_slice %arg4[%dma_start3A_685, %dma_start3A_686] : memref<1300013x64xf32, #tpu.memory_space<hbm>> -> memref<1300013x64xf32, #tpu.memory_space<hbm>>
        %dma_start3A_688 = tpu.memref_slice %arg10[%dma_start3A_677] : memref<4x!tpu.dma_semaphore, #tpu.memory_space<semaphore_mem>> -> memref<1x!tpu.dma_semaphore, #tpu.memory_space<semaphore_mem>>
        %dma_start3A_689 = tpu.memref_squeeze %dma_start3A_688 : memref<1x!tpu.dma_semaphore, #tpu.memory_space<semaphore_mem>> -> memref<!tpu.dma_semaphore, #tpu.memory_space<semaphore_mem>>
        tpu.enqueue_indirect_dma source(%dma_start3A_687 : memref<1300013x64xf32, #tpu.memory_space<hbm>>) target(%dma_start3A_681 : memref<256x64xf32, #tpu.memory_space<vmem>>) offsets(%dma_start3A_684 : memref<256xi32, #tpu.memory_space<vmem>>) semaphore(%dma_start3A_689 : memref<!tpu.dma_semaphore, #tpu.memory_space<semaphore_mem>>)
      } else {
      }
      %dma_wait3A_540 = arith.constant 3 : i32
      %dma_wait3A_541 = arith.constant 0 : i32
      %dma_wait3A_542 = arith.constant 3 : i32
      %dma_wait3A_543 = arith.constant 3 : i32
      %dma_wait3A_544 = arith.constant 0 : i32
      %dma_wait3A_545 = arith.constant 0 : i32
      %dma_wait3A_546 = tpu.memref_slice %arg7[%dma_wait3A_542, %dma_wait3A_544, %dma_wait3A_545] : memref<4x256x64xf32, #tpu.memory_space<vmem>> -> memref<1x256x64xf32, #tpu.memory_space<vmem>>
      %dma_wait3A_547 = tpu.memref_squeeze %dma_wait3A_546 : memref<1x256x64xf32, #tpu.memory_space<vmem>> -> memref<256x64xf32, #tpu.memory_space<vmem>>
      %dma_wait3A_548 = arith.constant 0 : i32
      %dma_wait3A_549 = tpu.memref_slice %arg6[%dma_wait3A_540, %dma_wait3A_541, %dma_wait3A_548] : memref<4x2x256xi32, #tpu.memory_space<vmem>> -> memref<1x1x256xi32, #tpu.memory_space<vmem>>
      %dma_wait3A_550 = tpu.memref_squeeze %dma_wait3A_549 : memref<1x1x256xi32, #tpu.memory_space<vmem>> -> memref<256xi32, #tpu.memory_space<vmem>>
      %dma_wait3A_551 = arith.constant 0 : i32
      %dma_wait3A_552 = arith.constant 0 : i32
      %dma_wait3A_553 = tpu.memref_slice %arg4[%dma_wait3A_551, %dma_wait3A_552] : memref<1300013x64xf32, #tpu.memory_space<hbm>> -> memref<1300013x64xf32, #tpu.memory_space<hbm>>
      %dma_wait3A_554 = tpu.memref_slice %arg10[%dma_wait3A_543] : memref<4x!tpu.dma_semaphore, #tpu.memory_space<semaphore_mem>> -> memref<1x!tpu.dma_semaphore, #tpu.memory_space<semaphore_mem>>
      %dma_wait3A_555 = tpu.memref_squeeze %dma_wait3A_554 : memref<1x!tpu.dma_semaphore, #tpu.memory_space<semaphore_mem>> -> memref<!tpu.dma_semaphore, #tpu.memory_space<semaphore_mem>>
      tpu.wait_indirect_dma semaphore(%dma_wait3A_555 : memref<!tpu.dma_semaphore, #tpu.memory_space<semaphore_mem>>) src(%dma_wait3A_553 : memref<1300013x64xf32, #tpu.memory_space<hbm>>) dst(%dma_wait3A_547 : memref<256x64xf32, #tpu.memory_space<vmem>>)
      %lt3A_556 = arith.constant 12 : i32
      %lt3A_557 = arith.cmpi slt, %scan3A_294, %lt3A_556 : i32
      %convert_element_type3A_558 = arith.extui %lt3A_557 : i1 to i32
      %cond3A_559 = arith.constant 0 : i32
      %cond3A_560 = arith.cmpi ne, %convert_element_type3A_558, %cond3A_559 : i32
      scf.if %cond3A_560 {
        %add3A_632 = arith.constant 4 : i32
        %add3A_633 = arith.addi %mul3A_296, %add3A_632 : i32
        %add3A_634 = arith.constant 3 : i32
        %add3A_635 = arith.addi %add3A_633, %add3A_634 : i32
        %mul3A_636 = arith.constant 256 : i32
        %mul3A_637 = arith.muli %add3A_635, %mul3A_636 : i32
        %add3A_638 = arith.addi %mul3A_2, %mul3A_637 : i32
        %dma_start3A_639 = arith.constant 3 : i32
        %dma_start3A_640 = arith.constant 0 : i32
        %dma_start3A_641 = arith.constant 3 : i32
        %dma_start3A_642 = arith.constant 0 : i32
        %dma_start3A_643 = arith.constant 0 : i32
        %dma_start3A_644 = tpu.memref_slice %arg6[%dma_start3A_639, %dma_start3A_640, %dma_start3A_643] : memref<4x2x256xi32, #tpu.memory_space<vmem>> -> memref<1x1x256xi32, #tpu.memory_space<vmem>>
        %dma_start3A_645 = tpu.memref_squeeze %dma_start3A_644 : memref<1x1x256xi32, #tpu.memory_space<vmem>> -> memref<256xi32, #tpu.memory_space<vmem>>
        %dma_start3A_646 = tpu.memref_slice %arg2[%add3A_638] : memref<425984xi32, #tpu.memory_space<hbm>> -> memref<256xi32, #tpu.memory_space<hbm>>
        %dma_start3A_647 = tpu.memref_slice %arg9[%dma_start3A_641, %dma_start3A_642] : memref<4x2x!tpu.dma_semaphore, #tpu.memory_space<semaphore_mem>> -> memref<1x1x!tpu.dma_semaphore, #tpu.memory_space<semaphore_mem>>
        %dma_start3A_648 = tpu.memref_squeeze %dma_start3A_647 : memref<1x1x!tpu.dma_semaphore, #tpu.memory_space<semaphore_mem>> -> memref<!tpu.dma_semaphore, #tpu.memory_space<semaphore_mem>>
        %dma_start3A_649 = arith.constant 0 : i32
        %dma_start3A_650 = tpu.memref_slice %arg6[%dma_start3A_639, %dma_start3A_640, %dma_start3A_649] : memref<4x2x256xi32, #tpu.memory_space<vmem>> -> memref<1x1x256xi32, #tpu.memory_space<vmem>>
        %dma_start3A_651 = tpu.memref_squeeze %dma_start3A_650 : memref<1x1x256xi32, #tpu.memory_space<vmem>> -> memref<256xi32, #tpu.memory_space<vmem>>
        %dma_start3A_652 = tpu.memref_slice %arg2[%add3A_638] : memref<425984xi32, #tpu.memory_space<hbm>> -> memref<256xi32, #tpu.memory_space<hbm>>
        tpu.enqueue_dma source(%dma_start3A_652 : memref<256xi32, #tpu.memory_space<hbm>>) target(%dma_start3A_651 : memref<256xi32, #tpu.memory_space<vmem>>) target_semaphore(%dma_start3A_648 : memref<!tpu.dma_semaphore, #tpu.memory_space<semaphore_mem>>)
      } else {
      }
      %add3A_561 = arith.constant 3 : i32
      %add3A_562 = arith.addi %mul3A_296, %add3A_561 : i32
      %mul3A_563 = arith.constant 256 : i32
      %mul3A_564 = arith.muli %add3A_562, %mul3A_563 : i32
      %add3A_565 = arith.addi %mul3A_2, %mul3A_564 : i32
      %dma_wait3A_566 = arith.constant 3 : i32
      %dma_wait3A_567 = arith.constant 1 : i32
      %dma_wait3A_568 = arith.constant 3 : i32
      %dma_wait3A_569 = arith.constant 1 : i32
      %dma_wait3A_570 = arith.constant 0 : i32
      %dma_wait3A_571 = tpu.memref_slice %arg6[%dma_wait3A_566, %dma_wait3A_567, %dma_wait3A_570] : memref<4x2x256xi32, #tpu.memory_space<vmem>> -> memref<1x1x256xi32, #tpu.memory_space<vmem>>
      %dma_wait3A_572 = tpu.memref_squeeze %dma_wait3A_571 : memref<1x1x256xi32, #tpu.memory_space<vmem>> -> memref<256xi32, #tpu.memory_space<vmem>>
      %dma_wait3A_573 = tpu.memref_slice %arg3[%add3A_565] : memref<425984xi32, #tpu.memory_space<hbm>> -> memref<256xi32, #tpu.memory_space<hbm>>
      %dma_wait3A_574 = tpu.memref_slice %arg9[%dma_wait3A_568, %dma_wait3A_569] : memref<4x2x!tpu.dma_semaphore, #tpu.memory_space<semaphore_mem>> -> memref<1x1x!tpu.dma_semaphore, #tpu.memory_space<semaphore_mem>>
      %dma_wait3A_575 = tpu.memref_squeeze %dma_wait3A_574 : memref<1x1x!tpu.dma_semaphore, #tpu.memory_space<semaphore_mem>> -> memref<!tpu.dma_semaphore, #tpu.memory_space<semaphore_mem>>
      %dma_wait3A_576 = arith.constant 0 : i32
      %dma_wait3A_577 = tpu.memref_slice %arg6[%dma_wait3A_566, %dma_wait3A_567, %dma_wait3A_576] : memref<4x2x256xi32, #tpu.memory_space<vmem>> -> memref<1x1x256xi32, #tpu.memory_space<vmem>>
      %dma_wait3A_578 = tpu.memref_squeeze %dma_wait3A_577 : memref<1x1x256xi32, #tpu.memory_space<vmem>> -> memref<256xi32, #tpu.memory_space<vmem>>
      %dma_wait3A_579 = tpu.memref_slice %arg3[%add3A_565] : memref<425984xi32, #tpu.memory_space<hbm>> -> memref<256xi32, #tpu.memory_space<hbm>>
      tpu.wait_dma2 semaphore(%dma_wait3A_575 : memref<!tpu.dma_semaphore, #tpu.memory_space<semaphore_mem>>) src(%dma_wait3A_579 : memref<256xi32, #tpu.memory_space<hbm>>) dst(%dma_wait3A_578 : memref<256xi32, #tpu.memory_space<vmem>>)
      %add3A_580 = arith.constant 3 : i32
      %add3A_581 = arith.addi %mul3A_296, %add3A_580 : i32
      %mul3A_582 = arith.constant 256 : i32
      %mul3A_583 = arith.muli %add3A_581, %mul3A_582 : i32
      %add3A_584 = arith.addi %mul3A_2, %mul3A_583 : i32
      %mul3A_585 = arith.constant 32 : i32
      %mul3A_586 = arith.muli %add3A_584, %mul3A_585 : i32
      %dma_wait3A_587 = arith.constant 1 : i32
      %dma_wait3A_588 = arith.constant 1 : i32
      %dma_wait3A_589 = arith.constant 0 : i32
      %dma_wait3A_590 = tpu.memref_slice %arg8[%dma_wait3A_587, %dma_wait3A_589] : memref<2x8192xf32, #tpu.memory_space<vmem>> -> memref<1x8192xf32, #tpu.memory_space<vmem>>
      %dma_wait3A_591 = tpu.memref_squeeze %dma_wait3A_590 : memref<1x8192xf32, #tpu.memory_space<vmem>> -> memref<8192xf32, #tpu.memory_space<vmem>>
      %dma_wait3A_592 = tpu.memref_slice %arg5[%mul3A_586] : memref<13631488xf32, #tpu.memory_space<hbm>> -> memref<8192xf32, #tpu.memory_space<hbm>>
      %dma_wait3A_593 = tpu.memref_slice %arg11[%dma_wait3A_588] : memref<2x!tpu.dma_semaphore, #tpu.memory_space<semaphore_mem>> -> memref<1x!tpu.dma_semaphore, #tpu.memory_space<semaphore_mem>>
      %dma_wait3A_594 = tpu.memref_squeeze %dma_wait3A_593 : memref<1x!tpu.dma_semaphore, #tpu.memory_space<semaphore_mem>> -> memref<!tpu.dma_semaphore, #tpu.memory_space<semaphore_mem>>
      %dma_wait3A_595 = tpu.memref_slice %arg5[%mul3A_586] : memref<13631488xf32, #tpu.memory_space<hbm>> -> memref<8192xf32, #tpu.memory_space<hbm>>
      %dma_wait3A_596 = arith.constant 0 : i32
      %dma_wait3A_597 = tpu.memref_slice %arg8[%dma_wait3A_587, %dma_wait3A_596] : memref<2x8192xf32, #tpu.memory_space<vmem>> -> memref<1x8192xf32, #tpu.memory_space<vmem>>
      %dma_wait3A_598 = tpu.memref_squeeze %dma_wait3A_597 : memref<1x8192xf32, #tpu.memory_space<vmem>> -> memref<8192xf32, #tpu.memory_space<vmem>>
      tpu.wait_dma2 semaphore(%dma_wait3A_594 : memref<!tpu.dma_semaphore, #tpu.memory_space<semaphore_mem>>) src(%dma_wait3A_598 : memref<8192xf32, #tpu.memory_space<vmem>>) dst(%dma_wait3A_595 : memref<8192xf32, #tpu.memory_space<hbm>>)
      %iota3A_599 = tpu.iota {dimensions = array<i32: 0>} : vector<16xi32>
      %scan3A_600 = arith.constant 0 : i32
      %scan3A_601 = arith.constant 3 : i32
      %scan3A_602 = arith.constant 1 : i32
      %scan3A_603 = arith.constant 0 : i32
      %scan3A_604 = arith.constant 16 : i32
      %scan3A_605 = arith.addi %scan3A_603, %scan3A_604 : i32
      %scan3A_606 = arith.constant 1 : i32
      scf.for %scan3A_632 = %scan3A_603 to %scan3A_605 step %scan3A_606  : i32 {
        %mul3A_633 = arith.constant 16 : i32
        %mul3A_634 = arith.muli %scan3A_632, %mul3A_633 : i32
        %add3A_635 = vector.broadcast %mul3A_634 : i32 to vector<16xi32>
        %add3A_636 = arith.addi %iota3A_599, %add3A_635 : vector<16xi32>
        %mul3A_637 = arith.constant 16 : i32
        %mul3A_638 = arith.muli %scan3A_632, %mul3A_637 : i32
        %get3A = arith.constant 3 : i32
        %get3A_639 = arith.constant 1 : i32
        %get3A_640 = arith.index_cast %get3A : i32 to index
        %get3A_641 = arith.index_cast %get3A_639 : i32 to index
        %get3A_642 = arith.index_cast %mul3A_638 : i32 to index
        %get3A_643 = tpu.vector_load %arg6[%get3A_640, %get3A_641, %get3A_642] {strides = array<i32>} : memref<4x2x256xi32, #tpu.memory_space<vmem>>, vector<16xi32>,
        %mul3A_644 = arith.constant 32 : i32
        %mul3A_645 = vector.broadcast %mul3A_644 : i32 to vector<16xi32>
        %mul3A_646 = arith.muli %add3A_636, %mul3A_645 : vector<16xi32>
        %add3A_647 = arith.constant 0 : i32
        %add3A_648 = vector.broadcast %add3A_647 : i32 to vector<16xi32>
        %add3A_649 = arith.addi %get3A_643, %add3A_648 : vector<16xi32>
        %gather3A = arith.constant 0 : i32
        %gather3A_650 = arith.constant 0 : i32
        %gather3A_651 = tpu.memref_slice %arg7[%scan3A_601, %gather3A, %gather3A_650] : memref<4x256x64xf32, #tpu.memory_space<vmem>> -> memref<1x256x64xf32, #tpu.memory_space<vmem>>
        %gather3A_652 = tpu.memref_squeeze %gather3A_651 : memref<1x256x64xf32, #tpu.memory_space<vmem>> -> memref<256x64xf32, #tpu.memory_space<vmem>>
        %gather3A_653 = tpu.vector_load_idx %gather3A_652[%add3A_636, %add3A_649] : memref<256x64xf32, #tpu.memory_space<vmem>>[vector<16xi32>, vector<16xi32>], vector<16xf32>,
        %add3A_654 = arith.constant 0 : i32
        %add3A_655 = vector.broadcast %add3A_654 : i32 to vector<16xi32>
        %add3A_656 = arith.addi %mul3A_646, %add3A_655 : vector<16xi32>
        %scatter3A = arith.constant 0 : i32
        %scatter3A_657 = tpu.memref_slice %arg8[%scan3A_602, %scatter3A] : memref<2x8192xf32, #tpu.memory_space<vmem>> -> memref<1x8192xf32, #tpu.memory_space<vmem>>
        %scatter3A_658 = tpu.memref_squeeze %scatter3A_657 : memref<1x8192xf32, #tpu.memory_space<vmem>> -> memref<8192xf32, #tpu.memory_space<vmem>>
        tpu.vector_store_idx %scatter3A_658[%add3A_656], %gather3A_653 : memref<8192xf32, #tpu.memory_space<vmem>>[vector<16xi32>], vector<16xf32>,
        %add3A_659 = arith.constant 1 : i32
        %add3A_660 = vector.broadcast %add3A_659 : i32 to vector<16xi32>
        %add3A_661 = arith.addi %get3A_643, %add3A_660 : vector<16xi32>
        %gather3A_662 = arith.constant 0 : i32
        %gather3A_663 = arith.constant 0 : i32
        %gather3A_664 = tpu.memref_slice %arg7[%scan3A_601, %gather3A_662, %gather3A_663] : memref<4x256x64xf32, #tpu.memory_space<vmem>> -> memref<1x256x64xf32, #tpu.memory_space<vmem>>
        %gather3A_665 = tpu.memref_squeeze %gather3A_664 : memref<1x256x64xf32, #tpu.memory_space<vmem>> -> memref<256x64xf32, #tpu.memory_space<vmem>>
        %gather3A_666 = tpu.vector_load_idx %gather3A_665[%add3A_636, %add3A_661] : memref<256x64xf32, #tpu.memory_space<vmem>>[vector<16xi32>, vector<16xi32>], vector<16xf32>,
        %add3A_667 = arith.constant 1 : i32
        %add3A_668 = vector.broadcast %add3A_667 : i32 to vector<16xi32>
        %add3A_669 = arith.addi %mul3A_646, %add3A_668 : vector<16xi32>
        %scatter3A_670 = arith.constant 0 : i32
        %scatter3A_671 = tpu.memref_slice %arg8[%scan3A_602, %scatter3A_670] : memref<2x8192xf32, #tpu.memory_space<vmem>> -> memref<1x8192xf32, #tpu.memory_space<vmem>>
        %scatter3A_672 = tpu.memref_squeeze %scatter3A_671 : memref<1x8192xf32, #tpu.memory_space<vmem>> -> memref<8192xf32, #tpu.memory_space<vmem>>
        tpu.vector_store_idx %scatter3A_672[%add3A_669], %gather3A_666 : memref<8192xf32, #tpu.memory_space<vmem>>[vector<16xi32>], vector<16xf32>,
        %add3A_673 = arith.constant 2 : i32
        %add3A_674 = vector.broadcast %add3A_673 : i32 to vector<16xi32>
        %add3A_675 = arith.addi %get3A_643, %add3A_674 : vector<16xi32>
        %gather3A_676 = arith.constant 0 : i32
        %gather3A_677 = arith.constant 0 : i32
        %gather3A_678 = tpu.memref_slice %arg7[%scan3A_601, %gather3A_676, %gather3A_677] : memref<4x256x64xf32, #tpu.memory_space<vmem>> -> memref<1x256x64xf32, #tpu.memory_space<vmem>>
        %gather3A_679 = tpu.memref_squeeze %gather3A_678 : memref<1x256x64xf32, #tpu.memory_space<vmem>> -> memref<256x64xf32, #tpu.memory_space<vmem>>
        %gather3A_680 = tpu.vector_load_idx %gather3A_679[%add3A_636, %add3A_675] : memref<256x64xf32, #tpu.memory_space<vmem>>[vector<16xi32>, vector<16xi32>], vector<16xf32>,
        %add3A_681 = arith.constant 2 : i32
        %add3A_682 = vector.broadcast %add3A_681 : i32 to vector<16xi32>
        %add3A_683 = arith.addi %mul3A_646, %add3A_682 : vector<16xi32>
        %scatter3A_684 = arith.constant 0 : i32
        %scatter3A_685 = tpu.memref_slice %arg8[%scan3A_602, %scatter3A_684] : memref<2x8192xf32, #tpu.memory_space<vmem>> -> memref<1x8192xf32, #tpu.memory_space<vmem>>
        %scatter3A_686 = tpu.memref_squeeze %scatter3A_685 : memref<1x8192xf32, #tpu.memory_space<vmem>> -> memref<8192xf32, #tpu.memory_space<vmem>>
        tpu.vector_store_idx %scatter3A_686[%add3A_683], %gather3A_680 : memref<8192xf32, #tpu.memory_space<vmem>>[vector<16xi32>], vector<16xf32>,
        %add3A_687 = arith.constant 3 : i32
        %add3A_688 = vector.broadcast %add3A_687 : i32 to vector<16xi32>
        %add3A_689 = arith.addi %get3A_643, %add3A_688 : vector<16xi32>
        %gather3A_690 = arith.constant 0 : i32
        %gather3A_691 = arith.constant 0 : i32
        %gather3A_692 = tpu.memref_slice %arg7[%scan3A_601, %gather3A_690, %gather3A_691] : memref<4x256x64xf32, #tpu.memory_space<vmem>> -> memref<1x256x64xf32, #tpu.memory_space<vmem>>
        %gather3A_693 = tpu.memref_squeeze %gather3A_692 : memref<1x256x64xf32, #tpu.memory_space<vmem>> -> memref<256x64xf32, #tpu.memory_space<vmem>>
        %gather3A_694 = tpu.vector_load_idx %gather3A_693[%add3A_636, %add3A_689] : memref<256x64xf32, #tpu.memory_space<vmem>>[vector<16xi32>, vector<16xi32>], vector<16xf32>,
        %add3A_695 = arith.constant 3 : i32
        %add3A_696 = vector.broadcast %add3A_695 : i32 to vector<16xi32>
        %add3A_697 = arith.addi %mul3A_646, %add3A_696 : vector<16xi32>
        %scatter3A_698 = arith.constant 0 : i32
        %scatter3A_699 = tpu.memref_slice %arg8[%scan3A_602, %scatter3A_698] : memref<2x8192xf32, #tpu.memory_space<vmem>> -> memref<1x8192xf32, #tpu.memory_space<vmem>>
        %scatter3A_700 = tpu.memref_squeeze %scatter3A_699 : memref<1x8192xf32, #tpu.memory_space<vmem>> -> memref<8192xf32, #tpu.memory_space<vmem>>
        tpu.vector_store_idx %scatter3A_700[%add3A_697], %gather3A_694 : memref<8192xf32, #tpu.memory_space<vmem>>[vector<16xi32>], vector<16xf32>,
        %add3A_701 = arith.constant 4 : i32
        %add3A_702 = vector.broadcast %add3A_701 : i32 to vector<16xi32>
        %add3A_703 = arith.addi %get3A_643, %add3A_702 : vector<16xi32>
        %gather3A_704 = arith.constant 0 : i32
        %gather3A_705 = arith.constant 0 : i32
        %gather3A_706 = tpu.memref_slice %arg7[%scan3A_601, %gather3A_704, %gather3A_705] : memref<4x256x64xf32, #tpu.memory_space<vmem>> -> memref<1x256x64xf32, #tpu.memory_space<vmem>>
        %gather3A_707 = tpu.memref_squeeze %gather3A_706 : memref<1x256x64xf32, #tpu.memory_space<vmem>> -> memref<256x64xf32, #tpu.memory_space<vmem>>
        %gather3A_708 = tpu.vector_load_idx %gather3A_707[%add3A_636, %add3A_703] : memref<256x64xf32, #tpu.memory_space<vmem>>[vector<16xi32>, vector<16xi32>], vector<16xf32>,
        %add3A_709 = arith.constant 4 : i32
        %add3A_710 = vector.broadcast %add3A_709 : i32 to vector<16xi32>
        %add3A_711 = arith.addi %mul3A_646, %add3A_710 : vector<16xi32>
        %scatter3A_712 = arith.constant 0 : i32
        %scatter3A_713 = tpu.memref_slice %arg8[%scan3A_602, %scatter3A_712] : memref<2x8192xf32, #tpu.memory_space<vmem>> -> memref<1x8192xf32, #tpu.memory_space<vmem>>
        %scatter3A_714 = tpu.memref_squeeze %scatter3A_713 : memref<1x8192xf32, #tpu.memory_space<vmem>> -> memref<8192xf32, #tpu.memory_space<vmem>>
        tpu.vector_store_idx %scatter3A_714[%add3A_711], %gather3A_708 : memref<8192xf32, #tpu.memory_space<vmem>>[vector<16xi32>], vector<16xf32>,
        %add3A_715 = arith.constant 5 : i32
        %add3A_716 = vector.broadcast %add3A_715 : i32 to vector<16xi32>
        %add3A_717 = arith.addi %get3A_643, %add3A_716 : vector<16xi32>
        %gather3A_718 = arith.constant 0 : i32
        %gather3A_719 = arith.constant 0 : i32
        %gather3A_720 = tpu.memref_slice %arg7[%scan3A_601, %gather3A_718, %gather3A_719] : memref<4x256x64xf32, #tpu.memory_space<vmem>> -> memref<1x256x64xf32, #tpu.memory_space<vmem>>
        %gather3A_721 = tpu.memref_squeeze %gather3A_720 : memref<1x256x64xf32, #tpu.memory_space<vmem>> -> memref<256x64xf32, #tpu.memory_space<vmem>>
        %gather3A_722 = tpu.vector_load_idx %gather3A_721[%add3A_636, %add3A_717] : memref<256x64xf32, #tpu.memory_space<vmem>>[vector<16xi32>, vector<16xi32>], vector<16xf32>,
        %add3A_723 = arith.constant 5 : i32
        %add3A_724 = vector.broadcast %add3A_723 : i32 to vector<16xi32>
        %add3A_725 = arith.addi %mul3A_646, %add3A_724 : vector<16xi32>
        %scatter3A_726 = arith.constant 0 : i32
        %scatter3A_727 = tpu.memref_slice %arg8[%scan3A_602, %scatter3A_726] : memref<2x8192xf32, #tpu.memory_space<vmem>> -> memref<1x8192xf32, #tpu.memory_space<vmem>>
        %scatter3A_728 = tpu.memref_squeeze %scatter3A_727 : memref<1x8192xf32, #tpu.memory_space<vmem>> -> memref<8192xf32, #tpu.memory_space<vmem>>
        tpu.vector_store_idx %scatter3A_728[%add3A_725], %gather3A_722 : memref<8192xf32, #tpu.memory_space<vmem>>[vector<16xi32>], vector<16xf32>,
        %add3A_729 = arith.constant 6 : i32
        %add3A_730 = vector.broadcast %add3A_729 : i32 to vector<16xi32>
        %add3A_731 = arith.addi %get3A_643, %add3A_730 : vector<16xi32>
        %gather3A_732 = arith.constant 0 : i32
        %gather3A_733 = arith.constant 0 : i32
        %gather3A_734 = tpu.memref_slice %arg7[%scan3A_601, %gather3A_732, %gather3A_733] : memref<4x256x64xf32, #tpu.memory_space<vmem>> -> memref<1x256x64xf32, #tpu.memory_space<vmem>>
        %gather3A_735 = tpu.memref_squeeze %gather3A_734 : memref<1x256x64xf32, #tpu.memory_space<vmem>> -> memref<256x64xf32, #tpu.memory_space<vmem>>
        %gather3A_736 = tpu.vector_load_idx %gather3A_735[%add3A_636, %add3A_731] : memref<256x64xf32, #tpu.memory_space<vmem>>[vector<16xi32>, vector<16xi32>], vector<16xf32>,
        %add3A_737 = arith.constant 6 : i32
        %add3A_738 = vector.broadcast %add3A_737 : i32 to vector<16xi32>
        %add3A_739 = arith.addi %mul3A_646, %add3A_738 : vector<16xi32>
        %scatter3A_740 = arith.constant 0 : i32
        %scatter3A_741 = tpu.memref_slice %arg8[%scan3A_602, %scatter3A_740] : memref<2x8192xf32, #tpu.memory_space<vmem>> -> memref<1x8192xf32, #tpu.memory_space<vmem>>
        %scatter3A_742 = tpu.memref_squeeze %scatter3A_741 : memref<1x8192xf32, #tpu.memory_space<vmem>> -> memref<8192xf32, #tpu.memory_space<vmem>>
        tpu.vector_store_idx %scatter3A_742[%add3A_739], %gather3A_736 : memref<8192xf32, #tpu.memory_space<vmem>>[vector<16xi32>], vector<16xf32>,
        %add3A_743 = arith.constant 7 : i32
        %add3A_744 = vector.broadcast %add3A_743 : i32 to vector<16xi32>
        %add3A_745 = arith.addi %get3A_643, %add3A_744 : vector<16xi32>
        %gather3A_746 = arith.constant 0 : i32
        %gather3A_747 = arith.constant 0 : i32
        %gather3A_748 = tpu.memref_slice %arg7[%scan3A_601, %gather3A_746, %gather3A_747] : memref<4x256x64xf32, #tpu.memory_space<vmem>> -> memref<1x256x64xf32, #tpu.memory_space<vmem>>
        %gather3A_749 = tpu.memref_squeeze %gather3A_748 : memref<1x256x64xf32, #tpu.memory_space<vmem>> -> memref<256x64xf32, #tpu.memory_space<vmem>>
        %gather3A_750 = tpu.vector_load_idx %gather3A_749[%add3A_636, %add3A_745] : memref<256x64xf32, #tpu.memory_space<vmem>>[vector<16xi32>, vector<16xi32>], vector<16xf32>,
        %add3A_751 = arith.constant 7 : i32
        %add3A_752 = vector.broadcast %add3A_751 : i32 to vector<16xi32>
        %add3A_753 = arith.addi %mul3A_646, %add3A_752 : vector<16xi32>
        %scatter3A_754 = arith.constant 0 : i32
        %scatter3A_755 = tpu.memref_slice %arg8[%scan3A_602, %scatter3A_754] : memref<2x8192xf32, #tpu.memory_space<vmem>> -> memref<1x8192xf32, #tpu.memory_space<vmem>>
        %scatter3A_756 = tpu.memref_squeeze %scatter3A_755 : memref<1x8192xf32, #tpu.memory_space<vmem>> -> memref<8192xf32, #tpu.memory_space<vmem>>
        tpu.vector_store_idx %scatter3A_756[%add3A_753], %gather3A_750 : memref<8192xf32, #tpu.memory_space<vmem>>[vector<16xi32>], vector<16xf32>,
        %add3A_757 = arith.constant 8 : i32
        %add3A_758 = vector.broadcast %add3A_757 : i32 to vector<16xi32>
        %add3A_759 = arith.addi %get3A_643, %add3A_758 : vector<16xi32>
        %gather3A_760 = arith.constant 0 : i32
        %gather3A_761 = arith.constant 0 : i32
        %gather3A_762 = tpu.memref_slice %arg7[%scan3A_601, %gather3A_760, %gather3A_761] : memref<4x256x64xf32, #tpu.memory_space<vmem>> -> memref<1x256x64xf32, #tpu.memory_space<vmem>>
        %gather3A_763 = tpu.memref_squeeze %gather3A_762 : memref<1x256x64xf32, #tpu.memory_space<vmem>> -> memref<256x64xf32, #tpu.memory_space<vmem>>
        %gather3A_764 = tpu.vector_load_idx %gather3A_763[%add3A_636, %add3A_759] : memref<256x64xf32, #tpu.memory_space<vmem>>[vector<16xi32>, vector<16xi32>], vector<16xf32>,
        %add3A_765 = arith.constant 8 : i32
        %add3A_766 = vector.broadcast %add3A_765 : i32 to vector<16xi32>
        %add3A_767 = arith.addi %mul3A_646, %add3A_766 : vector<16xi32>
        %scatter3A_768 = arith.constant 0 : i32
        %scatter3A_769 = tpu.memref_slice %arg8[%scan3A_602, %scatter3A_768] : memref<2x8192xf32, #tpu.memory_space<vmem>> -> memref<1x8192xf32, #tpu.memory_space<vmem>>
        %scatter3A_770 = tpu.memref_squeeze %scatter3A_769 : memref<1x8192xf32, #tpu.memory_space<vmem>> -> memref<8192xf32, #tpu.memory_space<vmem>>
        tpu.vector_store_idx %scatter3A_770[%add3A_767], %gather3A_764 : memref<8192xf32, #tpu.memory_space<vmem>>[vector<16xi32>], vector<16xf32>,
        %add3A_771 = arith.constant 9 : i32
        %add3A_772 = vector.broadcast %add3A_771 : i32 to vector<16xi32>
        %add3A_773 = arith.addi %get3A_643, %add3A_772 : vector<16xi32>
        %gather3A_774 = arith.constant 0 : i32
        %gather3A_775 = arith.constant 0 : i32
        %gather3A_776 = tpu.memref_slice %arg7[%scan3A_601, %gather3A_774, %gather3A_775] : memref<4x256x64xf32, #tpu.memory_space<vmem>> -> memref<1x256x64xf32, #tpu.memory_space<vmem>>
        %gather3A_777 = tpu.memref_squeeze %gather3A_776 : memref<1x256x64xf32, #tpu.memory_space<vmem>> -> memref<256x64xf32, #tpu.memory_space<vmem>>
        %gather3A_778 = tpu.vector_load_idx %gather3A_777[%add3A_636, %add3A_773] : memref<256x64xf32, #tpu.memory_space<vmem>>[vector<16xi32>, vector<16xi32>], vector<16xf32>,
        %add3A_779 = arith.constant 9 : i32
        %add3A_780 = vector.broadcast %add3A_779 : i32 to vector<16xi32>
        %add3A_781 = arith.addi %mul3A_646, %add3A_780 : vector<16xi32>
        %scatter3A_782 = arith.constant 0 : i32
        %scatter3A_783 = tpu.memref_slice %arg8[%scan3A_602, %scatter3A_782] : memref<2x8192xf32, #tpu.memory_space<vmem>> -> memref<1x8192xf32, #tpu.memory_space<vmem>>
        %scatter3A_784 = tpu.memref_squeeze %scatter3A_783 : memref<1x8192xf32, #tpu.memory_space<vmem>> -> memref<8192xf32, #tpu.memory_space<vmem>>
        tpu.vector_store_idx %scatter3A_784[%add3A_781], %gather3A_778 : memref<8192xf32, #tpu.memory_space<vmem>>[vector<16xi32>], vector<16xf32>,
        %add3A_785 = arith.constant 10 : i32
        %add3A_786 = vector.broadcast %add3A_785 : i32 to vector<16xi32>
        %add3A_787 = arith.addi %get3A_643, %add3A_786 : vector<16xi32>
        %gather3A_788 = arith.constant 0 : i32
        %gather3A_789 = arith.constant 0 : i32
        %gather3A_790 = tpu.memref_slice %arg7[%scan3A_601, %gather3A_788, %gather3A_789] : memref<4x256x64xf32, #tpu.memory_space<vmem>> -> memref<1x256x64xf32, #tpu.memory_space<vmem>>
        %gather3A_791 = tpu.memref_squeeze %gather3A_790 : memref<1x256x64xf32, #tpu.memory_space<vmem>> -> memref<256x64xf32, #tpu.memory_space<vmem>>
        %gather3A_792 = tpu.vector_load_idx %gather3A_791[%add3A_636, %add3A_787] : memref<256x64xf32, #tpu.memory_space<vmem>>[vector<16xi32>, vector<16xi32>], vector<16xf32>,
        %add3A_793 = arith.constant 10 : i32
        %add3A_794 = vector.broadcast %add3A_793 : i32 to vector<16xi32>
        %add3A_795 = arith.addi %mul3A_646, %add3A_794 : vector<16xi32>
        %scatter3A_796 = arith.constant 0 : i32
        %scatter3A_797 = tpu.memref_slice %arg8[%scan3A_602, %scatter3A_796] : memref<2x8192xf32, #tpu.memory_space<vmem>> -> memref<1x8192xf32, #tpu.memory_space<vmem>>
        %scatter3A_798 = tpu.memref_squeeze %scatter3A_797 : memref<1x8192xf32, #tpu.memory_space<vmem>> -> memref<8192xf32, #tpu.memory_space<vmem>>
        tpu.vector_store_idx %scatter3A_798[%add3A_795], %gather3A_792 : memref<8192xf32, #tpu.memory_space<vmem>>[vector<16xi32>], vector<16xf32>,
        %add3A_799 = arith.constant 11 : i32
        %add3A_800 = vector.broadcast %add3A_799 : i32 to vector<16xi32>
        %add3A_801 = arith.addi %get3A_643, %add3A_800 : vector<16xi32>
        %gather3A_802 = arith.constant 0 : i32
        %gather3A_803 = arith.constant 0 : i32
        %gather3A_804 = tpu.memref_slice %arg7[%scan3A_601, %gather3A_802, %gather3A_803] : memref<4x256x64xf32, #tpu.memory_space<vmem>> -> memref<1x256x64xf32, #tpu.memory_space<vmem>>
        %gather3A_805 = tpu.memref_squeeze %gather3A_804 : memref<1x256x64xf32, #tpu.memory_space<vmem>> -> memref<256x64xf32, #tpu.memory_space<vmem>>
        %gather3A_806 = tpu.vector_load_idx %gather3A_805[%add3A_636, %add3A_801] : memref<256x64xf32, #tpu.memory_space<vmem>>[vector<16xi32>, vector<16xi32>], vector<16xf32>,
        %add3A_807 = arith.constant 11 : i32
        %add3A_808 = vector.broadcast %add3A_807 : i32 to vector<16xi32>
        %add3A_809 = arith.addi %mul3A_646, %add3A_808 : vector<16xi32>
        %scatter3A_810 = arith.constant 0 : i32
        %scatter3A_811 = tpu.memref_slice %arg8[%scan3A_602, %scatter3A_810] : memref<2x8192xf32, #tpu.memory_space<vmem>> -> memref<1x8192xf32, #tpu.memory_space<vmem>>
        %scatter3A_812 = tpu.memref_squeeze %scatter3A_811 : memref<1x8192xf32, #tpu.memory_space<vmem>> -> memref<8192xf32, #tpu.memory_space<vmem>>
        tpu.vector_store_idx %scatter3A_812[%add3A_809], %gather3A_806 : memref<8192xf32, #tpu.memory_space<vmem>>[vector<16xi32>], vector<16xf32>,
        %add3A_813 = arith.constant 12 : i32
        %add3A_814 = vector.broadcast %add3A_813 : i32 to vector<16xi32>
        %add3A_815 = arith.addi %get3A_643, %add3A_814 : vector<16xi32>
        %gather3A_816 = arith.constant 0 : i32
        %gather3A_817 = arith.constant 0 : i32
        %gather3A_818 = tpu.memref_slice %arg7[%scan3A_601, %gather3A_816, %gather3A_817] : memref<4x256x64xf32, #tpu.memory_space<vmem>> -> memref<1x256x64xf32, #tpu.memory_space<vmem>>
        %gather3A_819 = tpu.memref_squeeze %gather3A_818 : memref<1x256x64xf32, #tpu.memory_space<vmem>> -> memref<256x64xf32, #tpu.memory_space<vmem>>
        %gather3A_820 = tpu.vector_load_idx %gather3A_819[%add3A_636, %add3A_815] : memref<256x64xf32, #tpu.memory_space<vmem>>[vector<16xi32>, vector<16xi32>], vector<16xf32>,
        %add3A_821 = arith.constant 12 : i32
        %add3A_822 = vector.broadcast %add3A_821 : i32 to vector<16xi32>
        %add3A_823 = arith.addi %mul3A_646, %add3A_822 : vector<16xi32>
        %scatter3A_824 = arith.constant 0 : i32
        %scatter3A_825 = tpu.memref_slice %arg8[%scan3A_602, %scatter3A_824] : memref<2x8192xf32, #tpu.memory_space<vmem>> -> memref<1x8192xf32, #tpu.memory_space<vmem>>
        %scatter3A_826 = tpu.memref_squeeze %scatter3A_825 : memref<1x8192xf32, #tpu.memory_space<vmem>> -> memref<8192xf32, #tpu.memory_space<vmem>>
        tpu.vector_store_idx %scatter3A_826[%add3A_823], %gather3A_820 : memref<8192xf32, #tpu.memory_space<vmem>>[vector<16xi32>], vector<16xf32>,
        %add3A_827 = arith.constant 13 : i32
        %add3A_828 = vector.broadcast %add3A_827 : i32 to vector<16xi32>
        %add3A_829 = arith.addi %get3A_643, %add3A_828 : vector<16xi32>
        %gather3A_830 = arith.constant 0 : i32
        %gather3A_831 = arith.constant 0 : i32
        %gather3A_832 = tpu.memref_slice %arg7[%scan3A_601, %gather3A_830, %gather3A_831] : memref<4x256x64xf32, #tpu.memory_space<vmem>> -> memref<1x256x64xf32, #tpu.memory_space<vmem>>
        %gather3A_833 = tpu.memref_squeeze %gather3A_832 : memref<1x256x64xf32, #tpu.memory_space<vmem>> -> memref<256x64xf32, #tpu.memory_space<vmem>>
        %gather3A_834 = tpu.vector_load_idx %gather3A_833[%add3A_636, %add3A_829] : memref<256x64xf32, #tpu.memory_space<vmem>>[vector<16xi32>, vector<16xi32>], vector<16xf32>,
        %add3A_835 = arith.constant 13 : i32
        %add3A_836 = vector.broadcast %add3A_835 : i32 to vector<16xi32>
        %add3A_837 = arith.addi %mul3A_646, %add3A_836 : vector<16xi32>
        %scatter3A_838 = arith.constant 0 : i32
        %scatter3A_839 = tpu.memref_slice %arg8[%scan3A_602, %scatter3A_838] : memref<2x8192xf32, #tpu.memory_space<vmem>> -> memref<1x8192xf32, #tpu.memory_space<vmem>>
        %scatter3A_840 = tpu.memref_squeeze %scatter3A_839 : memref<1x8192xf32, #tpu.memory_space<vmem>> -> memref<8192xf32, #tpu.memory_space<vmem>>
        tpu.vector_store_idx %scatter3A_840[%add3A_837], %gather3A_834 : memref<8192xf32, #tpu.memory_space<vmem>>[vector<16xi32>], vector<16xf32>,
        %add3A_841 = arith.constant 14 : i32
        %add3A_842 = vector.broadcast %add3A_841 : i32 to vector<16xi32>
        %add3A_843 = arith.addi %get3A_643, %add3A_842 : vector<16xi32>
        %gather3A_844 = arith.constant 0 : i32
        %gather3A_845 = arith.constant 0 : i32
        %gather3A_846 = tpu.memref_slice %arg7[%scan3A_601, %gather3A_844, %gather3A_845] : memref<4x256x64xf32, #tpu.memory_space<vmem>> -> memref<1x256x64xf32, #tpu.memory_space<vmem>>
        %gather3A_847 = tpu.memref_squeeze %gather3A_846 : memref<1x256x64xf32, #tpu.memory_space<vmem>> -> memref<256x64xf32, #tpu.memory_space<vmem>>
        %gather3A_848 = tpu.vector_load_idx %gather3A_847[%add3A_636, %add3A_843] : memref<256x64xf32, #tpu.memory_space<vmem>>[vector<16xi32>, vector<16xi32>], vector<16xf32>,
        %add3A_849 = arith.constant 14 : i32
        %add3A_850 = vector.broadcast %add3A_849 : i32 to vector<16xi32>
        %add3A_851 = arith.addi %mul3A_646, %add3A_850 : vector<16xi32>
        %scatter3A_852 = arith.constant 0 : i32
        %scatter3A_853 = tpu.memref_slice %arg8[%scan3A_602, %scatter3A_852] : memref<2x8192xf32, #tpu.memory_space<vmem>> -> memref<1x8192xf32, #tpu.memory_space<vmem>>
        %scatter3A_854 = tpu.memref_squeeze %scatter3A_853 : memref<1x8192xf32, #tpu.memory_space<vmem>> -> memref<8192xf32, #tpu.memory_space<vmem>>
        tpu.vector_store_idx %scatter3A_854[%add3A_851], %gather3A_848 : memref<8192xf32, #tpu.memory_space<vmem>>[vector<16xi32>], vector<16xf32>,
        %add3A_855 = arith.constant 15 : i32
        %add3A_856 = vector.broadcast %add3A_855 : i32 to vector<16xi32>
        %add3A_857 = arith.addi %get3A_643, %add3A_856 : vector<16xi32>
        %gather3A_858 = arith.constant 0 : i32
        %gather3A_859 = arith.constant 0 : i32
        %gather3A_860 = tpu.memref_slice %arg7[%scan3A_601, %gather3A_858, %gather3A_859] : memref<4x256x64xf32, #tpu.memory_space<vmem>> -> memref<1x256x64xf32, #tpu.memory_space<vmem>>
        %gather3A_861 = tpu.memref_squeeze %gather3A_860 : memref<1x256x64xf32, #tpu.memory_space<vmem>> -> memref<256x64xf32, #tpu.memory_space<vmem>>
        %gather3A_862 = tpu.vector_load_idx %gather3A_861[%add3A_636, %add3A_857] : memref<256x64xf32, #tpu.memory_space<vmem>>[vector<16xi32>, vector<16xi32>], vector<16xf32>,
        %add3A_863 = arith.constant 15 : i32
        %add3A_864 = vector.broadcast %add3A_863 : i32 to vector<16xi32>
        %add3A_865 = arith.addi %mul3A_646, %add3A_864 : vector<16xi32>
        %scatter3A_866 = arith.constant 0 : i32
        %scatter3A_867 = tpu.memref_slice %arg8[%scan3A_602, %scatter3A_866] : memref<2x8192xf32, #tpu.memory_space<vmem>> -> memref<1x8192xf32, #tpu.memory_space<vmem>>
        %scatter3A_868 = tpu.memref_squeeze %scatter3A_867 : memref<1x8192xf32, #tpu.memory_space<vmem>> -> memref<8192xf32, #tpu.memory_space<vmem>>
        tpu.vector_store_idx %scatter3A_868[%add3A_865], %gather3A_862 : memref<8192xf32, #tpu.memory_space<vmem>>[vector<16xi32>], vector<16xf32>,
        %add3A_869 = arith.constant 16 : i32
        %add3A_870 = vector.broadcast %add3A_869 : i32 to vector<16xi32>
        %add3A_871 = arith.addi %get3A_643, %add3A_870 : vector<16xi32>
        %gather3A_872 = arith.constant 0 : i32
        %gather3A_873 = arith.constant 0 : i32
        %gather3A_874 = tpu.memref_slice %arg7[%scan3A_601, %gather3A_872, %gather3A_873] : memref<4x256x64xf32, #tpu.memory_space<vmem>> -> memref<1x256x64xf32, #tpu.memory_space<vmem>>
        %gather3A_875 = tpu.memref_squeeze %gather3A_874 : memref<1x256x64xf32, #tpu.memory_space<vmem>> -> memref<256x64xf32, #tpu.memory_space<vmem>>
        %gather3A_876 = tpu.vector_load_idx %gather3A_875[%add3A_636, %add3A_871] : memref<256x64xf32, #tpu.memory_space<vmem>>[vector<16xi32>, vector<16xi32>], vector<16xf32>,
        %add3A_877 = arith.constant 16 : i32
        %add3A_878 = vector.broadcast %add3A_877 : i32 to vector<16xi32>
        %add3A_879 = arith.addi %mul3A_646, %add3A_878 : vector<16xi32>
        %scatter3A_880 = arith.constant 0 : i32
        %scatter3A_881 = tpu.memref_slice %arg8[%scan3A_602, %scatter3A_880] : memref<2x8192xf32, #tpu.memory_space<vmem>> -> memref<1x8192xf32, #tpu.memory_space<vmem>>
        %scatter3A_882 = tpu.memref_squeeze %scatter3A_881 : memref<1x8192xf32, #tpu.memory_space<vmem>> -> memref<8192xf32, #tpu.memory_space<vmem>>
        tpu.vector_store_idx %scatter3A_882[%add3A_879], %gather3A_876 : memref<8192xf32, #tpu.memory_space<vmem>>[vector<16xi32>], vector<16xf32>,
        %add3A_883 = arith.constant 17 : i32
        %add3A_884 = vector.broadcast %add3A_883 : i32 to vector<16xi32>
        %add3A_885 = arith.addi %get3A_643, %add3A_884 : vector<16xi32>
        %gather3A_886 = arith.constant 0 : i32
        %gather3A_887 = arith.constant 0 : i32
        %gather3A_888 = tpu.memref_slice %arg7[%scan3A_601, %gather3A_886, %gather3A_887] : memref<4x256x64xf32, #tpu.memory_space<vmem>> -> memref<1x256x64xf32, #tpu.memory_space<vmem>>
        %gather3A_889 = tpu.memref_squeeze %gather3A_888 : memref<1x256x64xf32, #tpu.memory_space<vmem>> -> memref<256x64xf32, #tpu.memory_space<vmem>>
        %gather3A_890 = tpu.vector_load_idx %gather3A_889[%add3A_636, %add3A_885] : memref<256x64xf32, #tpu.memory_space<vmem>>[vector<16xi32>, vector<16xi32>], vector<16xf32>,
        %add3A_891 = arith.constant 17 : i32
        %add3A_892 = vector.broadcast %add3A_891 : i32 to vector<16xi32>
        %add3A_893 = arith.addi %mul3A_646, %add3A_892 : vector<16xi32>
        %scatter3A_894 = arith.constant 0 : i32
        %scatter3A_895 = tpu.memref_slice %arg8[%scan3A_602, %scatter3A_894] : memref<2x8192xf32, #tpu.memory_space<vmem>> -> memref<1x8192xf32, #tpu.memory_space<vmem>>
        %scatter3A_896 = tpu.memref_squeeze %scatter3A_895 : memref<1x8192xf32, #tpu.memory_space<vmem>> -> memref<8192xf32, #tpu.memory_space<vmem>>
        tpu.vector_store_idx %scatter3A_896[%add3A_893], %gather3A_890 : memref<8192xf32, #tpu.memory_space<vmem>>[vector<16xi32>], vector<16xf32>,
        %add3A_897 = arith.constant 18 : i32
        %add3A_898 = vector.broadcast %add3A_897 : i32 to vector<16xi32>
        %add3A_899 = arith.addi %get3A_643, %add3A_898 : vector<16xi32>
        %gather3A_900 = arith.constant 0 : i32
        %gather3A_901 = arith.constant 0 : i32
        %gather3A_902 = tpu.memref_slice %arg7[%scan3A_601, %gather3A_900, %gather3A_901] : memref<4x256x64xf32, #tpu.memory_space<vmem>> -> memref<1x256x64xf32, #tpu.memory_space<vmem>>
        %gather3A_903 = tpu.memref_squeeze %gather3A_902 : memref<1x256x64xf32, #tpu.memory_space<vmem>> -> memref<256x64xf32, #tpu.memory_space<vmem>>
        %gather3A_904 = tpu.vector_load_idx %gather3A_903[%add3A_636, %add3A_899] : memref<256x64xf32, #tpu.memory_space<vmem>>[vector<16xi32>, vector<16xi32>], vector<16xf32>,
        %add3A_905 = arith.constant 18 : i32
        %add3A_906 = vector.broadcast %add3A_905 : i32 to vector<16xi32>
        %add3A_907 = arith.addi %mul3A_646, %add3A_906 : vector<16xi32>
        %scatter3A_908 = arith.constant 0 : i32
        %scatter3A_909 = tpu.memref_slice %arg8[%scan3A_602, %scatter3A_908] : memref<2x8192xf32, #tpu.memory_space<vmem>> -> memref<1x8192xf32, #tpu.memory_space<vmem>>
        %scatter3A_910 = tpu.memref_squeeze %scatter3A_909 : memref<1x8192xf32, #tpu.memory_space<vmem>> -> memref<8192xf32, #tpu.memory_space<vmem>>
        tpu.vector_store_idx %scatter3A_910[%add3A_907], %gather3A_904 : memref<8192xf32, #tpu.memory_space<vmem>>[vector<16xi32>], vector<16xf32>,
        %add3A_911 = arith.constant 19 : i32
        %add3A_912 = vector.broadcast %add3A_911 : i32 to vector<16xi32>
        %add3A_913 = arith.addi %get3A_643, %add3A_912 : vector<16xi32>
        %gather3A_914 = arith.constant 0 : i32
        %gather3A_915 = arith.constant 0 : i32
        %gather3A_916 = tpu.memref_slice %arg7[%scan3A_601, %gather3A_914, %gather3A_915] : memref<4x256x64xf32, #tpu.memory_space<vmem>> -> memref<1x256x64xf32, #tpu.memory_space<vmem>>
        %gather3A_917 = tpu.memref_squeeze %gather3A_916 : memref<1x256x64xf32, #tpu.memory_space<vmem>> -> memref<256x64xf32, #tpu.memory_space<vmem>>
        %gather3A_918 = tpu.vector_load_idx %gather3A_917[%add3A_636, %add3A_913] : memref<256x64xf32, #tpu.memory_space<vmem>>[vector<16xi32>, vector<16xi32>], vector<16xf32>,
        %add3A_919 = arith.constant 19 : i32
        %add3A_920 = vector.broadcast %add3A_919 : i32 to vector<16xi32>
        %add3A_921 = arith.addi %mul3A_646, %add3A_920 : vector<16xi32>
        %scatter3A_922 = arith.constant 0 : i32
        %scatter3A_923 = tpu.memref_slice %arg8[%scan3A_602, %scatter3A_922] : memref<2x8192xf32, #tpu.memory_space<vmem>> -> memref<1x8192xf32, #tpu.memory_space<vmem>>
        %scatter3A_924 = tpu.memref_squeeze %scatter3A_923 : memref<1x8192xf32, #tpu.memory_space<vmem>> -> memref<8192xf32, #tpu.memory_space<vmem>>
        tpu.vector_store_idx %scatter3A_924[%add3A_921], %gather3A_918 : memref<8192xf32, #tpu.memory_space<vmem>>[vector<16xi32>], vector<16xf32>,
        %add3A_925 = arith.constant 20 : i32
        %add3A_926 = vector.broadcast %add3A_925 : i32 to vector<16xi32>
        %add3A_927 = arith.addi %get3A_643, %add3A_926 : vector<16xi32>
        %gather3A_928 = arith.constant 0 : i32
        %gather3A_929 = arith.constant 0 : i32
        %gather3A_930 = tpu.memref_slice %arg7[%scan3A_601, %gather3A_928, %gather3A_929] : memref<4x256x64xf32, #tpu.memory_space<vmem>> -> memref<1x256x64xf32, #tpu.memory_space<vmem>>
        %gather3A_931 = tpu.memref_squeeze %gather3A_930 : memref<1x256x64xf32, #tpu.memory_space<vmem>> -> memref<256x64xf32, #tpu.memory_space<vmem>>
        %gather3A_932 = tpu.vector_load_idx %gather3A_931[%add3A_636, %add3A_927] : memref<256x64xf32, #tpu.memory_space<vmem>>[vector<16xi32>, vector<16xi32>], vector<16xf32>,
        %add3A_933 = arith.constant 20 : i32
        %add3A_934 = vector.broadcast %add3A_933 : i32 to vector<16xi32>
        %add3A_935 = arith.addi %mul3A_646, %add3A_934 : vector<16xi32>
        %scatter3A_936 = arith.constant 0 : i32
        %scatter3A_937 = tpu.memref_slice %arg8[%scan3A_602, %scatter3A_936] : memref<2x8192xf32, #tpu.memory_space<vmem>> -> memref<1x8192xf32, #tpu.memory_space<vmem>>
        %scatter3A_938 = tpu.memref_squeeze %scatter3A_937 : memref<1x8192xf32, #tpu.memory_space<vmem>> -> memref<8192xf32, #tpu.memory_space<vmem>>
        tpu.vector_store_idx %scatter3A_938[%add3A_935], %gather3A_932 : memref<8192xf32, #tpu.memory_space<vmem>>[vector<16xi32>], vector<16xf32>,
        %add3A_939 = arith.constant 21 : i32
        %add3A_940 = vector.broadcast %add3A_939 : i32 to vector<16xi32>
        %add3A_941 = arith.addi %get3A_643, %add3A_940 : vector<16xi32>
        %gather3A_942 = arith.constant 0 : i32
        %gather3A_943 = arith.constant 0 : i32
        %gather3A_944 = tpu.memref_slice %arg7[%scan3A_601, %gather3A_942, %gather3A_943] : memref<4x256x64xf32, #tpu.memory_space<vmem>> -> memref<1x256x64xf32, #tpu.memory_space<vmem>>
        %gather3A_945 = tpu.memref_squeeze %gather3A_944 : memref<1x256x64xf32, #tpu.memory_space<vmem>> -> memref<256x64xf32, #tpu.memory_space<vmem>>
        %gather3A_946 = tpu.vector_load_idx %gather3A_945[%add3A_636, %add3A_941] : memref<256x64xf32, #tpu.memory_space<vmem>>[vector<16xi32>, vector<16xi32>], vector<16xf32>,
        %add3A_947 = arith.constant 21 : i32
        %add3A_948 = vector.broadcast %add3A_947 : i32 to vector<16xi32>
        %add3A_949 = arith.addi %mul3A_646, %add3A_948 : vector<16xi32>
        %scatter3A_950 = arith.constant 0 : i32
        %scatter3A_951 = tpu.memref_slice %arg8[%scan3A_602, %scatter3A_950] : memref<2x8192xf32, #tpu.memory_space<vmem>> -> memref<1x8192xf32, #tpu.memory_space<vmem>>
        %scatter3A_952 = tpu.memref_squeeze %scatter3A_951 : memref<1x8192xf32, #tpu.memory_space<vmem>> -> memref<8192xf32, #tpu.memory_space<vmem>>
        tpu.vector_store_idx %scatter3A_952[%add3A_949], %gather3A_946 : memref<8192xf32, #tpu.memory_space<vmem>>[vector<16xi32>], vector<16xf32>,
        %add3A_953 = arith.constant 22 : i32
        %add3A_954 = vector.broadcast %add3A_953 : i32 to vector<16xi32>
        %add3A_955 = arith.addi %get3A_643, %add3A_954 : vector<16xi32>
        %gather3A_956 = arith.constant 0 : i32
        %gather3A_957 = arith.constant 0 : i32
        %gather3A_958 = tpu.memref_slice %arg7[%scan3A_601, %gather3A_956, %gather3A_957] : memref<4x256x64xf32, #tpu.memory_space<vmem>> -> memref<1x256x64xf32, #tpu.memory_space<vmem>>
        %gather3A_959 = tpu.memref_squeeze %gather3A_958 : memref<1x256x64xf32, #tpu.memory_space<vmem>> -> memref<256x64xf32, #tpu.memory_space<vmem>>
        %gather3A_960 = tpu.vector_load_idx %gather3A_959[%add3A_636, %add3A_955] : memref<256x64xf32, #tpu.memory_space<vmem>>[vector<16xi32>, vector<16xi32>], vector<16xf32>,
        %add3A_961 = arith.constant 22 : i32
        %add3A_962 = vector.broadcast %add3A_961 : i32 to vector<16xi32>
        %add3A_963 = arith.addi %mul3A_646, %add3A_962 : vector<16xi32>
        %scatter3A_964 = arith.constant 0 : i32
        %scatter3A_965 = tpu.memref_slice %arg8[%scan3A_602, %scatter3A_964] : memref<2x8192xf32, #tpu.memory_space<vmem>> -> memref<1x8192xf32, #tpu.memory_space<vmem>>
        %scatter3A_966 = tpu.memref_squeeze %scatter3A_965 : memref<1x8192xf32, #tpu.memory_space<vmem>> -> memref<8192xf32, #tpu.memory_space<vmem>>
        tpu.vector_store_idx %scatter3A_966[%add3A_963], %gather3A_960 : memref<8192xf32, #tpu.memory_space<vmem>>[vector<16xi32>], vector<16xf32>,
        %add3A_967 = arith.constant 23 : i32
        %add3A_968 = vector.broadcast %add3A_967 : i32 to vector<16xi32>
        %add3A_969 = arith.addi %get3A_643, %add3A_968 : vector<16xi32>
        %gather3A_970 = arith.constant 0 : i32
        %gather3A_971 = arith.constant 0 : i32
        %gather3A_972 = tpu.memref_slice %arg7[%scan3A_601, %gather3A_970, %gather3A_971] : memref<4x256x64xf32, #tpu.memory_space<vmem>> -> memref<1x256x64xf32, #tpu.memory_space<vmem>>
        %gather3A_973 = tpu.memref_squeeze %gather3A_972 : memref<1x256x64xf32, #tpu.memory_space<vmem>> -> memref<256x64xf32, #tpu.memory_space<vmem>>
        %gather3A_974 = tpu.vector_load_idx %gather3A_973[%add3A_636, %add3A_969] : memref<256x64xf32, #tpu.memory_space<vmem>>[vector<16xi32>, vector<16xi32>], vector<16xf32>,
        %add3A_975 = arith.constant 23 : i32
        %add3A_976 = vector.broadcast %add3A_975 : i32 to vector<16xi32>
        %add3A_977 = arith.addi %mul3A_646, %add3A_976 : vector<16xi32>
        %scatter3A_978 = arith.constant 0 : i32
        %scatter3A_979 = tpu.memref_slice %arg8[%scan3A_602, %scatter3A_978] : memref<2x8192xf32, #tpu.memory_space<vmem>> -> memref<1x8192xf32, #tpu.memory_space<vmem>>
        %scatter3A_980 = tpu.memref_squeeze %scatter3A_979 : memref<1x8192xf32, #tpu.memory_space<vmem>> -> memref<8192xf32, #tpu.memory_space<vmem>>
        tpu.vector_store_idx %scatter3A_980[%add3A_977], %gather3A_974 : memref<8192xf32, #tpu.memory_space<vmem>>[vector<16xi32>], vector<16xf32>,
        %add3A_981 = arith.constant 24 : i32
        %add3A_982 = vector.broadcast %add3A_981 : i32 to vector<16xi32>
        %add3A_983 = arith.addi %get3A_643, %add3A_982 : vector<16xi32>
        %gather3A_984 = arith.constant 0 : i32
        %gather3A_985 = arith.constant 0 : i32
        %gather3A_986 = tpu.memref_slice %arg7[%scan3A_601, %gather3A_984, %gather3A_985] : memref<4x256x64xf32, #tpu.memory_space<vmem>> -> memref<1x256x64xf32, #tpu.memory_space<vmem>>
        %gather3A_987 = tpu.memref_squeeze %gather3A_986 : memref<1x256x64xf32, #tpu.memory_space<vmem>> -> memref<256x64xf32, #tpu.memory_space<vmem>>
        %gather3A_988 = tpu.vector_load_idx %gather3A_987[%add3A_636, %add3A_983] : memref<256x64xf32, #tpu.memory_space<vmem>>[vector<16xi32>, vector<16xi32>], vector<16xf32>,
        %add3A_989 = arith.constant 24 : i32
        %add3A_990 = vector.broadcast %add3A_989 : i32 to vector<16xi32>
        %add3A_991 = arith.addi %mul3A_646, %add3A_990 : vector<16xi32>
        %scatter3A_992 = arith.constant 0 : i32
        %scatter3A_993 = tpu.memref_slice %arg8[%scan3A_602, %scatter3A_992] : memref<2x8192xf32, #tpu.memory_space<vmem>> -> memref<1x8192xf32, #tpu.memory_space<vmem>>
        %scatter3A_994 = tpu.memref_squeeze %scatter3A_993 : memref<1x8192xf32, #tpu.memory_space<vmem>> -> memref<8192xf32, #tpu.memory_space<vmem>>
        tpu.vector_store_idx %scatter3A_994[%add3A_991], %gather3A_988 : memref<8192xf32, #tpu.memory_space<vmem>>[vector<16xi32>], vector<16xf32>,
        %add3A_995 = arith.constant 25 : i32
        %add3A_996 = vector.broadcast %add3A_995 : i32 to vector<16xi32>
        %add3A_997 = arith.addi %get3A_643, %add3A_996 : vector<16xi32>
        %gather3A_998 = arith.constant 0 : i32
        %gather3A_999 = arith.constant 0 : i32
        %gather3A_1000 = tpu.memref_slice %arg7[%scan3A_601, %gather3A_998, %gather3A_999] : memref<4x256x64xf32, #tpu.memory_space<vmem>> -> memref<1x256x64xf32, #tpu.memory_space<vmem>>
        %gather3A_1001 = tpu.memref_squeeze %gather3A_1000 : memref<1x256x64xf32, #tpu.memory_space<vmem>> -> memref<256x64xf32, #tpu.memory_space<vmem>>
        %gather3A_1002 = tpu.vector_load_idx %gather3A_1001[%add3A_636, %add3A_997] : memref<256x64xf32, #tpu.memory_space<vmem>>[vector<16xi32>, vector<16xi32>], vector<16xf32>,
        %add3A_1003 = arith.constant 25 : i32
        %add3A_1004 = vector.broadcast %add3A_1003 : i32 to vector<16xi32>
        %add3A_1005 = arith.addi %mul3A_646, %add3A_1004 : vector<16xi32>
        %scatter3A_1006 = arith.constant 0 : i32
        %scatter3A_1007 = tpu.memref_slice %arg8[%scan3A_602, %scatter3A_1006] : memref<2x8192xf32, #tpu.memory_space<vmem>> -> memref<1x8192xf32, #tpu.memory_space<vmem>>
        %scatter3A_1008 = tpu.memref_squeeze %scatter3A_1007 : memref<1x8192xf32, #tpu.memory_space<vmem>> -> memref<8192xf32, #tpu.memory_space<vmem>>
        tpu.vector_store_idx %scatter3A_1008[%add3A_1005], %gather3A_1002 : memref<8192xf32, #tpu.memory_space<vmem>>[vector<16xi32>], vector<16xf32>,
        %add3A_1009 = arith.constant 26 : i32
        %add3A_1010 = vector.broadcast %add3A_1009 : i32 to vector<16xi32>
        %add3A_1011 = arith.addi %get3A_643, %add3A_1010 : vector<16xi32>
        %gather3A_1012 = arith.constant 0 : i32
        %gather3A_1013 = arith.constant 0 : i32
        %gather3A_1014 = tpu.memref_slice %arg7[%scan3A_601, %gather3A_1012, %gather3A_1013] : memref<4x256x64xf32, #tpu.memory_space<vmem>> -> memref<1x256x64xf32, #tpu.memory_space<vmem>>
        %gather3A_1015 = tpu.memref_squeeze %gather3A_1014 : memref<1x256x64xf32, #tpu.memory_space<vmem>> -> memref<256x64xf32, #tpu.memory_space<vmem>>
        %gather3A_1016 = tpu.vector_load_idx %gather3A_1015[%add3A_636, %add3A_1011] : memref<256x64xf32, #tpu.memory_space<vmem>>[vector<16xi32>, vector<16xi32>], vector<16xf32>,
        %add3A_1017 = arith.constant 26 : i32
        %add3A_1018 = vector.broadcast %add3A_1017 : i32 to vector<16xi32>
        %add3A_1019 = arith.addi %mul3A_646, %add3A_1018 : vector<16xi32>
        %scatter3A_1020 = arith.constant 0 : i32
        %scatter3A_1021 = tpu.memref_slice %arg8[%scan3A_602, %scatter3A_1020] : memref<2x8192xf32, #tpu.memory_space<vmem>> -> memref<1x8192xf32, #tpu.memory_space<vmem>>
        %scatter3A_1022 = tpu.memref_squeeze %scatter3A_1021 : memref<1x8192xf32, #tpu.memory_space<vmem>> -> memref<8192xf32, #tpu.memory_space<vmem>>
        tpu.vector_store_idx %scatter3A_1022[%add3A_1019], %gather3A_1016 : memref<8192xf32, #tpu.memory_space<vmem>>[vector<16xi32>], vector<16xf32>,
        %add3A_1023 = arith.constant 27 : i32
        %add3A_1024 = vector.broadcast %add3A_1023 : i32 to vector<16xi32>
        %add3A_1025 = arith.addi %get3A_643, %add3A_1024 : vector<16xi32>
        %gather3A_1026 = arith.constant 0 : i32
        %gather3A_1027 = arith.constant 0 : i32
        %gather3A_1028 = tpu.memref_slice %arg7[%scan3A_601, %gather3A_1026, %gather3A_1027] : memref<4x256x64xf32, #tpu.memory_space<vmem>> -> memref<1x256x64xf32, #tpu.memory_space<vmem>>
        %gather3A_1029 = tpu.memref_squeeze %gather3A_1028 : memref<1x256x64xf32, #tpu.memory_space<vmem>> -> memref<256x64xf32, #tpu.memory_space<vmem>>
        %gather3A_1030 = tpu.vector_load_idx %gather3A_1029[%add3A_636, %add3A_1025] : memref<256x64xf32, #tpu.memory_space<vmem>>[vector<16xi32>, vector<16xi32>], vector<16xf32>,
        %add3A_1031 = arith.constant 27 : i32
        %add3A_1032 = vector.broadcast %add3A_1031 : i32 to vector<16xi32>
        %add3A_1033 = arith.addi %mul3A_646, %add3A_1032 : vector<16xi32>
        %scatter3A_1034 = arith.constant 0 : i32
        %scatter3A_1035 = tpu.memref_slice %arg8[%scan3A_602, %scatter3A_1034] : memref<2x8192xf32, #tpu.memory_space<vmem>> -> memref<1x8192xf32, #tpu.memory_space<vmem>>
        %scatter3A_1036 = tpu.memref_squeeze %scatter3A_1035 : memref<1x8192xf32, #tpu.memory_space<vmem>> -> memref<8192xf32, #tpu.memory_space<vmem>>
        tpu.vector_store_idx %scatter3A_1036[%add3A_1033], %gather3A_1030 : memref<8192xf32, #tpu.memory_space<vmem>>[vector<16xi32>], vector<16xf32>,
        %add3A_1037 = arith.constant 28 : i32
        %add3A_1038 = vector.broadcast %add3A_1037 : i32 to vector<16xi32>
        %add3A_1039 = arith.addi %get3A_643, %add3A_1038 : vector<16xi32>
        %gather3A_1040 = arith.constant 0 : i32
        %gather3A_1041 = arith.constant 0 : i32
        %gather3A_1042 = tpu.memref_slice %arg7[%scan3A_601, %gather3A_1040, %gather3A_1041] : memref<4x256x64xf32, #tpu.memory_space<vmem>> -> memref<1x256x64xf32, #tpu.memory_space<vmem>>
        %gather3A_1043 = tpu.memref_squeeze %gather3A_1042 : memref<1x256x64xf32, #tpu.memory_space<vmem>> -> memref<256x64xf32, #tpu.memory_space<vmem>>
        %gather3A_1044 = tpu.vector_load_idx %gather3A_1043[%add3A_636, %add3A_1039] : memref<256x64xf32, #tpu.memory_space<vmem>>[vector<16xi32>, vector<16xi32>], vector<16xf32>,
        %add3A_1045 = arith.constant 28 : i32
        %add3A_1046 = vector.broadcast %add3A_1045 : i32 to vector<16xi32>
        %add3A_1047 = arith.addi %mul3A_646, %add3A_1046 : vector<16xi32>
        %scatter3A_1048 = arith.constant 0 : i32
        %scatter3A_1049 = tpu.memref_slice %arg8[%scan3A_602, %scatter3A_1048] : memref<2x8192xf32, #tpu.memory_space<vmem>> -> memref<1x8192xf32, #tpu.memory_space<vmem>>
        %scatter3A_1050 = tpu.memref_squeeze %scatter3A_1049 : memref<1x8192xf32, #tpu.memory_space<vmem>> -> memref<8192xf32, #tpu.memory_space<vmem>>
        tpu.vector_store_idx %scatter3A_1050[%add3A_1047], %gather3A_1044 : memref<8192xf32, #tpu.memory_space<vmem>>[vector<16xi32>], vector<16xf32>,
        %add3A_1051 = arith.constant 29 : i32
        %add3A_1052 = vector.broadcast %add3A_1051 : i32 to vector<16xi32>
        %add3A_1053 = arith.addi %get3A_643, %add3A_1052 : vector<16xi32>
        %gather3A_1054 = arith.constant 0 : i32
        %gather3A_1055 = arith.constant 0 : i32
        %gather3A_1056 = tpu.memref_slice %arg7[%scan3A_601, %gather3A_1054, %gather3A_1055] : memref<4x256x64xf32, #tpu.memory_space<vmem>> -> memref<1x256x64xf32, #tpu.memory_space<vmem>>
        %gather3A_1057 = tpu.memref_squeeze %gather3A_1056 : memref<1x256x64xf32, #tpu.memory_space<vmem>> -> memref<256x64xf32, #tpu.memory_space<vmem>>
        %gather3A_1058 = tpu.vector_load_idx %gather3A_1057[%add3A_636, %add3A_1053] : memref<256x64xf32, #tpu.memory_space<vmem>>[vector<16xi32>, vector<16xi32>], vector<16xf32>,
        %add3A_1059 = arith.constant 29 : i32
        %add3A_1060 = vector.broadcast %add3A_1059 : i32 to vector<16xi32>
        %add3A_1061 = arith.addi %mul3A_646, %add3A_1060 : vector<16xi32>
        %scatter3A_1062 = arith.constant 0 : i32
        %scatter3A_1063 = tpu.memref_slice %arg8[%scan3A_602, %scatter3A_1062] : memref<2x8192xf32, #tpu.memory_space<vmem>> -> memref<1x8192xf32, #tpu.memory_space<vmem>>
        %scatter3A_1064 = tpu.memref_squeeze %scatter3A_1063 : memref<1x8192xf32, #tpu.memory_space<vmem>> -> memref<8192xf32, #tpu.memory_space<vmem>>
        tpu.vector_store_idx %scatter3A_1064[%add3A_1061], %gather3A_1058 : memref<8192xf32, #tpu.memory_space<vmem>>[vector<16xi32>], vector<16xf32>,
        %add3A_1065 = arith.constant 30 : i32
        %add3A_1066 = vector.broadcast %add3A_1065 : i32 to vector<16xi32>
        %add3A_1067 = arith.addi %get3A_643, %add3A_1066 : vector<16xi32>
        %gather3A_1068 = arith.constant 0 : i32
        %gather3A_1069 = arith.constant 0 : i32
        %gather3A_1070 = tpu.memref_slice %arg7[%scan3A_601, %gather3A_1068, %gather3A_1069] : memref<4x256x64xf32, #tpu.memory_space<vmem>> -> memref<1x256x64xf32, #tpu.memory_space<vmem>>
        %gather3A_1071 = tpu.memref_squeeze %gather3A_1070 : memref<1x256x64xf32, #tpu.memory_space<vmem>> -> memref<256x64xf32, #tpu.memory_space<vmem>>
        %gather3A_1072 = tpu.vector_load_idx %gather3A_1071[%add3A_636, %add3A_1067] : memref<256x64xf32, #tpu.memory_space<vmem>>[vector<16xi32>, vector<16xi32>], vector<16xf32>,
        %add3A_1073 = arith.constant 30 : i32
        %add3A_1074 = vector.broadcast %add3A_1073 : i32 to vector<16xi32>
        %add3A_1075 = arith.addi %mul3A_646, %add3A_1074 : vector<16xi32>
        %scatter3A_1076 = arith.constant 0 : i32
        %scatter3A_1077 = tpu.memref_slice %arg8[%scan3A_602, %scatter3A_1076] : memref<2x8192xf32, #tpu.memory_space<vmem>> -> memref<1x8192xf32, #tpu.memory_space<vmem>>
        %scatter3A_1078 = tpu.memref_squeeze %scatter3A_1077 : memref<1x8192xf32, #tpu.memory_space<vmem>> -> memref<8192xf32, #tpu.memory_space<vmem>>
        tpu.vector_store_idx %scatter3A_1078[%add3A_1075], %gather3A_1072 : memref<8192xf32, #tpu.memory_space<vmem>>[vector<16xi32>], vector<16xf32>,
        %add3A_1079 = arith.constant 31 : i32
        %add3A_1080 = vector.broadcast %add3A_1079 : i32 to vector<16xi32>
        %add3A_1081 = arith.addi %get3A_643, %add3A_1080 : vector<16xi32>
        %gather3A_1082 = arith.constant 0 : i32
        %gather3A_1083 = arith.constant 0 : i32
        %gather3A_1084 = tpu.memref_slice %arg7[%scan3A_601, %gather3A_1082, %gather3A_1083] : memref<4x256x64xf32, #tpu.memory_space<vmem>> -> memref<1x256x64xf32, #tpu.memory_space<vmem>>
        %gather3A_1085 = tpu.memref_squeeze %gather3A_1084 : memref<1x256x64xf32, #tpu.memory_space<vmem>> -> memref<256x64xf32, #tpu.memory_space<vmem>>
        %gather3A_1086 = tpu.vector_load_idx %gather3A_1085[%add3A_636, %add3A_1081] : memref<256x64xf32, #tpu.memory_space<vmem>>[vector<16xi32>, vector<16xi32>], vector<16xf32>,
        %add3A_1087 = arith.constant 31 : i32
        %add3A_1088 = vector.broadcast %add3A_1087 : i32 to vector<16xi32>
        %add3A_1089 = arith.addi %mul3A_646, %add3A_1088 : vector<16xi32>
        %scatter3A_1090 = arith.constant 0 : i32
        %scatter3A_1091 = tpu.memref_slice %arg8[%scan3A_602, %scatter3A_1090] : memref<2x8192xf32, #tpu.memory_space<vmem>> -> memref<1x8192xf32, #tpu.memory_space<vmem>>
        %scatter3A_1092 = tpu.memref_squeeze %scatter3A_1091 : memref<1x8192xf32, #tpu.memory_space<vmem>> -> memref<8192xf32, #tpu.memory_space<vmem>>
        tpu.vector_store_idx %scatter3A_1092[%add3A_1089], %gather3A_1086 : memref<8192xf32, #tpu.memory_space<vmem>>[vector<16xi32>], vector<16xf32>,
      }
      %scan3A_607 = arith.constant 16 : i32
      %add3A_608 = arith.constant 3 : i32
      %add3A_609 = arith.addi %mul3A_296, %add3A_608 : i32
      %mul3A_610 = arith.constant 256 : i32
      %mul3A_611 = arith.muli %add3A_609, %mul3A_610 : i32
      %add3A_612 = arith.addi %mul3A_2, %mul3A_611 : i32
      %mul3A_613 = arith.constant 32 : i32
      %mul3A_614 = arith.muli %add3A_612, %mul3A_613 : i32
      %dma_start3A_615 = arith.constant 1 : i32
      %dma_start3A_616 = arith.constant 1 : i32
      %dma_start3A_617 = arith.constant 0 : i32
      %dma_start3A_618 = tpu.memref_slice %arg8[%dma_start3A_615, %dma_start3A_617] : memref<2x8192xf32, #tpu.memory_space<vmem>> -> memref<1x8192xf32, #tpu.memory_space<vmem>>
      %dma_start3A_619 = tpu.memref_squeeze %dma_start3A_618 : memref<1x8192xf32, #tpu.memory_space<vmem>> -> memref<8192xf32, #tpu.memory_space<vmem>>
      %dma_start3A_620 = tpu.memref_slice %arg5[%mul3A_614] : memref<13631488xf32, #tpu.memory_space<hbm>> -> memref<8192xf32, #tpu.memory_space<hbm>>
      %dma_start3A_621 = tpu.memref_slice %arg11[%dma_start3A_616] : memref<2x!tpu.dma_semaphore, #tpu.memory_space<semaphore_mem>> -> memref<1x!tpu.dma_semaphore, #tpu.memory_space<semaphore_mem>>
      %dma_start3A_622 = tpu.memref_squeeze %dma_start3A_621 : memref<1x!tpu.dma_semaphore, #tpu.memory_space<semaphore_mem>> -> memref<!tpu.dma_semaphore, #tpu.memory_space<semaphore_mem>>
      %dma_start3A_623 = tpu.memref_slice %arg5[%mul3A_614] : memref<13631488xf32, #tpu.memory_space<hbm>> -> memref<8192xf32, #tpu.memory_space<hbm>>
      %dma_start3A_624 = arith.constant 0 : i32
      %dma_start3A_625 = tpu.memref_slice %arg8[%dma_start3A_615, %dma_start3A_624] : memref<2x8192xf32, #tpu.memory_space<vmem>> -> memref<1x8192xf32, #tpu.memory_space<vmem>>
      %dma_start3A_626 = tpu.memref_squeeze %dma_start3A_625 : memref<1x8192xf32, #tpu.memory_space<vmem>> -> memref<8192xf32, #tpu.memory_space<vmem>>
      tpu.enqueue_dma source(%dma_start3A_626 : memref<8192xf32, #tpu.memory_space<vmem>>) target(%dma_start3A_623 : memref<8192xf32, #tpu.memory_space<hbm>>) target_semaphore(%dma_start3A_622 : memref<!tpu.dma_semaphore, #tpu.memory_space<semaphore_mem>>)
      %lt3A_627 = arith.constant 12 : i32
      %lt3A_628 = arith.cmpi slt, %scan3A_294, %lt3A_627 : i32
      %convert_element_type3A_629 = arith.extui %lt3A_628 : i1 to i32
      %cond3A_630 = arith.constant 0 : i32
      %cond3A_631 = arith.cmpi ne, %convert_element_type3A_629, %cond3A_630 : i32
      scf.if %cond3A_631 {
        %add3A_632 = arith.constant 4 : i32
        %add3A_633 = arith.addi %mul3A_296, %add3A_632 : i32
        %add3A_634 = arith.constant 3 : i32
        %add3A_635 = arith.addi %add3A_633, %add3A_634 : i32
        %mul3A_636 = arith.constant 256 : i32
        %mul3A_637 = arith.muli %add3A_635, %mul3A_636 : i32
        %add3A_638 = arith.addi %mul3A_2, %mul3A_637 : i32
        %dma_wait3A_639 = arith.constant 3 : i32
        %dma_wait3A_640 = arith.constant 0 : i32
        %dma_wait3A_641 = arith.constant 3 : i32
        %dma_wait3A_642 = arith.constant 0 : i32
        %dma_wait3A_643 = arith.constant 0 : i32
        %dma_wait3A_644 = tpu.memref_slice %arg6[%dma_wait3A_639, %dma_wait3A_640, %dma_wait3A_643] : memref<4x2x256xi32, #tpu.memory_space<vmem>> -> memref<1x1x256xi32, #tpu.memory_space<vmem>>
        %dma_wait3A_645 = tpu.memref_squeeze %dma_wait3A_644 : memref<1x1x256xi32, #tpu.memory_space<vmem>> -> memref<256xi32, #tpu.memory_space<vmem>>
        %dma_wait3A_646 = tpu.memref_slice %arg2[%add3A_638] : memref<425984xi32, #tpu.memory_space<hbm>> -> memref<256xi32, #tpu.memory_space<hbm>>
        %dma_wait3A_647 = tpu.memref_slice %arg9[%dma_wait3A_641, %dma_wait3A_642] : memref<4x2x!tpu.dma_semaphore, #tpu.memory_space<semaphore_mem>> -> memref<1x1x!tpu.dma_semaphore, #tpu.memory_space<semaphore_mem>>
        %dma_wait3A_648 = tpu.memref_squeeze %dma_wait3A_647 : memref<1x1x!tpu.dma_semaphore, #tpu.memory_space<semaphore_mem>> -> memref<!tpu.dma_semaphore, #tpu.memory_space<semaphore_mem>>
        %dma_wait3A_649 = arith.constant 0 : i32
        %dma_wait3A_650 = tpu.memref_slice %arg6[%dma_wait3A_639, %dma_wait3A_640, %dma_wait3A_649] : memref<4x2x256xi32, #tpu.memory_space<vmem>> -> memref<1x1x256xi32, #tpu.memory_space<vmem>>
        %dma_wait3A_651 = tpu.memref_squeeze %dma_wait3A_650 : memref<1x1x256xi32, #tpu.memory_space<vmem>> -> memref<256xi32, #tpu.memory_space<vmem>>
        %dma_wait3A_652 = tpu.memref_slice %arg2[%add3A_638] : memref<425984xi32, #tpu.memory_space<hbm>> -> memref<256xi32, #tpu.memory_space<hbm>>
        tpu.wait_dma2 semaphore(%dma_wait3A_648 : memref<!tpu.dma_semaphore, #tpu.memory_space<semaphore_mem>>) src(%dma_wait3A_652 : memref<256xi32, #tpu.memory_space<hbm>>) dst(%dma_wait3A_651 : memref<256xi32, #tpu.memory_space<vmem>>)
        %add3A_653 = arith.constant 4 : i32
        %add3A_654 = arith.addi %mul3A_296, %add3A_653 : i32
        %add3A_655 = arith.constant 3 : i32
        %add3A_656 = arith.addi %add3A_654, %add3A_655 : i32
        %mul3A_657 = arith.constant 256 : i32
        %mul3A_658 = arith.muli %add3A_656, %mul3A_657 : i32
        %add3A_659 = arith.addi %mul3A_2, %mul3A_658 : i32
        %dma_start3A_660 = arith.constant 3 : i32
        %dma_start3A_661 = arith.constant 1 : i32
        %dma_start3A_662 = arith.constant 3 : i32
        %dma_start3A_663 = arith.constant 1 : i32
        %dma_start3A_664 = arith.constant 0 : i32
        %dma_start3A_665 = tpu.memref_slice %arg6[%dma_start3A_660, %dma_start3A_661, %dma_start3A_664] : memref<4x2x256xi32, #tpu.memory_space<vmem>> -> memref<1x1x256xi32, #tpu.memory_space<vmem>>
        %dma_start3A_666 = tpu.memref_squeeze %dma_start3A_665 : memref<1x1x256xi32, #tpu.memory_space<vmem>> -> memref<256xi32, #tpu.memory_space<vmem>>
        %dma_start3A_667 = tpu.memref_slice %arg3[%add3A_659] : memref<425984xi32, #tpu.memory_space<hbm>> -> memref<256xi32, #tpu.memory_space<hbm>>
        %dma_start3A_668 = tpu.memref_slice %arg9[%dma_start3A_662, %dma_start3A_663] : memref<4x2x!tpu.dma_semaphore, #tpu.memory_space<semaphore_mem>> -> memref<1x1x!tpu.dma_semaphore, #tpu.memory_space<semaphore_mem>>
        %dma_start3A_669 = tpu.memref_squeeze %dma_start3A_668 : memref<1x1x!tpu.dma_semaphore, #tpu.memory_space<semaphore_mem>> -> memref<!tpu.dma_semaphore, #tpu.memory_space<semaphore_mem>>
        %dma_start3A_670 = arith.constant 0 : i32
        %dma_start3A_671 = tpu.memref_slice %arg6[%dma_start3A_660, %dma_start3A_661, %dma_start3A_670] : memref<4x2x256xi32, #tpu.memory_space<vmem>> -> memref<1x1x256xi32, #tpu.memory_space<vmem>>
        %dma_start3A_672 = tpu.memref_squeeze %dma_start3A_671 : memref<1x1x256xi32, #tpu.memory_space<vmem>> -> memref<256xi32, #tpu.memory_space<vmem>>
        %dma_start3A_673 = tpu.memref_slice %arg3[%add3A_659] : memref<425984xi32, #tpu.memory_space<hbm>> -> memref<256xi32, #tpu.memory_space<hbm>>
        tpu.enqueue_dma source(%dma_start3A_673 : memref<256xi32, #tpu.memory_space<hbm>>) target(%dma_start3A_672 : memref<256xi32, #tpu.memory_space<vmem>>) target_semaphore(%dma_start3A_669 : memref<!tpu.dma_semaphore, #tpu.memory_space<semaphore_mem>>)
        %dma_start3A_674 = arith.constant 3 : i32
        %dma_start3A_675 = arith.constant 0 : i32
        %dma_start3A_676 = arith.constant 3 : i32
        %dma_start3A_677 = arith.constant 3 : i32
        %dma_start3A_678 = arith.constant 0 : i32
        %dma_start3A_679 = arith.constant 0 : i32
        %dma_start3A_680 = tpu.memref_slice %arg7[%dma_start3A_676, %dma_start3A_678, %dma_start3A_679] : memref<4x256x64xf32, #tpu.memory_space<vmem>> -> memref<1x256x64xf32, #tpu.memory_space<vmem>>
        %dma_start3A_681 = tpu.memref_squeeze %dma_start3A_680 : memref<1x256x64xf32, #tpu.memory_space<vmem>> -> memref<256x64xf32, #tpu.memory_space<vmem>>
        %dma_start3A_682 = arith.constant 0 : i32
        %dma_start3A_683 = tpu.memref_slice %arg6[%dma_start3A_674, %dma_start3A_675, %dma_start3A_682] : memref<4x2x256xi32, #tpu.memory_space<vmem>> -> memref<1x1x256xi32, #tpu.memory_space<vmem>>
        %dma_start3A_684 = tpu.memref_squeeze %dma_start3A_683 : memref<1x1x256xi32, #tpu.memory_space<vmem>> -> memref<256xi32, #tpu.memory_space<vmem>>
        %dma_start3A_685 = arith.constant 0 : i32
        %dma_start3A_686 = arith.constant 0 : i32
        %dma_start3A_687 = tpu.memref_slice %arg4[%dma_start3A_685, %dma_start3A_686] : memref<1300013x64xf32, #tpu.memory_space<hbm>> -> memref<1300013x64xf32, #tpu.memory_space<hbm>>
        %dma_start3A_688 = tpu.memref_slice %arg10[%dma_start3A_677] : memref<4x!tpu.dma_semaphore, #tpu.memory_space<semaphore_mem>> -> memref<1x!tpu.dma_semaphore, #tpu.memory_space<semaphore_mem>>
        %dma_start3A_689 = tpu.memref_squeeze %dma_start3A_688 : memref<1x!tpu.dma_semaphore, #tpu.memory_space<semaphore_mem>> -> memref<!tpu.dma_semaphore, #tpu.memory_space<semaphore_mem>>
        tpu.enqueue_indirect_dma source(%dma_start3A_687 : memref<1300013x64xf32, #tpu.memory_space<hbm>>) target(%dma_start3A_681 : memref<256x64xf32, #tpu.memory_space<vmem>>) offsets(%dma_start3A_684 : memref<256xi32, #tpu.memory_space<vmem>>) semaphore(%dma_start3A_689 : memref<!tpu.dma_semaphore, #tpu.memory_space<semaphore_mem>>)
      } else {
      }
    }
    %scan3A_261 = arith.constant 13 : i32
    %add3A_262 = arith.constant 12800 : i32
    %add3A_263 = arith.addi %mul3A_2, %add3A_262 : i32
    %mul3A_264 = arith.constant 32 : i32
    %mul3A_265 = arith.muli %add3A_263, %mul3A_264 : i32
    %dma_wait3A_266 = arith.constant 0 : i32
    %dma_wait3A_267 = arith.constant 0 : i32
    %dma_wait3A_268 = arith.constant 0 : i32
    %dma_wait3A_269 = tpu.memref_slice %arg8[%dma_wait3A_266, %dma_wait3A_268] : memref<2x8192xf32, #tpu.memory_space<vmem>> -> memref<1x8192xf32, #tpu.memory_space<vmem>>
    %dma_wait3A_270 = tpu.memref_squeeze %dma_wait3A_269 : memref<1x8192xf32, #tpu.memory_space<vmem>> -> memref<8192xf32, #tpu.memory_space<vmem>>
    %dma_wait3A_271 = tpu.memref_slice %arg5[%mul3A_265] : memref<13631488xf32, #tpu.memory_space<hbm>> -> memref<8192xf32, #tpu.memory_space<hbm>>
    %dma_wait3A_272 = tpu.memref_slice %arg11[%dma_wait3A_267] : memref<2x!tpu.dma_semaphore, #tpu.memory_space<semaphore_mem>> -> memref<1x!tpu.dma_semaphore, #tpu.memory_space<semaphore_mem>>
    %dma_wait3A_273 = tpu.memref_squeeze %dma_wait3A_272 : memref<1x!tpu.dma_semaphore, #tpu.memory_space<semaphore_mem>> -> memref<!tpu.dma_semaphore, #tpu.memory_space<semaphore_mem>>
    %dma_wait3A_274 = tpu.memref_slice %arg5[%mul3A_265] : memref<13631488xf32, #tpu.memory_space<hbm>> -> memref<8192xf32, #tpu.memory_space<hbm>>
    %dma_wait3A_275 = arith.constant 0 : i32
    %dma_wait3A_276 = tpu.memref_slice %arg8[%dma_wait3A_266, %dma_wait3A_275] : memref<2x8192xf32, #tpu.memory_space<vmem>> -> memref<1x8192xf32, #tpu.memory_space<vmem>>
    %dma_wait3A_277 = tpu.memref_squeeze %dma_wait3A_276 : memref<1x8192xf32, #tpu.memory_space<vmem>> -> memref<8192xf32, #tpu.memory_space<vmem>>
    tpu.wait_dma2 semaphore(%dma_wait3A_273 : memref<!tpu.dma_semaphore, #tpu.memory_space<semaphore_mem>>) src(%dma_wait3A_277 : memref<8192xf32, #tpu.memory_space<vmem>>) dst(%dma_wait3A_274 : memref<8192xf32, #tpu.memory_space<hbm>>)
    %add3A_278 = arith.constant 13056 : i32
    %add3A_279 = arith.addi %mul3A_2, %add3A_278 : i32
    %mul3A_280 = arith.constant 32 : i32
    %mul3A_281 = arith.muli %add3A_279, %mul3A_280 : i32
    %dma_wait3A_282 = arith.constant 1 : i32
    %dma_wait3A_283 = arith.constant 1 : i32
    %dma_wait3A_284 = arith.constant 0 : i32
    %dma_wait3A_285 = tpu.memref_slice %arg8[%dma_wait3A_282, %dma_wait3A_284] : memref<2x8192xf32, #tpu.memory_space<vmem>> -> memref<1x8192xf32, #tpu.memory_space<vmem>>
    %dma_wait3A_286 = tpu.memref_squeeze %dma_wait3A_285 : memref<1x8192xf32, #tpu.memory_space<vmem>> -> memref<8192xf32, #tpu.memory_space<vmem>>
    %dma_wait3A_287 = tpu.memref_slice %arg5[%mul3A_281] : memref<13631488xf32, #tpu.memory_space<hbm>> -> memref<8192xf32, #tpu.memory_space<hbm>>
    %dma_wait3A_288 = tpu.memref_slice %arg11[%dma_wait3A_283] : memref<2x!tpu.dma_semaphore, #tpu.memory_space<semaphore_mem>> -> memref<1x!tpu.dma_semaphore, #tpu.memory_space<semaphore_mem>>
    %dma_wait3A_289 = tpu.memref_squeeze %dma_wait3A_288 : memref<1x!tpu.dma_semaphore, #tpu.memory_space<semaphore_mem>> -> memref<!tpu.dma_semaphore, #tpu.memory_space<semaphore_mem>>
    %dma_wait3A_290 = tpu.memref_slice %arg5[%mul3A_281] : memref<13631488xf32, #tpu.memory_space<hbm>> -> memref<8192xf32, #tpu.memory_space<hbm>>
    %dma_wait3A_291 = arith.constant 0 : i32
    %dma_wait3A_292 = tpu.memref_slice %arg8[%dma_wait3A_282, %dma_wait3A_291] : memref<2x8192xf32, #tpu.memory_space<vmem>> -> memref<1x8192xf32, #tpu.memory_space<vmem>>
    %dma_wait3A_293 = tpu.memref_squeeze %dma_wait3A_292 : memref<1x8192xf32, #tpu.memory_space<vmem>> -> memref<8192xf32, #tpu.memory_space<vmem>>
    tpu.wait_dma2 semaphore(%dma_wait3A_289 : memref<!tpu.dma_semaphore, #tpu.memory_space<semaphore_mem>>) src(%dma_wait3A_293 : memref<8192xf32, #tpu.memory_space<vmem>>) dst(%dma_wait3A_290 : memref<8192xf32, #tpu.memory_space<hbm>>)
    return
  }
}

</mosaic_0001>

<sc_bundles>
// kernel: _sc_gather.3.cloned.1.call-start
scs
__scs_entry_jumppad:
0x0: {  	(pc) =	sbr.rel $0x88, $3  }
0x1: {  	(tag) =	ssettag $0x0;
	lr =	simm.s32 $0x1  }
0x2: {  	[smem:$0x3F9E] =	sst lr;
	_ =	strace $0xD0000000  }
0x3: {  	_ = 	snop  }
0x4: {  	_ = 	snop  }
0x5: {  	_ = 	snop  }
0x6: {  	_ = 	snop  }
0x7: {  	_ = 	snop  }
__scs_overlays_trampoline_lowered:
0x8: {  	[smem:$0x3FAD] =	sst s0  }
0x9: {  	[smem:$0x3FAE] =	sst s1  }
0xa: {  	[smem:$0x3FAF] =	sst s2  }
0xb: {  	[smem:$0x3FB0] =	sst s3  }
0xc: {  	[smem:$0x3FB1] =	sst s4  }
0xd: {  	[smem:$0x3FB2] =	sst s5  }
0xe: {  	[smem:$0x3FB3] =	sst s6  }
0xf: {  	[smem:$0x3FB4] =	sst s7  }
0x10: {  	[smem:$0x3FB5] =	sst s8  }
0x11: {  	[smem:$0x3FB6] =	sst s9;
	s0 =	simm.s32 @!p0 $0x0  }
0x12: {  	s1 =	sld [smem:$0x3F9C];
	s0 =	simm.s32 @p0 $0x1  }
0x13: {  	[smem:$0x3FB7] =	sst s0;
	s0 =	simm.s32 @!p1 $0x0  }
0x14: {  	s2 =	sld [smem:$0x3F9B];
	s0 =	simm.s32 @p1 $0x1  }
0x15: {  	[smem:$0x3FB8] =	sst s0;
	s0 =	simm.s32 @!p2 $0x0  }
0x16: {  	s3 =	sld [smem:$0x3FDB];
	s0 =	simm.s32 @p2 $0x1  }
0x17: {  	s4 =	simm.s32 $0x1BF5;
	[smem:$0x3FBA] =	sst s0  }
0x18: {  	s0 =	sld [smem:$0x3F9D];
	_ =	swait.ge [sflag:s4], $0x0  }
0x19: {  	s7 =	sld [smem:$0x3F9E]  }
0x1a: {  	s8 =	sadd.s32 $0xFFFFE003, lr  }
0x1b: {  	s9 =	sadd.s32 $0xFFFFFEF7, lr;
	s5 =	simm.s32 $0xFFFFFFFF;
	p2 =	slt.u32 s8, $0xFFFFF086  }
0x1c: {  	p1 =	slt.u32 s9, $0xF7A;
	s5 =	simm.s32 @!p2 $0x0  }
0x1d: {  	s5 =	simm.s32 @p1 $0x1;
	p0 =	seq.s32 s7, s2  }
0x1e: {  	s7 =	smul.u32 @!p0 $0xF7A, s2;
	p2 =	seq.s32 @!p0 s5, $0x0  }
0x1f: {  	s9 =	smul.u32 $0xF7A, s1;
	s8 =	simm.s32 @!p0 $0x1BF5;
	p2 =	por !p2, p0  }
0x20: {  	[sflag:s8] =	ssyncset.s32 @!p0 $0xFFFFF086;
	s6 =	sadd.s32 @!p0 s3, s7;
	s7 =	simm.s32 @!p0 $0x108  }
0x21: {  	s3 =	sadd.s32 s3, s9;
	s6 =	sadd.s32 @!p0 $0x88, s6;
	s7 =	simm.s32 @p2 $0x1082  }
0x22: {  	[simem:s7], [sflag:s8] =	dma.local @!p0 [hbm:s6], $0xF7A  }
0x23: {  	s9 =	sor.u32 $0xD0000000, s2;
	s6 =	simm.s32 $0x108;
	_ =	swait.ge @!p0 [sflag:s8], $0x0  }
0x24: {  	s3 =	sadd.s32 $0x88, s3;
	s6 =	simm.s32 @!p1 $0x1082;
	[sflag:s4] =	ssyncset.s32 $0xFFFFF086  }
0x25: {  	[simem:s6], [sflag:s4] =	dma.local [hbm:s3], $0xF7A  }
0x26: {  	[smem:$0x3F9E] =	sst s1;
	(tag) =	ssettag s2;
	_ =	strace s9  }
0x27: {  	s1 =	sld [smem:$0x3FAE]  }
0x28: {  	s2 =	sld [smem:$0x3FAF]  }
0x29: {  	s4 =	sld [smem:$0x3FB1]  }
0x2a: {  	p0 =	seq.s32 s5, $0x0;
	s5 =	sld [smem:$0x3FB2]  }
0x2b: {  	s6 =	sld [smem:$0x3FB3]  }
0x2c: {  	s7 =	sld [smem:$0x3FB4]  }
0x2d: {  	s3 =	simm.s32 $0x108;
	s8 =	sld [smem:$0x3FB5]  }
0x2e: {  	s3 =	simm.s32 @!p0 $0x1082;
	s9 =	sld [smem:$0x3FB6]  }
0x2f: {  	lr =	sadd.s32 s0, s3;
	s0 =	sld [smem:$0x3FAD]  }
0x30: {  	s3 =	sld [smem:$0x3FB0]  }
0x31: {  	[smem:$0x3FB9] =	sst s10  }
0x32: {  	s10 =	sld [smem:$0x3FB7];
	_ =	sdelay $0x3  }
0x33: {  	p0 =	seq.s32 s10, $0x1;
	s10 =	sld [smem:$0x3FB9];
	_ =	sdelay $0x3  }
0x34: {  	[smem:$0x3FB9] =	sst s10  }
0x35: {  	s10 =	sld [smem:$0x3FB8];
	_ =	sdelay $0x3  }
0x36: {  	p1 =	seq.s32 s10, $0x1;
	s10 =	sld [smem:$0x3FB9];
	_ =	sdelay $0x3  }
0x37: {  	[smem:$0x3FB9] =	sst s10  }
0x38: {  	s10 =	sld [smem:$0x3FBA]  }
0x39: {  	_ = 	snop;
	(pc) =	sbr.ind lr, $3  }
0x3a: {  	_ = 	snop  }
0x3b: {  	_ = 	snop  }
0x3c: {  	p2 =	seq.s32 s10, $0x1;
	s10 =	sld [smem:$0x3FB9]  }
0x3d: {  	_ =	shalt  }
0x3e: {  	_ =	shalt  }
0x3f: {  	_ =	shalt  }
0x40: {  	_ =	shalt  }
0x41: {  	_ =	shalt  }
0x42: {  	_ =	shalt  }
0x43: {  	_ =	shalt  }
0x44: {  	_ =	shalt  }
0x45: {  	_ =	shalt  }
0x46: {  	_ =	shalt  }
0x47: {  	_ =	shalt  }
0x48: {  	_ =	shalt  }
0x49: {  	_ =	shalt  }
0x4a: {  	_ =	shalt  }
0x4b: {  	_ =	shalt  }
0x4c: {  	_ =	shalt  }
0x4d: {  	_ =	shalt  }
0x4e: {  	_ =	shalt  }
0x4f: {  	_ =	shalt  }
0x50: {  	_ =	shalt  }
0x51: {  	_ =	shalt  }
0x52: {  	_ =	shalt  }
0x53: {  	_ =	shalt  }
0x54: {  	_ =	shalt  }
0x55: {  	_ =	shalt  }
0x56: {  	_ =	shalt  }
0x57: {  	_ =	shalt  }
0x58: {  	_ =	shalt  }
0x59: {  	_ =	shalt  }
0x5a: {  	_ =	shalt  }
0x5b: {  	_ =	shalt  }
0x5c: {  	_ =	shalt  }
0x5d: {  	_ =	shalt  }
0x5e: {  	_ =	shalt  }
0x5f: {  	_ =	shalt  }
0x60: {  	_ =	shalt  }
0x61: {  	_ =	shalt  }
0x62: {  	_ =	shalt  }
0x63: {  	_ =	shalt  }
0x64: {  	_ =	shalt  }
0x65: {  	_ =	shalt  }
0x66: {  	_ =	shalt  }
0x67: {  	_ =	shalt  }
0x68: {  	_ =	shalt  }
0x69: {  	_ =	shalt  }
0x6a: {  	_ =	shalt  }
0x6b: {  	_ =	shalt  }
0x6c: {  	_ =	shalt  }
0x6d: {  	_ =	shalt  }
0x6e: {  	_ =	shalt  }
0x6f: {  	_ =	shalt  }
0x70: {  	_ =	shalt  }
0x71: {  	_ =	shalt  }
0x72: {  	_ =	shalt  }
0x73: {  	_ =	shalt  }
0x74: {  	_ =	shalt  }
0x75: {  	_ =	shalt  }
0x76: {  	_ =	shalt  }
0x77: {  	_ =	shalt  }
0x78: {  	_ =	shalt  }
0x79: {  	_ =	shalt  }
0x7a: {  	_ =	shalt  }
0x7b: {  	_ =	shalt  }
0x7c: {  	_ =	shalt  }
0x7d: {  	_ =	shalt  }
0x7e: {  	_ =	shalt  }
0x7f: {  	_ =	shalt  }
0x80: {  	_ =	shalt  }
0x81: {  	_ =	shalt  }
0x82: {  	_ =	shalt  }
0x83: {  	_ =	shalt  }
0x84: {  	_ =	shalt  }
0x85: {  	_ =	shalt  }
0x86: {  	_ =	shalt  }
0x87: {  	_ =	shalt  }
.Lfunc_end0:
.L_simem_size_0:
called_computation_lowered:
.L_overlay_start_0:
0x88: {  	s2 =	sld [smem:$0x3FD9]  }
0x89: {  	s3 =	sld [smem:$0x3FFE];
	_ =	sdelay $0x1  }
0x8a: {  	s1 =	srdreg.scid  }
0x8b: {  	s0 =	sand.u32 $0x1, s1  }
0x8c: {  	s17 =	sshll.u32 s0, $0xA;
	s2 =	sadd.s32 s3, s2  }
0x8d: {  	s2 =	sadd.s32 s2, s17  }
0x8e: {  	[smem:$0x3FC5] =	sst s2  }
0x8f: {  	_ = 	snop  }
0x90: {  	s2 =	sld [smem:$0x3FC9]  }
0x91: {  	s18 =	sld [smem:$0x3FC8]  }
0x92: {  	s4 =	sld [smem:$0x3FD0];
	(tm) =	ssettm $0x1  }
0x93: {  	s5 =	sld [smem:$0x3FFB];
	_ =	sdelay $0x3  }
0x94: {  	_ =	strace s5  }
0x95: {  	s5 =	sld [smem:$0x3FFC];
	_ =	sdelay $0x3  }
0x96: {  	_ =	strace s5  }
0x97: {  	s5 =	sld [smem:$0x3FFD];
	_ =	sdelay $0x3  }
0x98: {  	_ =	strace s5  }
0x99: {  	_ =	strace $0x8FFFFFFF  }
0x9a: {  	s19 =	sld [smem:$0x3FDB];
	_ =	sdelay $0x1  }
0x9b: {  	s6 =	simm.s32 $_scs_section_size  }
0x9c: {  	s7 =	simm.s32 $_size__tile_overlayer_lowered;
	s8 =	simm.s32 $_tile_overlayer_lowered  }
0x9d: {  	s22 =	simm.s32 $0x1BFF;
	s21 =	sshll.u32 s8, $0x1;
	s5 =	sadd.s32 s6, s19  }
0x9e: {  	s9 =	simm.s32 $0x0;
	s20 =	sshll.u32 s7, $0x1;
	s7 =	sadd.s32 s21, s5  }
0x9f: {  	[timem:s9], [sflag:s22] =	dma.local [hbm:s7], s20  }
0xa0: {  	_ =	swait.ge [sflag:s22], s20  }
0xa1: {  	s6 =	ssub.s32 $0x0, s20;
	[sflag:s22] =	ssyncset.done $0x0  }
0xa2: {  	[sflag:s22] =	ssyncadd.s32 s6;
	_ =	sdelay $0x1  }
0xa3: {  	s23 =	simm.s32 $0x1B8B  }
0xa4: {  	_ =	swait.ge [sflag:s23], $0x1  }
0xa5: {  	[sflag:s23] =	ssyncset.done $0x0  }
0xa6: {  	s25 =	simm.s32 $0x1B8E;
	s24 =	sld [smem:$0x3FFE];
	[sflag:s23] =	ssyncadd.s32 $0xFFFFFFFF  }
0xa7: {  	s26 =	simm.s32 $execute0_lowered;
	[smem:$0x3FD2] =	sst s25  }
0xa8: {  	s7 =	sshll.u32 s26, $0x1;
	_ =	strace $0x80000046;
	[dreg:$0x1] =	wrdreg $0xFFFFFFFF  }
0xa9: {  	s28 =	simm.s32 $_size_execute0_lowered;
	s5 =	sadd.s32 s5, s7;
	[dreg:$0x0] =	wrdreg $0x0  }
0xaa: {  	s7 =	sshll.u32 s28, $0x1;
	[dreg:$0x2] =	wrdreg s5  }
0xab: {  	[dreg:$0x3] =	wrdreg s7  }
0xac: {  	[dreg:$0x4] =	wrdreg $0xC0  }
0xad: {  	_ =	task [dreg:s9], $0x5FFFF  }
0xae: {  	[dreg:$0x1] =	wrdreg $0xFFFFFFFF  }
0xaf: {  	[dreg:$0x0] =	wrdreg $0x60  }
0xb0: {  	[dreg:$0x2] =	wrdreg s2  }
0xb1: {  	[dreg:$0x3] =	wrdreg s18  }
0xb2: {  	[dreg:$0x4] =	wrdreg s24  }
0xb3: {  	[dreg:$0x5] =	wrdreg s4  }
0xb4: {  	[dreg:$0x6] =	wrdreg $0x9  }
0xb5: {  	_ =	task.clear_ibuf [dreg:s9], $0x7FFFF;
	_ =	strace $0x90000046  }
0xb6: {  	s29 =	simm.s32 $0x9;
	_ =	strace $0x80000048  }
0xb7: {  	_ =	swait.ge [sflag:s29], $0x1  }
0xb8: {  	[sflag:s29] =	ssyncadd.s32 $0xFFFFFFFF  }
0xb9: {  	_ =	strace $0x90000048  }
0xba: {  	_ =	sfence  }
0xbb: {  	s30 =	sld [smem:$0x0];
	_ =	sdelay $0x2  }
0xbc: {  	s31 =	sshll.u32 s1, $0xD;
	s1 =	sshrl.u32 s1, $0x2  }
0xbd: {  	s3 =	sand.u32 $0x4000, s31;
	s1 =	sadd.s32 s1, s30  }
0xbe: {  	s0 =	sor.u32 s3, s0;
	s1 =	sshll.u32 s1, $0x11  }
0xbf: {  	s0 =	sor.u32 s1, s0  }
0xc0: {  	s0 =	sadd.s32 $0x8F2B, s0  }
0xc1: {  	[sflag:s0] =	ssyncadd.remote.s32 $0x1  }
0xc2: {  	_ =	sfence.sel $0xFFFF  }
0xc3: {  	[dreg:$0x0] =	wrdreg $0xFFFFFFFF;
	(pc) =	sbr.abs _section_cstart, $3  }
0xc4: {  	[dreg:$0x1] =	wrdreg $0xFFFFFFFF  }
0xc5: {  	_ =	task.clear_ibuf [dreg:s9], $0x2FFFF;
	_ =	strace $0x9FFFFFFF  }
0xc6: {  	(tm) =	ssettm $0x7FFFFFFF  }
0xc7: {  	_ =	shalt  }
tec
execute0_lowered:
.L_overlay_start_1:
0x0: {  	(tag) =	ssettag $0x1  }
0x1: {  	s1 =	rddreg [dreg:$0x0]  }
0x2: {  	s2 =	rddreg [dreg:$0x1]  }
0x3: {  	s0 =	rddreg [dreg:$0x2];
	s3 =	srdreg.scid  }
0x4: {  	s5 =	stileid.u32;
	s4 =	rddreg [dreg:$0x3]  }
0x5: {  	s29 =	simm.s32 $0x4800;
	s28 =	simm.s32 $0x8800;
	s11 =	simm.s32 $0x10800  }
0x6: {  	s12 =	simm.s32 $0x4;
	s13 =	simm.s32 $0x12800;
	s14 =	simm.s32 $0x6  }
0x7: {  	s3 =	sand.u32 $0x1, s3;
	s6 =	sshll.u32 s5, $0x1;
	s5 =	simm.s32 $0x0  }
0x8: {  	s16 =	simm.s32 $0x0;
	s7 =	sor.u32 s3, s6;
	[smem:$0x7FF] =	sst s5  }
0x9: {  	s3 =	ssub.s32 $0x2, s3;
	s6 =	sadd.s32 $0x13D6800, s0;
	s8 =	smul.u32 $0x3400, s7  }
0xa: {  	_ =	strace $0x80000047;
	s9 =	sshrl.u32 s3, $0x1;
	s30 =	smul.u32 $0x68000, s7  }
0xb: {  	s7 =	simm.s32 $0x7;
	s17 =	ssub.s32 s3, s9;
	s19 =	sshrl.u32 s8, $0x3  }
0xc: {  	s26 =	sadd.s32 $0x400, s8;
	[dreg:$0xe] =	wrdreg s30;
	s31 =	sadd.s32 $0x500, s8  }
0xd: {  	s18 =	sor.u32 $0x100, s8;
	s0 =	smax.u32 s17, $0x1;
	[dreg:$0xd] =	wrdreg s26  }
0xe: {  	s20 =	sadd.s32 s1, s19;
	s21 =	sadd.s32 s2, s19;
	[dreg:$0xf] =	wrdreg s31  }
0xf: {  	s22 =	sor.u32 $0x20, s19;
	s23 =	sor.u32 $0x40, s19;
	[dreg:$0x10] =	wrdreg s0  }
0x10: {  	s3 =	sor.u32 $0x60, s19;
	s19 =	sadd.s32 $0x600, s8;
	[dreg:$0x5] =	wrdreg s20  }
0x11: {  	s0 =	simm.s32 $0x800;
	s26 =	simm.s32 $0xE;
	[dreg:$0x6] =	wrdreg s21  }
0x12: {  	s10 =	sadd.s32 s1, s22;
	s9 =	sadd.s32 s2, s22;
	s24 =	sadd.s32 s1, s23  }
0x13: {  	s25 =	sadd.s32 s1, s3;
	s3 =	sadd.s32 s2, s3;
	[dreg:$0x7] =	wrdreg s10  }
.Ltmp0:
0x14: {  	s20 =	sor.u32 $0x200, s8;
	[dreg:$0x8] =	wrdreg s9;
	(pc) =	sbr.rel .LBB2_1-.Ltmp0, $4  }
0x15: {  	s21 =	sadd.s32 $0x700, s8;
	s22 =	sor.u32 $0x300, s8;
	[dreg:$0x9] =	wrdreg s24  }
0x16: {  	s8 =	simm.s32 $0xC800;
	s9 =	sadd.s32 s2, s23;
	[dreg:$0xb] =	wrdreg s25  }
0x17: {  	[dreg:$0xc] =	wrdreg s3;
	s10 =	simm.s32 $0x2;
	s23 =	simm.s32 $0xD  }
0x18: {  	v0 =	vlaneseq.u32;
	s3 =	simm.s32 $0x8;
	[dreg:$0xa] =	wrdreg s9;
	s9 =	simm.s32 $0x9  }
.LBB2_12:
0x19: {  	_ =	swait.ge [sflag:s23], $0x2000  }
0x1a: {  	[sflag:s23] =	ssyncset.done $0x0  }
0x1b: {  	[sflag:s23] =	ssyncadd.s32 $0xFFFFE000  }
0x1c: {  	_ =	swait.ge [sflag:s26], $0x2000  }
0x1d: {  	s16 =	rddreg [dreg:$0x11]  }
0x1e: {  	s15 =	rddreg [dreg:$0x10];
	s16 =	sadd.s32 $0x1, s16  }
0x1f: {  	p0 =	sne.s32 s16, s15  }
.Ltmp1:
0x20: {  	_ = 	snop;
	(pc) =	sbr.rel @!p0 .LBB2_13-.Ltmp1, $3  }
0x21: {  	_ =	sdelay $0x1  }
0x22: {  	[sflag:s26] =	ssyncset.done $0x0  }
0x23: {  	[sflag:s26] =	ssyncadd.s32 $0xFFFFE000  }
.LBB2_1:
0x24: {  	[dreg:$0x11] =	wrdreg s16  }
0x25: {  	s15 =	rddreg [dreg:$0x5]  }
0x26: {  	[tilespmem:s5], [sflag:$0x1] =	stream.linear.gather [hbm4b:s15+s5], $0x100, $0x38;
	[tilespmem:$0x14800] =	vst v63  }
0x27: {  	s17 =	rddreg [dreg:$0x6];
	s16 =	simm.s32 $0x100  }
0x28: {  	[tilespmem:s16], [sflag:$0x2] =	stream.linear.gather [hbm4b:s17+s5], $0x100, $0x38;
	[tilespmem:$0x14800] =	vst v63  }
0x29: {  	s24 =	rddreg [dreg:$0x7];
	s17 =	simm.s32 $0x200  }
0x2a: {  	[tilespmem:s17], [sflag:$0x3] =	stream.linear.gather [hbm4b:s24+s5], $0x100, $0x38;
	[tilespmem:$0x14800] =	vst v63  }
0x2b: {  	s25 =	rddreg [dreg:$0x8];
	s24 =	simm.s32 $0x300  }
0x2c: {  	[tilespmem:s24], [sflag:$0x4] =	stream.linear.gather [hbm4b:s25+s5], $0x100, $0x38;
	[tilespmem:$0x14800] =	vst v63  }
0x2d: {  	s30 =	rddreg [dreg:$0x9];
	s24 =	simm.s32 $0x400  }
0x2e: {  	[tilespmem:s24], [sflag:$0x5] =	stream.linear.gather [hbm4b:s30+s5], $0x100, $0x38;
	[tilespmem:$0x14800] =	vst v63  }
0x2f: {  	s31 =	rddreg [dreg:$0xa];
	s25 =	simm.s32 $0x500  }
0x30: {  	[tilespmem:s25], [sflag:$0x6] =	stream.linear.gather [hbm4b:s31+s5], $0x100, $0x38;
	[tilespmem:$0x14800] =	vst v63  }
0x31: {  	s30 =	rddreg [dreg:$0xb];
	s25 =	simm.s32 $0x600  }
0x32: {  	[tilespmem:s25], [sflag:$0x7] =	stream.linear.gather [hbm4b:s30+s5], $0x100, $0x38;
	[tilespmem:$0x14800] =	vst v63  }
0x33: {  	s31 =	rddreg [dreg:$0xc];
	s30 =	simm.s32 $0x700  }
0x34: {  	[tilespmem:s30], [sflag:$0x8] =	stream.linear.gather [hbm4b:s31+s5], $0x100, $0x38;
	[tilespmem:$0x14800] =	vst v63  }
0x35: {  	s31 =	simm.s32 $0x1  }
0x36: {  	_ =	swait.ge [sflag:s31], $0x100  }
0x37: {  	[sflag:s31] =	ssyncset.done $0x0  }
0x38: {  	s30 =	simm.s32 $0x3;
	[sflag:s31] =	ssyncadd.s32 $0xFFFFFF00  }
0x39: {  	[tilespmem:s0], [sflag:$0x9] =	stream.indirect.gather [hbm4b:s6+s16], $0x40, s5, s16, $0xb8;
	[tilespmem:$0x14800] =	vst v63  }
0x3a: {  	_ =	swait.ge [sflag:s30], $0x100  }
0x3b: {  	[sflag:s30] =	ssyncset.done $0x0  }
0x3c: {  	s31 =	simm.s32 $0x5;
	[sflag:s30] =	ssyncadd.s32 $0xFFFFFF00  }
0x3d: {  	[tilespmem:s29], [sflag:$0xA] =	stream.indirect.gather [hbm4b:s6+s16], $0x40, s17, s16, $0xb8;
	[tilespmem:$0x14800] =	vst v63  }
0x3e: {  	_ =	swait.ge [sflag:s31], $0x100  }
0x3f: {  	[sflag:s31] =	ssyncset.done $0x0  }
0x40: {  	[sflag:s31] =	ssyncadd.s32 $0xFFFFFF00  }
0x41: {  	[tilespmem:s28], [sflag:$0xB] =	stream.indirect.gather [hbm4b:s6+s16], $0x40, s24, s16, $0xb8;
	[tilespmem:$0x14800] =	vst v63  }
0x42: {  	_ =	swait.ge [sflag:s7], $0x100  }
0x43: {  	[sflag:s7] =	ssyncset.done $0x0  }
0x44: {  	[sflag:s7] =	ssyncadd.s32 $0xFFFFFF00  }
0x45: {  	[tilespmem:s8], [sflag:$0xC] =	stream.indirect.gather [hbm4b:s6+s16], $0x40, s25, s16, $0xb8;
	[tilespmem:$0x14800] =	vst v63  }
0x46: {  	s25 =	simm.s32 $0x0  }
.LBB2_2:
0x47: {  	_ =	swait.ge [sflag:s9], $0x4000  }
0x48: {  	s31 =	sshll.u32 s25, $0xA;
	p0 =	seq.s32 s25, $0xC;
	s15 =	rddreg [dreg:$0xd]  }
0x49: {  	s15 =	sadd.s32 @!p0 s31, s15  }
0x4a: {  	[sflag:s9] =	ssyncset.done $0x0;
	s30 =	sshrl.u32 @!p0 s15, $0x3  }
0x4b: {  	s16 =	simm.s32 @!p0 $0x0;
	[sflag:s9] =	ssyncadd.s32 $0xFFFFC000;
	s15 =	sadd.s32 @!p0 s1, s30  }
0x4c: {  	[tilespmem:s16], [sflag:$0x1] =	stream.linear.gather @!p0 [hbm4b:s15+s16], $0x100, $0x38;
	[tilespmem:$0x14800] =	vst v63  }
0x4d: {  	_ =	swait.ge [sflag:s10], $0x100  }
0x4e: {  	p1 =	seq.s32 s25, $0x0;
	[sflag:s10] =	ssyncset.done $0x0  }
0x4f: {  	s15 =	simm.s32 @!p1 $0xD;
	[sflag:s10] =	ssyncadd.s32 $0xFFFFFF00  }
0x50: {  	_ =	swait.ge @!p1 [sflag:s15], $0x2000  }
0x51: {  	[sflag:s15] =	ssyncset.done @!p1 $0x0  }
0x52: {  	s24 =	simm.s32 $0x100;
	[sflag:s15] =	ssyncadd.s32 @!p1 $0xFFFFE000  }
0x53: {  	v1 =	vld [tilespmem:s24+$0x0];
	_ =	sdelay $0x2  }
0x54: {  	s17 =	simm.s32 $0x0  }
0x55: {  	v3 =	vor.u32 s17, v0  }
0x56: {  	v2 =	vshll.u32 v3, $0x6;
	v4 =	vand.u32 $0xFFFFFFF8, v1  }
0x57: {  	v5 =	vand.u32 $0x7, v1;
	v4 =	vadd.s32 v2, v4  }
0x58: {  	v4 =	vor.u32 v5, v4;
	_ =	sdelay $0x2  }
0x59: {  	v58 =	vadd.s32 $0x1, v1  }
0x5a: {  	v6 =	vand.u32 $0xFFFFFFF8, v58  }
0x5b: {  	v3 =	vshll.u32 v3, $0x5;
	v6 =	vadd.s32 v2, v6;
	v5 =	vand.u32 $0x7, v58;
	v7 =	vld.idx.msk [tilespmem:v4+s0+$0x0], $0xffff  }
0x5c: {  	v5 =	vor.u32 v5, v6;
	_ =	sdelay $0x2  }
0x5d: {  	v59 =	vadd.s32 $0x2, v1  }
0x5e: {  	v8 =	vand.u32 $0xFFFFFFF8, v59;
	[tilespmem:v3+s11+$0x0] =	vst.idx.msk $0xffff, v7  }
0x5f: {  	v61 =	vor.u32 $0x1, v3;
	v60 =	vadd.s32 v2, v8;
	v6 =	vand.u32 $0x7, v59;
	v5 =	vld.idx.msk [tilespmem:v5+s0+$0x0], $0xffff  }
0x60: {  	v6 =	vor.u32 v6, v60;
	_ =	sdelay $0x2  }
0x61: {  	v62 =	vadd.s32 $0x3, v1  }
0x62: {  	v9 =	vand.u32 $0xFFFFFFF8, v62;
	[tilespmem:v61+s11+$0x0] =	vst.idx.msk $0xffff, v5  }
0x63: {  	v12 =	vor.u32 $0x2, v3;
	v63 =	vadd.s32 v2, v9;
	v7 =	vand.u32 $0x7, v62;
	v6 =	vld.idx.msk [tilespmem:v6+s0+$0x0], $0xffff  }
0x64: {  	v5 =	vor.u32 v7, v63;
	_ =	sdelay $0x2  }
0x65: {  	v13 =	vadd.s32 $0x4, v1  }
0x66: {  	v14 =	vand.u32 $0xFFFFFFF8, v13;
	[tilespmem:v12+s11+$0x0] =	vst.idx.msk $0xffff, v6  }
0x67: {  	v16 =	vor.u32 $0x3, v3;
	v15 =	vadd.s32 v2, v14;
	v7 =	vand.u32 $0x7, v13;
	v5 =	vld.idx.msk [tilespmem:v5+s0+$0x0], $0xffff  }
0x68: {  	v6 =	vor.u32 v7, v15;
	_ =	sdelay $0x2  }
0x69: {  	v17 =	vadd.s32 $0x5, v1  }
0x6a: {  	v18 =	vand.u32 $0xFFFFFFF8, v17;
	[tilespmem:v16+s11+$0x0] =	vst.idx.msk $0xffff, v5  }
0x6b: {  	v20 =	vor.u32 $0x4, v3;
	v19 =	vadd.s32 v2, v18;
	v7 =	vand.u32 $0x7, v17;
	v6 =	vld.idx.msk [tilespmem:v6+s0+$0x0], $0xffff  }
0x6c: {  	v5 =	vor.u32 v7, v19;
	_ =	sdelay $0x2  }
0x6d: {  	v21 =	vadd.s32 $0x6, v1  }
0x6e: {  	v22 =	vand.u32 $0xFFFFFFF8, v21;
	[tilespmem:v20+s11+$0x0] =	vst.idx.msk $0xffff, v6  }
0x6f: {  	v24 =	vor.u32 $0x5, v3;
	v23 =	vadd.s32 v2, v22;
	v7 =	vand.u32 $0x7, v21;
	v5 =	vld.idx.msk [tilespmem:v5+s0+$0x0], $0xffff  }
0x70: {  	v6 =	vor.u32 v7, v23;
	_ =	sdelay $0x2  }
0x71: {  	v25 =	vadd.s32 $0x7, v1  }
0x72: {  	v26 =	vand.u32 $0xFFFFFFF8, v25;
	[tilespmem:v24+s11+$0x0] =	vst.idx.msk $0xffff, v5  }
0x73: {  	v28 =	vor.u32 $0x6, v3;
	v27 =	vadd.s32 v2, v26;
	v7 =	vand.u32 $0x7, v25;
	v6 =	vld.idx.msk [tilespmem:v6+s0+$0x0], $0xffff  }
0x74: {  	v5 =	vor.u32 v7, v27;
	_ =	sdelay $0x3  }
0x75: {  	[tilespmem:v28+s11+$0x0] =	vst.idx.msk $0xffff, v6  }
0x76: {  	v29 =	vor.u32 $0x7, v3;
	v5 =	vld.idx.msk [tilespmem:v5+s0+$0x0], $0xffff  }
0x77: {  	v30 =	vadd.s32 $0x8, v4;
	_ =	sdelay $0x2  }
0x78: {  	v31 =	vadd.s32 $0x9, v1  }
0x79: {  	v32 =	vand.u32 $0xFFFFFFF8, v31;
	[tilespmem:v29+s11+$0x0] =	vst.idx.msk $0xffff, v5  }
0x7a: {  	v34 =	vor.u32 $0x8, v3;
	v33 =	vadd.s32 v2, v32;
	v8 =	vand.u32 $0x7, v31;
	v6 =	vld.idx.msk [tilespmem:v30+s0+$0x0], $0xffff  }
0x7b: {  	v5 =	vor.u32 v8, v33;
	_ =	sdelay $0x2  }
0x7c: {  	v35 =	vadd.s32 $0xA, v1  }
0x7d: {  	v36 =	vand.u32 $0xFFFFFFF8, v35;
	[tilespmem:v34+s11+$0x0] =	vst.idx.msk $0xffff, v6  }
0x7e: {  	v38 =	vor.u32 $0x9, v3;
	v37 =	vadd.s32 v2, v36;
	v8 =	vand.u32 $0x7, v35;
	v5 =	vld.idx.msk [tilespmem:v5+s0+$0x0], $0xffff  }
0x7f: {  	v6 =	vor.u32 v8, v37;
	_ =	sdelay $0x2  }
0x80: {  	v39 =	vadd.s32 $0xB, v1  }
0x81: {  	v40 =	vand.u32 $0xFFFFFFF8, v39;
	[tilespmem:v38+s11+$0x0] =	vst.idx.msk $0xffff, v5  }
0x82: {  	v42 =	vor.u32 $0xA, v3;
	v41 =	vadd.s32 v2, v40;
	v8 =	vand.u32 $0x7, v39;
	v6 =	vld.idx.msk [tilespmem:v6+s0+$0x0], $0xffff  }
0x83: {  	v5 =	vor.u32 v8, v41;
	_ =	sdelay $0x2  }
0x84: {  	v43 =	vadd.s32 $0xC, v1  }
0x85: {  	v44 =	vand.u32 $0xFFFFFFF8, v43;
	[tilespmem:v42+s11+$0x0] =	vst.idx.msk $0xffff, v6  }
0x86: {  	v46 =	vor.u32 $0xB, v3;
	v45 =	vadd.s32 v2, v44;
	v8 =	vand.u32 $0x7, v43;
	v5 =	vld.idx.msk [tilespmem:v5+s0+$0x0], $0xffff  }
0x87: {  	v6 =	vor.u32 v8, v45;
	_ =	sdelay $0x2  }
0x88: {  	v47 =	vadd.s32 $0xD, v1  }
0x89: {  	v48 =	vand.u32 $0xFFFFFFF8, v47;
	[tilespmem:v46+s11+$0x0] =	vst.idx.msk $0xffff, v5  }
0x8a: {  	v50 =	vor.u32 $0xC, v3;
	v49 =	vadd.s32 v2, v48;
	v8 =	vand.u32 $0x7, v47;
	v6 =	vld.idx.msk [tilespmem:v6+s0+$0x0], $0xffff  }
0x8b: {  	v5 =	vor.u32 v8, v49;
	_ =	sdelay $0x2  }
0x8c: {  	v51 =	vadd.s32 $0xE, v1  }
0x8d: {  	v52 =	vand.u32 $0xFFFFFFF8, v51;
	[tilespmem:v50+s11+$0x0] =	vst.idx.msk $0xffff, v6  }
0x8e: {  	v54 =	vor.u32 $0xD, v3;
	v53 =	vadd.s32 v2, v52;
	v8 =	vand.u32 $0x7, v51;
	v5 =	vld.idx.msk [tilespmem:v5+s0+$0x0], $0xffff  }
0x8f: {  	v6 =	vor.u32 v8, v53;
	_ =	sdelay $0x2  }
0x90: {  	v55 =	vadd.s32 $0xF, v1  }
0x91: {  	v56 =	vand.u32 $0xFFFFFFF8, v55;
	[tilespmem:v54+s11+$0x0] =	vst.idx.msk $0xffff, v5  }
0x92: {  	v57 =	vadd.s32 v2, v56;
	v58 =	vor.u32 $0xE, v3;
	v8 =	vand.u32 $0x7, v55;
	v6 =	vld.idx.msk [tilespmem:v6+s0+$0x0], $0xffff  }
0x93: {  	v5 =	vor.u32 v8, v57;
	_ =	sdelay $0x3  }
0x94: {  	[tilespmem:v58+s11+$0x0] =	vst.idx.msk $0xffff, v6  }
0x95: {  	v59 =	vor.u32 $0xF, v3;
	v5 =	vld.idx.msk [tilespmem:v5+s0+$0x0], $0xffff  }
0x96: {  	v60 =	vadd.s32 $0x10, v4;
	_ =	sdelay $0x2  }
0x97: {  	v61 =	vadd.s32 $0x11, v1  }
0x98: {  	v62 =	vand.u32 $0xFFFFFFF8, v61;
	[tilespmem:v59+s11+$0x0] =	vst.idx.msk $0xffff, v5  }
0x99: {  	v63 =	vadd.s32 v2, v62;
	v12 =	vor.u32 $0x10, v3;
	v8 =	vand.u32 $0x7, v61;
	v6 =	vld.idx.msk [tilespmem:v60+s0+$0x0], $0xffff  }
0x9a: {  	v5 =	vor.u32 v8, v63;
	_ =	sdelay $0x2  }
0x9b: {  	v13 =	vadd.s32 $0x12, v1  }
0x9c: {  	v14 =	vand.u32 $0xFFFFFFF8, v13;
	[tilespmem:v12+s11+$0x0] =	vst.idx.msk $0xffff, v6  }
0x9d: {  	v15 =	vadd.s32 v2, v14;
	v16 =	vor.u32 $0x11, v3;
	v8 =	vand.u32 $0x7, v13;
	v5 =	vld.idx.msk [tilespmem:v5+s0+$0x0], $0xffff  }
0x9e: {  	v6 =	vor.u32 v8, v15;
	_ =	sdelay $0x2  }
0x9f: {  	v17 =	vadd.s32 $0x13, v1  }
0xa0: {  	v18 =	vand.u32 $0xFFFFFFF8, v17;
	[tilespmem:v16+s11+$0x0] =	vst.idx.msk $0xffff, v5  }
0xa1: {  	v19 =	vadd.s32 v2, v18;
	v20 =	vor.u32 $0x12, v3;
	v8 =	vand.u32 $0x7, v17;
	v6 =	vld.idx.msk [tilespmem:v6+s0+$0x0], $0xffff  }
0xa2: {  	v5 =	vor.u32 v8, v19;
	_ =	sdelay $0x2  }
0xa3: {  	v21 =	vadd.s32 $0x14, v1  }
0xa4: {  	v22 =	vand.u32 $0xFFFFFFF8, v21;
	[tilespmem:v20+s11+$0x0] =	vst.idx.msk $0xffff, v6  }
0xa5: {  	v23 =	vadd.s32 v2, v22;
	v24 =	vor.u32 $0x13, v3;
	v8 =	vand.u32 $0x7, v21;
	v5 =	vld.idx.msk [tilespmem:v5+s0+$0x0], $0xffff  }
0xa6: {  	v6 =	vor.u32 v8, v23;
	_ =	sdelay $0x2  }
0xa7: {  	v25 =	vadd.s32 $0x15, v1  }
0xa8: {  	v26 =	vand.u32 $0xFFFFFFF8, v25;
	[tilespmem:v24+s11+$0x0] =	vst.idx.msk $0xffff, v5  }
0xa9: {  	v27 =	vadd.s32 v2, v26;
	v28 =	vor.u32 $0x14, v3;
	v8 =	vand.u32 $0x7, v25;
	v6 =	vld.idx.msk [tilespmem:v6+s0+$0x0], $0xffff  }
0xaa: {  	v5 =	vor.u32 v8, v27;
	_ =	sdelay $0x2  }
0xab: {  	v29 =	vadd.s32 $0x16, v1  }
0xac: {  	v30 =	vand.u32 $0xFFFFFFF8, v29;
	[tilespmem:v28+s11+$0x0] =	vst.idx.msk $0xffff, v6  }
0xad: {  	v32 =	vor.u32 $0x15, v3;
	v31 =	vadd.s32 v2, v30;
	v8 =	vand.u32 $0x7, v29;
	v5 =	vld.idx.msk [tilespmem:v5+s0+$0x0], $0xffff  }
0xae: {  	v6 =	vor.u32 v8, v31;
	_ =	sdelay $0x2  }
0xaf: {  	v33 =	vadd.s32 $0x17, v1  }
0xb0: {  	v34 =	vand.u32 $0xFFFFFFF8, v33;
	[tilespmem:v32+s11+$0x0] =	vst.idx.msk $0xffff, v5  }
0xb1: {  	v36 =	vor.u32 $0x16, v3;
	v35 =	vadd.s32 v2, v34;
	v8 =	vand.u32 $0x7, v33;
	v6 =	vld.idx.msk [tilespmem:v6+s0+$0x0], $0xffff  }
0xb2: {  	v5 =	vor.u32 v8, v35;
	_ =	sdelay $0x3  }
0xb3: {  	[tilespmem:v36+s11+$0x0] =	vst.idx.msk $0xffff, v6  }
0xb4: {  	v37 =	vor.u32 $0x17, v3;
	v5 =	vld.idx.msk [tilespmem:v5+s0+$0x0], $0xffff  }
0xb5: {  	v4 =	vadd.s32 $0x18, v4;
	_ =	sdelay $0x2  }
0xb6: {  	v38 =	vadd.s32 $0x19, v1  }
0xb7: {  	v39 =	vand.u32 $0xFFFFFFF8, v38;
	[tilespmem:v37+s11+$0x0] =	vst.idx.msk $0xffff, v5  }
0xb8: {  	v41 =	vor.u32 $0x18, v3;
	v7 =	vand.u32 $0x7, v38;
	v40 =	vadd.s32 v2, v39;
	v4 =	vld.idx.msk [tilespmem:v4+s0+$0x0], $0xffff  }
0xb9: {  	v5 =	vor.u32 v7, v40;
	_ =	sdelay $0x2  }
0xba: {  	v42 =	vadd.s32 $0x1A, v1  }
0xbb: {  	v43 =	vand.u32 $0xFFFFFFF8, v42;
	[tilespmem:v41+s11+$0x0] =	vst.idx.msk $0xffff, v4  }
0xbc: {  	v45 =	vor.u32 $0x19, v3;
	v44 =	vadd.s32 v2, v43;
	v7 =	vand.u32 $0x7, v42;
	v5 =	vld.idx.msk [tilespmem:v5+s0+$0x0], $0xffff  }
0xbd: {  	v4 =	vor.u32 v7, v44;
	_ =	sdelay $0x2  }
0xbe: {  	v46 =	vadd.s32 $0x1B, v1  }
0xbf: {  	v47 =	vand.u32 $0xFFFFFFF8, v46;
	[tilespmem:v45+s11+$0x0] =	vst.idx.msk $0xffff, v5  }
0xc0: {  	v49 =	vor.u32 $0x1A, v3;
	v48 =	vadd.s32 v2, v47;
	v7 =	vand.u32 $0x7, v46;
	v4 =	vld.idx.msk [tilespmem:v4+s0+$0x0], $0xffff  }
0xc1: {  	v5 =	vor.u32 v7, v48;
	_ =	sdelay $0x2  }
0xc2: {  	v50 =	vadd.s32 $0x1C, v1  }
0xc3: {  	v51 =	vand.u32 $0xFFFFFFF8, v50;
	[tilespmem:v49+s11+$0x0] =	vst.idx.msk $0xffff, v4  }
0xc4: {  	v53 =	vor.u32 $0x1B, v3;
	v52 =	vadd.s32 v2, v51;
	v7 =	vand.u32 $0x7, v50;
	v5 =	vld.idx.msk [tilespmem:v5+s0+$0x0], $0xffff  }
0xc5: {  	v4 =	vor.u32 v7, v52;
	_ =	sdelay $0x2  }
0xc6: {  	v54 =	vadd.s32 $0x1D, v1  }
0xc7: {  	v55 =	vand.u32 $0xFFFFFFF8, v54;
	[tilespmem:v53+s11+$0x0] =	vst.idx.msk $0xffff, v5  }
0xc8: {  	v57 =	vor.u32 $0x1C, v3;
	v56 =	vadd.s32 v2, v55;
	v7 =	vand.u32 $0x7, v54;
	v4 =	vld.idx.msk [tilespmem:v4+s0+$0x0], $0xffff  }
0xc9: {  	v5 =	vor.u32 v7, v56;
	_ =	sdelay $0x2  }
0xca: {  	v58 =	vadd.s32 $0x1E, v1  }
0xcb: {  	v59 =	vand.u32 $0xFFFFFFF8, v58;
	[tilespmem:v57+s11+$0x0] =	vst.idx.msk $0xffff, v4  }
0xcc: {  	v61 =	vor.u32 $0x1D, v3;
	v60 =	vadd.s32 v2, v59;
	v7 =	vand.u32 $0x7, v58;
	v5 =	vld.idx.msk [tilespmem:v5+s0+$0x0], $0xffff  }
0xcd: {  	v4 =	vor.u32 v7, v60;
	_ =	sdelay $0x2  }
0xce: {  	v1 =	vadd.s32 $0x1F, v1  }
0xcf: {  	v62 =	vand.u32 $0xFFFFFFF8, v1;
	[tilespmem:v61+s11+$0x0] =	vst.idx.msk $0xffff, v5  }
0xd0: {  	v1 =	vand.u32 $0x7, v1;
	v63 =	vor.u32 $0x1E, v3;
	v2 =	vadd.s32 v2, v62;
	v4 =	vld.idx.msk [tilespmem:v4+s0+$0x0], $0xffff  }
0xd1: {  	v1 =	vor.u32 v1, v2;
	_ =	sdelay $0x3  }
0xd2: {  	[tilespmem:v63+s11+$0x0] =	vst.idx.msk $0xffff, v4  }
0xd3: {  	s15 =	simm.s32 $0x10;
	v2 =	vld.idx.msk [tilespmem:v1+s0+$0x0], $0xffff;
	v1 =	vor.u32 $0x1F, v3  }
.LBB2_3:
0xd4: {  	_ =	sdelay $0x2  }
0xd5: {  	p2 =	sne.s32 s15, $0xF0  }
0xd6: {  	s24 =	sadd.s32 $0x10, s24;
	s16 =	smov.u32 s15;
	s15 =	sadd.s32 $0x10, s15;
	[tilespmem:v1+s11+$0x0] =	vst.idx.msk $0xffff, v2  }
0xd7: {  	v3 =	vld [tilespmem:s24+$0x0];
	_ =	sdelay $0x3  }
0xd8: {  	v1 =	vor.u32 s16, v0  }
0xd9: {  	v4 =	vshll.u32 v1, $0x6;
	v2 =	vand.u32 $0xFFFFFFF8, v3;
	v5 =	vadd.s32 $0x1, v3  }
0xda: {  	v6 =	vand.u32 $0x7, v3;
	v2 =	vadd.s32 v4, v2;
	v7 =	vand.u32 $0xFFFFFFF8, v5  }
0xdb: {  	v2 =	vor.u32 v6, v2;
	v6 =	vadd.s32 v4, v7;
	v7 =	vadd.s32 $0x2, v3  }
0xdc: {  	v9 =	vadd.s32 $0x3, v3;
	v10 =	vadd.s32 $0x4, v3;
	v8 =	vand.u32 $0xFFFFFFF8, v7  }
0xdd: {  	v11 =	vand.u32 $0xFFFFFFF8, v9;
	v12 =	vand.u32 $0xFFFFFFF8, v10;
	v8 =	vadd.s32 v4, v8  }
0xde: {  	v49 =	vadd.s32 $0x5, v3;
	v11 =	vadd.s32 v4, v11;
	v48 =	vadd.s32 v4, v12  }
0xdf: {  	v47 =	vadd.s32 $0x6, v3;
	v45 =	vadd.s32 $0x7, v3;
	v12 =	vand.u32 $0xFFFFFFF8, v49  }
0xe0: {  	v14 =	vand.u32 $0xFFFFFFF8, v45;
	v50 =	vadd.s32 v4, v12;
	v12 =	vand.u32 $0xFFFFFFF8, v47;
	v13 =	vld.idx.msk [tilespmem:v2+s0+$0x0], $0xffff  }
0xe1: {  	v1 =	vshll.u32 v1, $0x5;
	v5 =	vand.u32 $0x7, v5;
	v51 =	vadd.s32 v4, v12  }
0xe2: {  	v43 =	vadd.s32 $0x9, v3;
	v46 =	vadd.s32 v4, v14;
	v5 =	vor.u32 v5, v6  }
0xe3: {  	v41 =	vadd.s32 $0xA, v3;
	v38 =	vadd.s32 $0xB, v3;
	v6 =	vand.u32 $0xFFFFFFF8, v43  }
0xe4: {  	v44 =	vadd.s32 v4, v6;
	v6 =	vand.u32 $0xFFFFFFF8, v41;
	v12 =	vand.u32 $0xFFFFFFF8, v38  }
0xe5: {  	v36 =	vadd.s32 $0xC, v3;
	v42 =	vadd.s32 v4, v6;
	v40 =	vadd.s32 v4, v12  }
0xe6: {  	v35 =	vadd.s32 $0xD, v3;
	v31 =	vadd.s32 $0xE, v3;
	v6 =	vand.u32 $0xFFFFFFF8, v36;
	[tilespmem:v1+s11+$0x0] =	vst.idx.msk $0xffff, v13  }
0xe7: {  	v12 =	vand.u32 $0xFFFFFFF8, v31;
	v39 =	vadd.s32 v4, v6;
	v6 =	vand.u32 $0xFFFFFFF8, v35;
	v5 =	vld.idx.msk [tilespmem:v5+s0+$0x0], $0xffff  }
0xe8: {  	v7 =	vand.u32 $0x7, v7;
	v37 =	vadd.s32 v4, v6;
	v13 =	vor.u32 $0x1, v1  }
0xe9: {  	v32 =	vadd.s32 $0xF, v3;
	v34 =	vadd.s32 v4, v12;
	v6 =	vor.u32 v7, v8  }
0xea: {  	v29 =	vadd.s32 $0x11, v3;
	v26 =	vadd.s32 $0x12, v3;
	v7 =	vand.u32 $0xFFFFFFF8, v32  }
0xeb: {  	v8 =	vand.u32 $0xFFFFFFF8, v26;
	v33 =	vadd.s32 v4, v7;
	v7 =	vand.u32 $0xFFFFFFF8, v29  }
0xec: {  	v24 =	vadd.s32 $0x13, v3;
	v28 =	vadd.s32 v4, v8;
	v30 =	vadd.s32 v4, v7  }
0xed: {  	v23 =	vadd.s32 $0x14, v3;
	v19 =	vadd.s32 $0x15, v3;
	[tilespmem:v13+s11+$0x0] =	vst.idx.msk $0xffff, v5;
	v5 =	vand.u32 $0xFFFFFFF8, v24  }
0xee: {  	v7 =	vand.u32 $0xFFFFFFF8, v19;
	v6 =	vld.idx.msk [tilespmem:v6+s0+$0x0], $0xffff;
	v27 =	vadd.s32 v4, v5;
	v5 =	vand.u32 $0xFFFFFFF8, v23  }
0xef: {  	v9 =	vand.u32 $0x7, v9;
	v8 =	vor.u32 $0x2, v1;
	v25 =	vadd.s32 v4, v5  }
0xf0: {  	v20 =	vadd.s32 $0x16, v3;
	v22 =	vadd.s32 v4, v7;
	v5 =	vor.u32 v9, v11  }
0xf1: {  	v17 =	vadd.s32 $0x17, v3;
	v14 =	vadd.s32 $0x19, v3;
	v7 =	vand.u32 $0xFFFFFFF8, v20  }
0xf2: {  	v21 =	vadd.s32 v4, v7;
	v7 =	vand.u32 $0xFFFFFFF8, v17;
	v9 =	vand.u32 $0xFFFFFFF8, v14  }
0xf3: {  	v12 =	vadd.s32 $0x1A, v3;
	v18 =	vadd.s32 v4, v7;
	v16 =	vadd.s32 v4, v9  }
0xf4: {  	v7 =	vadd.s32 $0x1C, v3;
	v11 =	vadd.s32 $0x1B, v3;
	[tilespmem:v8+s11+$0x0] =	vst.idx.msk $0xffff, v6;
	v6 =	vand.u32 $0xFFFFFFF8, v12  }
0xf5: {  	v52 =	vld.idx.msk [tilespmem:v5+s0+$0x0], $0xffff;
	v15 =	vadd.s32 v4, v6;
	v5 =	vand.u32 $0xFFFFFFF8, v11;
	v6 =	vand.u32 $0xFFFFFFF8, v7  }
0xf6: {  	v53 =	vor.u32 $0x3, v1;
	v8 =	vand.u32 $0x7, v10;
	v13 =	vadd.s32 v4, v5  }
0xf7: {  	v48 =	vor.u32 v8, v48;
	v8 =	vadd.s32 $0x1D, v3;
	v10 =	vadd.s32 v4, v6  }
0xf8: {  	v6 =	vand.u32 $0xFFFFFFF8, v8;
	v5 =	vadd.s32 $0x1E, v3;
	v3 =	vadd.s32 $0x1F, v3  }
0xf9: {  	v9 =	vadd.s32 v4, v6;
	v6 =	vand.u32 $0xFFFFFFF8, v5;
	v54 =	vand.u32 $0xFFFFFFF8, v3  }
0xfa: {  	v6 =	vadd.s32 v4, v6;
	v4 =	vadd.s32 v4, v54  }
0xfb: {  	[tilespmem:v53+s11+$0x0] =	vst.idx.msk $0xffff, v52  }
0xfc: {  	v48 =	vld.idx.msk [tilespmem:v48+s0+$0x0], $0xffff  }
0xfd: {  	v49 =	vand.u32 $0x7, v49;
	v52 =	vor.u32 $0x4, v1  }
0xfe: {  	v49 =	vor.u32 v49, v50;
	_ =	sdelay $0x3  }
0xff: {  	[tilespmem:v52+s11+$0x0] =	vst.idx.msk $0xffff, v48  }
0x100: {  	v48 =	vld.idx.msk [tilespmem:v49+s0+$0x0], $0xffff  }
0x101: {  	v47 =	vand.u32 $0x7, v47;
	v49 =	vor.u32 $0x5, v1  }
0x102: {  	v47 =	vor.u32 v47, v51;
	_ =	sdelay $0x3  }
0x103: {  	[tilespmem:v49+s11+$0x0] =	vst.idx.msk $0xffff, v48  }
0x104: {  	v47 =	vld.idx.msk [tilespmem:v47+s0+$0x0], $0xffff  }
0x105: {  	v45 =	vand.u32 $0x7, v45;
	v48 =	vor.u32 $0x6, v1  }
0x106: {  	v45 =	vor.u32 v45, v46;
	_ =	sdelay $0x3  }
0x107: {  	[tilespmem:v48+s11+$0x0] =	vst.idx.msk $0xffff, v47  }
0x108: {  	v45 =	vld.idx.msk [tilespmem:v45+s0+$0x0], $0xffff  }
0x109: {  	v46 =	vor.u32 $0x7, v1  }
0x10a: {  	v47 =	vadd.s32 $0x8, v2;
	_ =	sdelay $0x3  }
0x10b: {  	[tilespmem:v46+s11+$0x0] =	vst.idx.msk $0xffff, v45  }
0x10c: {  	v45 =	vld.idx.msk [tilespmem:v47+s0+$0x0], $0xffff  }
0x10d: {  	v43 =	vand.u32 $0x7, v43;
	v46 =	vor.u32 $0x8, v1  }
0x10e: {  	v43 =	vor.u32 v43, v44;
	_ =	sdelay $0x3  }
0x10f: {  	[tilespmem:v46+s11+$0x0] =	vst.idx.msk $0xffff, v45  }
0x110: {  	v43 =	vld.idx.msk [tilespmem:v43+s0+$0x0], $0xffff  }
0x111: {  	v41 =	vand.u32 $0x7, v41;
	v44 =	vor.u32 $0x9, v1  }
0x112: {  	v41 =	vor.u32 v41, v42;
	_ =	sdelay $0x3  }
0x113: {  	[tilespmem:v44+s11+$0x0] =	vst.idx.msk $0xffff, v43  }
0x114: {  	v41 =	vld.idx.msk [tilespmem:v41+s0+$0x0], $0xffff  }
0x115: {  	v38 =	vand.u32 $0x7, v38;
	v42 =	vor.u32 $0xA, v1  }
0x116: {  	v38 =	vor.u32 v38, v40;
	_ =	sdelay $0x3  }
0x117: {  	[tilespmem:v42+s11+$0x0] =	vst.idx.msk $0xffff, v41  }
0x118: {  	v38 =	vld.idx.msk [tilespmem:v38+s0+$0x0], $0xffff  }
0x119: {  	v36 =	vand.u32 $0x7, v36;
	v40 =	vor.u32 $0xB, v1  }
0x11a: {  	v36 =	vor.u32 v36, v39;
	_ =	sdelay $0x3  }
0x11b: {  	[tilespmem:v40+s11+$0x0] =	vst.idx.msk $0xffff, v38  }
0x11c: {  	v36 =	vld.idx.msk [tilespmem:v36+s0+$0x0], $0xffff  }
0x11d: {  	v35 =	vand.u32 $0x7, v35;
	v38 =	vor.u32 $0xC, v1  }
0x11e: {  	v35 =	vor.u32 v35, v37;
	_ =	sdelay $0x3  }
0x11f: {  	[tilespmem:v38+s11+$0x0] =	vst.idx.msk $0xffff, v36  }
0x120: {  	v35 =	vld.idx.msk [tilespmem:v35+s0+$0x0], $0xffff  }
0x121: {  	v31 =	vand.u32 $0x7, v31;
	v36 =	vor.u32 $0xD, v1  }
0x122: {  	v31 =	vor.u32 v31, v34;
	_ =	sdelay $0x3  }
0x123: {  	[tilespmem:v36+s11+$0x0] =	vst.idx.msk $0xffff, v35  }
0x124: {  	v31 =	vld.idx.msk [tilespmem:v31+s0+$0x0], $0xffff  }
0x125: {  	v34 =	vor.u32 $0xE, v1;
	v32 =	vand.u32 $0x7, v32  }
0x126: {  	v32 =	vor.u32 v32, v33;
	_ =	sdelay $0x3  }
0x127: {  	[tilespmem:v34+s11+$0x0] =	vst.idx.msk $0xffff, v31  }
0x128: {  	v31 =	vld.idx.msk [tilespmem:v32+s0+$0x0], $0xffff  }
0x129: {  	v32 =	vor.u32 $0xF, v1  }
0x12a: {  	v33 =	vadd.s32 $0x10, v2;
	_ =	sdelay $0x3  }
0x12b: {  	[tilespmem:v32+s11+$0x0] =	vst.idx.msk $0xffff, v31  }
0x12c: {  	v31 =	vld.idx.msk [tilespmem:v33+s0+$0x0], $0xffff  }
0x12d: {  	v29 =	vand.u32 $0x7, v29;
	v32 =	vor.u32 $0x10, v1  }
0x12e: {  	v29 =	vor.u32 v29, v30;
	_ =	sdelay $0x3  }
0x12f: {  	[tilespmem:v32+s11+$0x0] =	vst.idx.msk $0xffff, v31  }
0x130: {  	v29 =	vld.idx.msk [tilespmem:v29+s0+$0x0], $0xffff  }
0x131: {  	v26 =	vand.u32 $0x7, v26;
	v30 =	vor.u32 $0x11, v1  }
0x132: {  	v26 =	vor.u32 v26, v28;
	_ =	sdelay $0x3  }
0x133: {  	[tilespmem:v30+s11+$0x0] =	vst.idx.msk $0xffff, v29  }
0x134: {  	v26 =	vld.idx.msk [tilespmem:v26+s0+$0x0], $0xffff  }
0x135: {  	v28 =	vor.u32 $0x12, v1;
	v24 =	vand.u32 $0x7, v24  }
0x136: {  	v24 =	vor.u32 v24, v27;
	_ =	sdelay $0x3  }
0x137: {  	[tilespmem:v28+s11+$0x0] =	vst.idx.msk $0xffff, v26  }
0x138: {  	v24 =	vld.idx.msk [tilespmem:v24+s0+$0x0], $0xffff  }
0x139: {  	v23 =	vand.u32 $0x7, v23;
	v26 =	vor.u32 $0x13, v1  }
0x13a: {  	v23 =	vor.u32 v23, v25;
	_ =	sdelay $0x3  }
0x13b: {  	[tilespmem:v26+s11+$0x0] =	vst.idx.msk $0xffff, v24  }
0x13c: {  	v23 =	vld.idx.msk [tilespmem:v23+s0+$0x0], $0xffff  }
0x13d: {  	v19 =	vand.u32 $0x7, v19;
	v24 =	vor.u32 $0x14, v1  }
0x13e: {  	v19 =	vor.u32 v19, v22;
	_ =	sdelay $0x3  }
0x13f: {  	[tilespmem:v24+s11+$0x0] =	vst.idx.msk $0xffff, v23  }
0x140: {  	v19 =	vld.idx.msk [tilespmem:v19+s0+$0x0], $0xffff  }
0x141: {  	v20 =	vand.u32 $0x7, v20;
	v22 =	vor.u32 $0x15, v1  }
0x142: {  	v20 =	vor.u32 v20, v21;
	_ =	sdelay $0x3  }
0x143: {  	[tilespmem:v22+s11+$0x0] =	vst.idx.msk $0xffff, v19  }
0x144: {  	v19 =	vld.idx.msk [tilespmem:v20+s0+$0x0], $0xffff  }
0x145: {  	v17 =	vand.u32 $0x7, v17;
	v20 =	vor.u32 $0x16, v1  }
0x146: {  	v17 =	vor.u32 v17, v18;
	_ =	sdelay $0x3  }
0x147: {  	[tilespmem:v20+s11+$0x0] =	vst.idx.msk $0xffff, v19  }
0x148: {  	v17 =	vld.idx.msk [tilespmem:v17+s0+$0x0], $0xffff  }
0x149: {  	v18 =	vor.u32 $0x17, v1  }
0x14a: {  	v2 =	vadd.s32 $0x18, v2;
	_ =	sdelay $0x3  }
0x14b: {  	[tilespmem:v18+s11+$0x0] =	vst.idx.msk $0xffff, v17  }
0x14c: {  	v2 =	vld.idx.msk [tilespmem:v2+s0+$0x0], $0xffff  }
0x14d: {  	v14 =	vand.u32 $0x7, v14;
	v17 =	vor.u32 $0x18, v1  }
0x14e: {  	v14 =	vor.u32 v14, v16;
	_ =	sdelay $0x3  }
0x14f: {  	[tilespmem:v17+s11+$0x0] =	vst.idx.msk $0xffff, v2  }
0x150: {  	v2 =	vld.idx.msk [tilespmem:v14+s0+$0x0], $0xffff  }
0x151: {  	v12 =	vand.u32 $0x7, v12;
	v14 =	vor.u32 $0x19, v1  }
0x152: {  	v12 =	vor.u32 v12, v15;
	_ =	sdelay $0x3  }
0x153: {  	[tilespmem:v14+s11+$0x0] =	vst.idx.msk $0xffff, v2  }
0x154: {  	v2 =	vld.idx.msk [tilespmem:v12+s0+$0x0], $0xffff  }
0x155: {  	v11 =	vand.u32 $0x7, v11;
	v12 =	vor.u32 $0x1A, v1  }
0x156: {  	v11 =	vor.u32 v11, v13;
	_ =	sdelay $0x3  }
0x157: {  	[tilespmem:v12+s11+$0x0] =	vst.idx.msk $0xffff, v2  }
0x158: {  	v2 =	vld.idx.msk [tilespmem:v11+s0+$0x0], $0xffff  }
0x159: {  	v7 =	vand.u32 $0x7, v7;
	v11 =	vor.u32 $0x1B, v1  }
0x15a: {  	v7 =	vor.u32 v7, v10;
	_ =	sdelay $0x3  }
0x15b: {  	[tilespmem:v11+s11+$0x0] =	vst.idx.msk $0xffff, v2  }
0x15c: {  	v2 =	vld.idx.msk [tilespmem:v7+s0+$0x0], $0xffff  }
0x15d: {  	v8 =	vand.u32 $0x7, v8;
	v7 =	vor.u32 $0x1C, v1  }
0x15e: {  	v8 =	vor.u32 v8, v9;
	_ =	sdelay $0x3  }
0x15f: {  	[tilespmem:v7+s11+$0x0] =	vst.idx.msk $0xffff, v2  }
0x160: {  	v2 =	vld.idx.msk [tilespmem:v8+s0+$0x0], $0xffff  }
0x161: {  	v5 =	vand.u32 $0x7, v5;
	v7 =	vor.u32 $0x1D, v1  }
0x162: {  	v5 =	vor.u32 v5, v6;
	_ =	sdelay $0x3  }
0x163: {  	[tilespmem:v7+s11+$0x0] =	vst.idx.msk $0xffff, v2  }
0x164: {  	v2 =	vld.idx.msk [tilespmem:v5+s0+$0x0], $0xffff  }
0x165: {  	v3 =	vand.u32 $0x7, v3;
	v5 =	vor.u32 $0x1E, v1  }
0x166: {  	v3 =	vor.u32 v3, v4;
	_ =	sdelay $0x1  }
.Ltmp2:
0x167: {  	(pc) =	sbr.rel @p2 .LBB2_3-.Ltmp2, $4  }
0x168: {  	_ = 	snop  }
0x169: {  	[tilespmem:v5+s11+$0x0] =	vst.idx.msk $0xffff, v2  }
0x16a: {  	v2 =	vld.idx.msk [tilespmem:v3+s0+$0x0], $0xffff  }
0x16b: {  	v1 =	vor.u32 $0x1F, v1  }
0x16c: {  	_ = 	snop  }
0x16d: {  	s15 =	sshll.u32 s25, $0xF;
	s16 =	rddreg [dreg:$0xe]  }
0x16e: {  	s15 =	sadd.s32 s16, s15  }
0x16f: {  	s15 =	sshrl.u32 s15, $0x3  }
0x170: {  	[tilespmem:v1+s11+$0x0] =	vst.idx.msk $0xffff, v2;
	s15 =	sadd.s32 s4, s15  }
0x171: {  	[hbm4b:s15+s5] =	stream.linear.scatter [tilespmem:s11], [sflag:$0xD], $0x2000, $0x38;
	[tilespmem:$0x14800] =	vst v63  }
0x172: {  	s15 =	simm.s32 @p0 $0xA  }
0x173: {  	_ =	swait.ge @p0 [sflag:s15], $0x4000  }
0x174: {  	[sflag:s15] =	ssyncset.done @p0 $0x0  }
0x175: {  	[sflag:s15] =	ssyncadd.s32 @p0 $0xFFFFC000;
	s15 =	simm.s32 @!p0 $0x1  }
0x176: {  	_ =	swait.ge @!p0 [sflag:s15], $0x100  }
0x177: {  	s24 =	simm.s32 @!p0 $0x100;
	[sflag:s15] =	ssyncset.done @!p0 $0x0  }
0x178: {  	s16 =	simm.s32 @!p0 $0x0;
	[sflag:s15] =	ssyncadd.s32 @!p0 $0xFFFFFF00;
	s15 =	sadd.s32 @!p0 s2, s30  }
0x179: {  	[tilespmem:s24], [sflag:$0x2] =	stream.linear.gather @!p0 [hbm4b:s15+s16], $0x100, $0x38;
	[tilespmem:$0x14800] =	vst v63  }
0x17a: {  	s15 =	simm.s32 @!p0 $0x800  }
0x17b: {  	[tilespmem:s15], [sflag:$0x9] =	stream.indirect.gather @!p0 [hbm4b:s6+s24], $0x40, s16, s24, $0xb8;
	[tilespmem:$0x14800] =	vst v63  }
0x17c: {  	s15 =	simm.s32 @!p0 $0xA  }
0x17d: {  	_ =	swait.ge @!p0 [sflag:s15], $0x4000  }
0x17e: {  	s17 =	rddreg [dreg:$0xf]  }
0x17f: {  	s24 =	sadd.s32 @!p0 s31, s17  }
0x180: {  	[sflag:s15] =	ssyncset.done @!p0 $0x0;
	s30 =	sshrl.u32 @!p0 s24, $0x3  }
0x181: {  	[sflag:s15] =	ssyncadd.s32 @!p0 $0xFFFFC000;
	s24 =	simm.s32 @!p0 $0x200;
	s15 =	sadd.s32 @!p0 s1, s30  }
0x182: {  	[tilespmem:s24], [sflag:$0x3] =	stream.linear.gather @!p0 [hbm4b:s15+s16], $0x100, $0x38;
	[tilespmem:$0x14800] =	vst v63  }
0x183: {  	_ =	swait.ge [sflag:s12], $0x100  }
0x184: {  	[sflag:s12] =	ssyncset.done $0x0  }
0x185: {  	s15 =	simm.s32 @!p1 $0xE;
	[sflag:s12] =	ssyncadd.s32 $0xFFFFFF00  }
0x186: {  	_ =	swait.ge @!p1 [sflag:s15], $0x2000  }
0x187: {  	[sflag:s15] =	ssyncset.done @!p1 $0x0  }
0x188: {  	s24 =	simm.s32 $0x300;
	[sflag:s15] =	ssyncadd.s32 @!p1 $0xFFFFE000  }
0x189: {  	v1 =	vld [tilespmem:s24+$0x0];
	_ =	sdelay $0x2  }
0x18a: {  	s17 =	simm.s32 $0x0  }
0x18b: {  	v2 =	vor.u32 s17, v0  }
0x18c: {  	v3 =	vshll.u32 v2, $0x6;
	v4 =	vand.u32 $0xFFFFFFF8, v1  }
0x18d: {  	v5 =	vand.u32 $0x7, v1;
	v4 =	vadd.s32 v3, v4  }
0x18e: {  	v4 =	vor.u32 v5, v4;
	_ =	sdelay $0x2  }
0x18f: {  	v5 =	vadd.s32 $0x1, v1  }
0x190: {  	v6 =	vand.u32 $0xFFFFFFF8, v5  }
0x191: {  	v2 =	vshll.u32 v2, $0x5;
	v5 =	vand.u32 $0x7, v5;
	v6 =	vadd.s32 v3, v6;
	v7 =	vld.idx.msk [tilespmem:v4+s29+$0x0], $0xffff  }
0x192: {  	v5 =	vor.u32 v5, v6;
	_ =	sdelay $0x2  }
0x193: {  	v25 =	vadd.s32 $0x2, v1  }
0x194: {  	v8 =	vand.u32 $0xFFFFFFF8, v25;
	[tilespmem:v2+s13+$0x0] =	vst.idx.msk $0xffff, v7  }
0x195: {  	v27 =	vor.u32 $0x1, v2;
	v26 =	vadd.s32 v3, v8;
	v6 =	vand.u32 $0x7, v25;
	v5 =	vld.idx.msk [tilespmem:v5+s29+$0x0], $0xffff  }
0x196: {  	v6 =	vor.u32 v6, v26;
	_ =	sdelay $0x2  }
0x197: {  	v28 =	vadd.s32 $0x3, v1  }
0x198: {  	v9 =	vand.u32 $0xFFFFFFF8, v28;
	[tilespmem:v27+s13+$0x0] =	vst.idx.msk $0xffff, v5  }
0x199: {  	v29 =	vor.u32 $0x2, v2;
	v7 =	vand.u32 $0x7, v28;
	v5 =	vadd.s32 v3, v9;
	v6 =	vld.idx.msk [tilespmem:v6+s29+$0x0], $0xffff  }
0x19a: {  	v5 =	vor.u32 v7, v5;
	_ =	sdelay $0x2  }
0x19b: {  	v30 =	vadd.s32 $0x4, v1  }
0x19c: {  	v31 =	vand.u32 $0xFFFFFFF8, v30;
	[tilespmem:v29+s13+$0x0] =	vst.idx.msk $0xffff, v6  }
0x19d: {  	v33 =	vor.u32 $0x3, v2;
	v32 =	vadd.s32 v3, v31;
	v7 =	vand.u32 $0x7, v30;
	v5 =	vld.idx.msk [tilespmem:v5+s29+$0x0], $0xffff  }
0x19e: {  	v6 =	vor.u32 v7, v32;
	_ =	sdelay $0x2  }
0x19f: {  	v34 =	vadd.s32 $0x5, v1  }
0x1a0: {  	v35 =	vand.u32 $0xFFFFFFF8, v34;
	[tilespmem:v33+s13+$0x0] =	vst.idx.msk $0xffff, v5  }
0x1a1: {  	v36 =	vor.u32 $0x4, v2;
	v7 =	vand.u32 $0x7, v34;
	v5 =	vadd.s32 v3, v35;
	v6 =	vld.idx.msk [tilespmem:v6+s29+$0x0], $0xffff  }
0x1a2: {  	v5 =	vor.u32 v7, v5;
	_ =	sdelay $0x2  }
0x1a3: {  	v37 =	vadd.s32 $0x6, v1  }
0x1a4: {  	v38 =	vand.u32 $0xFFFFFFF8, v37;
	[tilespmem:v36+s13+$0x0] =	vst.idx.msk $0xffff, v6  }
0x1a5: {  	v40 =	vor.u32 $0x5, v2;
	v39 =	vadd.s32 v3, v38;
	v7 =	vand.u32 $0x7, v37;
	v5 =	vld.idx.msk [tilespmem:v5+s29+$0x0], $0xffff  }
0x1a6: {  	v6 =	vor.u32 v7, v39;
	_ =	sdelay $0x2  }
0x1a7: {  	v41 =	vadd.s32 $0x7, v1  }
0x1a8: {  	v42 =	vand.u32 $0xFFFFFFF8, v41;
	[tilespmem:v40+s13+$0x0] =	vst.idx.msk $0xffff, v5  }
0x1a9: {  	v43 =	vor.u32 $0x6, v2;
	v7 =	vand.u32 $0x7, v41;
	v5 =	vadd.s32 v3, v42;
	v6 =	vld.idx.msk [tilespmem:v6+s29+$0x0], $0xffff  }
0x1aa: {  	v5 =	vor.u32 v7, v5;
	_ =	sdelay $0x3  }
0x1ab: {  	[tilespmem:v43+s13+$0x0] =	vst.idx.msk $0xffff, v6  }
0x1ac: {  	v44 =	vor.u32 $0x7, v2;
	v5 =	vld.idx.msk [tilespmem:v5+s29+$0x0], $0xffff  }
0x1ad: {  	v45 =	vadd.s32 $0x8, v4;
	_ =	sdelay $0x2  }
0x1ae: {  	v46 =	vadd.s32 $0x9, v1  }
0x1af: {  	v47 =	vand.u32 $0xFFFFFFF8, v46;
	[tilespmem:v44+s13+$0x0] =	vst.idx.msk $0xffff, v5  }
0x1b0: {  	v48 =	vor.u32 $0x8, v2;
	v8 =	vand.u32 $0x7, v46;
	v5 =	vadd.s32 v3, v47;
	v6 =	vld.idx.msk [tilespmem:v45+s29+$0x0], $0xffff  }
0x1b1: {  	v5 =	vor.u32 v8, v5;
	_ =	sdelay $0x2  }
0x1b2: {  	v49 =	vadd.s32 $0xA, v1  }
0x1b3: {  	v50 =	vand.u32 $0xFFFFFFF8, v49;
	[tilespmem:v48+s13+$0x0] =	vst.idx.msk $0xffff, v6  }
0x1b4: {  	v52 =	vor.u32 $0x9, v2;
	v51 =	vadd.s32 v3, v50;
	v8 =	vand.u32 $0x7, v49;
	v5 =	vld.idx.msk [tilespmem:v5+s29+$0x0], $0xffff  }
0x1b5: {  	v6 =	vor.u32 v8, v51;
	_ =	sdelay $0x2  }
0x1b6: {  	v53 =	vadd.s32 $0xB, v1  }
0x1b7: {  	v54 =	vand.u32 $0xFFFFFFF8, v53;
	[tilespmem:v52+s13+$0x0] =	vst.idx.msk $0xffff, v5  }
0x1b8: {  	v55 =	vor.u32 $0xA, v2;
	v8 =	vand.u32 $0x7, v53;
	v5 =	vadd.s32 v3, v54;
	v6 =	vld.idx.msk [tilespmem:v6+s29+$0x0], $0xffff  }
0x1b9: {  	v5 =	vor.u32 v8, v5;
	_ =	sdelay $0x2  }
0x1ba: {  	v56 =	vadd.s32 $0xC, v1  }
0x1bb: {  	v57 =	vand.u32 $0xFFFFFFF8, v56;
	[tilespmem:v55+s13+$0x0] =	vst.idx.msk $0xffff, v6  }
0x1bc: {  	v59 =	vor.u32 $0xB, v2;
	v58 =	vadd.s32 v3, v57;
	v8 =	vand.u32 $0x7, v56;
	v5 =	vld.idx.msk [tilespmem:v5+s29+$0x0], $0xffff  }
0x1bd: {  	v6 =	vor.u32 v8, v58;
	_ =	sdelay $0x2  }
0x1be: {  	v60 =	vadd.s32 $0xD, v1  }
0x1bf: {  	v61 =	vand.u32 $0xFFFFFFF8, v60;
	[tilespmem:v59+s13+$0x0] =	vst.idx.msk $0xffff, v5  }
0x1c0: {  	v62 =	vor.u32 $0xC, v2;
	v8 =	vand.u32 $0x7, v60;
	v5 =	vadd.s32 v3, v61;
	v6 =	vld.idx.msk [tilespmem:v6+s29+$0x0], $0xffff  }
0x1c1: {  	v5 =	vor.u32 v8, v5;
	_ =	sdelay $0x2  }
0x1c2: {  	v63 =	vadd.s32 $0xE, v1  }
0x1c3: {  	v12 =	vand.u32 $0xFFFFFFF8, v63;
	[tilespmem:v62+s13+$0x0] =	vst.idx.msk $0xffff, v6  }
0x1c4: {  	v14 =	vor.u32 $0xD, v2;
	v13 =	vadd.s32 v3, v12;
	v8 =	vand.u32 $0x7, v63;
	v5 =	vld.idx.msk [tilespmem:v5+s29+$0x0], $0xffff  }
0x1c5: {  	v6 =	vor.u32 v8, v13;
	_ =	sdelay $0x2  }
0x1c6: {  	v15 =	vadd.s32 $0xF, v1  }
0x1c7: {  	v16 =	vand.u32 $0xFFFFFFF8, v15;
	[tilespmem:v14+s13+$0x0] =	vst.idx.msk $0xffff, v5  }
0x1c8: {  	v17 =	vor.u32 $0xE, v2;
	v8 =	vand.u32 $0x7, v15;
	v5 =	vadd.s32 v3, v16;
	v6 =	vld.idx.msk [tilespmem:v6+s29+$0x0], $0xffff  }
0x1c9: {  	v5 =	vor.u32 v8, v5;
	_ =	sdelay $0x3  }
0x1ca: {  	[tilespmem:v17+s13+$0x0] =	vst.idx.msk $0xffff, v6  }
0x1cb: {  	v18 =	vor.u32 $0xF, v2;
	v5 =	vld.idx.msk [tilespmem:v5+s29+$0x0], $0xffff  }
0x1cc: {  	v19 =	vadd.s32 $0x10, v4;
	_ =	sdelay $0x2  }
0x1cd: {  	v20 =	vadd.s32 $0x11, v1  }
0x1ce: {  	v21 =	vand.u32 $0xFFFFFFF8, v20;
	[tilespmem:v18+s13+$0x0] =	vst.idx.msk $0xffff, v5  }
0x1cf: {  	v22 =	vor.u32 $0x10, v2;
	v8 =	vand.u32 $0x7, v20;
	v5 =	vadd.s32 v3, v21;
	v6 =	vld.idx.msk [tilespmem:v19+s29+$0x0], $0xffff  }
0x1d0: {  	v5 =	vor.u32 v8, v5;
	_ =	sdelay $0x2  }
0x1d1: {  	v23 =	vadd.s32 $0x12, v1  }
0x1d2: {  	v24 =	vand.u32 $0xFFFFFFF8, v23;
	[tilespmem:v22+s13+$0x0] =	vst.idx.msk $0xffff, v6  }
0x1d3: {  	v25 =	vadd.s32 v3, v24;
	v26 =	vor.u32 $0x11, v2;
	v8 =	vand.u32 $0x7, v23;
	v5 =	vld.idx.msk [tilespmem:v5+s29+$0x0], $0xffff  }
0x1d4: {  	v6 =	vor.u32 v8, v25;
	_ =	sdelay $0x2  }
0x1d5: {  	v27 =	vadd.s32 $0x13, v1  }
0x1d6: {  	v28 =	vand.u32 $0xFFFFFFF8, v27;
	[tilespmem:v26+s13+$0x0] =	vst.idx.msk $0xffff, v5  }
0x1d7: {  	v29 =	vor.u32 $0x12, v2;
	v8 =	vand.u32 $0x7, v27;
	v5 =	vadd.s32 v3, v28;
	v6 =	vld.idx.msk [tilespmem:v6+s29+$0x0], $0xffff  }
0x1d8: {  	v5 =	vor.u32 v8, v5;
	_ =	sdelay $0x2  }
0x1d9: {  	v30 =	vadd.s32 $0x14, v1  }
0x1da: {  	v31 =	vand.u32 $0xFFFFFFF8, v30;
	[tilespmem:v29+s13+$0x0] =	vst.idx.msk $0xffff, v6  }
0x1db: {  	v32 =	vadd.s32 v3, v31;
	v33 =	vor.u32 $0x13, v2;
	v8 =	vand.u32 $0x7, v30;
	v5 =	vld.idx.msk [tilespmem:v5+s29+$0x0], $0xffff  }
0x1dc: {  	v6 =	vor.u32 v8, v32;
	_ =	sdelay $0x2  }
0x1dd: {  	v34 =	vadd.s32 $0x15, v1  }
0x1de: {  	v35 =	vand.u32 $0xFFFFFFF8, v34;
	[tilespmem:v33+s13+$0x0] =	vst.idx.msk $0xffff, v5  }
0x1df: {  	v36 =	vor.u32 $0x14, v2;
	v8 =	vand.u32 $0x7, v34;
	v5 =	vadd.s32 v3, v35;
	v6 =	vld.idx.msk [tilespmem:v6+s29+$0x0], $0xffff  }
0x1e0: {  	v5 =	vor.u32 v8, v5;
	_ =	sdelay $0x2  }
0x1e1: {  	v37 =	vadd.s32 $0x16, v1  }
0x1e2: {  	v38 =	vand.u32 $0xFFFFFFF8, v37;
	[tilespmem:v36+s13+$0x0] =	vst.idx.msk $0xffff, v6  }
0x1e3: {  	v39 =	vadd.s32 v3, v38;
	v40 =	vor.u32 $0x15, v2;
	v8 =	vand.u32 $0x7, v37;
	v5 =	vld.idx.msk [tilespmem:v5+s29+$0x0], $0xffff  }
0x1e4: {  	v6 =	vor.u32 v8, v39;
	_ =	sdelay $0x2  }
0x1e5: {  	v41 =	vadd.s32 $0x17, v1  }
0x1e6: {  	v42 =	vand.u32 $0xFFFFFFF8, v41;
	[tilespmem:v40+s13+$0x0] =	vst.idx.msk $0xffff, v5  }
0x1e7: {  	v43 =	vor.u32 $0x16, v2;
	v8 =	vand.u32 $0x7, v41;
	v5 =	vadd.s32 v3, v42;
	v6 =	vld.idx.msk [tilespmem:v6+s29+$0x0], $0xffff  }
0x1e8: {  	v5 =	vor.u32 v8, v5;
	_ =	sdelay $0x3  }
0x1e9: {  	[tilespmem:v43+s13+$0x0] =	vst.idx.msk $0xffff, v6  }
0x1ea: {  	v44 =	vor.u32 $0x17, v2;
	v5 =	vld.idx.msk [tilespmem:v5+s29+$0x0], $0xffff  }
0x1eb: {  	v4 =	vadd.s32 $0x18, v4;
	_ =	sdelay $0x2  }
0x1ec: {  	v45 =	vadd.s32 $0x19, v1  }
0x1ed: {  	v46 =	vand.u32 $0xFFFFFFF8, v45;
	[tilespmem:v44+s13+$0x0] =	vst.idx.msk $0xffff, v5  }
0x1ee: {  	v47 =	vor.u32 $0x18, v2;
	v7 =	vand.u32 $0x7, v45;
	v5 =	vadd.s32 v3, v46;
	v4 =	vld.idx.msk [tilespmem:v4+s29+$0x0], $0xffff  }
0x1ef: {  	v5 =	vor.u32 v7, v5;
	_ =	sdelay $0x2  }
0x1f0: {  	v48 =	vadd.s32 $0x1A, v1  }
0x1f1: {  	v49 =	vand.u32 $0xFFFFFFF8, v48;
	[tilespmem:v47+s13+$0x0] =	vst.idx.msk $0xffff, v4  }
0x1f2: {  	v50 =	vor.u32 $0x19, v2;
	v7 =	vand.u32 $0x7, v48;
	v4 =	vadd.s32 v3, v49;
	v5 =	vld.idx.msk [tilespmem:v5+s29+$0x0], $0xffff  }
0x1f3: {  	v4 =	vor.u32 v7, v4;
	_ =	sdelay $0x2  }
0x1f4: {  	v51 =	vadd.s32 $0x1B, v1  }
0x1f5: {  	v52 =	vand.u32 $0xFFFFFFF8, v51;
	[tilespmem:v50+s13+$0x0] =	vst.idx.msk $0xffff, v5  }
0x1f6: {  	v53 =	vor.u32 $0x1A, v2;
	v7 =	vand.u32 $0x7, v51;
	v5 =	vadd.s32 v3, v52;
	v4 =	vld.idx.msk [tilespmem:v4+s29+$0x0], $0xffff  }
0x1f7: {  	v5 =	vor.u32 v7, v5;
	_ =	sdelay $0x2  }
0x1f8: {  	v54 =	vadd.s32 $0x1C, v1  }
0x1f9: {  	v55 =	vand.u32 $0xFFFFFFF8, v54;
	[tilespmem:v53+s13+$0x0] =	vst.idx.msk $0xffff, v4  }
0x1fa: {  	v56 =	vor.u32 $0x1B, v2;
	v7 =	vand.u32 $0x7, v54;
	v4 =	vadd.s32 v3, v55;
	v5 =	vld.idx.msk [tilespmem:v5+s29+$0x0], $0xffff  }
0x1fb: {  	v4 =	vor.u32 v7, v4;
	_ =	sdelay $0x2  }
0x1fc: {  	v57 =	vadd.s32 $0x1D, v1  }
0x1fd: {  	v58 =	vand.u32 $0xFFFFFFF8, v57;
	[tilespmem:v56+s13+$0x0] =	vst.idx.msk $0xffff, v5  }
0x1fe: {  	v59 =	vor.u32 $0x1C, v2;
	v7 =	vand.u32 $0x7, v57;
	v5 =	vadd.s32 v3, v58;
	v4 =	vld.idx.msk [tilespmem:v4+s29+$0x0], $0xffff  }
0x1ff: {  	v5 =	vor.u32 v7, v5;
	_ =	sdelay $0x2  }
0x200: {  	v60 =	vadd.s32 $0x1E, v1  }
0x201: {  	v61 =	vand.u32 $0xFFFFFFF8, v60;
	[tilespmem:v59+s13+$0x0] =	vst.idx.msk $0xffff, v4  }
0x202: {  	v62 =	vor.u32 $0x1D, v2;
	v7 =	vand.u32 $0x7, v60;
	v4 =	vadd.s32 v3, v61;
	v5 =	vld.idx.msk [tilespmem:v5+s29+$0x0], $0xffff  }
0x203: {  	v4 =	vor.u32 v7, v4;
	_ =	sdelay $0x2  }
0x204: {  	v1 =	vadd.s32 $0x1F, v1  }
0x205: {  	v63 =	vand.u32 $0xFFFFFFF8, v1;
	[tilespmem:v62+s13+$0x0] =	vst.idx.msk $0xffff, v5  }
0x206: {  	v1 =	vand.u32 $0x7, v1;
	v3 =	vadd.s32 v3, v63;
	v5 =	vor.u32 $0x1E, v2;
	v4 =	vld.idx.msk [tilespmem:v4+s29+$0x0], $0xffff  }
0x207: {  	v1 =	vor.u32 v1, v3;
	_ =	sdelay $0x3  }
0x208: {  	[tilespmem:v5+s13+$0x0] =	vst.idx.msk $0xffff, v4  }
0x209: {  	s16 =	simm.s32 $0x10;
	s15 =	sadd.s32 s31, s18;
	v3 =	vld.idx.msk [tilespmem:v1+s29+$0x0], $0xffff;
	v1 =	vor.u32 $0x1F, v2  }
.LBB2_5:
0x20a: {  	_ =	sdelay $0x2  }
0x20b: {  	p1 =	sne.s32 s16, $0xF0  }
0x20c: {  	s24 =	sadd.s32 $0x10, s24;
	s17 =	smov.u32 s16;
	s16 =	sadd.s32 $0x10, s16;
	[tilespmem:v1+s13+$0x0] =	vst.idx.msk $0xffff, v3  }
0x20d: {  	v3 =	vld [tilespmem:s24+$0x0];
	_ =	sdelay $0x3  }
0x20e: {  	v1 =	vor.u32 s17, v0  }
0x20f: {  	v4 =	vshll.u32 v1, $0x6;
	v2 =	vand.u32 $0xFFFFFFF8, v3;
	v5 =	vadd.s32 $0x1, v3  }
0x210: {  	v6 =	vand.u32 $0x7, v3;
	v2 =	vadd.s32 v4, v2;
	v7 =	vand.u32 $0xFFFFFFF8, v5  }
0x211: {  	v2 =	vor.u32 v6, v2;
	v6 =	vadd.s32 v4, v7;
	v7 =	vadd.s32 $0x2, v3  }
0x212: {  	v9 =	vadd.s32 $0x3, v3;
	v10 =	vadd.s32 $0x4, v3;
	v8 =	vand.u32 $0xFFFFFFF8, v7  }
0x213: {  	v11 =	vand.u32 $0xFFFFFFF8, v9;
	v12 =	vand.u32 $0xFFFFFFF8, v10;
	v8 =	vadd.s32 v4, v8  }
0x214: {  	v49 =	vadd.s32 $0x5, v3;
	v11 =	vadd.s32 v4, v11;
	v48 =	vadd.s32 v4, v12  }
0x215: {  	v47 =	vadd.s32 $0x6, v3;
	v45 =	vadd.s32 $0x7, v3;
	v12 =	vand.u32 $0xFFFFFFF8, v49  }
0x216: {  	v14 =	vand.u32 $0xFFFFFFF8, v45;
	v50 =	vadd.s32 v4, v12;
	v12 =	vand.u32 $0xFFFFFFF8, v47;
	v13 =	vld.idx.msk [tilespmem:v2+s29+$0x0], $0xffff  }
0x217: {  	v1 =	vshll.u32 v1, $0x5;
	v5 =	vand.u32 $0x7, v5;
	v51 =	vadd.s32 v4, v12  }
0x218: {  	v43 =	vadd.s32 $0x9, v3;
	v46 =	vadd.s32 v4, v14;
	v5 =	vor.u32 v5, v6  }
0x219: {  	v41 =	vadd.s32 $0xA, v3;
	v38 =	vadd.s32 $0xB, v3;
	v6 =	vand.u32 $0xFFFFFFF8, v43  }
0x21a: {  	v44 =	vadd.s32 v4, v6;
	v6 =	vand.u32 $0xFFFFFFF8, v41;
	v12 =	vand.u32 $0xFFFFFFF8, v38  }
0x21b: {  	v36 =	vadd.s32 $0xC, v3;
	v42 =	vadd.s32 v4, v6;
	v40 =	vadd.s32 v4, v12  }
0x21c: {  	v35 =	vadd.s32 $0xD, v3;
	v31 =	vadd.s32 $0xE, v3;
	v6 =	vand.u32 $0xFFFFFFF8, v36;
	[tilespmem:v1+s13+$0x0] =	vst.idx.msk $0xffff, v13  }
0x21d: {  	v12 =	vand.u32 $0xFFFFFFF8, v31;
	v39 =	vadd.s32 v4, v6;
	v6 =	vand.u32 $0xFFFFFFF8, v35;
	v5 =	vld.idx.msk [tilespmem:v5+s29+$0x0], $0xffff  }
0x21e: {  	v7 =	vand.u32 $0x7, v7;
	v37 =	vadd.s32 v4, v6;
	v13 =	vor.u32 $0x1, v1  }
0x21f: {  	v32 =	vadd.s32 $0xF, v3;
	v34 =	vadd.s32 v4, v12;
	v6 =	vor.u32 v7, v8  }
0x220: {  	v29 =	vadd.s32 $0x11, v3;
	v26 =	vadd.s32 $0x12, v3;
	v7 =	vand.u32 $0xFFFFFFF8, v32  }
0x221: {  	v8 =	vand.u32 $0xFFFFFFF8, v26;
	v33 =	vadd.s32 v4, v7;
	v7 =	vand.u32 $0xFFFFFFF8, v29  }
0x222: {  	v24 =	vadd.s32 $0x13, v3;
	v28 =	vadd.s32 v4, v8;
	v30 =	vadd.s32 v4, v7  }
0x223: {  	v23 =	vadd.s32 $0x14, v3;
	v19 =	vadd.s32 $0x15, v3;
	[tilespmem:v13+s13+$0x0] =	vst.idx.msk $0xffff, v5;
	v5 =	vand.u32 $0xFFFFFFF8, v24  }
0x224: {  	v7 =	vand.u32 $0xFFFFFFF8, v19;
	v6 =	vld.idx.msk [tilespmem:v6+s29+$0x0], $0xffff;
	v27 =	vadd.s32 v4, v5;
	v5 =	vand.u32 $0xFFFFFFF8, v23  }
0x225: {  	v9 =	vand.u32 $0x7, v9;
	v8 =	vor.u32 $0x2, v1;
	v25 =	vadd.s32 v4, v5  }
0x226: {  	v20 =	vadd.s32 $0x16, v3;
	v22 =	vadd.s32 v4, v7;
	v5 =	vor.u32 v9, v11  }
0x227: {  	v17 =	vadd.s32 $0x17, v3;
	v14 =	vadd.s32 $0x19, v3;
	v7 =	vand.u32 $0xFFFFFFF8, v20  }
0x228: {  	v21 =	vadd.s32 v4, v7;
	v7 =	vand.u32 $0xFFFFFFF8, v17;
	v9 =	vand.u32 $0xFFFFFFF8, v14  }
0x229: {  	v12 =	vadd.s32 $0x1A, v3;
	v18 =	vadd.s32 v4, v7;
	v16 =	vadd.s32 v4, v9  }
0x22a: {  	v7 =	vadd.s32 $0x1C, v3;
	v11 =	vadd.s32 $0x1B, v3;
	[tilespmem:v8+s13+$0x0] =	vst.idx.msk $0xffff, v6;
	v6 =	vand.u32 $0xFFFFFFF8, v12  }
0x22b: {  	v52 =	vld.idx.msk [tilespmem:v5+s29+$0x0], $0xffff;
	v15 =	vadd.s32 v4, v6;
	v5 =	vand.u32 $0xFFFFFFF8, v11;
	v6 =	vand.u32 $0xFFFFFFF8, v7  }
0x22c: {  	v53 =	vor.u32 $0x3, v1;
	v8 =	vand.u32 $0x7, v10;
	v13 =	vadd.s32 v4, v5  }
0x22d: {  	v48 =	vor.u32 v8, v48;
	v8 =	vadd.s32 $0x1D, v3;
	v10 =	vadd.s32 v4, v6  }
0x22e: {  	v6 =	vand.u32 $0xFFFFFFF8, v8;
	v5 =	vadd.s32 $0x1E, v3;
	v3 =	vadd.s32 $0x1F, v3  }
0x22f: {  	v9 =	vadd.s32 v4, v6;
	v6 =	vand.u32 $0xFFFFFFF8, v5;
	v54 =	vand.u32 $0xFFFFFFF8, v3  }
0x230: {  	v6 =	vadd.s32 v4, v6;
	v4 =	vadd.s32 v4, v54  }
0x231: {  	[tilespmem:v53+s13+$0x0] =	vst.idx.msk $0xffff, v52  }
0x232: {  	v48 =	vld.idx.msk [tilespmem:v48+s29+$0x0], $0xffff  }
0x233: {  	v49 =	vand.u32 $0x7, v49;
	v52 =	vor.u32 $0x4, v1  }
0x234: {  	v49 =	vor.u32 v49, v50;
	_ =	sdelay $0x3  }
0x235: {  	[tilespmem:v52+s13+$0x0] =	vst.idx.msk $0xffff, v48  }
0x236: {  	v48 =	vld.idx.msk [tilespmem:v49+s29+$0x0], $0xffff  }
0x237: {  	v47 =	vand.u32 $0x7, v47;
	v49 =	vor.u32 $0x5, v1  }
0x238: {  	v47 =	vor.u32 v47, v51;
	_ =	sdelay $0x3  }
0x239: {  	[tilespmem:v49+s13+$0x0] =	vst.idx.msk $0xffff, v48  }
0x23a: {  	v47 =	vld.idx.msk [tilespmem:v47+s29+$0x0], $0xffff  }
0x23b: {  	v45 =	vand.u32 $0x7, v45;
	v48 =	vor.u32 $0x6, v1  }
0x23c: {  	v45 =	vor.u32 v45, v46;
	_ =	sdelay $0x3  }
0x23d: {  	[tilespmem:v48+s13+$0x0] =	vst.idx.msk $0xffff, v47  }
0x23e: {  	v45 =	vld.idx.msk [tilespmem:v45+s29+$0x0], $0xffff  }
0x23f: {  	v46 =	vor.u32 $0x7, v1  }
0x240: {  	v47 =	vadd.s32 $0x8, v2;
	_ =	sdelay $0x3  }
0x241: {  	[tilespmem:v46+s13+$0x0] =	vst.idx.msk $0xffff, v45  }
0x242: {  	v45 =	vld.idx.msk [tilespmem:v47+s29+$0x0], $0xffff  }
0x243: {  	v43 =	vand.u32 $0x7, v43;
	v46 =	vor.u32 $0x8, v1  }
0x244: {  	v43 =	vor.u32 v43, v44;
	_ =	sdelay $0x3  }
0x245: {  	[tilespmem:v46+s13+$0x0] =	vst.idx.msk $0xffff, v45  }
0x246: {  	v43 =	vld.idx.msk [tilespmem:v43+s29+$0x0], $0xffff  }
0x247: {  	v41 =	vand.u32 $0x7, v41;
	v44 =	vor.u32 $0x9, v1  }
0x248: {  	v41 =	vor.u32 v41, v42;
	_ =	sdelay $0x3  }
0x249: {  	[tilespmem:v44+s13+$0x0] =	vst.idx.msk $0xffff, v43  }
0x24a: {  	v41 =	vld.idx.msk [tilespmem:v41+s29+$0x0], $0xffff  }
0x24b: {  	v38 =	vand.u32 $0x7, v38;
	v42 =	vor.u32 $0xA, v1  }
0x24c: {  	v38 =	vor.u32 v38, v40;
	_ =	sdelay $0x3  }
0x24d: {  	[tilespmem:v42+s13+$0x0] =	vst.idx.msk $0xffff, v41  }
0x24e: {  	v38 =	vld.idx.msk [tilespmem:v38+s29+$0x0], $0xffff  }
0x24f: {  	v36 =	vand.u32 $0x7, v36;
	v40 =	vor.u32 $0xB, v1  }
0x250: {  	v36 =	vor.u32 v36, v39;
	_ =	sdelay $0x3  }
0x251: {  	[tilespmem:v40+s13+$0x0] =	vst.idx.msk $0xffff, v38  }
0x252: {  	v36 =	vld.idx.msk [tilespmem:v36+s29+$0x0], $0xffff  }
0x253: {  	v35 =	vand.u32 $0x7, v35;
	v38 =	vor.u32 $0xC, v1  }
0x254: {  	v35 =	vor.u32 v35, v37;
	_ =	sdelay $0x3  }
0x255: {  	[tilespmem:v38+s13+$0x0] =	vst.idx.msk $0xffff, v36  }
0x256: {  	v35 =	vld.idx.msk [tilespmem:v35+s29+$0x0], $0xffff  }
0x257: {  	v31 =	vand.u32 $0x7, v31;
	v36 =	vor.u32 $0xD, v1  }
0x258: {  	v31 =	vor.u32 v31, v34;
	_ =	sdelay $0x3  }
0x259: {  	[tilespmem:v36+s13+$0x0] =	vst.idx.msk $0xffff, v35  }
0x25a: {  	v31 =	vld.idx.msk [tilespmem:v31+s29+$0x0], $0xffff  }
0x25b: {  	v34 =	vor.u32 $0xE, v1;
	v32 =	vand.u32 $0x7, v32  }
0x25c: {  	v32 =	vor.u32 v32, v33;
	_ =	sdelay $0x3  }
0x25d: {  	[tilespmem:v34+s13+$0x0] =	vst.idx.msk $0xffff, v31  }
0x25e: {  	v31 =	vld.idx.msk [tilespmem:v32+s29+$0x0], $0xffff  }
0x25f: {  	v32 =	vor.u32 $0xF, v1  }
0x260: {  	v33 =	vadd.s32 $0x10, v2;
	_ =	sdelay $0x3  }
0x261: {  	[tilespmem:v32+s13+$0x0] =	vst.idx.msk $0xffff, v31  }
0x262: {  	v31 =	vld.idx.msk [tilespmem:v33+s29+$0x0], $0xffff  }
0x263: {  	v29 =	vand.u32 $0x7, v29;
	v32 =	vor.u32 $0x10, v1  }
0x264: {  	v29 =	vor.u32 v29, v30;
	_ =	sdelay $0x3  }
0x265: {  	[tilespmem:v32+s13+$0x0] =	vst.idx.msk $0xffff, v31  }
0x266: {  	v29 =	vld.idx.msk [tilespmem:v29+s29+$0x0], $0xffff  }
0x267: {  	v26 =	vand.u32 $0x7, v26;
	v30 =	vor.u32 $0x11, v1  }
0x268: {  	v26 =	vor.u32 v26, v28;
	_ =	sdelay $0x3  }
0x269: {  	[tilespmem:v30+s13+$0x0] =	vst.idx.msk $0xffff, v29  }
0x26a: {  	v26 =	vld.idx.msk [tilespmem:v26+s29+$0x0], $0xffff  }
0x26b: {  	v28 =	vor.u32 $0x12, v1;
	v24 =	vand.u32 $0x7, v24  }
0x26c: {  	v24 =	vor.u32 v24, v27;
	_ =	sdelay $0x3  }
0x26d: {  	[tilespmem:v28+s13+$0x0] =	vst.idx.msk $0xffff, v26  }
0x26e: {  	v24 =	vld.idx.msk [tilespmem:v24+s29+$0x0], $0xffff  }
0x26f: {  	v23 =	vand.u32 $0x7, v23;
	v26 =	vor.u32 $0x13, v1  }
0x270: {  	v23 =	vor.u32 v23, v25;
	_ =	sdelay $0x3  }
0x271: {  	[tilespmem:v26+s13+$0x0] =	vst.idx.msk $0xffff, v24  }
0x272: {  	v23 =	vld.idx.msk [tilespmem:v23+s29+$0x0], $0xffff  }
0x273: {  	v19 =	vand.u32 $0x7, v19;
	v24 =	vor.u32 $0x14, v1  }
0x274: {  	v19 =	vor.u32 v19, v22;
	_ =	sdelay $0x3  }
0x275: {  	[tilespmem:v24+s13+$0x0] =	vst.idx.msk $0xffff, v23  }
0x276: {  	v19 =	vld.idx.msk [tilespmem:v19+s29+$0x0], $0xffff  }
0x277: {  	v20 =	vand.u32 $0x7, v20;
	v22 =	vor.u32 $0x15, v1  }
0x278: {  	v20 =	vor.u32 v20, v21;
	_ =	sdelay $0x3  }
0x279: {  	[tilespmem:v22+s13+$0x0] =	vst.idx.msk $0xffff, v19  }
0x27a: {  	v19 =	vld.idx.msk [tilespmem:v20+s29+$0x0], $0xffff  }
0x27b: {  	v17 =	vand.u32 $0x7, v17;
	v20 =	vor.u32 $0x16, v1  }
0x27c: {  	v17 =	vor.u32 v17, v18;
	_ =	sdelay $0x3  }
0x27d: {  	[tilespmem:v20+s13+$0x0] =	vst.idx.msk $0xffff, v19  }
0x27e: {  	v17 =	vld.idx.msk [tilespmem:v17+s29+$0x0], $0xffff  }
0x27f: {  	v18 =	vor.u32 $0x17, v1  }
0x280: {  	v2 =	vadd.s32 $0x18, v2;
	_ =	sdelay $0x3  }
0x281: {  	[tilespmem:v18+s13+$0x0] =	vst.idx.msk $0xffff, v17  }
0x282: {  	v2 =	vld.idx.msk [tilespmem:v2+s29+$0x0], $0xffff  }
0x283: {  	v14 =	vand.u32 $0x7, v14;
	v17 =	vor.u32 $0x18, v1  }
0x284: {  	v14 =	vor.u32 v14, v16;
	_ =	sdelay $0x3  }
0x285: {  	[tilespmem:v17+s13+$0x0] =	vst.idx.msk $0xffff, v2  }
0x286: {  	v2 =	vld.idx.msk [tilespmem:v14+s29+$0x0], $0xffff  }
0x287: {  	v12 =	vand.u32 $0x7, v12;
	v14 =	vor.u32 $0x19, v1  }
0x288: {  	v12 =	vor.u32 v12, v15;
	_ =	sdelay $0x3  }
0x289: {  	[tilespmem:v14+s13+$0x0] =	vst.idx.msk $0xffff, v2  }
0x28a: {  	v2 =	vld.idx.msk [tilespmem:v12+s29+$0x0], $0xffff  }
0x28b: {  	v11 =	vand.u32 $0x7, v11;
	v12 =	vor.u32 $0x1A, v1  }
0x28c: {  	v11 =	vor.u32 v11, v13;
	_ =	sdelay $0x3  }
0x28d: {  	[tilespmem:v12+s13+$0x0] =	vst.idx.msk $0xffff, v2  }
0x28e: {  	v2 =	vld.idx.msk [tilespmem:v11+s29+$0x0], $0xffff  }
0x28f: {  	v7 =	vand.u32 $0x7, v7;
	v11 =	vor.u32 $0x1B, v1  }
0x290: {  	v7 =	vor.u32 v7, v10;
	_ =	sdelay $0x3  }
0x291: {  	[tilespmem:v11+s13+$0x0] =	vst.idx.msk $0xffff, v2  }
0x292: {  	v2 =	vld.idx.msk [tilespmem:v7+s29+$0x0], $0xffff  }
0x293: {  	v8 =	vand.u32 $0x7, v8;
	v7 =	vor.u32 $0x1C, v1  }
0x294: {  	v8 =	vor.u32 v8, v9;
	_ =	sdelay $0x3  }
0x295: {  	[tilespmem:v7+s13+$0x0] =	vst.idx.msk $0xffff, v2  }
0x296: {  	v2 =	vld.idx.msk [tilespmem:v8+s29+$0x0], $0xffff  }
0x297: {  	v5 =	vand.u32 $0x7, v5;
	v7 =	vor.u32 $0x1D, v1  }
0x298: {  	v5 =	vor.u32 v5, v6;
	_ =	sdelay $0x3  }
0x299: {  	[tilespmem:v7+s13+$0x0] =	vst.idx.msk $0xffff, v2  }
0x29a: {  	v2 =	vld.idx.msk [tilespmem:v5+s29+$0x0], $0xffff  }
0x29b: {  	v3 =	vand.u32 $0x7, v3;
	v5 =	vor.u32 $0x1E, v1  }
0x29c: {  	v3 =	vor.u32 v3, v4;
	_ =	sdelay $0x1  }
.Ltmp3:
0x29d: {  	(pc) =	sbr.rel @p1 .LBB2_5-.Ltmp3, $4  }
0x29e: {  	_ = 	snop  }
0x29f: {  	[tilespmem:v5+s13+$0x0] =	vst.idx.msk $0xffff, v2  }
0x2a0: {  	v3 =	vld.idx.msk [tilespmem:v3+s29+$0x0], $0xffff  }
0x2a1: {  	v1 =	vor.u32 $0x1F, v1  }
0x2a2: {  	_ =	sdelay $0x1  }
0x2a3: {  	s15 =	sshll.u32 s15, $0x2  }
0x2a4: {  	s15 =	sand.u32 $0x1FFFF400, s15  }
0x2a5: {  	s15 =	sadd.s32 s4, s15;
	[tilespmem:v1+s13+$0x0] =	vst.idx.msk $0xffff, v3  }
0x2a6: {  	[hbm4b:s15+s5] =	stream.linear.scatter [tilespmem:s13], [sflag:$0xE], $0x2000, $0x38;
	[tilespmem:$0x14800] =	vst v63  }
0x2a7: {  	s15 =	simm.s32 @p0 $0xB  }
0x2a8: {  	_ =	swait.ge @p0 [sflag:s15], $0x4000  }
0x2a9: {  	[sflag:s15] =	ssyncset.done @p0 $0x0  }
0x2aa: {  	[sflag:s15] =	ssyncadd.s32 @p0 $0xFFFFC000;
	s15 =	simm.s32 @!p0 $0x3  }
0x2ab: {  	_ =	swait.ge @!p0 [sflag:s15], $0x100  }
0x2ac: {  	s16 =	simm.s32 @!p0 $0x0;
	[sflag:s15] =	ssyncset.done @!p0 $0x0  }
0x2ad: {  	s17 =	simm.s32 @!p0 $0x300;
	[sflag:s15] =	ssyncadd.s32 @!p0 $0xFFFFFF00;
	s15 =	sadd.s32 @!p0 s2, s30  }
0x2ae: {  	[tilespmem:s17], [sflag:$0x4] =	stream.linear.gather @!p0 [hbm4b:s15+s16], $0x100, $0x38;
	[tilespmem:$0x14800] =	vst v63  }
0x2af: {  	s24 =	simm.s32 @!p0 $0x4800;
	s15 =	simm.s32 @!p0 $0x100;
	s17 =	simm.s32 @!p0 $0x200  }
0x2b0: {  	[tilespmem:s24], [sflag:$0xA] =	stream.indirect.gather @!p0 [hbm4b:s6+s15], $0x40, s17, s15, $0xb8;
	[tilespmem:$0x14800] =	vst v63  }
0x2b1: {  	s15 =	simm.s32 @!p0 $0xB  }
0x2b2: {  	s17 =	sadd.s32 @!p0 s31, s19;
	_ =	swait.ge @!p0 [sflag:s15], $0x4000  }
0x2b3: {  	s30 =	sshrl.u32 @!p0 s17, $0x3;
	[sflag:s15] =	ssyncset.done @!p0 $0x0  }
0x2b4: {  	s17 =	simm.s32 @!p0 $0x400;
	[sflag:s15] =	ssyncadd.s32 @!p0 $0xFFFFC000;
	s15 =	sadd.s32 @!p0 s1, s30  }
0x2b5: {  	[tilespmem:s17], [sflag:$0x5] =	stream.linear.gather @!p0 [hbm4b:s15+s16], $0x100, $0x38;
	[tilespmem:$0x14800] =	vst v63  }
0x2b6: {  	_ =	swait.ge [sflag:s14], $0x100  }
0x2b7: {  	[sflag:s14] =	ssyncset.done $0x0  }
0x2b8: {  	[sflag:s14] =	ssyncadd.s32 $0xFFFFFF00  }
0x2b9: {  	_ =	swait.ge [sflag:s23], $0x2000  }
0x2ba: {  	[sflag:s23] =	ssyncset.done $0x0  }
0x2bb: {  	s24 =	simm.s32 $0x500;
	[sflag:s23] =	ssyncadd.s32 $0xFFFFE000  }
0x2bc: {  	v2 =	vld [tilespmem:s24+$0x0];
	_ =	sdelay $0x2  }
0x2bd: {  	s16 =	simm.s32 $0x0  }
0x2be: {  	v1 =	vor.u32 s16, v0  }
0x2bf: {  	v3 =	vshll.u32 v1, $0x6;
	v4 =	vand.u32 $0xFFFFFFF8, v2  }
0x2c0: {  	v5 =	vand.u32 $0x7, v2;
	v4 =	vadd.s32 v3, v4  }
0x2c1: {  	v4 =	vor.u32 v5, v4;
	_ =	sdelay $0x2  }
0x2c2: {  	v58 =	vadd.s32 $0x1, v2  }
0x2c3: {  	v6 =	vand.u32 $0xFFFFFFF8, v58  }
0x2c4: {  	v1 =	vshll.u32 v1, $0x5;
	v6 =	vadd.s32 v3, v6;
	v5 =	vand.u32 $0x7, v58;
	v7 =	vld.idx.msk [tilespmem:v4+s28+$0x0], $0xffff  }
0x2c5: {  	v5 =	vor.u32 v5, v6;
	_ =	sdelay $0x2  }
0x2c6: {  	v59 =	vadd.s32 $0x2, v2  }
0x2c7: {  	v8 =	vand.u32 $0xFFFFFFF8, v59;
	[tilespmem:v1+s11+$0x0] =	vst.idx.msk $0xffff, v7  }
0x2c8: {  	v61 =	vor.u32 $0x1, v1;
	v60 =	vadd.s32 v3, v8;
	v6 =	vand.u32 $0x7, v59;
	v5 =	vld.idx.msk [tilespmem:v5+s28+$0x0], $0xffff  }
0x2c9: {  	v6 =	vor.u32 v6, v60;
	_ =	sdelay $0x2  }
0x2ca: {  	v62 =	vadd.s32 $0x3, v2  }
0x2cb: {  	v9 =	vand.u32 $0xFFFFFFF8, v62;
	[tilespmem:v61+s11+$0x0] =	vst.idx.msk $0xffff, v5  }
0x2cc: {  	v12 =	vor.u32 $0x2, v1;
	v63 =	vadd.s32 v3, v9;
	v7 =	vand.u32 $0x7, v62;
	v6 =	vld.idx.msk [tilespmem:v6+s28+$0x0], $0xffff  }
0x2cd: {  	v5 =	vor.u32 v7, v63;
	_ =	sdelay $0x2  }
0x2ce: {  	v13 =	vadd.s32 $0x4, v2  }
0x2cf: {  	v14 =	vand.u32 $0xFFFFFFF8, v13;
	[tilespmem:v12+s11+$0x0] =	vst.idx.msk $0xffff, v6  }
0x2d0: {  	v16 =	vor.u32 $0x3, v1;
	v15 =	vadd.s32 v3, v14;
	v7 =	vand.u32 $0x7, v13;
	v5 =	vld.idx.msk [tilespmem:v5+s28+$0x0], $0xffff  }
0x2d1: {  	v6 =	vor.u32 v7, v15;
	_ =	sdelay $0x2  }
0x2d2: {  	v17 =	vadd.s32 $0x5, v2  }
0x2d3: {  	v18 =	vand.u32 $0xFFFFFFF8, v17;
	[tilespmem:v16+s11+$0x0] =	vst.idx.msk $0xffff, v5  }
0x2d4: {  	v20 =	vor.u32 $0x4, v1;
	v19 =	vadd.s32 v3, v18;
	v7 =	vand.u32 $0x7, v17;
	v6 =	vld.idx.msk [tilespmem:v6+s28+$0x0], $0xffff  }
0x2d5: {  	v5 =	vor.u32 v7, v19;
	_ =	sdelay $0x2  }
0x2d6: {  	v21 =	vadd.s32 $0x6, v2  }
0x2d7: {  	v22 =	vand.u32 $0xFFFFFFF8, v21;
	[tilespmem:v20+s11+$0x0] =	vst.idx.msk $0xffff, v6  }
0x2d8: {  	v24 =	vor.u32 $0x5, v1;
	v23 =	vadd.s32 v3, v22;
	v7 =	vand.u32 $0x7, v21;
	v5 =	vld.idx.msk [tilespmem:v5+s28+$0x0], $0xffff  }
0x2d9: {  	v6 =	vor.u32 v7, v23;
	_ =	sdelay $0x2  }
0x2da: {  	v25 =	vadd.s32 $0x7, v2  }
0x2db: {  	v26 =	vand.u32 $0xFFFFFFF8, v25;
	[tilespmem:v24+s11+$0x0] =	vst.idx.msk $0xffff, v5  }
0x2dc: {  	v28 =	vor.u32 $0x6, v1;
	v27 =	vadd.s32 v3, v26;
	v7 =	vand.u32 $0x7, v25;
	v6 =	vld.idx.msk [tilespmem:v6+s28+$0x0], $0xffff  }
0x2dd: {  	v5 =	vor.u32 v7, v27;
	_ =	sdelay $0x3  }
0x2de: {  	[tilespmem:v28+s11+$0x0] =	vst.idx.msk $0xffff, v6  }
0x2df: {  	v29 =	vor.u32 $0x7, v1;
	v5 =	vld.idx.msk [tilespmem:v5+s28+$0x0], $0xffff  }
0x2e0: {  	v30 =	vadd.s32 $0x8, v4;
	_ =	sdelay $0x2  }
0x2e1: {  	v31 =	vadd.s32 $0x9, v2  }
0x2e2: {  	v32 =	vand.u32 $0xFFFFFFF8, v31;
	[tilespmem:v29+s11+$0x0] =	vst.idx.msk $0xffff, v5  }
0x2e3: {  	v34 =	vor.u32 $0x8, v1;
	v33 =	vadd.s32 v3, v32;
	v8 =	vand.u32 $0x7, v31;
	v6 =	vld.idx.msk [tilespmem:v30+s28+$0x0], $0xffff  }
0x2e4: {  	v5 =	vor.u32 v8, v33;
	_ =	sdelay $0x2  }
0x2e5: {  	v35 =	vadd.s32 $0xA, v2  }
0x2e6: {  	v36 =	vand.u32 $0xFFFFFFF8, v35;
	[tilespmem:v34+s11+$0x0] =	vst.idx.msk $0xffff, v6  }
0x2e7: {  	v38 =	vor.u32 $0x9, v1;
	v37 =	vadd.s32 v3, v36;
	v8 =	vand.u32 $0x7, v35;
	v5 =	vld.idx.msk [tilespmem:v5+s28+$0x0], $0xffff  }
0x2e8: {  	v6 =	vor.u32 v8, v37;
	_ =	sdelay $0x2  }
0x2e9: {  	v39 =	vadd.s32 $0xB, v2  }
0x2ea: {  	v40 =	vand.u32 $0xFFFFFFF8, v39;
	[tilespmem:v38+s11+$0x0] =	vst.idx.msk $0xffff, v5  }
0x2eb: {  	v42 =	vor.u32 $0xA, v1;
	v41 =	vadd.s32 v3, v40;
	v8 =	vand.u32 $0x7, v39;
	v6 =	vld.idx.msk [tilespmem:v6+s28+$0x0], $0xffff  }
0x2ec: {  	v5 =	vor.u32 v8, v41;
	_ =	sdelay $0x2  }
0x2ed: {  	v43 =	vadd.s32 $0xC, v2  }
0x2ee: {  	v44 =	vand.u32 $0xFFFFFFF8, v43;
	[tilespmem:v42+s11+$0x0] =	vst.idx.msk $0xffff, v6  }
0x2ef: {  	v46 =	vor.u32 $0xB, v1;
	v45 =	vadd.s32 v3, v44;
	v8 =	vand.u32 $0x7, v43;
	v5 =	vld.idx.msk [tilespmem:v5+s28+$0x0], $0xffff  }
0x2f0: {  	v6 =	vor.u32 v8, v45;
	_ =	sdelay $0x2  }
0x2f1: {  	v47 =	vadd.s32 $0xD, v2  }
0x2f2: {  	v48 =	vand.u32 $0xFFFFFFF8, v47;
	[tilespmem:v46+s11+$0x0] =	vst.idx.msk $0xffff, v5  }
0x2f3: {  	v50 =	vor.u32 $0xC, v1;
	v49 =	vadd.s32 v3, v48;
	v8 =	vand.u32 $0x7, v47;
	v6 =	vld.idx.msk [tilespmem:v6+s28+$0x0], $0xffff  }
0x2f4: {  	v5 =	vor.u32 v8, v49;
	_ =	sdelay $0x2  }
0x2f5: {  	v51 =	vadd.s32 $0xE, v2  }
0x2f6: {  	v52 =	vand.u32 $0xFFFFFFF8, v51;
	[tilespmem:v50+s11+$0x0] =	vst.idx.msk $0xffff, v6  }
0x2f7: {  	v54 =	vor.u32 $0xD, v1;
	v53 =	vadd.s32 v3, v52;
	v8 =	vand.u32 $0x7, v51;
	v5 =	vld.idx.msk [tilespmem:v5+s28+$0x0], $0xffff  }
0x2f8: {  	v6 =	vor.u32 v8, v53;
	_ =	sdelay $0x2  }
0x2f9: {  	v55 =	vadd.s32 $0xF, v2  }
0x2fa: {  	v56 =	vand.u32 $0xFFFFFFF8, v55;
	[tilespmem:v54+s11+$0x0] =	vst.idx.msk $0xffff, v5  }
0x2fb: {  	v57 =	vadd.s32 v3, v56;
	v58 =	vor.u32 $0xE, v1;
	v8 =	vand.u32 $0x7, v55;
	v6 =	vld.idx.msk [tilespmem:v6+s28+$0x0], $0xffff  }
0x2fc: {  	v5 =	vor.u32 v8, v57;
	_ =	sdelay $0x3  }
0x2fd: {  	[tilespmem:v58+s11+$0x0] =	vst.idx.msk $0xffff, v6  }
0x2fe: {  	v59 =	vor.u32 $0xF, v1;
	v5 =	vld.idx.msk [tilespmem:v5+s28+$0x0], $0xffff  }
0x2ff: {  	v60 =	vadd.s32 $0x10, v4;
	_ =	sdelay $0x2  }
0x300: {  	v61 =	vadd.s32 $0x11, v2  }
0x301: {  	v62 =	vand.u32 $0xFFFFFFF8, v61;
	[tilespmem:v59+s11+$0x0] =	vst.idx.msk $0xffff, v5  }
0x302: {  	v63 =	vadd.s32 v3, v62;
	v12 =	vor.u32 $0x10, v1;
	v8 =	vand.u32 $0x7, v61;
	v6 =	vld.idx.msk [tilespmem:v60+s28+$0x0], $0xffff  }
0x303: {  	v5 =	vor.u32 v8, v63;
	_ =	sdelay $0x2  }
0x304: {  	v13 =	vadd.s32 $0x12, v2  }
0x305: {  	v14 =	vand.u32 $0xFFFFFFF8, v13;
	[tilespmem:v12+s11+$0x0] =	vst.idx.msk $0xffff, v6  }
0x306: {  	v15 =	vadd.s32 v3, v14;
	v16 =	vor.u32 $0x11, v1;
	v8 =	vand.u32 $0x7, v13;
	v5 =	vld.idx.msk [tilespmem:v5+s28+$0x0], $0xffff  }
0x307: {  	v6 =	vor.u32 v8, v15;
	_ =	sdelay $0x2  }
0x308: {  	v17 =	vadd.s32 $0x13, v2  }
0x309: {  	v18 =	vand.u32 $0xFFFFFFF8, v17;
	[tilespmem:v16+s11+$0x0] =	vst.idx.msk $0xffff, v5  }
0x30a: {  	v19 =	vadd.s32 v3, v18;
	v20 =	vor.u32 $0x12, v1;
	v8 =	vand.u32 $0x7, v17;
	v6 =	vld.idx.msk [tilespmem:v6+s28+$0x0], $0xffff  }
0x30b: {  	v5 =	vor.u32 v8, v19;
	_ =	sdelay $0x2  }
0x30c: {  	v21 =	vadd.s32 $0x14, v2  }
0x30d: {  	v22 =	vand.u32 $0xFFFFFFF8, v21;
	[tilespmem:v20+s11+$0x0] =	vst.idx.msk $0xffff, v6  }
0x30e: {  	v23 =	vadd.s32 v3, v22;
	v24 =	vor.u32 $0x13, v1;
	v8 =	vand.u32 $0x7, v21;
	v5 =	vld.idx.msk [tilespmem:v5+s28+$0x0], $0xffff  }
0x30f: {  	v6 =	vor.u32 v8, v23;
	_ =	sdelay $0x2  }
0x310: {  	v25 =	vadd.s32 $0x15, v2  }
0x311: {  	v26 =	vand.u32 $0xFFFFFFF8, v25;
	[tilespmem:v24+s11+$0x0] =	vst.idx.msk $0xffff, v5  }
0x312: {  	v27 =	vadd.s32 v3, v26;
	v28 =	vor.u32 $0x14, v1;
	v8 =	vand.u32 $0x7, v25;
	v6 =	vld.idx.msk [tilespmem:v6+s28+$0x0], $0xffff  }
0x313: {  	v5 =	vor.u32 v8, v27;
	_ =	sdelay $0x2  }
0x314: {  	v29 =	vadd.s32 $0x16, v2  }
0x315: {  	v30 =	vand.u32 $0xFFFFFFF8, v29;
	[tilespmem:v28+s11+$0x0] =	vst.idx.msk $0xffff, v6  }
0x316: {  	v32 =	vor.u32 $0x15, v1;
	v31 =	vadd.s32 v3, v30;
	v8 =	vand.u32 $0x7, v29;
	v5 =	vld.idx.msk [tilespmem:v5+s28+$0x0], $0xffff  }
0x317: {  	v6 =	vor.u32 v8, v31;
	_ =	sdelay $0x2  }
0x318: {  	v33 =	vadd.s32 $0x17, v2  }
0x319: {  	v34 =	vand.u32 $0xFFFFFFF8, v33;
	[tilespmem:v32+s11+$0x0] =	vst.idx.msk $0xffff, v5  }
0x31a: {  	v36 =	vor.u32 $0x16, v1;
	v35 =	vadd.s32 v3, v34;
	v8 =	vand.u32 $0x7, v33;
	v6 =	vld.idx.msk [tilespmem:v6+s28+$0x0], $0xffff  }
0x31b: {  	v5 =	vor.u32 v8, v35;
	_ =	sdelay $0x3  }
0x31c: {  	[tilespmem:v36+s11+$0x0] =	vst.idx.msk $0xffff, v6  }
0x31d: {  	v37 =	vor.u32 $0x17, v1;
	v5 =	vld.idx.msk [tilespmem:v5+s28+$0x0], $0xffff  }
0x31e: {  	v4 =	vadd.s32 $0x18, v4;
	_ =	sdelay $0x2  }
0x31f: {  	v38 =	vadd.s32 $0x19, v2  }
0x320: {  	v39 =	vand.u32 $0xFFFFFFF8, v38;
	[tilespmem:v37+s11+$0x0] =	vst.idx.msk $0xffff, v5  }
0x321: {  	v41 =	vor.u32 $0x18, v1;
	v7 =	vand.u32 $0x7, v38;
	v40 =	vadd.s32 v3, v39;
	v4 =	vld.idx.msk [tilespmem:v4+s28+$0x0], $0xffff  }
0x322: {  	v5 =	vor.u32 v7, v40;
	_ =	sdelay $0x2  }
0x323: {  	v42 =	vadd.s32 $0x1A, v2  }
0x324: {  	v43 =	vand.u32 $0xFFFFFFF8, v42;
	[tilespmem:v41+s11+$0x0] =	vst.idx.msk $0xffff, v4  }
0x325: {  	v45 =	vor.u32 $0x19, v1;
	v44 =	vadd.s32 v3, v43;
	v7 =	vand.u32 $0x7, v42;
	v5 =	vld.idx.msk [tilespmem:v5+s28+$0x0], $0xffff  }
0x326: {  	v4 =	vor.u32 v7, v44;
	_ =	sdelay $0x2  }
0x327: {  	v46 =	vadd.s32 $0x1B, v2  }
0x328: {  	v47 =	vand.u32 $0xFFFFFFF8, v46;
	[tilespmem:v45+s11+$0x0] =	vst.idx.msk $0xffff, v5  }
0x329: {  	v49 =	vor.u32 $0x1A, v1;
	v48 =	vadd.s32 v3, v47;
	v7 =	vand.u32 $0x7, v46;
	v4 =	vld.idx.msk [tilespmem:v4+s28+$0x0], $0xffff  }
0x32a: {  	v5 =	vor.u32 v7, v48;
	_ =	sdelay $0x2  }
0x32b: {  	v50 =	vadd.s32 $0x1C, v2  }
0x32c: {  	v51 =	vand.u32 $0xFFFFFFF8, v50;
	[tilespmem:v49+s11+$0x0] =	vst.idx.msk $0xffff, v4  }
0x32d: {  	v53 =	vor.u32 $0x1B, v1;
	v52 =	vadd.s32 v3, v51;
	v7 =	vand.u32 $0x7, v50;
	v5 =	vld.idx.msk [tilespmem:v5+s28+$0x0], $0xffff  }
0x32e: {  	v4 =	vor.u32 v7, v52;
	_ =	sdelay $0x2  }
0x32f: {  	v54 =	vadd.s32 $0x1D, v2  }
0x330: {  	v55 =	vand.u32 $0xFFFFFFF8, v54;
	[tilespmem:v53+s11+$0x0] =	vst.idx.msk $0xffff, v5  }
0x331: {  	v57 =	vor.u32 $0x1C, v1;
	v56 =	vadd.s32 v3, v55;
	v7 =	vand.u32 $0x7, v54;
	v4 =	vld.idx.msk [tilespmem:v4+s28+$0x0], $0xffff  }
0x332: {  	v5 =	vor.u32 v7, v56;
	_ =	sdelay $0x2  }
0x333: {  	v58 =	vadd.s32 $0x1E, v2  }
0x334: {  	v59 =	vand.u32 $0xFFFFFFF8, v58;
	[tilespmem:v57+s11+$0x0] =	vst.idx.msk $0xffff, v4  }
0x335: {  	v61 =	vor.u32 $0x1D, v1;
	v60 =	vadd.s32 v3, v59;
	v7 =	vand.u32 $0x7, v58;
	v5 =	vld.idx.msk [tilespmem:v5+s28+$0x0], $0xffff  }
0x336: {  	v4 =	vor.u32 v7, v60;
	_ =	sdelay $0x2  }
0x337: {  	v2 =	vadd.s32 $0x1F, v2  }
0x338: {  	v62 =	vand.u32 $0xFFFFFFF8, v2;
	[tilespmem:v61+s11+$0x0] =	vst.idx.msk $0xffff, v5  }
0x339: {  	v2 =	vand.u32 $0x7, v2;
	v63 =	vor.u32 $0x1E, v1;
	v3 =	vadd.s32 v3, v62;
	v4 =	vld.idx.msk [tilespmem:v4+s28+$0x0], $0xffff  }
0x33a: {  	v2 =	vor.u32 v2, v3;
	_ =	sdelay $0x1  }
0x33b: {  	s17 =	sadd.s32 s31, s20  }
0x33c: {  	s15 =	sshll.u32 s17, $0x2  }
0x33d: {  	s15 =	sand.u32 $0x1FFFF800, s15;
	[tilespmem:v63+s11+$0x0] =	vst.idx.msk $0xffff, v4  }
0x33e: {  	s16 =	simm.s32 $0x10;
	s15 =	sadd.s32 s4, s15;
	v1 =	vor.u32 $0x1F, v1;
	v2 =	vld.idx.msk [tilespmem:v2+s28+$0x0], $0xffff  }
.LBB2_7:
0x33f: {  	_ =	sdelay $0x2  }
0x340: {  	p1 =	sne.s32 s16, $0xF0  }
0x341: {  	s24 =	sadd.s32 $0x10, s24;
	s17 =	smov.u32 s16;
	s16 =	sadd.s32 $0x10, s16;
	[tilespmem:v1+s11+$0x0] =	vst.idx.msk $0xffff, v2  }
0x342: {  	v3 =	vld [tilespmem:s24+$0x0];
	_ =	sdelay $0x3  }
0x343: {  	v1 =	vor.u32 s17, v0  }
0x344: {  	v4 =	vshll.u32 v1, $0x6;
	v2 =	vand.u32 $0xFFFFFFF8, v3;
	v5 =	vadd.s32 $0x1, v3  }
0x345: {  	v6 =	vand.u32 $0x7, v3;
	v2 =	vadd.s32 v4, v2;
	v7 =	vand.u32 $0xFFFFFFF8, v5  }
0x346: {  	v2 =	vor.u32 v6, v2;
	v6 =	vadd.s32 v4, v7;
	v7 =	vadd.s32 $0x2, v3  }
0x347: {  	v9 =	vadd.s32 $0x3, v3;
	v10 =	vadd.s32 $0x4, v3;
	v8 =	vand.u32 $0xFFFFFFF8, v7  }
0x348: {  	v11 =	vand.u32 $0xFFFFFFF8, v9;
	v12 =	vand.u32 $0xFFFFFFF8, v10;
	v8 =	vadd.s32 v4, v8  }
0x349: {  	v49 =	vadd.s32 $0x5, v3;
	v11 =	vadd.s32 v4, v11;
	v48 =	vadd.s32 v4, v12  }
0x34a: {  	v47 =	vadd.s32 $0x6, v3;
	v45 =	vadd.s32 $0x7, v3;
	v12 =	vand.u32 $0xFFFFFFF8, v49  }
0x34b: {  	v14 =	vand.u32 $0xFFFFFFF8, v45;
	v50 =	vadd.s32 v4, v12;
	v12 =	vand.u32 $0xFFFFFFF8, v47;
	v13 =	vld.idx.msk [tilespmem:v2+s28+$0x0], $0xffff  }
0x34c: {  	v1 =	vshll.u32 v1, $0x5;
	v5 =	vand.u32 $0x7, v5;
	v51 =	vadd.s32 v4, v12  }
0x34d: {  	v43 =	vadd.s32 $0x9, v3;
	v46 =	vadd.s32 v4, v14;
	v5 =	vor.u32 v5, v6  }
0x34e: {  	v41 =	vadd.s32 $0xA, v3;
	v38 =	vadd.s32 $0xB, v3;
	v6 =	vand.u32 $0xFFFFFFF8, v43  }
0x34f: {  	v44 =	vadd.s32 v4, v6;
	v6 =	vand.u32 $0xFFFFFFF8, v41;
	v12 =	vand.u32 $0xFFFFFFF8, v38  }
0x350: {  	v36 =	vadd.s32 $0xC, v3;
	v42 =	vadd.s32 v4, v6;
	v40 =	vadd.s32 v4, v12  }
0x351: {  	v35 =	vadd.s32 $0xD, v3;
	v31 =	vadd.s32 $0xE, v3;
	v6 =	vand.u32 $0xFFFFFFF8, v36;
	[tilespmem:v1+s11+$0x0] =	vst.idx.msk $0xffff, v13  }
0x352: {  	v12 =	vand.u32 $0xFFFFFFF8, v31;
	v39 =	vadd.s32 v4, v6;
	v6 =	vand.u32 $0xFFFFFFF8, v35;
	v5 =	vld.idx.msk [tilespmem:v5+s28+$0x0], $0xffff  }
0x353: {  	v7 =	vand.u32 $0x7, v7;
	v37 =	vadd.s32 v4, v6;
	v13 =	vor.u32 $0x1, v1  }
0x354: {  	v32 =	vadd.s32 $0xF, v3;
	v34 =	vadd.s32 v4, v12;
	v6 =	vor.u32 v7, v8  }
0x355: {  	v29 =	vadd.s32 $0x11, v3;
	v26 =	vadd.s32 $0x12, v3;
	v7 =	vand.u32 $0xFFFFFFF8, v32  }
0x356: {  	v8 =	vand.u32 $0xFFFFFFF8, v26;
	v33 =	vadd.s32 v4, v7;
	v7 =	vand.u32 $0xFFFFFFF8, v29  }
0x357: {  	v24 =	vadd.s32 $0x13, v3;
	v28 =	vadd.s32 v4, v8;
	v30 =	vadd.s32 v4, v7  }
0x358: {  	v23 =	vadd.s32 $0x14, v3;
	v19 =	vadd.s32 $0x15, v3;
	[tilespmem:v13+s11+$0x0] =	vst.idx.msk $0xffff, v5;
	v5 =	vand.u32 $0xFFFFFFF8, v24  }
0x359: {  	v7 =	vand.u32 $0xFFFFFFF8, v19;
	v6 =	vld.idx.msk [tilespmem:v6+s28+$0x0], $0xffff;
	v27 =	vadd.s32 v4, v5;
	v5 =	vand.u32 $0xFFFFFFF8, v23  }
0x35a: {  	v9 =	vand.u32 $0x7, v9;
	v8 =	vor.u32 $0x2, v1;
	v25 =	vadd.s32 v4, v5  }
0x35b: {  	v20 =	vadd.s32 $0x16, v3;
	v22 =	vadd.s32 v4, v7;
	v5 =	vor.u32 v9, v11  }
0x35c: {  	v17 =	vadd.s32 $0x17, v3;
	v14 =	vadd.s32 $0x19, v3;
	v7 =	vand.u32 $0xFFFFFFF8, v20  }
0x35d: {  	v21 =	vadd.s32 v4, v7;
	v7 =	vand.u32 $0xFFFFFFF8, v17;
	v9 =	vand.u32 $0xFFFFFFF8, v14  }
0x35e: {  	v12 =	vadd.s32 $0x1A, v3;
	v18 =	vadd.s32 v4, v7;
	v16 =	vadd.s32 v4, v9  }
0x35f: {  	v7 =	vadd.s32 $0x1C, v3;
	v11 =	vadd.s32 $0x1B, v3;
	[tilespmem:v8+s11+$0x0] =	vst.idx.msk $0xffff, v6;
	v6 =	vand.u32 $0xFFFFFFF8, v12  }
0x360: {  	v52 =	vld.idx.msk [tilespmem:v5+s28+$0x0], $0xffff;
	v15 =	vadd.s32 v4, v6;
	v5 =	vand.u32 $0xFFFFFFF8, v11;
	v6 =	vand.u32 $0xFFFFFFF8, v7  }
0x361: {  	v53 =	vor.u32 $0x3, v1;
	v8 =	vand.u32 $0x7, v10;
	v13 =	vadd.s32 v4, v5  }
0x362: {  	v48 =	vor.u32 v8, v48;
	v8 =	vadd.s32 $0x1D, v3;
	v10 =	vadd.s32 v4, v6  }
0x363: {  	v6 =	vand.u32 $0xFFFFFFF8, v8;
	v5 =	vadd.s32 $0x1E, v3;
	v3 =	vadd.s32 $0x1F, v3  }
0x364: {  	v9 =	vadd.s32 v4, v6;
	v6 =	vand.u32 $0xFFFFFFF8, v5;
	v54 =	vand.u32 $0xFFFFFFF8, v3  }
0x365: {  	v6 =	vadd.s32 v4, v6;
	v4 =	vadd.s32 v4, v54  }
0x366: {  	[tilespmem:v53+s11+$0x0] =	vst.idx.msk $0xffff, v52  }
0x367: {  	v48 =	vld.idx.msk [tilespmem:v48+s28+$0x0], $0xffff  }
0x368: {  	v49 =	vand.u32 $0x7, v49;
	v52 =	vor.u32 $0x4, v1  }
0x369: {  	v49 =	vor.u32 v49, v50;
	_ =	sdelay $0x3  }
0x36a: {  	[tilespmem:v52+s11+$0x0] =	vst.idx.msk $0xffff, v48  }
0x36b: {  	v48 =	vld.idx.msk [tilespmem:v49+s28+$0x0], $0xffff  }
0x36c: {  	v47 =	vand.u32 $0x7, v47;
	v49 =	vor.u32 $0x5, v1  }
0x36d: {  	v47 =	vor.u32 v47, v51;
	_ =	sdelay $0x3  }
0x36e: {  	[tilespmem:v49+s11+$0x0] =	vst.idx.msk $0xffff, v48  }
0x36f: {  	v47 =	vld.idx.msk [tilespmem:v47+s28+$0x0], $0xffff  }
0x370: {  	v45 =	vand.u32 $0x7, v45;
	v48 =	vor.u32 $0x6, v1  }
0x371: {  	v45 =	vor.u32 v45, v46;
	_ =	sdelay $0x3  }
0x372: {  	[tilespmem:v48+s11+$0x0] =	vst.idx.msk $0xffff, v47  }
0x373: {  	v45 =	vld.idx.msk [tilespmem:v45+s28+$0x0], $0xffff  }
0x374: {  	v46 =	vor.u32 $0x7, v1  }
0x375: {  	v47 =	vadd.s32 $0x8, v2;
	_ =	sdelay $0x3  }
0x376: {  	[tilespmem:v46+s11+$0x0] =	vst.idx.msk $0xffff, v45  }
0x377: {  	v45 =	vld.idx.msk [tilespmem:v47+s28+$0x0], $0xffff  }
0x378: {  	v43 =	vand.u32 $0x7, v43;
	v46 =	vor.u32 $0x8, v1  }
0x379: {  	v43 =	vor.u32 v43, v44;
	_ =	sdelay $0x3  }
0x37a: {  	[tilespmem:v46+s11+$0x0] =	vst.idx.msk $0xffff, v45  }
0x37b: {  	v43 =	vld.idx.msk [tilespmem:v43+s28+$0x0], $0xffff  }
0x37c: {  	v41 =	vand.u32 $0x7, v41;
	v44 =	vor.u32 $0x9, v1  }
0x37d: {  	v41 =	vor.u32 v41, v42;
	_ =	sdelay $0x3  }
0x37e: {  	[tilespmem:v44+s11+$0x0] =	vst.idx.msk $0xffff, v43  }
0x37f: {  	v41 =	vld.idx.msk [tilespmem:v41+s28+$0x0], $0xffff  }
0x380: {  	v38 =	vand.u32 $0x7, v38;
	v42 =	vor.u32 $0xA, v1  }
0x381: {  	v38 =	vor.u32 v38, v40;
	_ =	sdelay $0x3  }
0x382: {  	[tilespmem:v42+s11+$0x0] =	vst.idx.msk $0xffff, v41  }
0x383: {  	v38 =	vld.idx.msk [tilespmem:v38+s28+$0x0], $0xffff  }
0x384: {  	v36 =	vand.u32 $0x7, v36;
	v40 =	vor.u32 $0xB, v1  }
0x385: {  	v36 =	vor.u32 v36, v39;
	_ =	sdelay $0x3  }
0x386: {  	[tilespmem:v40+s11+$0x0] =	vst.idx.msk $0xffff, v38  }
0x387: {  	v36 =	vld.idx.msk [tilespmem:v36+s28+$0x0], $0xffff  }
0x388: {  	v35 =	vand.u32 $0x7, v35;
	v38 =	vor.u32 $0xC, v1  }
0x389: {  	v35 =	vor.u32 v35, v37;
	_ =	sdelay $0x3  }
0x38a: {  	[tilespmem:v38+s11+$0x0] =	vst.idx.msk $0xffff, v36  }
0x38b: {  	v35 =	vld.idx.msk [tilespmem:v35+s28+$0x0], $0xffff  }
0x38c: {  	v31 =	vand.u32 $0x7, v31;
	v36 =	vor.u32 $0xD, v1  }
0x38d: {  	v31 =	vor.u32 v31, v34;
	_ =	sdelay $0x3  }
0x38e: {  	[tilespmem:v36+s11+$0x0] =	vst.idx.msk $0xffff, v35  }
0x38f: {  	v31 =	vld.idx.msk [tilespmem:v31+s28+$0x0], $0xffff  }
0x390: {  	v34 =	vor.u32 $0xE, v1;
	v32 =	vand.u32 $0x7, v32  }
0x391: {  	v32 =	vor.u32 v32, v33;
	_ =	sdelay $0x3  }
0x392: {  	[tilespmem:v34+s11+$0x0] =	vst.idx.msk $0xffff, v31  }
0x393: {  	v31 =	vld.idx.msk [tilespmem:v32+s28+$0x0], $0xffff  }
0x394: {  	v32 =	vor.u32 $0xF, v1  }
0x395: {  	v33 =	vadd.s32 $0x10, v2;
	_ =	sdelay $0x3  }
0x396: {  	[tilespmem:v32+s11+$0x0] =	vst.idx.msk $0xffff, v31  }
0x397: {  	v31 =	vld.idx.msk [tilespmem:v33+s28+$0x0], $0xffff  }
0x398: {  	v29 =	vand.u32 $0x7, v29;
	v32 =	vor.u32 $0x10, v1  }
0x399: {  	v29 =	vor.u32 v29, v30;
	_ =	sdelay $0x3  }
0x39a: {  	[tilespmem:v32+s11+$0x0] =	vst.idx.msk $0xffff, v31  }
0x39b: {  	v29 =	vld.idx.msk [tilespmem:v29+s28+$0x0], $0xffff  }
0x39c: {  	v26 =	vand.u32 $0x7, v26;
	v30 =	vor.u32 $0x11, v1  }
0x39d: {  	v26 =	vor.u32 v26, v28;
	_ =	sdelay $0x3  }
0x39e: {  	[tilespmem:v30+s11+$0x0] =	vst.idx.msk $0xffff, v29  }
0x39f: {  	v26 =	vld.idx.msk [tilespmem:v26+s28+$0x0], $0xffff  }
0x3a0: {  	v28 =	vor.u32 $0x12, v1;
	v24 =	vand.u32 $0x7, v24  }
0x3a1: {  	v24 =	vor.u32 v24, v27;
	_ =	sdelay $0x3  }
0x3a2: {  	[tilespmem:v28+s11+$0x0] =	vst.idx.msk $0xffff, v26  }
0x3a3: {  	v24 =	vld.idx.msk [tilespmem:v24+s28+$0x0], $0xffff  }
0x3a4: {  	v23 =	vand.u32 $0x7, v23;
	v26 =	vor.u32 $0x13, v1  }
0x3a5: {  	v23 =	vor.u32 v23, v25;
	_ =	sdelay $0x3  }
0x3a6: {  	[tilespmem:v26+s11+$0x0] =	vst.idx.msk $0xffff, v24  }
0x3a7: {  	v23 =	vld.idx.msk [tilespmem:v23+s28+$0x0], $0xffff  }
0x3a8: {  	v19 =	vand.u32 $0x7, v19;
	v24 =	vor.u32 $0x14, v1  }
0x3a9: {  	v19 =	vor.u32 v19, v22;
	_ =	sdelay $0x3  }
0x3aa: {  	[tilespmem:v24+s11+$0x0] =	vst.idx.msk $0xffff, v23  }
0x3ab: {  	v19 =	vld.idx.msk [tilespmem:v19+s28+$0x0], $0xffff  }
0x3ac: {  	v20 =	vand.u32 $0x7, v20;
	v22 =	vor.u32 $0x15, v1  }
0x3ad: {  	v20 =	vor.u32 v20, v21;
	_ =	sdelay $0x3  }
0x3ae: {  	[tilespmem:v22+s11+$0x0] =	vst.idx.msk $0xffff, v19  }
0x3af: {  	v19 =	vld.idx.msk [tilespmem:v20+s28+$0x0], $0xffff  }
0x3b0: {  	v17 =	vand.u32 $0x7, v17;
	v20 =	vor.u32 $0x16, v1  }
0x3b1: {  	v17 =	vor.u32 v17, v18;
	_ =	sdelay $0x3  }
0x3b2: {  	[tilespmem:v20+s11+$0x0] =	vst.idx.msk $0xffff, v19  }
0x3b3: {  	v17 =	vld.idx.msk [tilespmem:v17+s28+$0x0], $0xffff  }
0x3b4: {  	v18 =	vor.u32 $0x17, v1  }
0x3b5: {  	v2 =	vadd.s32 $0x18, v2;
	_ =	sdelay $0x3  }
0x3b6: {  	[tilespmem:v18+s11+$0x0] =	vst.idx.msk $0xffff, v17  }
0x3b7: {  	v2 =	vld.idx.msk [tilespmem:v2+s28+$0x0], $0xffff  }
0x3b8: {  	v14 =	vand.u32 $0x7, v14;
	v17 =	vor.u32 $0x18, v1  }
0x3b9: {  	v14 =	vor.u32 v14, v16;
	_ =	sdelay $0x3  }
0x3ba: {  	[tilespmem:v17+s11+$0x0] =	vst.idx.msk $0xffff, v2  }
0x3bb: {  	v2 =	vld.idx.msk [tilespmem:v14+s28+$0x0], $0xffff  }
0x3bc: {  	v12 =	vand.u32 $0x7, v12;
	v14 =	vor.u32 $0x19, v1  }
0x3bd: {  	v12 =	vor.u32 v12, v15;
	_ =	sdelay $0x3  }
0x3be: {  	[tilespmem:v14+s11+$0x0] =	vst.idx.msk $0xffff, v2  }
0x3bf: {  	v2 =	vld.idx.msk [tilespmem:v12+s28+$0x0], $0xffff  }
0x3c0: {  	v11 =	vand.u32 $0x7, v11;
	v12 =	vor.u32 $0x1A, v1  }
0x3c1: {  	v11 =	vor.u32 v11, v13;
	_ =	sdelay $0x3  }
0x3c2: {  	[tilespmem:v12+s11+$0x0] =	vst.idx.msk $0xffff, v2  }
0x3c3: {  	v2 =	vld.idx.msk [tilespmem:v11+s28+$0x0], $0xffff  }
0x3c4: {  	v7 =	vand.u32 $0x7, v7;
	v11 =	vor.u32 $0x1B, v1  }
0x3c5: {  	v7 =	vor.u32 v7, v10;
	_ =	sdelay $0x3  }
0x3c6: {  	[tilespmem:v11+s11+$0x0] =	vst.idx.msk $0xffff, v2  }
0x3c7: {  	v2 =	vld.idx.msk [tilespmem:v7+s28+$0x0], $0xffff  }
0x3c8: {  	v8 =	vand.u32 $0x7, v8;
	v7 =	vor.u32 $0x1C, v1  }
0x3c9: {  	v8 =	vor.u32 v8, v9;
	_ =	sdelay $0x3  }
0x3ca: {  	[tilespmem:v7+s11+$0x0] =	vst.idx.msk $0xffff, v2  }
0x3cb: {  	v2 =	vld.idx.msk [tilespmem:v8+s28+$0x0], $0xffff  }
0x3cc: {  	v5 =	vand.u32 $0x7, v5;
	v7 =	vor.u32 $0x1D, v1  }
0x3cd: {  	v5 =	vor.u32 v5, v6;
	_ =	sdelay $0x3  }
0x3ce: {  	[tilespmem:v7+s11+$0x0] =	vst.idx.msk $0xffff, v2  }
0x3cf: {  	v2 =	vld.idx.msk [tilespmem:v5+s28+$0x0], $0xffff  }
0x3d0: {  	v3 =	vand.u32 $0x7, v3;
	v5 =	vor.u32 $0x1E, v1  }
0x3d1: {  	v3 =	vor.u32 v3, v4;
	_ =	sdelay $0x1  }
.Ltmp4:
0x3d2: {  	(pc) =	sbr.rel @p1 .LBB2_7-.Ltmp4, $4  }
0x3d3: {  	_ = 	snop  }
0x3d4: {  	[tilespmem:v5+s11+$0x0] =	vst.idx.msk $0xffff, v2  }
0x3d5: {  	v2 =	vld.idx.msk [tilespmem:v3+s28+$0x0], $0xffff  }
0x3d6: {  	v1 =	vor.u32 $0x1F, v1  }
0x3d7: {  	_ =	sdelay $0x3  }
0x3d8: {  	[tilespmem:v1+s11+$0x0] =	vst.idx.msk $0xffff, v2  }
0x3d9: {  	[hbm4b:s15+s5] =	stream.linear.scatter [tilespmem:s11], [sflag:$0xD], $0x2000, $0x38;
	[tilespmem:$0x14800] =	vst v63  }
0x3da: {  	s15 =	simm.s32 @p0 $0xC  }
0x3db: {  	_ =	swait.ge @p0 [sflag:s15], $0x4000  }
0x3dc: {  	[sflag:s15] =	ssyncset.done @p0 $0x0  }
0x3dd: {  	[sflag:s15] =	ssyncadd.s32 @p0 $0xFFFFC000;
	s15 =	simm.s32 @!p0 $0x5  }
0x3de: {  	_ =	swait.ge @!p0 [sflag:s15], $0x100  }
0x3df: {  	s16 =	simm.s32 @!p0 $0x0;
	[sflag:s15] =	ssyncset.done @!p0 $0x0  }
0x3e0: {  	s17 =	simm.s32 @!p0 $0x500;
	[sflag:s15] =	ssyncadd.s32 @!p0 $0xFFFFFF00;
	s15 =	sadd.s32 @!p0 s2, s30  }
0x3e1: {  	[tilespmem:s17], [sflag:$0x6] =	stream.linear.gather @!p0 [hbm4b:s15+s16], $0x100, $0x38;
	[tilespmem:$0x14800] =	vst v63  }
0x3e2: {  	s24 =	simm.s32 @!p0 $0x8800;
	s15 =	simm.s32 @!p0 $0x100;
	s17 =	simm.s32 @!p0 $0x400  }
0x3e3: {  	[tilespmem:s24], [sflag:$0xB] =	stream.indirect.gather @!p0 [hbm4b:s6+s15], $0x40, s17, s15, $0xb8;
	[tilespmem:$0x14800] =	vst v63  }
0x3e4: {  	s15 =	simm.s32 @!p0 $0xC  }
0x3e5: {  	s17 =	sadd.s32 @!p0 s31, s21;
	_ =	swait.ge @!p0 [sflag:s15], $0x4000  }
0x3e6: {  	s17 =	sshrl.u32 @!p0 s17, $0x3;
	[sflag:s15] =	ssyncset.done @!p0 $0x0  }
0x3e7: {  	[sflag:s15] =	ssyncadd.s32 @!p0 $0xFFFFC000;
	s15 =	sadd.s32 @!p0 s1, s17;
	s17 =	simm.s32 @!p0 $0x600  }
0x3e8: {  	[tilespmem:s17], [sflag:$0x7] =	stream.linear.gather @!p0 [hbm4b:s15+s16], $0x100, $0x38;
	[tilespmem:$0x14800] =	vst v63  }
0x3e9: {  	_ =	swait.ge [sflag:s3], $0x100  }
0x3ea: {  	[sflag:s3] =	ssyncset.done $0x0  }
0x3eb: {  	[sflag:s3] =	ssyncadd.s32 $0xFFFFFF00  }
0x3ec: {  	_ =	swait.ge [sflag:s26], $0x2000  }
0x3ed: {  	[sflag:s26] =	ssyncset.done $0x0  }
0x3ee: {  	s24 =	simm.s32 $0x700;
	[sflag:s26] =	ssyncadd.s32 $0xFFFFE000  }
0x3ef: {  	v2 =	vld [tilespmem:s24+$0x0];
	_ =	sdelay $0x2  }
0x3f0: {  	s17 =	simm.s32 $0x0  }
0x3f1: {  	v1 =	vor.u32 s17, v0  }
0x3f2: {  	v3 =	vshll.u32 v1, $0x6;
	v4 =	vand.u32 $0xFFFFFFF8, v2  }
0x3f3: {  	v5 =	vand.u32 $0x7, v2;
	v4 =	vadd.s32 v3, v4  }
0x3f4: {  	v4 =	vor.u32 v5, v4;
	_ =	sdelay $0x2  }
0x3f5: {  	v58 =	vadd.s32 $0x1, v2  }
0x3f6: {  	v6 =	vand.u32 $0xFFFFFFF8, v58  }
0x3f7: {  	v1 =	vshll.u32 v1, $0x5;
	v6 =	vadd.s32 v3, v6;
	v5 =	vand.u32 $0x7, v58;
	v7 =	vld.idx.msk [tilespmem:v4+s8+$0x0], $0xffff  }
0x3f8: {  	v5 =	vor.u32 v5, v6;
	_ =	sdelay $0x2  }
0x3f9: {  	v59 =	vadd.s32 $0x2, v2  }
0x3fa: {  	v8 =	vand.u32 $0xFFFFFFF8, v59;
	[tilespmem:v1+s13+$0x0] =	vst.idx.msk $0xffff, v7  }
0x3fb: {  	v61 =	vor.u32 $0x1, v1;
	v60 =	vadd.s32 v3, v8;
	v6 =	vand.u32 $0x7, v59;
	v5 =	vld.idx.msk [tilespmem:v5+s8+$0x0], $0xffff  }
0x3fc: {  	v6 =	vor.u32 v6, v60;
	_ =	sdelay $0x2  }
0x3fd: {  	v62 =	vadd.s32 $0x3, v2  }
0x3fe: {  	v9 =	vand.u32 $0xFFFFFFF8, v62;
	[tilespmem:v61+s13+$0x0] =	vst.idx.msk $0xffff, v5  }
0x3ff: {  	v12 =	vor.u32 $0x2, v1;
	v63 =	vadd.s32 v3, v9;
	v7 =	vand.u32 $0x7, v62;
	v6 =	vld.idx.msk [tilespmem:v6+s8+$0x0], $0xffff  }
0x400: {  	v5 =	vor.u32 v7, v63;
	_ =	sdelay $0x2  }
0x401: {  	v13 =	vadd.s32 $0x4, v2  }
0x402: {  	v14 =	vand.u32 $0xFFFFFFF8, v13;
	[tilespmem:v12+s13+$0x0] =	vst.idx.msk $0xffff, v6  }
0x403: {  	v16 =	vor.u32 $0x3, v1;
	v15 =	vadd.s32 v3, v14;
	v7 =	vand.u32 $0x7, v13;
	v5 =	vld.idx.msk [tilespmem:v5+s8+$0x0], $0xffff  }
0x404: {  	v6 =	vor.u32 v7, v15;
	_ =	sdelay $0x2  }
0x405: {  	v17 =	vadd.s32 $0x5, v2  }
0x406: {  	v18 =	vand.u32 $0xFFFFFFF8, v17;
	[tilespmem:v16+s13+$0x0] =	vst.idx.msk $0xffff, v5  }
0x407: {  	v20 =	vor.u32 $0x4, v1;
	v19 =	vadd.s32 v3, v18;
	v7 =	vand.u32 $0x7, v17;
	v6 =	vld.idx.msk [tilespmem:v6+s8+$0x0], $0xffff  }
0x408: {  	v5 =	vor.u32 v7, v19;
	_ =	sdelay $0x2  }
0x409: {  	v21 =	vadd.s32 $0x6, v2  }
0x40a: {  	v22 =	vand.u32 $0xFFFFFFF8, v21;
	[tilespmem:v20+s13+$0x0] =	vst.idx.msk $0xffff, v6  }
0x40b: {  	v24 =	vor.u32 $0x5, v1;
	v23 =	vadd.s32 v3, v22;
	v7 =	vand.u32 $0x7, v21;
	v5 =	vld.idx.msk [tilespmem:v5+s8+$0x0], $0xffff  }
0x40c: {  	v6 =	vor.u32 v7, v23;
	_ =	sdelay $0x2  }
0x40d: {  	v25 =	vadd.s32 $0x7, v2  }
0x40e: {  	v26 =	vand.u32 $0xFFFFFFF8, v25;
	[tilespmem:v24+s13+$0x0] =	vst.idx.msk $0xffff, v5  }
0x40f: {  	v28 =	vor.u32 $0x6, v1;
	v27 =	vadd.s32 v3, v26;
	v7 =	vand.u32 $0x7, v25;
	v6 =	vld.idx.msk [tilespmem:v6+s8+$0x0], $0xffff  }
0x410: {  	v5 =	vor.u32 v7, v27;
	_ =	sdelay $0x3  }
0x411: {  	[tilespmem:v28+s13+$0x0] =	vst.idx.msk $0xffff, v6  }
0x412: {  	v29 =	vor.u32 $0x7, v1;
	v5 =	vld.idx.msk [tilespmem:v5+s8+$0x0], $0xffff  }
0x413: {  	v30 =	vadd.s32 $0x8, v4;
	_ =	sdelay $0x2  }
0x414: {  	v31 =	vadd.s32 $0x9, v2  }
0x415: {  	v32 =	vand.u32 $0xFFFFFFF8, v31;
	[tilespmem:v29+s13+$0x0] =	vst.idx.msk $0xffff, v5  }
0x416: {  	v34 =	vor.u32 $0x8, v1;
	v33 =	vadd.s32 v3, v32;
	v8 =	vand.u32 $0x7, v31;
	v6 =	vld.idx.msk [tilespmem:v30+s8+$0x0], $0xffff  }
0x417: {  	v5 =	vor.u32 v8, v33;
	_ =	sdelay $0x2  }
0x418: {  	v35 =	vadd.s32 $0xA, v2  }
0x419: {  	v36 =	vand.u32 $0xFFFFFFF8, v35;
	[tilespmem:v34+s13+$0x0] =	vst.idx.msk $0xffff, v6  }
0x41a: {  	v38 =	vor.u32 $0x9, v1;
	v37 =	vadd.s32 v3, v36;
	v8 =	vand.u32 $0x7, v35;
	v5 =	vld.idx.msk [tilespmem:v5+s8+$0x0], $0xffff  }
0x41b: {  	v6 =	vor.u32 v8, v37;
	_ =	sdelay $0x2  }
0x41c: {  	v39 =	vadd.s32 $0xB, v2  }
0x41d: {  	v40 =	vand.u32 $0xFFFFFFF8, v39;
	[tilespmem:v38+s13+$0x0] =	vst.idx.msk $0xffff, v5  }
0x41e: {  	v42 =	vor.u32 $0xA, v1;
	v41 =	vadd.s32 v3, v40;
	v8 =	vand.u32 $0x7, v39;
	v6 =	vld.idx.msk [tilespmem:v6+s8+$0x0], $0xffff  }
0x41f: {  	v5 =	vor.u32 v8, v41;
	_ =	sdelay $0x2  }
0x420: {  	v43 =	vadd.s32 $0xC, v2  }
0x421: {  	v44 =	vand.u32 $0xFFFFFFF8, v43;
	[tilespmem:v42+s13+$0x0] =	vst.idx.msk $0xffff, v6  }
0x422: {  	v46 =	vor.u32 $0xB, v1;
	v45 =	vadd.s32 v3, v44;
	v8 =	vand.u32 $0x7, v43;
	v5 =	vld.idx.msk [tilespmem:v5+s8+$0x0], $0xffff  }
0x423: {  	v6 =	vor.u32 v8, v45;
	_ =	sdelay $0x2  }
0x424: {  	v47 =	vadd.s32 $0xD, v2  }
0x425: {  	v48 =	vand.u32 $0xFFFFFFF8, v47;
	[tilespmem:v46+s13+$0x0] =	vst.idx.msk $0xffff, v5  }
0x426: {  	v50 =	vor.u32 $0xC, v1;
	v49 =	vadd.s32 v3, v48;
	v8 =	vand.u32 $0x7, v47;
	v6 =	vld.idx.msk [tilespmem:v6+s8+$0x0], $0xffff  }
0x427: {  	v5 =	vor.u32 v8, v49;
	_ =	sdelay $0x2  }
0x428: {  	v51 =	vadd.s32 $0xE, v2  }
0x429: {  	v52 =	vand.u32 $0xFFFFFFF8, v51;
	[tilespmem:v50+s13+$0x0] =	vst.idx.msk $0xffff, v6  }
0x42a: {  	v54 =	vor.u32 $0xD, v1;
	v53 =	vadd.s32 v3, v52;
	v8 =	vand.u32 $0x7, v51;
	v5 =	vld.idx.msk [tilespmem:v5+s8+$0x0], $0xffff  }
0x42b: {  	v6 =	vor.u32 v8, v53;
	_ =	sdelay $0x2  }
0x42c: {  	v55 =	vadd.s32 $0xF, v2  }
0x42d: {  	v56 =	vand.u32 $0xFFFFFFF8, v55;
	[tilespmem:v54+s13+$0x0] =	vst.idx.msk $0xffff, v5  }
0x42e: {  	v57 =	vadd.s32 v3, v56;
	v58 =	vor.u32 $0xE, v1;
	v8 =	vand.u32 $0x7, v55;
	v6 =	vld.idx.msk [tilespmem:v6+s8+$0x0], $0xffff  }
0x42f: {  	v5 =	vor.u32 v8, v57;
	_ =	sdelay $0x3  }
0x430: {  	[tilespmem:v58+s13+$0x0] =	vst.idx.msk $0xffff, v6  }
0x431: {  	v59 =	vor.u32 $0xF, v1;
	v5 =	vld.idx.msk [tilespmem:v5+s8+$0x0], $0xffff  }
0x432: {  	v60 =	vadd.s32 $0x10, v4;
	_ =	sdelay $0x2  }
0x433: {  	v61 =	vadd.s32 $0x11, v2  }
0x434: {  	v62 =	vand.u32 $0xFFFFFFF8, v61;
	[tilespmem:v59+s13+$0x0] =	vst.idx.msk $0xffff, v5  }
0x435: {  	v63 =	vadd.s32 v3, v62;
	v12 =	vor.u32 $0x10, v1;
	v8 =	vand.u32 $0x7, v61;
	v6 =	vld.idx.msk [tilespmem:v60+s8+$0x0], $0xffff  }
0x436: {  	v5 =	vor.u32 v8, v63;
	_ =	sdelay $0x2  }
0x437: {  	v13 =	vadd.s32 $0x12, v2  }
0x438: {  	v14 =	vand.u32 $0xFFFFFFF8, v13;
	[tilespmem:v12+s13+$0x0] =	vst.idx.msk $0xffff, v6  }
0x439: {  	v15 =	vadd.s32 v3, v14;
	v16 =	vor.u32 $0x11, v1;
	v8 =	vand.u32 $0x7, v13;
	v5 =	vld.idx.msk [tilespmem:v5+s8+$0x0], $0xffff  }
0x43a: {  	v6 =	vor.u32 v8, v15;
	_ =	sdelay $0x2  }
0x43b: {  	v17 =	vadd.s32 $0x13, v2  }
0x43c: {  	v18 =	vand.u32 $0xFFFFFFF8, v17;
	[tilespmem:v16+s13+$0x0] =	vst.idx.msk $0xffff, v5  }
0x43d: {  	v19 =	vadd.s32 v3, v18;
	v20 =	vor.u32 $0x12, v1;
	v8 =	vand.u32 $0x7, v17;
	v6 =	vld.idx.msk [tilespmem:v6+s8+$0x0], $0xffff  }
0x43e: {  	v5 =	vor.u32 v8, v19;
	_ =	sdelay $0x2  }
0x43f: {  	v21 =	vadd.s32 $0x14, v2  }
0x440: {  	v22 =	vand.u32 $0xFFFFFFF8, v21;
	[tilespmem:v20+s13+$0x0] =	vst.idx.msk $0xffff, v6  }
0x441: {  	v23 =	vadd.s32 v3, v22;
	v24 =	vor.u32 $0x13, v1;
	v8 =	vand.u32 $0x7, v21;
	v5 =	vld.idx.msk [tilespmem:v5+s8+$0x0], $0xffff  }
0x442: {  	v6 =	vor.u32 v8, v23;
	_ =	sdelay $0x2  }
0x443: {  	v25 =	vadd.s32 $0x15, v2  }
0x444: {  	v26 =	vand.u32 $0xFFFFFFF8, v25;
	[tilespmem:v24+s13+$0x0] =	vst.idx.msk $0xffff, v5  }
0x445: {  	v27 =	vadd.s32 v3, v26;
	v28 =	vor.u32 $0x14, v1;
	v8 =	vand.u32 $0x7, v25;
	v6 =	vld.idx.msk [tilespmem:v6+s8+$0x0], $0xffff  }
0x446: {  	v5 =	vor.u32 v8, v27;
	_ =	sdelay $0x2  }
0x447: {  	v29 =	vadd.s32 $0x16, v2  }
0x448: {  	v30 =	vand.u32 $0xFFFFFFF8, v29;
	[tilespmem:v28+s13+$0x0] =	vst.idx.msk $0xffff, v6  }
0x449: {  	v32 =	vor.u32 $0x15, v1;
	v31 =	vadd.s32 v3, v30;
	v8 =	vand.u32 $0x7, v29;
	v5 =	vld.idx.msk [tilespmem:v5+s8+$0x0], $0xffff  }
0x44a: {  	v6 =	vor.u32 v8, v31;
	_ =	sdelay $0x2  }
0x44b: {  	v33 =	vadd.s32 $0x17, v2  }
0x44c: {  	v34 =	vand.u32 $0xFFFFFFF8, v33;
	[tilespmem:v32+s13+$0x0] =	vst.idx.msk $0xffff, v5  }
0x44d: {  	v36 =	vor.u32 $0x16, v1;
	v35 =	vadd.s32 v3, v34;
	v8 =	vand.u32 $0x7, v33;
	v6 =	vld.idx.msk [tilespmem:v6+s8+$0x0], $0xffff  }
0x44e: {  	v5 =	vor.u32 v8, v35;
	_ =	sdelay $0x3  }
0x44f: {  	[tilespmem:v36+s13+$0x0] =	vst.idx.msk $0xffff, v6  }
0x450: {  	v37 =	vor.u32 $0x17, v1;
	v5 =	vld.idx.msk [tilespmem:v5+s8+$0x0], $0xffff  }
0x451: {  	v4 =	vadd.s32 $0x18, v4;
	_ =	sdelay $0x2  }
0x452: {  	v38 =	vadd.s32 $0x19, v2  }
0x453: {  	v39 =	vand.u32 $0xFFFFFFF8, v38;
	[tilespmem:v37+s13+$0x0] =	vst.idx.msk $0xffff, v5  }
0x454: {  	v41 =	vor.u32 $0x18, v1;
	v7 =	vand.u32 $0x7, v38;
	v40 =	vadd.s32 v3, v39;
	v4 =	vld.idx.msk [tilespmem:v4+s8+$0x0], $0xffff  }
0x455: {  	v5 =	vor.u32 v7, v40;
	_ =	sdelay $0x2  }
0x456: {  	v42 =	vadd.s32 $0x1A, v2  }
0x457: {  	v43 =	vand.u32 $0xFFFFFFF8, v42;
	[tilespmem:v41+s13+$0x0] =	vst.idx.msk $0xffff, v4  }
0x458: {  	v45 =	vor.u32 $0x19, v1;
	v44 =	vadd.s32 v3, v43;
	v7 =	vand.u32 $0x7, v42;
	v5 =	vld.idx.msk [tilespmem:v5+s8+$0x0], $0xffff  }
0x459: {  	v4 =	vor.u32 v7, v44;
	_ =	sdelay $0x2  }
0x45a: {  	v46 =	vadd.s32 $0x1B, v2  }
0x45b: {  	v47 =	vand.u32 $0xFFFFFFF8, v46;
	[tilespmem:v45+s13+$0x0] =	vst.idx.msk $0xffff, v5  }
0x45c: {  	v49 =	vor.u32 $0x1A, v1;
	v48 =	vadd.s32 v3, v47;
	v7 =	vand.u32 $0x7, v46;
	v4 =	vld.idx.msk [tilespmem:v4+s8+$0x0], $0xffff  }
0x45d: {  	v5 =	vor.u32 v7, v48;
	_ =	sdelay $0x2  }
0x45e: {  	v50 =	vadd.s32 $0x1C, v2  }
0x45f: {  	v51 =	vand.u32 $0xFFFFFFF8, v50;
	[tilespmem:v49+s13+$0x0] =	vst.idx.msk $0xffff, v4  }
0x460: {  	v53 =	vor.u32 $0x1B, v1;
	v52 =	vadd.s32 v3, v51;
	v7 =	vand.u32 $0x7, v50;
	v5 =	vld.idx.msk [tilespmem:v5+s8+$0x0], $0xffff  }
0x461: {  	v4 =	vor.u32 v7, v52;
	_ =	sdelay $0x2  }
0x462: {  	v54 =	vadd.s32 $0x1D, v2  }
0x463: {  	v55 =	vand.u32 $0xFFFFFFF8, v54;
	[tilespmem:v53+s13+$0x0] =	vst.idx.msk $0xffff, v5  }
0x464: {  	v57 =	vor.u32 $0x1C, v1;
	v56 =	vadd.s32 v3, v55;
	v7 =	vand.u32 $0x7, v54;
	v4 =	vld.idx.msk [tilespmem:v4+s8+$0x0], $0xffff  }
0x465: {  	v5 =	vor.u32 v7, v56;
	_ =	sdelay $0x2  }
0x466: {  	v58 =	vadd.s32 $0x1E, v2  }
0x467: {  	v59 =	vand.u32 $0xFFFFFFF8, v58;
	[tilespmem:v57+s13+$0x0] =	vst.idx.msk $0xffff, v4  }
0x468: {  	v61 =	vor.u32 $0x1D, v1;
	v60 =	vadd.s32 v3, v59;
	v7 =	vand.u32 $0x7, v58;
	v5 =	vld.idx.msk [tilespmem:v5+s8+$0x0], $0xffff  }
0x469: {  	v4 =	vor.u32 v7, v60;
	_ =	sdelay $0x2  }
0x46a: {  	v2 =	vadd.s32 $0x1F, v2  }
0x46b: {  	v62 =	vand.u32 $0xFFFFFFF8, v2;
	[tilespmem:v61+s13+$0x0] =	vst.idx.msk $0xffff, v5  }
0x46c: {  	v2 =	vand.u32 $0x7, v2;
	v63 =	vor.u32 $0x1E, v1;
	v3 =	vadd.s32 v3, v62;
	v4 =	vld.idx.msk [tilespmem:v4+s8+$0x0], $0xffff  }
0x46d: {  	v2 =	vor.u32 v2, v3;
	_ =	sdelay $0x1  }
0x46e: {  	s30 =	sadd.s32 s31, s22  }
0x46f: {  	s15 =	sshll.u32 s30, $0x2  }
0x470: {  	s15 =	sand.u32 $0x1FFFFC00, s15;
	[tilespmem:v63+s13+$0x0] =	vst.idx.msk $0xffff, v4  }
0x471: {  	s16 =	simm.s32 $0x10;
	s15 =	sadd.s32 s4, s15;
	v1 =	vor.u32 $0x1F, v1;
	v2 =	vld.idx.msk [tilespmem:v2+s8+$0x0], $0xffff  }
.LBB2_9:
0x472: {  	_ =	sdelay $0x2  }
0x473: {  	p1 =	sne.s32 s16, $0xF0  }
0x474: {  	s24 =	sadd.s32 $0x10, s24;
	s17 =	smov.u32 s16;
	s16 =	sadd.s32 $0x10, s16;
	[tilespmem:v1+s13+$0x0] =	vst.idx.msk $0xffff, v2  }
0x475: {  	v3 =	vld [tilespmem:s24+$0x0];
	_ =	sdelay $0x3  }
0x476: {  	v1 =	vor.u32 s17, v0  }
0x477: {  	v4 =	vshll.u32 v1, $0x6;
	v2 =	vand.u32 $0xFFFFFFF8, v3;
	v5 =	vadd.s32 $0x1, v3  }
0x478: {  	v6 =	vand.u32 $0x7, v3;
	v2 =	vadd.s32 v4, v2;
	v7 =	vand.u32 $0xFFFFFFF8, v5  }
0x479: {  	v2 =	vor.u32 v6, v2;
	v6 =	vadd.s32 v4, v7;
	v7 =	vadd.s32 $0x2, v3  }
0x47a: {  	v9 =	vadd.s32 $0x3, v3;
	v10 =	vadd.s32 $0x4, v3;
	v8 =	vand.u32 $0xFFFFFFF8, v7  }
0x47b: {  	v11 =	vand.u32 $0xFFFFFFF8, v9;
	v12 =	vand.u32 $0xFFFFFFF8, v10;
	v8 =	vadd.s32 v4, v8  }
0x47c: {  	v49 =	vadd.s32 $0x5, v3;
	v11 =	vadd.s32 v4, v11;
	v48 =	vadd.s32 v4, v12  }
0x47d: {  	v47 =	vadd.s32 $0x6, v3;
	v45 =	vadd.s32 $0x7, v3;
	v12 =	vand.u32 $0xFFFFFFF8, v49  }
0x47e: {  	v14 =	vand.u32 $0xFFFFFFF8, v45;
	v50 =	vadd.s32 v4, v12;
	v12 =	vand.u32 $0xFFFFFFF8, v47;
	v13 =	vld.idx.msk [tilespmem:v2+s8+$0x0], $0xffff  }
0x47f: {  	v1 =	vshll.u32 v1, $0x5;
	v5 =	vand.u32 $0x7, v5;
	v51 =	vadd.s32 v4, v12  }
0x480: {  	v43 =	vadd.s32 $0x9, v3;
	v46 =	vadd.s32 v4, v14;
	v5 =	vor.u32 v5, v6  }
0x481: {  	v41 =	vadd.s32 $0xA, v3;
	v38 =	vadd.s32 $0xB, v3;
	v6 =	vand.u32 $0xFFFFFFF8, v43  }
0x482: {  	v44 =	vadd.s32 v4, v6;
	v6 =	vand.u32 $0xFFFFFFF8, v41;
	v12 =	vand.u32 $0xFFFFFFF8, v38  }
0x483: {  	v36 =	vadd.s32 $0xC, v3;
	v42 =	vadd.s32 v4, v6;
	v40 =	vadd.s32 v4, v12  }
0x484: {  	v35 =	vadd.s32 $0xD, v3;
	v31 =	vadd.s32 $0xE, v3;
	v6 =	vand.u32 $0xFFFFFFF8, v36;
	[tilespmem:v1+s13+$0x0] =	vst.idx.msk $0xffff, v13  }
0x485: {  	v12 =	vand.u32 $0xFFFFFFF8, v31;
	v39 =	vadd.s32 v4, v6;
	v6 =	vand.u32 $0xFFFFFFF8, v35;
	v5 =	vld.idx.msk [tilespmem:v5+s8+$0x0], $0xffff  }
0x486: {  	v7 =	vand.u32 $0x7, v7;
	v37 =	vadd.s32 v4, v6;
	v13 =	vor.u32 $0x1, v1  }
0x487: {  	v32 =	vadd.s32 $0xF, v3;
	v34 =	vadd.s32 v4, v12;
	v6 =	vor.u32 v7, v8  }
0x488: {  	v29 =	vadd.s32 $0x11, v3;
	v26 =	vadd.s32 $0x12, v3;
	v7 =	vand.u32 $0xFFFFFFF8, v32  }
0x489: {  	v8 =	vand.u32 $0xFFFFFFF8, v26;
	v33 =	vadd.s32 v4, v7;
	v7 =	vand.u32 $0xFFFFFFF8, v29  }
0x48a: {  	v24 =	vadd.s32 $0x13, v3;
	v28 =	vadd.s32 v4, v8;
	v30 =	vadd.s32 v4, v7  }
0x48b: {  	v23 =	vadd.s32 $0x14, v3;
	v19 =	vadd.s32 $0x15, v3;
	[tilespmem:v13+s13+$0x0] =	vst.idx.msk $0xffff, v5;
	v5 =	vand.u32 $0xFFFFFFF8, v24  }
0x48c: {  	v7 =	vand.u32 $0xFFFFFFF8, v19;
	v6 =	vld.idx.msk [tilespmem:v6+s8+$0x0], $0xffff;
	v27 =	vadd.s32 v4, v5;
	v5 =	vand.u32 $0xFFFFFFF8, v23  }
0x48d: {  	v9 =	vand.u32 $0x7, v9;
	v8 =	vor.u32 $0x2, v1;
	v25 =	vadd.s32 v4, v5  }
0x48e: {  	v20 =	vadd.s32 $0x16, v3;
	v22 =	vadd.s32 v4, v7;
	v5 =	vor.u32 v9, v11  }
0x48f: {  	v17 =	vadd.s32 $0x17, v3;
	v14 =	vadd.s32 $0x19, v3;
	v7 =	vand.u32 $0xFFFFFFF8, v20  }
0x490: {  	v21 =	vadd.s32 v4, v7;
	v7 =	vand.u32 $0xFFFFFFF8, v17;
	v9 =	vand.u32 $0xFFFFFFF8, v14  }
0x491: {  	v12 =	vadd.s32 $0x1A, v3;
	v18 =	vadd.s32 v4, v7;
	v16 =	vadd.s32 v4, v9  }
0x492: {  	v7 =	vadd.s32 $0x1C, v3;
	v11 =	vadd.s32 $0x1B, v3;
	[tilespmem:v8+s13+$0x0] =	vst.idx.msk $0xffff, v6;
	v6 =	vand.u32 $0xFFFFFFF8, v12  }
0x493: {  	v52 =	vld.idx.msk [tilespmem:v5+s8+$0x0], $0xffff;
	v15 =	vadd.s32 v4, v6;
	v5 =	vand.u32 $0xFFFFFFF8, v11;
	v6 =	vand.u32 $0xFFFFFFF8, v7  }
0x494: {  	v53 =	vor.u32 $0x3, v1;
	v8 =	vand.u32 $0x7, v10;
	v13 =	vadd.s32 v4, v5  }
0x495: {  	v48 =	vor.u32 v8, v48;
	v8 =	vadd.s32 $0x1D, v3;
	v10 =	vadd.s32 v4, v6  }
0x496: {  	v6 =	vand.u32 $0xFFFFFFF8, v8;
	v5 =	vadd.s32 $0x1E, v3;
	v3 =	vadd.s32 $0x1F, v3  }
0x497: {  	v9 =	vadd.s32 v4, v6;
	v6 =	vand.u32 $0xFFFFFFF8, v5;
	v54 =	vand.u32 $0xFFFFFFF8, v3  }
0x498: {  	v6 =	vadd.s32 v4, v6;
	v4 =	vadd.s32 v4, v54  }
0x499: {  	[tilespmem:v53+s13+$0x0] =	vst.idx.msk $0xffff, v52  }
0x49a: {  	v48 =	vld.idx.msk [tilespmem:v48+s8+$0x0], $0xffff  }
0x49b: {  	v49 =	vand.u32 $0x7, v49;
	v52 =	vor.u32 $0x4, v1  }
0x49c: {  	v49 =	vor.u32 v49, v50;
	_ =	sdelay $0x3  }
0x49d: {  	[tilespmem:v52+s13+$0x0] =	vst.idx.msk $0xffff, v48  }
0x49e: {  	v48 =	vld.idx.msk [tilespmem:v49+s8+$0x0], $0xffff  }
0x49f: {  	v47 =	vand.u32 $0x7, v47;
	v49 =	vor.u32 $0x5, v1  }
0x4a0: {  	v47 =	vor.u32 v47, v51;
	_ =	sdelay $0x3  }
0x4a1: {  	[tilespmem:v49+s13+$0x0] =	vst.idx.msk $0xffff, v48  }
0x4a2: {  	v47 =	vld.idx.msk [tilespmem:v47+s8+$0x0], $0xffff  }
0x4a3: {  	v45 =	vand.u32 $0x7, v45;
	v48 =	vor.u32 $0x6, v1  }
0x4a4: {  	v45 =	vor.u32 v45, v46;
	_ =	sdelay $0x3  }
0x4a5: {  	[tilespmem:v48+s13+$0x0] =	vst.idx.msk $0xffff, v47  }
0x4a6: {  	v45 =	vld.idx.msk [tilespmem:v45+s8+$0x0], $0xffff  }
0x4a7: {  	v46 =	vor.u32 $0x7, v1  }
0x4a8: {  	v47 =	vadd.s32 $0x8, v2;
	_ =	sdelay $0x3  }
0x4a9: {  	[tilespmem:v46+s13+$0x0] =	vst.idx.msk $0xffff, v45  }
0x4aa: {  	v45 =	vld.idx.msk [tilespmem:v47+s8+$0x0], $0xffff  }
0x4ab: {  	v43 =	vand.u32 $0x7, v43;
	v46 =	vor.u32 $0x8, v1  }
0x4ac: {  	v43 =	vor.u32 v43, v44;
	_ =	sdelay $0x3  }
0x4ad: {  	[tilespmem:v46+s13+$0x0] =	vst.idx.msk $0xffff, v45  }
0x4ae: {  	v43 =	vld.idx.msk [tilespmem:v43+s8+$0x0], $0xffff  }
0x4af: {  	v41 =	vand.u32 $0x7, v41;
	v44 =	vor.u32 $0x9, v1  }
0x4b0: {  	v41 =	vor.u32 v41, v42;
	_ =	sdelay $0x3  }
0x4b1: {  	[tilespmem:v44+s13+$0x0] =	vst.idx.msk $0xffff, v43  }
0x4b2: {  	v41 =	vld.idx.msk [tilespmem:v41+s8+$0x0], $0xffff  }
0x4b3: {  	v38 =	vand.u32 $0x7, v38;
	v42 =	vor.u32 $0xA, v1  }
0x4b4: {  	v38 =	vor.u32 v38, v40;
	_ =	sdelay $0x3  }
0x4b5: {  	[tilespmem:v42+s13+$0x0] =	vst.idx.msk $0xffff, v41  }
0x4b6: {  	v38 =	vld.idx.msk [tilespmem:v38+s8+$0x0], $0xffff  }
0x4b7: {  	v36 =	vand.u32 $0x7, v36;
	v40 =	vor.u32 $0xB, v1  }
0x4b8: {  	v36 =	vor.u32 v36, v39;
	_ =	sdelay $0x3  }
0x4b9: {  	[tilespmem:v40+s13+$0x0] =	vst.idx.msk $0xffff, v38  }
0x4ba: {  	v36 =	vld.idx.msk [tilespmem:v36+s8+$0x0], $0xffff  }
0x4bb: {  	v35 =	vand.u32 $0x7, v35;
	v38 =	vor.u32 $0xC, v1  }
0x4bc: {  	v35 =	vor.u32 v35, v37;
	_ =	sdelay $0x3  }
0x4bd: {  	[tilespmem:v38+s13+$0x0] =	vst.idx.msk $0xffff, v36  }
0x4be: {  	v35 =	vld.idx.msk [tilespmem:v35+s8+$0x0], $0xffff  }
0x4bf: {  	v31 =	vand.u32 $0x7, v31;
	v36 =	vor.u32 $0xD, v1  }
0x4c0: {  	v31 =	vor.u32 v31, v34;
	_ =	sdelay $0x3  }
0x4c1: {  	[tilespmem:v36+s13+$0x0] =	vst.idx.msk $0xffff, v35  }
0x4c2: {  	v31 =	vld.idx.msk [tilespmem:v31+s8+$0x0], $0xffff  }
0x4c3: {  	v34 =	vor.u32 $0xE, v1;
	v32 =	vand.u32 $0x7, v32  }
0x4c4: {  	v32 =	vor.u32 v32, v33;
	_ =	sdelay $0x3  }
0x4c5: {  	[tilespmem:v34+s13+$0x0] =	vst.idx.msk $0xffff, v31  }
0x4c6: {  	v31 =	vld.idx.msk [tilespmem:v32+s8+$0x0], $0xffff  }
0x4c7: {  	v32 =	vor.u32 $0xF, v1  }
0x4c8: {  	v33 =	vadd.s32 $0x10, v2;
	_ =	sdelay $0x3  }
0x4c9: {  	[tilespmem:v32+s13+$0x0] =	vst.idx.msk $0xffff, v31  }
0x4ca: {  	v31 =	vld.idx.msk [tilespmem:v33+s8+$0x0], $0xffff  }
0x4cb: {  	v29 =	vand.u32 $0x7, v29;
	v32 =	vor.u32 $0x10, v1  }
0x4cc: {  	v29 =	vor.u32 v29, v30;
	_ =	sdelay $0x3  }
0x4cd: {  	[tilespmem:v32+s13+$0x0] =	vst.idx.msk $0xffff, v31  }
0x4ce: {  	v29 =	vld.idx.msk [tilespmem:v29+s8+$0x0], $0xffff  }
0x4cf: {  	v26 =	vand.u32 $0x7, v26;
	v30 =	vor.u32 $0x11, v1  }
0x4d0: {  	v26 =	vor.u32 v26, v28;
	_ =	sdelay $0x3  }
0x4d1: {  	[tilespmem:v30+s13+$0x0] =	vst.idx.msk $0xffff, v29  }
0x4d2: {  	v26 =	vld.idx.msk [tilespmem:v26+s8+$0x0], $0xffff  }
0x4d3: {  	v28 =	vor.u32 $0x12, v1;
	v24 =	vand.u32 $0x7, v24  }
0x4d4: {  	v24 =	vor.u32 v24, v27;
	_ =	sdelay $0x3  }
0x4d5: {  	[tilespmem:v28+s13+$0x0] =	vst.idx.msk $0xffff, v26  }
0x4d6: {  	v24 =	vld.idx.msk [tilespmem:v24+s8+$0x0], $0xffff  }
0x4d7: {  	v23 =	vand.u32 $0x7, v23;
	v26 =	vor.u32 $0x13, v1  }
0x4d8: {  	v23 =	vor.u32 v23, v25;
	_ =	sdelay $0x3  }
0x4d9: {  	[tilespmem:v26+s13+$0x0] =	vst.idx.msk $0xffff, v24  }
0x4da: {  	v23 =	vld.idx.msk [tilespmem:v23+s8+$0x0], $0xffff  }
0x4db: {  	v19 =	vand.u32 $0x7, v19;
	v24 =	vor.u32 $0x14, v1  }
0x4dc: {  	v19 =	vor.u32 v19, v22;
	_ =	sdelay $0x3  }
0x4dd: {  	[tilespmem:v24+s13+$0x0] =	vst.idx.msk $0xffff, v23  }
0x4de: {  	v19 =	vld.idx.msk [tilespmem:v19+s8+$0x0], $0xffff  }
0x4df: {  	v20 =	vand.u32 $0x7, v20;
	v22 =	vor.u32 $0x15, v1  }
0x4e0: {  	v20 =	vor.u32 v20, v21;
	_ =	sdelay $0x3  }
0x4e1: {  	[tilespmem:v22+s13+$0x0] =	vst.idx.msk $0xffff, v19  }
0x4e2: {  	v19 =	vld.idx.msk [tilespmem:v20+s8+$0x0], $0xffff  }
0x4e3: {  	v17 =	vand.u32 $0x7, v17;
	v20 =	vor.u32 $0x16, v1  }
0x4e4: {  	v17 =	vor.u32 v17, v18;
	_ =	sdelay $0x3  }
0x4e5: {  	[tilespmem:v20+s13+$0x0] =	vst.idx.msk $0xffff, v19  }
0x4e6: {  	v17 =	vld.idx.msk [tilespmem:v17+s8+$0x0], $0xffff  }
0x4e7: {  	v18 =	vor.u32 $0x17, v1  }
0x4e8: {  	v2 =	vadd.s32 $0x18, v2;
	_ =	sdelay $0x3  }
0x4e9: {  	[tilespmem:v18+s13+$0x0] =	vst.idx.msk $0xffff, v17  }
0x4ea: {  	v2 =	vld.idx.msk [tilespmem:v2+s8+$0x0], $0xffff  }
0x4eb: {  	v14 =	vand.u32 $0x7, v14;
	v17 =	vor.u32 $0x18, v1  }
0x4ec: {  	v14 =	vor.u32 v14, v16;
	_ =	sdelay $0x3  }
0x4ed: {  	[tilespmem:v17+s13+$0x0] =	vst.idx.msk $0xffff, v2  }
0x4ee: {  	v2 =	vld.idx.msk [tilespmem:v14+s8+$0x0], $0xffff  }
0x4ef: {  	v12 =	vand.u32 $0x7, v12;
	v14 =	vor.u32 $0x19, v1  }
0x4f0: {  	v12 =	vor.u32 v12, v15;
	_ =	sdelay $0x3  }
0x4f1: {  	[tilespmem:v14+s13+$0x0] =	vst.idx.msk $0xffff, v2  }
0x4f2: {  	v2 =	vld.idx.msk [tilespmem:v12+s8+$0x0], $0xffff  }
0x4f3: {  	v11 =	vand.u32 $0x7, v11;
	v12 =	vor.u32 $0x1A, v1  }
0x4f4: {  	v11 =	vor.u32 v11, v13;
	_ =	sdelay $0x3  }
0x4f5: {  	[tilespmem:v12+s13+$0x0] =	vst.idx.msk $0xffff, v2  }
0x4f6: {  	v2 =	vld.idx.msk [tilespmem:v11+s8+$0x0], $0xffff  }
0x4f7: {  	v7 =	vand.u32 $0x7, v7;
	v11 =	vor.u32 $0x1B, v1  }
0x4f8: {  	v7 =	vor.u32 v7, v10;
	_ =	sdelay $0x3  }
0x4f9: {  	[tilespmem:v11+s13+$0x0] =	vst.idx.msk $0xffff, v2  }
0x4fa: {  	v2 =	vld.idx.msk [tilespmem:v7+s8+$0x0], $0xffff  }
0x4fb: {  	v8 =	vand.u32 $0x7, v8;
	v7 =	vor.u32 $0x1C, v1  }
0x4fc: {  	v8 =	vor.u32 v8, v9;
	_ =	sdelay $0x3  }
0x4fd: {  	[tilespmem:v7+s13+$0x0] =	vst.idx.msk $0xffff, v2  }
0x4fe: {  	v2 =	vld.idx.msk [tilespmem:v8+s8+$0x0], $0xffff  }
0x4ff: {  	v5 =	vand.u32 $0x7, v5;
	v7 =	vor.u32 $0x1D, v1  }
0x500: {  	v5 =	vor.u32 v5, v6;
	_ =	sdelay $0x3  }
0x501: {  	[tilespmem:v7+s13+$0x0] =	vst.idx.msk $0xffff, v2  }
0x502: {  	v2 =	vld.idx.msk [tilespmem:v5+s8+$0x0], $0xffff  }
0x503: {  	v3 =	vand.u32 $0x7, v3;
	v5 =	vor.u32 $0x1E, v1  }
0x504: {  	v3 =	vor.u32 v3, v4;
	_ =	sdelay $0x1  }
.Ltmp5:
0x505: {  	(pc) =	sbr.rel @p1 .LBB2_9-.Ltmp5, $4  }
0x506: {  	_ = 	snop  }
0x507: {  	[tilespmem:v5+s13+$0x0] =	vst.idx.msk $0xffff, v2  }
0x508: {  	v2 =	vld.idx.msk [tilespmem:v3+s8+$0x0], $0xffff  }
0x509: {  	v1 =	vor.u32 $0x1F, v1  }
0x50a: {  	_ = 	snop  }
.Ltmp6:
0x50b: {  	_ = 	snop;
	(pc) =	sbr.rel @p0 .LBB2_12-.Ltmp6, $3  }
0x50c: {  	_ =	sdelay $0x1  }
0x50d: {  	[tilespmem:v1+s13+$0x0] =	vst.idx.msk $0xffff, v2  }
0x50e: {  	[hbm4b:s15+s5] =	stream.linear.scatter [tilespmem:s13], [sflag:$0xE], $0x2000, $0x38;
	[tilespmem:$0x14800] =	vst v63  }
0x50f: {  	_ =	swait.ge [sflag:s7], $0x100;
	s15 =	sadd.s32 s31, s21  }
.Ltmp7:
0x510: {  	[sflag:s7] =	ssyncset.done $0x0;
	s15 =	sshrl.u32 s15, $0x3;
	(pc) =	sbr.rel .LBB2_2-.Ltmp7, $4  }
0x511: {  	s16 =	simm.s32 $0x700;
	[sflag:s7] =	ssyncadd.s32 $0xFFFFFF00;
	s15 =	sadd.s32 s2, s15  }
0x512: {  	[tilespmem:s16], [sflag:$0x8] =	stream.linear.gather [hbm4b:s15+s5], $0x100, $0x38;
	[tilespmem:$0x14800] =	vst v63  }
0x513: {  	s30 =	simm.s32 $0x100;
	s31 =	simm.s32 $0x600;
	s25 =	sadd.s32 $0x1, s25  }
0x514: {  	[tilespmem:s8], [sflag:$0xC] =	stream.indirect.gather [hbm4b:s6+s30], $0x40, s31, s30, $0xb8;
	[tilespmem:$0x14800] =	vst v63  }
.LBB2_13:
0x515: {  	_ =	sfence.sel $0x180000  }
0x516: {  	[bflag:$0x0] =	sbarrier.arrive $0xFFFF  }
0x517: {  	_ =	strace $0x90000047  }
0x518: {  	s0 =	stileid.u32;
	[bflag:$0x2] =	sbarrier.arrive $0xFFFF  }
0x519: {  	p0 =	sne.s32 s0, $0x0;
	s0 =	rddreg [dreg:$0x4]  }
0x51a: {  	s0 =	sadd.s32 @!p0 $0x100000, s0  }
0x51b: {  	[sflag:s0] =	ssyncadd.tile.s32 @!p0 $0x1;
	_ =	shalt  }
.Lfunc_end2:
_tile_overlayer_lowered:
.L_overlay_start_2:
0x51c: {  	(tag) =	ssettag $0x2  }
0x51d: {  	s0 =	rddreg [dreg:$0x0];
	s2 =	stileid.u32  }
0x51e: {  	s1 =	rddreg [dreg:$0x1];
	p0 =	sne.s32 s2, $0x0  }
0x51f: {  	s3 =	rddreg [dreg:$0x2];
	[bflag:$0x3] =	sbarrier.arrive $0xFFFF;
	s2 =	simm.s32 @!p0 $0x1C0F  }
0x520: {  	[timem:s3], [sflag:s2] =	dma.local @!p0 [hbm:s0], s1  }
0x521: {  	s0 =	simm.s32 @!p0 $0xF  }
0x522: {  	_ =	swait.ge @!p0 [sflag:s0], s1  }
0x523: {  	s1 =	ssub.s32 @!p0 $0x0, s1;
	[sflag:s0] =	ssyncset.done @!p0 $0x0  }
0x524: {  	[sflag:s0] =	ssyncadd.s32 @!p0 s1  }
0x525: {  	[bflag:$0x3] =	sbarrier.arrive $0xFFFF  }
0x526: {  	_ =	shalt  }

</sc_bundles>
